<compile_context>
chip_gen: v7x
topology: tpu7x:2x2x1
jax: 0.10.2.dev20260603
libtpu: 0.0.44.dev20260713+nightly
codegen_flags: <defaults>
</compile_context>

<pallas_src>
import functools

import jax
import jax.numpy as jnp
from jax import lax
from jax.experimental import pallas as pl
from jax.experimental.pallas import tpu as pltpu
from jax.experimental.pallas import tpu_sc as plsc

N = 10000
D = 256
DH = D // 2
B = 64
NC = 2
NS = 16
NW = NC * NS
N_PAD = 10240
STRIPE = N_PAD // NS
CH = 128
BLK = 512
NBLK = N_PAD // BLK

_MESH = plsc.VectorSubcoreMesh(core_axis_name="c", subcore_axis_name="s")
_F32 = jnp.float32
_HI = lax.Precision.HIGHEST



def _make_sc_degree(e_pad):
    pt = e_pad // NW
    nch = pt // CH

    @functools.partial(
        pl.kernel,
        out_type=jax.ShapeDtypeStruct((2 * N_PAD, 16), _F32),
        mesh=_MESH,
        scratch_types=[
            pltpu.VMEM((nch, CH), jnp.int32),
            pltpu.VMEM((CH, 16), _F32),
            pltpu.VMEM((CH, 16), _F32),
            pltpu.VMEM_SHARED((N_PAD, 16), _F32),
        ],
    )
    def deg_kernel(dst_hbm, out_hbm, didx, ones_v, zbuf, acc):
        c = lax.axis_index("c")
        s = lax.axis_index("s")

        def fill(i, _):
            ones_v[i, :] = jnp.ones((16,), _F32)
            zbuf[i, :] = jnp.zeros((16,), _F32)
            return 0

        lax.fori_loop(0, CH, fill, 0)

        def zcp(i, _):
            pltpu.sync_copy(zbuf, acc.at[pl.ds(s * STRIPE + i * CH, CH)])
            return 0

        lax.fori_loop(0, STRIPE // CH, zcp, 0)
        w = c * NS + s
        pltpu.sync_copy(dst_hbm.at[pl.ds(w * nch, nch)], didx)
        plsc.subcore_barrier()

        def chunk(i, _):
            pltpu.sync_copy(ones_v, acc.at[didx.at[i]], add=True)
            return 0

        lax.fori_loop(0, nch, chunk, 0)
        plsc.subcore_barrier()
        pltpu.sync_copy(acc.at[pl.ds(s * STRIPE, STRIPE)],
                        out_hbm.at[pl.ds(c * N_PAD + s * STRIPE, STRIPE)])

    return deg_kernel


def _make_sc_aggregate(e_pad):
    pt = e_pad // NS
    nch = pt // CH

    @functools.partial(
        pl.kernel,
        out_type=jax.ShapeDtypeStruct((2 * N_PAD, DH), _F32),
        mesh=_MESH,
        scratch_types=[
            pltpu.VMEM((nch, CH), jnp.int32),
            pltpu.VMEM((4, CH), jnp.int32),
            pltpu.VMEM((2, CH, DH), _F32),
            pltpu.VMEM_SHARED((N_PAD, DH), _F32),
            pltpu.SemaphoreType.DMA,
            pltpu.SemaphoreType.DMA,
        ],
    )
    def agg_kernel(gs_hbm, src_hbm, dst_hbm, out_hbm,
                   sbig, didx, msgs, acc, gsem0, gsem1):
        c = lax.axis_index("c")
        s = lax.axis_index("s")
        sbase = (c * NS + s) * nch
        dbase = s * nch

        def zrow(i, _):
            for j in range(DH // 16):
                msgs[0, i, pl.ds(j * 16, 16)] = jnp.zeros((16,), _F32)
            return 0

        lax.fori_loop(0, CH, zrow, 0)

        def zcp(i, _):
            pltpu.sync_copy(msgs.at[0], acc.at[pl.ds(s * STRIPE + i * CH, CH)])
            return 0

        lax.fori_loop(0, STRIPE // CH, zcp, 0)
        plsc.subcore_barrier()

        pltpu.sync_copy(src_hbm.at[pl.ds(sbase, nch)], sbig)
        for b in range(2):
            pltpu.sync_copy(dst_hbm.at[pl.ds(dbase + b, 1)],
                            didx.at[pl.ds(b, 1)])

        def quad(it, _):
            i0 = 4 * it
            for h in range(2):
                ca = i0 + 2 * h
                sa, sb = 2 * h, 2 * h + 1
                pa, pb = 2 - 2 * h, 3 - 2 * h
                d0 = pltpu.async_copy(gs_hbm.at[sbig.at[ca]], msgs.at[0],
                                      gsem0)
                d1 = pltpu.async_copy(gs_hbm.at[sbig.at[ca + 1]], msgs.at[1],
                                      gsem1)

                @pl.when(ca + 2 < nch)
                def _():
                    pltpu.sync_copy(dst_hbm.at[pl.ds(dbase + ca + 2, 2)],
                                    didx.at[pl.ds(pa, 2)])

                d0.wait()
                pltpu.sync_copy(msgs.at[0], acc.at[didx.at[sa]], add=True)
                d1.wait()
                pltpu.sync_copy(msgs.at[1], acc.at[didx.at[sb]], add=True)
            return 0

        lax.fori_loop(0, nch // 4, quad, 0)
        plsc.subcore_barrier()
        pltpu.sync_copy(acc.at[pl.ds(s * STRIPE, STRIPE)],
                        out_hbm.at[pl.ds(c * N_PAD + s * STRIPE, STRIPE)])

    return agg_kernel



def _tc_prep(x_pad, degp, w_gcn):
    def body(x_ref, p0_ref, p1_ref, w_ref, dinv_ref, gs_ref):
        deg = 1.0 + p0_ref[:, 0:1] + p1_ref[:, 0:1]
        dv = lax.rsqrt(deg)
        g = jnp.dot(x_ref[...], w_ref[...],
                    preferred_element_type=_F32)
        gs = dv * g
        dinv_ref[...] = dv
        gs_ref[0] = gs[:, :DH]
        gs_ref[1] = gs[:, DH:]

    return pl.pallas_call(
        body,
        grid=(NBLK,),
        in_specs=[
            pl.BlockSpec((BLK, D), lambda i: (i, 0)),
            pl.BlockSpec((BLK, 16), lambda i: (i, 0)),
            pl.BlockSpec((BLK, 16), lambda i: (i + NBLK, 0)),
            pl.BlockSpec((D, D), lambda i: (0, 0)),
        ],
        out_specs=[
            pl.BlockSpec((BLK, 1), lambda i: (i, 0)),
            pl.BlockSpec((2, BLK, DH), lambda i: (0, i, 0)),
        ],
        out_shape=[
            jax.ShapeDtypeStruct((N_PAD, 1), _F32),
            jax.ShapeDtypeStruct((2, N_PAD, DH), _F32),
        ],
    )(x_pad, degp, degp, w_gcn)


def _tc_mid(acc, gs, dinv, b_gcn, w_gcn):
    def body(acc_ref, gs_ref, dinv_ref, b_ref, w_ref, out_ref):
        dv = dinv_ref[...]
        h = jnp.concatenate(
            [acc_ref[0] + gs_ref[0], acc_ref[1] + gs_ref[1]], axis=1)
        h = dv * h + b_ref[...]
        g = jnp.dot(h, w_ref[...], preferred_element_type=_F32)
        out_ref[0] = dv * g[:, :DH]
        out_ref[1] = dv * g[:, DH:]

    return pl.pallas_call(
        body,
        grid=(NBLK,),
        in_specs=[
            pl.BlockSpec((2, BLK, DH), lambda i: (0, i, 0)),
            pl.BlockSpec((2, BLK, DH), lambda i: (0, i, 0)),
            pl.BlockSpec((BLK, 1), lambda i: (i, 0)),
            pl.BlockSpec((1, D), lambda i: (0, 0)),
            pl.BlockSpec((D, D), lambda i: (0, 0)),
        ],
        out_specs=pl.BlockSpec((2, BLK, DH), lambda i: (0, i, 0)),
        out_shape=jax.ShapeDtypeStruct((2, N_PAD, DH), _F32),
    )(acc, gs, dinv, b_gcn, w_gcn)


def _tc_final(acc, gs, dinv, b_gcn, batch_pad, w1, b1, w2, b2):
    def body(acc_ref, gs_ref, dinv_ref, b_ref, bi_ref,
             w1_ref, b1_ref, w2_ref, b2_ref, out_ref, apool, cnt):
        i = pl.program_id(0)

        @pl.when(i == 0)
        def _():
            apool[...] = jnp.zeros((B, D), _F32)
            cnt[...] = jnp.zeros((B, 1), _F32)

        h = jnp.concatenate(
            [acc_ref[0] + gs_ref[0], acc_ref[1] + gs_ref[1]], axis=1)
        h = dinv_ref[...] * h + b_ref[...]
        seg = lax.broadcasted_iota(jnp.int32, (BLK, B), 1)
        oneh = (bi_ref[...] == seg).astype(_F32)
        apool[...] += lax.dot_general(
            oneh, h, dimension_numbers=(((0,), (0,)), ((), ())),
            preferred_element_type=_F32)
        cnt[...] += jnp.sum(oneh, axis=0)[:, None]

        @pl.when(i == NBLK - 1)
        def _():
            ap = apool[...]
            mp = ap / jnp.maximum(cnt[...], 1.0)
            pooled = jnp.concatenate([ap, mp], axis=1)
            h1 = jnp.dot(pooled, w1_ref[...],
                         preferred_element_type=_F32, precision=_HI)
            h1 = jnp.maximum(h1 + b1_ref[...], 0.0)
            out_ref[...] = jnp.dot(h1, w2_ref[...],
                                   preferred_element_type=_F32,
                                   precision=_HI) + b2_ref[...]

    return pl.pallas_call(
        body,
        grid=(NBLK,),
        in_specs=[
            pl.BlockSpec((2, BLK, DH), lambda i: (0, i, 0)),
            pl.BlockSpec((2, BLK, DH), lambda i: (0, i, 0)),
            pl.BlockSpec((BLK, 1), lambda i: (i, 0)),
            pl.BlockSpec((1, D), lambda i: (0, 0)),
            pl.BlockSpec((BLK, 1), lambda i: (i, 0)),
            pl.BlockSpec((2 * D, D), lambda i: (0, 0)),
            pl.BlockSpec((1, D), lambda i: (0, 0)),
            pl.BlockSpec((D, D), lambda i: (0, 0)),
            pl.BlockSpec((1, D), lambda i: (0, 0)),
        ],
        out_specs=pl.BlockSpec((B, D), lambda i: (0, 0)),
        out_shape=jax.ShapeDtypeStruct((B, D), _F32),
        scratch_shapes=[
            pltpu.VMEM((B, D), _F32),
            pltpu.VMEM((B, 1), _F32),
        ],
    )(acc, gs, dinv, b_gcn, batch_pad, w1, b1, w2, b2)



def kernel(x, edge_index, edge_attr, batch_index, W_gcn, b_gcn, W1, b1, W2, b2):
    e = edge_index.shape[1]
    e_pad = ((e + NW * CH - 1) // (NW * CH)) * (NW * CH)
    pad = e_pad - e
    src = jnp.concatenate([edge_index[0], jnp.full((pad,), N, jnp.int32)])
    dst = jnp.concatenate([edge_index[1], jnp.full((pad,), N, jnp.int32)])
    src2 = jnp.stack([src, src + N_PAD]).reshape(2 * e_pad // CH, CH)
    dst2 = dst.reshape(e_pad // CH, CH)
    x_pad = jnp.pad(x, ((0, N_PAD - N), (0, 0)))
    batch_pad = jnp.concatenate(
        [batch_index, jnp.full((N_PAD - N,), B, jnp.int32)]).reshape(N_PAD, 1)
    b2d = b_gcn.reshape(1, D)

    degp = _make_sc_degree(e_pad)(dst2)
    dinv, gs = _tc_prep(x_pad, degp, W_gcn)
    agg = _make_sc_aggregate(e_pad)
    gs_flat = gs.reshape(2 * N_PAD, DH)
    for conv in range(2):
        acc = agg(gs_flat, src2, dst2)
        gs_flat = _tc_mid(acc.reshape(2, N_PAD, DH), gs_flat.reshape(2, N_PAD, DH),
                          dinv, b2d, W_gcn).reshape(2 * N_PAD, DH)
    acc = agg(gs_flat, src2, dst2)
    return _tc_final(acc.reshape(2, N_PAD, DH), gs_flat.reshape(2, N_PAD, DH),
                     dinv, b2d, batch_pad, W1,
                     b1.reshape(1, D), W2, b2.reshape(1, D))

# --- scband reference (transcript-rebuilt; emitter-appended) ---
"""Pipeline reference for scband-gcn-52965536694356 (READ-ONLY COPY).

The authoritative reference and input builder live on the scoring server;
editing this copy changes nothing except your own understanding.
"""

import jax, jax.numpy as jnp
import numpy as np

N = 10000
E = 160000
D = 256
B = 64
NUM_CONVS = 3


def setup_inputs(seed: int = 0) -> dict:
    key = jax.random.key(seed)
    ks = jax.random.split(key, 10)
    x = jax.random.normal(ks[0], (N, D), dtype=jnp.float32)
    edge_index = jax.random.randint(ks[1], (2, E), 0, N, dtype=jnp.int32)
    edge_attr = jax.random.normal(ks[2], (E, 4), dtype=jnp.float32)
    batch_index = jnp.sort(jax.random.randint(ks[3], (N,), 0, B, dtype=jnp.int32))
    # GCNConv weight + bias (shared across the num_convs applications, as in the torch module)
    W_gcn = jax.random.normal(ks[4], (D, D), dtype=jnp.float32) / np.sqrt(D)
    b_gcn = jnp.zeros((D,), dtype=jnp.float32)
    # post_mp: Linear(2D, D) + ReLU, then Linear(D, D) (is_last, no activation)
    W1 = jax.random.normal(ks[5], (2 * D, D), dtype=jnp.float32) / np.sqrt(2 * D)
    b1 = jnp.zeros((D,), dtype=jnp.float32)
    W2 = jax.random.normal(ks[6], (D, D), dtype=jnp.float32) / np.sqrt(D)
    b2 = jnp.zeros((D,), dtype=jnp.float32)
    return {
        "x": x,
        "edge_index": edge_index,
        "edge_attr": edge_attr,
        "batch_index": batch_index,
        "W_gcn": W_gcn,
        "b_gcn": b_gcn,
        "W1": W1,
        "b1": b1,
        "W2": W2,
        "b2": b2,
    }


def _gcn_conv(h, src, dst, norm, W, b):
    h = h @ W
    msgs = h[src] * norm[:, None]
    out = jax.ops.segment_sum(msgs, dst, num_segments=N)
    return out + b


def reference(x, edge_index, edge_attr, batch_index, W_gcn, b_gcn, W1, b1, W2, b2):
    # pad is a no-op since num_node_features == embedding_size
    # GCNConv default: add self-loops + symmetric normalization
    loops = jnp.arange(N, dtype=edge_index.dtype)
    src = jnp.concatenate([edge_index[0], loops])
    dst = jnp.concatenate([edge_index[1], loops])
    deg = jax.ops.segment_sum(jnp.ones_like(src, dtype=x.dtype), dst, num_segments=N)
    dinv = jnp.where(deg > 0, 1.0 / jnp.sqrt(deg), 0.0)
    norm = dinv[src] * dinv[dst]
    h = x
    for _ in range(NUM_CONVS):
        h = _gcn_conv(h, src, dst, norm, W_gcn, b_gcn)
    # aggr_steps == 0 -> pooled = cat([global_add_pool, global_mean_pool])
    add_pool = jax.ops.segment_sum(h, batch_index, num_segments=B)
    cnt = jax.ops.segment_sum(jnp.ones((N, 1), dtype=h.dtype), batch_index, num_segments=B)
    mean_pool = add_pool / jnp.clip(cnt, 1.0, None)
    pooled = jnp.concatenate([add_pool, mean_pool], axis=1)
    # post_mp (dropout p=0 -> identity)
    h1 = jax.nn.relu(pooled @ W1 + b1)
    out = h1 @ W2 + b2
    return out

if __name__ == "__main__":
    import jax
    _d = setup_inputs()
    print(jax.jit(kernel)(*tuple(_d.values())))

</pallas_src>

<mosaic_0001>
#map = affine_map<(d0, d1) -> (0, 0)>
module attributes {stable_mosaic.version = 14 : i64} {
  func.func @deg_kernel(%arg0: i32, %arg1: i32, %arg2: memref<1280x128xi32, #tpu.memory_space<hbm>>, %arg3: memref<20480x16xf32, #tpu.memory_space<hbm>>, %arg4: memref<40x128xi32, #tpu.memory_space<vmem>>, %arg5: memref<128x16xf32, #tpu.memory_space<vmem>>, %arg6: memref<128x16xf32, #tpu.memory_space<vmem>>, %arg7: memref<10240x16xf32, #tpu.memory_space<vmem_shared>>) attributes {dimension_semantics = [#tpu.dimension_semantics<core_parallel>, #tpu.dimension_semantics<subcore_parallel>], iteration_bounds = array<i64: 2, 16>, scalar_prefetch = 0 : i64, scratch_operands = 4 : i64, tpu.core_type = #tpu.core_type<sc_vector_subcore>, window_params = [{transform_indices = #map}, {transform_indices = #map}]} {
    %scan3A = arith.constant 0 : i32
    %scan3A_0 = arith.constant 0 : i32
    %scan3A_1 = arith.constant 128 : i32
    %scan3A_2 = arith.addi %scan3A_0, %scan3A_1 : i32
    %scan3A_3 = arith.constant 1 : i32
    %scan3A_4 = scf.for %scan3A_31 = %scan3A_0 to %scan3A_2 step %scan3A_3 iter_args(%scan3A_32 = %scan3A) -> (i32)  : i32 {
      %broadcast_in_dim3A = arith.constant 1.000000e+00 : f32
      %broadcast_in_dim3A_33 = vector.broadcast %broadcast_in_dim3A : f32 to vector<16xf32>
      %swap3A = arith.index_cast %scan3A_31 : i32 to index
      %swap3A_34 = arith.constant 0 : index
      %swap3A_35 = tpu.vector_load %arg5[%swap3A, %swap3A_34] {strides = array<i32>} : memref<128x16xf32, #tpu.memory_space<vmem>>, vector<1x16xf32>,
      %swap3A_36 = vector.shape_cast %swap3A_35 : vector<1x16xf32> to vector<16xf32>
      %swap3A_37 = vector.shape_cast %broadcast_in_dim3A_33 : vector<16xf32> to vector<1x16xf32>
      tpu.vector_store %arg5[%swap3A, %swap3A_34], %swap3A_37 {strides = array<i32>} : memref<128x16xf32, #tpu.memory_space<vmem>>, vector<1x16xf32>,
      %broadcast_in_dim3A_38 = arith.constant 0.000000e+00 : f32
      %broadcast_in_dim3A_39 = vector.broadcast %broadcast_in_dim3A_38 : f32 to vector<16xf32>
      %swap3A_40 = arith.index_cast %scan3A_31 : i32 to index
      %swap3A_41 = arith.constant 0 : index
      %swap3A_42 = tpu.vector_load %arg6[%swap3A_40, %swap3A_41] {strides = array<i32>} : memref<128x16xf32, #tpu.memory_space<vmem>>, vector<1x16xf32>,
      %swap3A_43 = vector.shape_cast %swap3A_42 : vector<1x16xf32> to vector<16xf32>
      %swap3A_44 = vector.shape_cast %broadcast_in_dim3A_39 : vector<16xf32> to vector<1x16xf32>
      tpu.vector_store %arg6[%swap3A_40, %swap3A_41], %swap3A_44 {strides = array<i32>} : memref<128x16xf32, #tpu.memory_space<vmem>>, vector<1x16xf32>,
      %scan3A_45 = arith.constant 0 : i32
      scf.yield %scan3A_45 : i32
    }
    %scan3A_5 = arith.constant 128 : i32
    %scan3A_6 = arith.constant 0 : i32
    %scan3A_7 = arith.constant 0 : i32
    %scan3A_8 = arith.constant 5 : i32
    %scan3A_9 = arith.addi %scan3A_7, %scan3A_8 : i32
    %scan3A_10 = arith.constant 1 : i32
    %scan3A_11 = scf.for %scan3A_31 = %scan3A_7 to %scan3A_9 step %scan3A_10 iter_args(%scan3A_32 = %scan3A_6) -> (i32)  : i32 {
      %mul3A_33 = arith.constant 640 : i32
      %mul3A_34 = arith.muli %arg1, %mul3A_33 : i32
      %mul3A_35 = arith.constant 128 : i32
      %mul3A_36 = arith.muli %scan3A_31, %mul3A_35 : i32
      %add3A_37 = arith.addi %mul3A_34, %mul3A_36 : i32
      "tpu.region"() ({
        %run_scoped3A = tpu.sem_alloc : memref<!tpu.dma_semaphore, #tpu.memory_space<semaphore_mem>>
        %dma_start3A = arith.constant 0 : i32
        %dma_start3A_39 = tpu.memref_slice %arg7[%add3A_37, %dma_start3A] : memref<10240x16xf32, #tpu.memory_space<vmem_shared>> -> memref<128x16xf32, #tpu.memory_space<vmem_shared>>
        %dma_start3A_40 = arith.constant 0 : i32
        %dma_start3A_41 = tpu.memref_slice %arg7[%add3A_37, %dma_start3A_40] : memref<10240x16xf32, #tpu.memory_space<vmem_shared>> -> memref<128x16xf32, #tpu.memory_space<vmem_shared>>
        tpu.enqueue_dma source(%arg6 : memref<128x16xf32, #tpu.memory_space<vmem>>) target(%dma_start3A_41 : memref<128x16xf32, #tpu.memory_space<vmem_shared>>) target_semaphore(%run_scoped3A : memref<!tpu.dma_semaphore, #tpu.memory_space<semaphore_mem>>)
        %dma_wait3A = arith.constant 0 : i32
        %dma_wait3A_42 = tpu.memref_slice %arg7[%add3A_37, %dma_wait3A] : memref<10240x16xf32, #tpu.memory_space<vmem_shared>> -> memref<128x16xf32, #tpu.memory_space<vmem_shared>>
        %dma_wait3A_43 = arith.constant 0 : i32
        %dma_wait3A_44 = tpu.memref_slice %arg7[%add3A_37, %dma_wait3A_43] : memref<10240x16xf32, #tpu.memory_space<vmem_shared>> -> memref<128x16xf32, #tpu.memory_space<vmem_shared>>
        tpu.wait_dma2 semaphore(%run_scoped3A : memref<!tpu.dma_semaphore, #tpu.memory_space<semaphore_mem>>) src(%arg6 : memref<128x16xf32, #tpu.memory_space<vmem>>) dst(%dma_wait3A_44 : memref<128x16xf32, #tpu.memory_space<vmem_shared>>)
        tpu.yield
      }) : () -> ()
      %scan3A_38 = arith.constant 0 : i32
      scf.yield %scan3A_38 : i32
    }
    %scan3A_12 = arith.constant 5 : i32
    %mul3A = arith.constant 16 : i32
    %mul3A_13 = arith.muli %arg0, %mul3A : i32
    %add3A = arith.addi %mul3A_13, %arg1 : i32
    %mul3A_14 = arith.constant 40 : i32
    %mul3A_15 = arith.muli %add3A, %mul3A_14 : i32
    "tpu.region"() ({
      %run_scoped3A = tpu.sem_alloc : memref<!tpu.dma_semaphore, #tpu.memory_space<semaphore_mem>>
      %dma_start3A = arith.constant 0 : i32
      %dma_start3A_31 = tpu.memref_slice %arg2[%mul3A_15, %dma_start3A] : memref<1280x128xi32, #tpu.memory_space<hbm>> -> memref<40x128xi32, #tpu.memory_space<hbm>>
      %dma_start3A_32 = arith.constant 0 : i32
      %dma_start3A_33 = tpu.memref_slice %arg2[%mul3A_15, %dma_start3A_32] : memref<1280x128xi32, #tpu.memory_space<hbm>> -> memref<40x128xi32, #tpu.memory_space<hbm>>
      tpu.enqueue_dma source(%dma_start3A_33 : memref<40x128xi32, #tpu.memory_space<hbm>>) target(%arg4 : memref<40x128xi32, #tpu.memory_space<vmem>>) target_semaphore(%run_scoped3A : memref<!tpu.dma_semaphore, #tpu.memory_space<semaphore_mem>>)
      %dma_wait3A = arith.constant 0 : i32
      %dma_wait3A_34 = tpu.memref_slice %arg2[%mul3A_15, %dma_wait3A] : memref<1280x128xi32, #tpu.memory_space<hbm>> -> memref<40x128xi32, #tpu.memory_space<hbm>>
      %dma_wait3A_35 = arith.constant 0 : i32
      %dma_wait3A_36 = tpu.memref_slice %arg2[%mul3A_15, %dma_wait3A_35] : memref<1280x128xi32, #tpu.memory_space<hbm>> -> memref<40x128xi32, #tpu.memory_space<hbm>>
      tpu.wait_dma2 semaphore(%run_scoped3A : memref<!tpu.dma_semaphore, #tpu.memory_space<semaphore_mem>>) src(%dma_wait3A_36 : memref<40x128xi32, #tpu.memory_space<hbm>>) dst(%arg4 : memref<40x128xi32, #tpu.memory_space<vmem>>)
      tpu.yield
    }) : () -> ()
    %barrier3A = arith.constant 0 : index
    tpu.barrier barrier_id(%barrier3A)
    %scan3A_16 = arith.constant 0 : i32
    %scan3A_17 = arith.constant 0 : i32
    %scan3A_18 = arith.constant 40 : i32
    %scan3A_19 = arith.addi %scan3A_17, %scan3A_18 : i32
    %scan3A_20 = arith.constant 1 : i32
    %scan3A_21 = scf.for %scan3A_31 = %scan3A_17 to %scan3A_19 step %scan3A_20 iter_args(%scan3A_32 = %scan3A_16) -> (i32)  : i32 {
      "tpu.region"() ({
        %run_scoped3A = tpu.sem_alloc : memref<!tpu.dma_semaphore, #tpu.memory_space<semaphore_mem>>
        %dma_start3A = arith.constant 0 : i32
        %dma_start3A_34 = tpu.memref_slice %arg4[%scan3A_31, %dma_start3A] : memref<40x128xi32, #tpu.memory_space<vmem>> -> memref<1x128xi32, #tpu.memory_space<vmem>>
        %dma_start3A_35 = tpu.memref_squeeze %dma_start3A_34 : memref<1x128xi32, #tpu.memory_space<vmem>> -> memref<128xi32, #tpu.memory_space<vmem>>
        %dma_start3A_36 = arith.constant 0 : i32
        %dma_start3A_37 = arith.constant 0 : i32
        %dma_start3A_38 = tpu.memref_slice %arg7[%dma_start3A_36, %dma_start3A_37] : memref<10240x16xf32, #tpu.memory_space<vmem_shared>> -> memref<10240x16xf32, #tpu.memory_space<vmem_shared>>
        tpu.enqueue_indirect_dma source(%arg5 : memref<128x16xf32, #tpu.memory_space<vmem>>) target(%dma_start3A_38 : memref<10240x16xf32, #tpu.memory_space<vmem_shared>>) offsets(%dma_start3A_35 : memref<128xi32, #tpu.memory_space<vmem>>) semaphore(%run_scoped3A : memref<!tpu.dma_semaphore, #tpu.memory_space<semaphore_mem>>) {add = true}
        %dma_wait3A = arith.constant 0 : i32
        %dma_wait3A_39 = tpu.memref_slice %arg4[%scan3A_31, %dma_wait3A] : memref<40x128xi32, #tpu.memory_space<vmem>> -> memref<1x128xi32, #tpu.memory_space<vmem>>
        %dma_wait3A_40 = tpu.memref_squeeze %dma_wait3A_39 : memref<1x128xi32, #tpu.memory_space<vmem>> -> memref<128xi32, #tpu.memory_space<vmem>>
        %dma_wait3A_41 = arith.constant 0 : i32
        %dma_wait3A_42 = arith.constant 0 : i32
        %dma_wait3A_43 = tpu.memref_slice %arg7[%dma_wait3A_41, %dma_wait3A_42] : memref<10240x16xf32, #tpu.memory_space<vmem_shared>> -> memref<10240x16xf32, #tpu.memory_space<vmem_shared>>
        tpu.wait_indirect_dma semaphore(%run_scoped3A : memref<!tpu.dma_semaphore, #tpu.memory_space<semaphore_mem>>) src(%arg5 : memref<128x16xf32, #tpu.memory_space<vmem>>) dst(%dma_wait3A_43 : memref<10240x16xf32, #tpu.memory_space<vmem_shared>>)
        tpu.yield
      }) : () -> ()
      %scan3A_33 = arith.constant 0 : i32
      scf.yield %scan3A_33 : i32
    }
    %scan3A_22 = arith.constant 40 : i32
    %barrier3A_23 = arith.constant 0 : index
    tpu.barrier barrier_id(%barrier3A_23)
    %mul3A_24 = arith.constant 640 : i32
    %mul3A_25 = arith.muli %arg1, %mul3A_24 : i32
    %mul3A_26 = arith.constant 10240 : i32
    %mul3A_27 = arith.muli %arg0, %mul3A_26 : i32
    %mul3A_28 = arith.constant 640 : i32
    %mul3A_29 = arith.muli %arg1, %mul3A_28 : i32
    %add3A_30 = arith.addi %mul3A_27, %mul3A_29 : i32
    "tpu.region"() ({
      %run_scoped3A = tpu.sem_alloc : memref<!tpu.dma_semaphore, #tpu.memory_space<semaphore_mem>>
      %dma_start3A = arith.constant 0 : i32
      %dma_start3A_31 = tpu.memref_slice %arg3[%add3A_30, %dma_start3A] : memref<20480x16xf32, #tpu.memory_space<hbm>> -> memref<640x16xf32, #tpu.memory_space<hbm>>
      %dma_start3A_32 = arith.constant 0 : i32
      %dma_start3A_33 = tpu.memref_slice %arg7[%mul3A_25, %dma_start3A_32] : memref<10240x16xf32, #tpu.memory_space<vmem_shared>> -> memref<640x16xf32, #tpu.memory_space<vmem_shared>>
      tpu.enqueue_dma source(%dma_start3A_33 : memref<640x16xf32, #tpu.memory_space<vmem_shared>>) target(%dma_start3A_31 : memref<640x16xf32, #tpu.memory_space<hbm>>) target_semaphore(%run_scoped3A : memref<!tpu.dma_semaphore, #tpu.memory_space<semaphore_mem>>)
      %dma_wait3A = arith.constant 0 : i32
      %dma_wait3A_34 = tpu.memref_slice %arg3[%add3A_30, %dma_wait3A] : memref<20480x16xf32, #tpu.memory_space<hbm>> -> memref<640x16xf32, #tpu.memory_space<hbm>>
      %dma_wait3A_35 = arith.constant 0 : i32
      %dma_wait3A_36 = tpu.memref_slice %arg7[%mul3A_25, %dma_wait3A_35] : memref<10240x16xf32, #tpu.memory_space<vmem_shared>> -> memref<640x16xf32, #tpu.memory_space<vmem_shared>>
      tpu.wait_dma2 semaphore(%run_scoped3A : memref<!tpu.dma_semaphore, #tpu.memory_space<semaphore_mem>>) src(%dma_wait3A_36 : memref<640x16xf32, #tpu.memory_space<vmem_shared>>) dst(%dma_wait3A_34 : memref<640x16xf32, #tpu.memory_space<hbm>>)
      tpu.yield
    }) : () -> ()
    return
  }
}

#map = affine_map<(d0, d1) -> (0, 0)>
module attributes {stable_mosaic.version = 14 : i64} {
  func.func @agg_kernel(%arg0: i32, %arg1: i32, %arg2: memref<20480x128xf32, #tpu.memory_space<hbm>>, %arg3: memref<2560x128xi32, #tpu.memory_space<hbm>>, %arg4: memref<1280x128xi32, #tpu.memory_space<hbm>>, %arg5: memref<20480x128xf32, #tpu.memory_space<hbm>>, %arg6: memref<80x128xi32, #tpu.memory_space<vmem>>, %arg7: memref<4x128xi32, #tpu.memory_space<vmem>>, %arg8: memref<2x128x128xf32, #tpu.memory_space<vmem>>, %arg9: memref<10240x128xf32, #tpu.memory_space<vmem_shared>>, %arg10: memref<!tpu.dma_semaphore, #tpu.memory_space<semaphore_mem>>, %arg11: memref<!tpu.dma_semaphore, #tpu.memory_space<semaphore_mem>>) attributes {dimension_semantics = [#tpu.dimension_semantics<core_parallel>, #tpu.dimension_semantics<subcore_parallel>], iteration_bounds = array<i64: 2, 16>, scalar_prefetch = 0 : i64, scratch_operands = 6 : i64, tpu.core_type = #tpu.core_type<sc_vector_subcore>, window_params = [{transform_indices = #map}, {transform_indices = #map}, {transform_indices = #map}, {transform_indices = #map}]} {
    %mul3A = arith.constant 16 : i32
    %mul3A_0 = arith.muli %arg0, %mul3A : i32
    %add3A = arith.addi %mul3A_0, %arg1 : i32
    %mul3A_1 = arith.constant 80 : i32
    %mul3A_2 = arith.muli %add3A, %mul3A_1 : i32
    %mul3A_3 = arith.constant 80 : i32
    %mul3A_4 = arith.muli %arg1, %mul3A_3 : i32
    %scan3A = arith.constant 0 : i32
    %scan3A_5 = arith.constant 0 : i32
    %scan3A_6 = arith.constant 128 : i32
    %scan3A_7 = arith.addi %scan3A_5, %scan3A_6 : i32
    %scan3A_8 = arith.constant 1 : i32
    %scan3A_9 = scf.for %scan3A_37 = %scan3A_5 to %scan3A_7 step %scan3A_8 iter_args(%scan3A_38 = %scan3A) -> (i32)  : i32 {
      %broadcast_in_dim3A = arith.constant 0.000000e+00 : f32
      %broadcast_in_dim3A_39 = vector.broadcast %broadcast_in_dim3A : f32 to vector<16xf32>
      %swap3A = arith.constant 0 : i32
      %swap3A_40 = arith.index_cast %swap3A : i32 to index
      %swap3A_41 = arith.index_cast %scan3A_37 : i32 to index
      %swap3A_42 = arith.constant 0 : index
      %swap3A_43 = tpu.vector_load %arg8[%swap3A_40, %swap3A_41, %swap3A_42] {strides = array<i32>} : memref<2x128x128xf32, #tpu.memory_space<vmem>>, vector<1x1x16xf32>,
      %swap3A_44 = vector.shape_cast %swap3A_43 : vector<1x1x16xf32> to vector<16xf32>
      %swap3A_45 = vector.shape_cast %broadcast_in_dim3A_39 : vector<16xf32> to vector<1x1x16xf32>
      tpu.vector_store %arg8[%swap3A_40, %swap3A_41, %swap3A_42], %swap3A_45 {strides = array<i32>} : memref<2x128x128xf32, #tpu.memory_space<vmem>>, vector<1x1x16xf32>,
      %broadcast_in_dim3A_46 = arith.constant 0.000000e+00 : f32
      %broadcast_in_dim3A_47 = vector.broadcast %broadcast_in_dim3A_46 : f32 to vector<16xf32>
      %swap3A_48 = arith.constant 0 : i32
      %swap3A_49 = arith.index_cast %swap3A_48 : i32 to index
      %swap3A_50 = arith.index_cast %scan3A_37 : i32 to index
      %swap3A_51 = arith.constant 16 : index
      %swap3A_52 = tpu.vector_load %arg8[%swap3A_49, %swap3A_50, %swap3A_51] {strides = array<i32>} : memref<2x128x128xf32, #tpu.memory_space<vmem>>, vector<1x1x16xf32>,
      %swap3A_53 = vector.shape_cast %swap3A_52 : vector<1x1x16xf32> to vector<16xf32>
      %swap3A_54 = vector.shape_cast %broadcast_in_dim3A_47 : vector<16xf32> to vector<1x1x16xf32>
      tpu.vector_store %arg8[%swap3A_49, %swap3A_50, %swap3A_51], %swap3A_54 {strides = array<i32>} : memref<2x128x128xf32, #tpu.memory_space<vmem>>, vector<1x1x16xf32>,
      %broadcast_in_dim3A_55 = arith.constant 0.000000e+00 : f32
      %broadcast_in_dim3A_56 = vector.broadcast %broadcast_in_dim3A_55 : f32 to vector<16xf32>
      %swap3A_57 = arith.constant 0 : i32
      %swap3A_58 = arith.index_cast %swap3A_57 : i32 to index
      %swap3A_59 = arith.index_cast %scan3A_37 : i32 to index
      %swap3A_60 = arith.constant 32 : index
      %swap3A_61 = tpu.vector_load %arg8[%swap3A_58, %swap3A_59, %swap3A_60] {strides = array<i32>} : memref<2x128x128xf32, #tpu.memory_space<vmem>>, vector<1x1x16xf32>,
      %swap3A_62 = vector.shape_cast %swap3A_61 : vector<1x1x16xf32> to vector<16xf32>
      %swap3A_63 = vector.shape_cast %broadcast_in_dim3A_56 : vector<16xf32> to vector<1x1x16xf32>
      tpu.vector_store %arg8[%swap3A_58, %swap3A_59, %swap3A_60], %swap3A_63 {strides = array<i32>} : memref<2x128x128xf32, #tpu.memory_space<vmem>>, vector<1x1x16xf32>,
      %broadcast_in_dim3A_64 = arith.constant 0.000000e+00 : f32
      %broadcast_in_dim3A_65 = vector.broadcast %broadcast_in_dim3A_64 : f32 to vector<16xf32>
      %swap3A_66 = arith.constant 0 : i32
      %swap3A_67 = arith.index_cast %swap3A_66 : i32 to index
      %swap3A_68 = arith.index_cast %scan3A_37 : i32 to index
      %swap3A_69 = arith.constant 48 : index
      %swap3A_70 = tpu.vector_load %arg8[%swap3A_67, %swap3A_68, %swap3A_69] {strides = array<i32>} : memref<2x128x128xf32, #tpu.memory_space<vmem>>, vector<1x1x16xf32>,
      %swap3A_71 = vector.shape_cast %swap3A_70 : vector<1x1x16xf32> to vector<16xf32>
      %swap3A_72 = vector.shape_cast %broadcast_in_dim3A_65 : vector<16xf32> to vector<1x1x16xf32>
      tpu.vector_store %arg8[%swap3A_67, %swap3A_68, %swap3A_69], %swap3A_72 {strides = array<i32>} : memref<2x128x128xf32, #tpu.memory_space<vmem>>, vector<1x1x16xf32>,
      %broadcast_in_dim3A_73 = arith.constant 0.000000e+00 : f32
      %broadcast_in_dim3A_74 = vector.broadcast %broadcast_in_dim3A_73 : f32 to vector<16xf32>
      %swap3A_75 = arith.constant 0 : i32
      %swap3A_76 = arith.index_cast %swap3A_75 : i32 to index
      %swap3A_77 = arith.index_cast %scan3A_37 : i32 to index
      %swap3A_78 = arith.constant 64 : index
      %swap3A_79 = tpu.vector_load %arg8[%swap3A_76, %swap3A_77, %swap3A_78] {strides = array<i32>} : memref<2x128x128xf32, #tpu.memory_space<vmem>>, vector<1x1x16xf32>,
      %swap3A_80 = vector.shape_cast %swap3A_79 : vector<1x1x16xf32> to vector<16xf32>
      %swap3A_81 = vector.shape_cast %broadcast_in_dim3A_74 : vector<16xf32> to vector<1x1x16xf32>
      tpu.vector_store %arg8[%swap3A_76, %swap3A_77, %swap3A_78], %swap3A_81 {strides = array<i32>} : memref<2x128x128xf32, #tpu.memory_space<vmem>>, vector<1x1x16xf32>,
      %broadcast_in_dim3A_82 = arith.constant 0.000000e+00 : f32
      %broadcast_in_dim3A_83 = vector.broadcast %broadcast_in_dim3A_82 : f32 to vector<16xf32>
      %swap3A_84 = arith.constant 0 : i32
      %swap3A_85 = arith.index_cast %swap3A_84 : i32 to index
      %swap3A_86 = arith.index_cast %scan3A_37 : i32 to index
      %swap3A_87 = arith.constant 80 : index
      %swap3A_88 = tpu.vector_load %arg8[%swap3A_85, %swap3A_86, %swap3A_87] {strides = array<i32>} : memref<2x128x128xf32, #tpu.memory_space<vmem>>, vector<1x1x16xf32>,
      %swap3A_89 = vector.shape_cast %swap3A_88 : vector<1x1x16xf32> to vector<16xf32>
      %swap3A_90 = vector.shape_cast %broadcast_in_dim3A_83 : vector<16xf32> to vector<1x1x16xf32>
      tpu.vector_store %arg8[%swap3A_85, %swap3A_86, %swap3A_87], %swap3A_90 {strides = array<i32>} : memref<2x128x128xf32, #tpu.memory_space<vmem>>, vector<1x1x16xf32>,
      %broadcast_in_dim3A_91 = arith.constant 0.000000e+00 : f32
      %broadcast_in_dim3A_92 = vector.broadcast %broadcast_in_dim3A_91 : f32 to vector<16xf32>
      %swap3A_93 = arith.constant 0 : i32
      %swap3A_94 = arith.index_cast %swap3A_93 : i32 to index
      %swap3A_95 = arith.index_cast %scan3A_37 : i32 to index
      %swap3A_96 = arith.constant 96 : index
      %swap3A_97 = tpu.vector_load %arg8[%swap3A_94, %swap3A_95, %swap3A_96] {strides = array<i32>} : memref<2x128x128xf32, #tpu.memory_space<vmem>>, vector<1x1x16xf32>,
      %swap3A_98 = vector.shape_cast %swap3A_97 : vector<1x1x16xf32> to vector<16xf32>
      %swap3A_99 = vector.shape_cast %broadcast_in_dim3A_92 : vector<16xf32> to vector<1x1x16xf32>
      tpu.vector_store %arg8[%swap3A_94, %swap3A_95, %swap3A_96], %swap3A_99 {strides = array<i32>} : memref<2x128x128xf32, #tpu.memory_space<vmem>>, vector<1x1x16xf32>,
      %broadcast_in_dim3A_100 = arith.constant 0.000000e+00 : f32
      %broadcast_in_dim3A_101 = vector.broadcast %broadcast_in_dim3A_100 : f32 to vector<16xf32>
      %swap3A_102 = arith.constant 0 : i32
      %swap3A_103 = arith.index_cast %swap3A_102 : i32 to index
      %swap3A_104 = arith.index_cast %scan3A_37 : i32 to index
      %swap3A_105 = arith.constant 112 : index
      %swap3A_106 = tpu.vector_load %arg8[%swap3A_103, %swap3A_104, %swap3A_105] {strides = array<i32>} : memref<2x128x128xf32, #tpu.memory_space<vmem>>, vector<1x1x16xf32>,
      %swap3A_107 = vector.shape_cast %swap3A_106 : vector<1x1x16xf32> to vector<16xf32>
      %swap3A_108 = vector.shape_cast %broadcast_in_dim3A_101 : vector<16xf32> to vector<1x1x16xf32>
      tpu.vector_store %arg8[%swap3A_103, %swap3A_104, %swap3A_105], %swap3A_108 {strides = array<i32>} : memref<2x128x128xf32, #tpu.memory_space<vmem>>, vector<1x1x16xf32>,
      %scan3A_109 = arith.constant 0 : i32
      scf.yield %scan3A_109 : i32
    }
    %scan3A_10 = arith.constant 128 : i32
    %scan3A_11 = arith.constant 0 : i32
    %scan3A_12 = arith.constant 0 : i32
    %scan3A_13 = arith.constant 5 : i32
    %scan3A_14 = arith.addi %scan3A_12, %scan3A_13 : i32
    %scan3A_15 = arith.constant 1 : i32
    %scan3A_16 = scf.for %scan3A_37 = %scan3A_12 to %scan3A_14 step %scan3A_15 iter_args(%scan3A_38 = %scan3A_11) -> (i32)  : i32 {
      %mul3A_39 = arith.constant 640 : i32
      %mul3A_40 = arith.muli %arg1, %mul3A_39 : i32
      %mul3A_41 = arith.constant 128 : i32
      %mul3A_42 = arith.muli %scan3A_37, %mul3A_41 : i32
      %add3A_43 = arith.addi %mul3A_40, %mul3A_42 : i32
      %run_scoped3A = arith.constant 0 : i32
      "tpu.region"() ({
        %run_scoped3A_45 = tpu.sem_alloc : memref<!tpu.dma_semaphore, #tpu.memory_space<semaphore_mem>>
        %dma_start3A = arith.constant 0 : i32
        %dma_start3A_46 = arith.constant 0 : i32
        %dma_start3A_47 = tpu.memref_slice %arg8[%run_scoped3A, %dma_start3A, %dma_start3A_46] : memref<2x128x128xf32, #tpu.memory_space<vmem>> -> memref<1x128x128xf32, #tpu.memory_space<vmem>>
        %dma_start3A_48 = tpu.memref_squeeze %dma_start3A_47 : memref<1x128x128xf32, #tpu.memory_space<vmem>> -> memref<128x128xf32, #tpu.memory_space<vmem>>
        %dma_start3A_49 = arith.constant 0 : i32
        %dma_start3A_50 = tpu.memref_slice %arg9[%add3A_43, %dma_start3A_49] : memref<10240x128xf32, #tpu.memory_space<vmem_shared>> -> memref<128x128xf32, #tpu.memory_space<vmem_shared>>
        %dma_start3A_51 = arith.constant 0 : i32
        %dma_start3A_52 = tpu.memref_slice %arg9[%add3A_43, %dma_start3A_51] : memref<10240x128xf32, #tpu.memory_space<vmem_shared>> -> memref<128x128xf32, #tpu.memory_space<vmem_shared>>
        %dma_start3A_53 = arith.constant 0 : i32
        %dma_start3A_54 = arith.constant 0 : i32
        %dma_start3A_55 = tpu.memref_slice %arg8[%run_scoped3A, %dma_start3A_53, %dma_start3A_54] : memref<2x128x128xf32, #tpu.memory_space<vmem>> -> memref<1x128x128xf32, #tpu.memory_space<vmem>>
        %dma_start3A_56 = tpu.memref_squeeze %dma_start3A_55 : memref<1x128x128xf32, #tpu.memory_space<vmem>> -> memref<128x128xf32, #tpu.memory_space<vmem>>
        tpu.enqueue_dma source(%dma_start3A_56 : memref<128x128xf32, #tpu.memory_space<vmem>>) target(%dma_start3A_52 : memref<128x128xf32, #tpu.memory_space<vmem_shared>>) target_semaphore(%run_scoped3A_45 : memref<!tpu.dma_semaphore, #tpu.memory_space<semaphore_mem>>)
        %dma_wait3A = arith.constant 0 : i32
        %dma_wait3A_57 = arith.constant 0 : i32
        %dma_wait3A_58 = tpu.memref_slice %arg8[%run_scoped3A, %dma_wait3A, %dma_wait3A_57] : memref<2x128x128xf32, #tpu.memory_space<vmem>> -> memref<1x128x128xf32, #tpu.memory_space<vmem>>
        %dma_wait3A_59 = tpu.memref_squeeze %dma_wait3A_58 : memref<1x128x128xf32, #tpu.memory_space<vmem>> -> memref<128x128xf32, #tpu.memory_space<vmem>>
        %dma_wait3A_60 = arith.constant 0 : i32
        %dma_wait3A_61 = tpu.memref_slice %arg9[%add3A_43, %dma_wait3A_60] : memref<10240x128xf32, #tpu.memory_space<vmem_shared>> -> memref<128x128xf32, #tpu.memory_space<vmem_shared>>
        %dma_wait3A_62 = arith.constant 0 : i32
        %dma_wait3A_63 = tpu.memref_slice %arg9[%add3A_43, %dma_wait3A_62] : memref<10240x128xf32, #tpu.memory_space<vmem_shared>> -> memref<128x128xf32, #tpu.memory_space<vmem_shared>>
        %dma_wait3A_64 = arith.constant 0 : i32
        %dma_wait3A_65 = arith.constant 0 : i32
        %dma_wait3A_66 = tpu.memref_slice %arg8[%run_scoped3A, %dma_wait3A_64, %dma_wait3A_65] : memref<2x128x128xf32, #tpu.memory_space<vmem>> -> memref<1x128x128xf32, #tpu.memory_space<vmem>>
        %dma_wait3A_67 = tpu.memref_squeeze %dma_wait3A_66 : memref<1x128x128xf32, #tpu.memory_space<vmem>> -> memref<128x128xf32, #tpu.memory_space<vmem>>
        tpu.wait_dma2 semaphore(%run_scoped3A_45 : memref<!tpu.dma_semaphore, #tpu.memory_space<semaphore_mem>>) src(%dma_wait3A_67 : memref<128x128xf32, #tpu.memory_space<vmem>>) dst(%dma_wait3A_63 : memref<128x128xf32, #tpu.memory_space<vmem_shared>>)
        tpu.yield
      }) : () -> ()
      %scan3A_44 = arith.constant 0 : i32
      scf.yield %scan3A_44 : i32
    }
    %scan3A_17 = arith.constant 5 : i32
    %barrier3A = arith.constant 0 : index
    tpu.barrier barrier_id(%barrier3A)
    "tpu.region"() ({
      %run_scoped3A = tpu.sem_alloc : memref<!tpu.dma_semaphore, #tpu.memory_space<semaphore_mem>>
      %dma_start3A = arith.constant 0 : i32
      %dma_start3A_37 = tpu.memref_slice %arg3[%mul3A_2, %dma_start3A] : memref<2560x128xi32, #tpu.memory_space<hbm>> -> memref<80x128xi32, #tpu.memory_space<hbm>>
      %dma_start3A_38 = arith.constant 0 : i32
      %dma_start3A_39 = tpu.memref_slice %arg3[%mul3A_2, %dma_start3A_38] : memref<2560x128xi32, #tpu.memory_space<hbm>> -> memref<80x128xi32, #tpu.memory_space<hbm>>
      tpu.enqueue_dma source(%dma_start3A_39 : memref<80x128xi32, #tpu.memory_space<hbm>>) target(%arg6 : memref<80x128xi32, #tpu.memory_space<vmem>>) target_semaphore(%run_scoped3A : memref<!tpu.dma_semaphore, #tpu.memory_space<semaphore_mem>>)
      %dma_wait3A = arith.constant 0 : i32
      %dma_wait3A_40 = tpu.memref_slice %arg3[%mul3A_2, %dma_wait3A] : memref<2560x128xi32, #tpu.memory_space<hbm>> -> memref<80x128xi32, #tpu.memory_space<hbm>>
      %dma_wait3A_41 = arith.constant 0 : i32
      %dma_wait3A_42 = tpu.memref_slice %arg3[%mul3A_2, %dma_wait3A_41] : memref<2560x128xi32, #tpu.memory_space<hbm>> -> memref<80x128xi32, #tpu.memory_space<hbm>>
      tpu.wait_dma2 semaphore(%run_scoped3A : memref<!tpu.dma_semaphore, #tpu.memory_space<semaphore_mem>>) src(%dma_wait3A_42 : memref<80x128xi32, #tpu.memory_space<hbm>>) dst(%arg6 : memref<80x128xi32, #tpu.memory_space<vmem>>)
      tpu.yield
    }) : () -> ()
    %add3A_18 = arith.constant 0 : i32
    %add3A_19 = arith.addi %mul3A_4, %add3A_18 : i32
    "tpu.region"() ({
      %run_scoped3A = tpu.sem_alloc : memref<!tpu.dma_semaphore, #tpu.memory_space<semaphore_mem>>
      %dma_start3A = arith.constant 0 : i32
      %dma_start3A_37 = arith.constant 0 : i32
      %dma_start3A_38 = tpu.memref_slice %arg7[%dma_start3A, %dma_start3A_37] : memref<4x128xi32, #tpu.memory_space<vmem>> -> memref<1x128xi32, #tpu.memory_space<vmem>>
      %dma_start3A_39 = arith.constant 0 : i32
      %dma_start3A_40 = tpu.memref_slice %arg4[%add3A_19, %dma_start3A_39] : memref<1280x128xi32, #tpu.memory_space<hbm>> -> memref<1x128xi32, #tpu.memory_space<hbm>>
      %dma_start3A_41 = arith.constant 0 : i32
      %dma_start3A_42 = arith.constant 0 : i32
      %dma_start3A_43 = tpu.memref_slice %arg7[%dma_start3A_41, %dma_start3A_42] : memref<4x128xi32, #tpu.memory_space<vmem>> -> memref<1x128xi32, #tpu.memory_space<vmem>>
      %dma_start3A_44 = arith.constant 0 : i32
      %dma_start3A_45 = tpu.memref_slice %arg4[%add3A_19, %dma_start3A_44] : memref<1280x128xi32, #tpu.memory_space<hbm>> -> memref<1x128xi32, #tpu.memory_space<hbm>>
      tpu.enqueue_dma source(%dma_start3A_45 : memref<1x128xi32, #tpu.memory_space<hbm>>) target(%dma_start3A_43 : memref<1x128xi32, #tpu.memory_space<vmem>>) target_semaphore(%run_scoped3A : memref<!tpu.dma_semaphore, #tpu.memory_space<semaphore_mem>>)
      %dma_wait3A = arith.constant 0 : i32
      %dma_wait3A_46 = arith.constant 0 : i32
      %dma_wait3A_47 = tpu.memref_slice %arg7[%dma_wait3A, %dma_wait3A_46] : memref<4x128xi32, #tpu.memory_space<vmem>> -> memref<1x128xi32, #tpu.memory_space<vmem>>
      %dma_wait3A_48 = arith.constant 0 : i32
      %dma_wait3A_49 = tpu.memref_slice %arg4[%add3A_19, %dma_wait3A_48] : memref<1280x128xi32, #tpu.memory_space<hbm>> -> memref<1x128xi32, #tpu.memory_space<hbm>>
      %dma_wait3A_50 = arith.constant 0 : i32
      %dma_wait3A_51 = arith.constant 0 : i32
      %dma_wait3A_52 = tpu.memref_slice %arg7[%dma_wait3A_50, %dma_wait3A_51] : memref<4x128xi32, #tpu.memory_space<vmem>> -> memref<1x128xi32, #tpu.memory_space<vmem>>
      %dma_wait3A_53 = arith.constant 0 : i32
      %dma_wait3A_54 = tpu.memref_slice %arg4[%add3A_19, %dma_wait3A_53] : memref<1280x128xi32, #tpu.memory_space<hbm>> -> memref<1x128xi32, #tpu.memory_space<hbm>>
      tpu.wait_dma2 semaphore(%run_scoped3A : memref<!tpu.dma_semaphore, #tpu.memory_space<semaphore_mem>>) src(%dma_wait3A_54 : memref<1x128xi32, #tpu.memory_space<hbm>>) dst(%dma_wait3A_52 : memref<1x128xi32, #tpu.memory_space<vmem>>)
      tpu.yield
    }) : () -> ()
    %add3A_20 = arith.constant 1 : i32
    %add3A_21 = arith.addi %mul3A_4, %add3A_20 : i32
    "tpu.region"() ({
      %run_scoped3A = tpu.sem_alloc : memref<!tpu.dma_semaphore, #tpu.memory_space<semaphore_mem>>
      %dma_start3A = arith.constant 1 : i32
      %dma_start3A_37 = arith.constant 0 : i32
      %dma_start3A_38 = tpu.memref_slice %arg7[%dma_start3A, %dma_start3A_37] : memref<4x128xi32, #tpu.memory_space<vmem>> -> memref<1x128xi32, #tpu.memory_space<vmem>>
      %dma_start3A_39 = arith.constant 0 : i32
      %dma_start3A_40 = tpu.memref_slice %arg4[%add3A_21, %dma_start3A_39] : memref<1280x128xi32, #tpu.memory_space<hbm>> -> memref<1x128xi32, #tpu.memory_space<hbm>>
      %dma_start3A_41 = arith.constant 1 : i32
      %dma_start3A_42 = arith.constant 0 : i32
      %dma_start3A_43 = tpu.memref_slice %arg7[%dma_start3A_41, %dma_start3A_42] : memref<4x128xi32, #tpu.memory_space<vmem>> -> memref<1x128xi32, #tpu.memory_space<vmem>>
      %dma_start3A_44 = arith.constant 0 : i32
      %dma_start3A_45 = tpu.memref_slice %arg4[%add3A_21, %dma_start3A_44] : memref<1280x128xi32, #tpu.memory_space<hbm>> -> memref<1x128xi32, #tpu.memory_space<hbm>>
      tpu.enqueue_dma source(%dma_start3A_45 : memref<1x128xi32, #tpu.memory_space<hbm>>) target(%dma_start3A_43 : memref<1x128xi32, #tpu.memory_space<vmem>>) target_semaphore(%run_scoped3A : memref<!tpu.dma_semaphore, #tpu.memory_space<semaphore_mem>>)
      %dma_wait3A = arith.constant 1 : i32
      %dma_wait3A_46 = arith.constant 0 : i32
      %dma_wait3A_47 = tpu.memref_slice %arg7[%dma_wait3A, %dma_wait3A_46] : memref<4x128xi32, #tpu.memory_space<vmem>> -> memref<1x128xi32, #tpu.memory_space<vmem>>
      %dma_wait3A_48 = arith.constant 0 : i32
      %dma_wait3A_49 = tpu.memref_slice %arg4[%add3A_21, %dma_wait3A_48] : memref<1280x128xi32, #tpu.memory_space<hbm>> -> memref<1x128xi32, #tpu.memory_space<hbm>>
      %dma_wait3A_50 = arith.constant 1 : i32
      %dma_wait3A_51 = arith.constant 0 : i32
      %dma_wait3A_52 = tpu.memref_slice %arg7[%dma_wait3A_50, %dma_wait3A_51] : memref<4x128xi32, #tpu.memory_space<vmem>> -> memref<1x128xi32, #tpu.memory_space<vmem>>
      %dma_wait3A_53 = arith.constant 0 : i32
      %dma_wait3A_54 = tpu.memref_slice %arg4[%add3A_21, %dma_wait3A_53] : memref<1280x128xi32, #tpu.memory_space<hbm>> -> memref<1x128xi32, #tpu.memory_space<hbm>>
      tpu.wait_dma2 semaphore(%run_scoped3A : memref<!tpu.dma_semaphore, #tpu.memory_space<semaphore_mem>>) src(%dma_wait3A_54 : memref<1x128xi32, #tpu.memory_space<hbm>>) dst(%dma_wait3A_52 : memref<1x128xi32, #tpu.memory_space<vmem>>)
      tpu.yield
    }) : () -> ()
    %scan3A_22 = arith.constant 0 : i32
    %scan3A_23 = arith.constant 0 : i32
    %scan3A_24 = arith.constant 20 : i32
    %scan3A_25 = arith.addi %scan3A_23, %scan3A_24 : i32
    %scan3A_26 = arith.constant 1 : i32
    %scan3A_27 = scf.for %scan3A_37 = %scan3A_23 to %scan3A_25 step %scan3A_26 iter_args(%scan3A_38 = %scan3A_22) -> (i32)  : i32 {
      %mul3A_39 = arith.constant 4 : i32
      %mul3A_40 = arith.muli %mul3A_39, %scan3A_37 : i32
      %add3A_41 = arith.constant 0 : i32
      %add3A_42 = arith.addi %mul3A_40, %add3A_41 : i32
      %dma_start3A = arith.constant 0 : i32
      %dma_start3A_43 = arith.constant 0 : i32
      %dma_start3A_44 = arith.constant 0 : i32
      %dma_start3A_45 = tpu.memref_slice %arg8[%dma_start3A, %dma_start3A_43, %dma_start3A_44] : memref<2x128x128xf32, #tpu.memory_space<vmem>> -> memref<1x128x128xf32, #tpu.memory_space<vmem>>
      %dma_start3A_46 = tpu.memref_squeeze %dma_start3A_45 : memref<1x128x128xf32, #tpu.memory_space<vmem>> -> memref<128x128xf32, #tpu.memory_space<vmem>>
      %dma_start3A_47 = arith.constant 0 : i32
      %dma_start3A_48 = tpu.memref_slice %arg6[%add3A_42, %dma_start3A_47] : memref<80x128xi32, #tpu.memory_space<vmem>> -> memref<1x128xi32, #tpu.memory_space<vmem>>
      %dma_start3A_49 = tpu.memref_squeeze %dma_start3A_48 : memref<1x128xi32, #tpu.memory_space<vmem>> -> memref<128xi32, #tpu.memory_space<vmem>>
      %dma_start3A_50 = arith.constant 0 : i32
      %dma_start3A_51 = arith.constant 0 : i32
      %dma_start3A_52 = tpu.memref_slice %arg2[%dma_start3A_50, %dma_start3A_51] : memref<20480x128xf32, #tpu.memory_space<hbm>> -> memref<20480x128xf32, #tpu.memory_space<hbm>>
      tpu.enqueue_indirect_dma source(%dma_start3A_52 : memref<20480x128xf32, #tpu.memory_space<hbm>>) target(%dma_start3A_46 : memref<128x128xf32, #tpu.memory_space<vmem>>) offsets(%dma_start3A_49 : memref<128xi32, #tpu.memory_space<vmem>>) semaphore(%arg10 : memref<!tpu.dma_semaphore, #tpu.memory_space<semaphore_mem>>)
      %add3A_53 = arith.constant 1 : i32
      %add3A_54 = arith.addi %add3A_42, %add3A_53 : i32
      %dma_start3A_55 = arith.constant 1 : i32
      %dma_start3A_56 = arith.constant 0 : i32
      %dma_start3A_57 = arith.constant 0 : i32
      %dma_start3A_58 = tpu.memref_slice %arg8[%dma_start3A_55, %dma_start3A_56, %dma_start3A_57] : memref<2x128x128xf32, #tpu.memory_space<vmem>> -> memref<1x128x128xf32, #tpu.memory_space<vmem>>
      %dma_start3A_59 = tpu.memref_squeeze %dma_start3A_58 : memref<1x128x128xf32, #tpu.memory_space<vmem>> -> memref<128x128xf32, #tpu.memory_space<vmem>>
      %dma_start3A_60 = arith.constant 0 : i32
      %dma_start3A_61 = tpu.memref_slice %arg6[%add3A_54, %dma_start3A_60] : memref<80x128xi32, #tpu.memory_space<vmem>> -> memref<1x128xi32, #tpu.memory_space<vmem>>
      %dma_start3A_62 = tpu.memref_squeeze %dma_start3A_61 : memref<1x128xi32, #tpu.memory_space<vmem>> -> memref<128xi32, #tpu.memory_space<vmem>>
      %dma_start3A_63 = arith.constant 0 : i32
      %dma_start3A_64 = arith.constant 0 : i32
      %dma_start3A_65 = tpu.memref_slice %arg2[%dma_start3A_63, %dma_start3A_64] : memref<20480x128xf32, #tpu.memory_space<hbm>> -> memref<20480x128xf32, #tpu.memory_space<hbm>>
      tpu.enqueue_indirect_dma source(%dma_start3A_65 : memref<20480x128xf32, #tpu.memory_space<hbm>>) target(%dma_start3A_59 : memref<128x128xf32, #tpu.memory_space<vmem>>) offsets(%dma_start3A_62 : memref<128xi32, #tpu.memory_space<vmem>>) semaphore(%arg11 : memref<!tpu.dma_semaphore, #tpu.memory_space<semaphore_mem>>)
      %add3A_66 = arith.constant 2 : i32
      %add3A_67 = arith.addi %add3A_42, %add3A_66 : i32
      %lt3A = arith.constant 80 : i32
      %lt3A_68 = arith.cmpi slt, %add3A_67, %lt3A : i32
      %convert_element_type3A = arith.extui %lt3A_68 : i1 to i32
      %cond3A = arith.constant 0 : i32
      %cond3A_69 = arith.cmpi ne, %convert_element_type3A, %cond3A : i32
      scf.if %cond3A_69 {
        %add3A_154 = arith.addi %mul3A_4, %add3A_42 : i32
        %add3A_155 = arith.constant 2 : i32
        %add3A_156 = arith.addi %add3A_154, %add3A_155 : i32
        "tpu.region"() ({
          %run_scoped3A_157 = tpu.sem_alloc : memref<!tpu.dma_semaphore, #tpu.memory_space<semaphore_mem>>
          %dma_start3A_158 = arith.constant 2 : i32
          %dma_start3A_159 = arith.constant 0 : i32
          %dma_start3A_160 = tpu.memref_slice %arg7[%dma_start3A_158, %dma_start3A_159] : memref<4x128xi32, #tpu.memory_space<vmem>> -> memref<2x128xi32, #tpu.memory_space<vmem>>
          %dma_start3A_161 = arith.constant 0 : i32
          %dma_start3A_162 = tpu.memref_slice %arg4[%add3A_156, %dma_start3A_161] : memref<1280x128xi32, #tpu.memory_space<hbm>> -> memref<2x128xi32, #tpu.memory_space<hbm>>
          %dma_start3A_163 = arith.constant 2 : i32
          %dma_start3A_164 = arith.constant 0 : i32
          %dma_start3A_165 = tpu.memref_slice %arg7[%dma_start3A_163, %dma_start3A_164] : memref<4x128xi32, #tpu.memory_space<vmem>> -> memref<2x128xi32, #tpu.memory_space<vmem>>
          %dma_start3A_166 = arith.constant 0 : i32
          %dma_start3A_167 = tpu.memref_slice %arg4[%add3A_156, %dma_start3A_166] : memref<1280x128xi32, #tpu.memory_space<hbm>> -> memref<2x128xi32, #tpu.memory_space<hbm>>
          tpu.enqueue_dma source(%dma_start3A_167 : memref<2x128xi32, #tpu.memory_space<hbm>>) target(%dma_start3A_165 : memref<2x128xi32, #tpu.memory_space<vmem>>) target_semaphore(%run_scoped3A_157 : memref<!tpu.dma_semaphore, #tpu.memory_space<semaphore_mem>>)
          %dma_wait3A_168 = arith.constant 2 : i32
          %dma_wait3A_169 = arith.constant 0 : i32
          %dma_wait3A_170 = tpu.memref_slice %arg7[%dma_wait3A_168, %dma_wait3A_169] : memref<4x128xi32, #tpu.memory_space<vmem>> -> memref<2x128xi32, #tpu.memory_space<vmem>>
          %dma_wait3A_171 = arith.constant 0 : i32
          %dma_wait3A_172 = tpu.memref_slice %arg4[%add3A_156, %dma_wait3A_171] : memref<1280x128xi32, #tpu.memory_space<hbm>> -> memref<2x128xi32, #tpu.memory_space<hbm>>
          %dma_wait3A_173 = arith.constant 2 : i32
          %dma_wait3A_174 = arith.constant 0 : i32
          %dma_wait3A_175 = tpu.memref_slice %arg7[%dma_wait3A_173, %dma_wait3A_174] : memref<4x128xi32, #tpu.memory_space<vmem>> -> memref<2x128xi32, #tpu.memory_space<vmem>>
          %dma_wait3A_176 = arith.constant 0 : i32
          %dma_wait3A_177 = tpu.memref_slice %arg4[%add3A_156, %dma_wait3A_176] : memref<1280x128xi32, #tpu.memory_space<hbm>> -> memref<2x128xi32, #tpu.memory_space<hbm>>
          tpu.wait_dma2 semaphore(%run_scoped3A_157 : memref<!tpu.dma_semaphore, #tpu.memory_space<semaphore_mem>>) src(%dma_wait3A_177 : memref<2x128xi32, #tpu.memory_space<hbm>>) dst(%dma_wait3A_175 : memref<2x128xi32, #tpu.memory_space<vmem>>)
          tpu.yield
        }) : () -> ()
      } else {
      }
      %dma_wait3A = arith.constant 0 : i32
      %dma_wait3A_70 = arith.constant 0 : i32
      %dma_wait3A_71 = arith.constant 0 : i32
      %dma_wait3A_72 = tpu.memref_slice %arg8[%dma_wait3A, %dma_wait3A_70, %dma_wait3A_71] : memref<2x128x128xf32, #tpu.memory_space<vmem>> -> memref<1x128x128xf32, #tpu.memory_space<vmem>>
      %dma_wait3A_73 = tpu.memref_squeeze %dma_wait3A_72 : memref<1x128x128xf32, #tpu.memory_space<vmem>> -> memref<128x128xf32, #tpu.memory_space<vmem>>
      %dma_wait3A_74 = arith.constant 0 : i32
      %dma_wait3A_75 = tpu.memref_slice %arg6[%add3A_42, %dma_wait3A_74] : memref<80x128xi32, #tpu.memory_space<vmem>> -> memref<1x128xi32, #tpu.memory_space<vmem>>
      %dma_wait3A_76 = tpu.memref_squeeze %dma_wait3A_75 : memref<1x128xi32, #tpu.memory_space<vmem>> -> memref<128xi32, #tpu.memory_space<vmem>>
      %dma_wait3A_77 = arith.constant 0 : i32
      %dma_wait3A_78 = arith.constant 0 : i32
      %dma_wait3A_79 = tpu.memref_slice %arg2[%dma_wait3A_77, %dma_wait3A_78] : memref<20480x128xf32, #tpu.memory_space<hbm>> -> memref<20480x128xf32, #tpu.memory_space<hbm>>
      tpu.wait_indirect_dma semaphore(%arg10 : memref<!tpu.dma_semaphore, #tpu.memory_space<semaphore_mem>>) src(%dma_wait3A_79 : memref<20480x128xf32, #tpu.memory_space<hbm>>) dst(%dma_wait3A_73 : memref<128x128xf32, #tpu.memory_space<vmem>>)
      %run_scoped3A = arith.constant 0 : i32
      %run_scoped3A_80 = arith.constant 0 : i32
      "tpu.region"() ({
        %run_scoped3A_154 = tpu.sem_alloc : memref<!tpu.dma_semaphore, #tpu.memory_space<semaphore_mem>>
        %dma_start3A_155 = arith.constant 0 : i32
        %dma_start3A_156 = arith.constant 0 : i32
        %dma_start3A_157 = tpu.memref_slice %arg8[%run_scoped3A, %dma_start3A_155, %dma_start3A_156] : memref<2x128x128xf32, #tpu.memory_space<vmem>> -> memref<1x128x128xf32, #tpu.memory_space<vmem>>
        %dma_start3A_158 = tpu.memref_squeeze %dma_start3A_157 : memref<1x128x128xf32, #tpu.memory_space<vmem>> -> memref<128x128xf32, #tpu.memory_space<vmem>>
        %dma_start3A_159 = arith.constant 0 : i32
        %dma_start3A_160 = tpu.memref_slice %arg7[%run_scoped3A_80, %dma_start3A_159] : memref<4x128xi32, #tpu.memory_space<vmem>> -> memref<1x128xi32, #tpu.memory_space<vmem>>
        %dma_start3A_161 = tpu.memref_squeeze %dma_start3A_160 : memref<1x128xi32, #tpu.memory_space<vmem>> -> memref<128xi32, #tpu.memory_space<vmem>>
        %dma_start3A_162 = arith.constant 0 : i32
        %dma_start3A_163 = arith.constant 0 : i32
        %dma_start3A_164 = tpu.memref_slice %arg9[%dma_start3A_162, %dma_start3A_163] : memref<10240x128xf32, #tpu.memory_space<vmem_shared>> -> memref<10240x128xf32, #tpu.memory_space<vmem_shared>>
        tpu.enqueue_indirect_dma source(%dma_start3A_158 : memref<128x128xf32, #tpu.memory_space<vmem>>) target(%dma_start3A_164 : memref<10240x128xf32, #tpu.memory_space<vmem_shared>>) offsets(%dma_start3A_161 : memref<128xi32, #tpu.memory_space<vmem>>) semaphore(%run_scoped3A_154 : memref<!tpu.dma_semaphore, #tpu.memory_space<semaphore_mem>>) {add = true}
        %dma_wait3A_165 = arith.constant 0 : i32
        %dma_wait3A_166 = arith.constant 0 : i32
        %dma_wait3A_167 = tpu.memref_slice %arg8[%run_scoped3A, %dma_wait3A_165, %dma_wait3A_166] : memref<2x128x128xf32, #tpu.memory_space<vmem>> -> memref<1x128x128xf32, #tpu.memory_space<vmem>>
        %dma_wait3A_168 = tpu.memref_squeeze %dma_wait3A_167 : memref<1x128x128xf32, #tpu.memory_space<vmem>> -> memref<128x128xf32, #tpu.memory_space<vmem>>
        %dma_wait3A_169 = arith.constant 0 : i32
        %dma_wait3A_170 = tpu.memref_slice %arg7[%run_scoped3A_80, %dma_wait3A_169] : memref<4x128xi32, #tpu.memory_space<vmem>> -> memref<1x128xi32, #tpu.memory_space<vmem>>
        %dma_wait3A_171 = tpu.memref_squeeze %dma_wait3A_170 : memref<1x128xi32, #tpu.memory_space<vmem>> -> memref<128xi32, #tpu.memory_space<vmem>>
        %dma_wait3A_172 = arith.constant 0 : i32
        %dma_wait3A_173 = arith.constant 0 : i32
        %dma_wait3A_174 = tpu.memref_slice %arg9[%dma_wait3A_172, %dma_wait3A_173] : memref<10240x128xf32, #tpu.memory_space<vmem_shared>> -> memref<10240x128xf32, #tpu.memory_space<vmem_shared>>
        tpu.wait_indirect_dma semaphore(%run_scoped3A_154 : memref<!tpu.dma_semaphore, #tpu.memory_space<semaphore_mem>>) src(%dma_wait3A_168 : memref<128x128xf32, #tpu.memory_space<vmem>>) dst(%dma_wait3A_174 : memref<10240x128xf32, #tpu.memory_space<vmem_shared>>)
        tpu.yield
      }) : () -> ()
      %dma_wait3A_81 = arith.constant 1 : i32
      %dma_wait3A_82 = arith.constant 0 : i32
      %dma_wait3A_83 = arith.constant 0 : i32
      %dma_wait3A_84 = tpu.memref_slice %arg8[%dma_wait3A_81, %dma_wait3A_82, %dma_wait3A_83] : memref<2x128x128xf32, #tpu.memory_space<vmem>> -> memref<1x128x128xf32, #tpu.memory_space<vmem>>
      %dma_wait3A_85 = tpu.memref_squeeze %dma_wait3A_84 : memref<1x128x128xf32, #tpu.memory_space<vmem>> -> memref<128x128xf32, #tpu.memory_space<vmem>>
      %dma_wait3A_86 = arith.constant 0 : i32
      %dma_wait3A_87 = tpu.memref_slice %arg6[%add3A_54, %dma_wait3A_86] : memref<80x128xi32, #tpu.memory_space<vmem>> -> memref<1x128xi32, #tpu.memory_space<vmem>>
      %dma_wait3A_88 = tpu.memref_squeeze %dma_wait3A_87 : memref<1x128xi32, #tpu.memory_space<vmem>> -> memref<128xi32, #tpu.memory_space<vmem>>
      %dma_wait3A_89 = arith.constant 0 : i32
      %dma_wait3A_90 = arith.constant 0 : i32
      %dma_wait3A_91 = tpu.memref_slice %arg2[%dma_wait3A_89, %dma_wait3A_90] : memref<20480x128xf32, #tpu.memory_space<hbm>> -> memref<20480x128xf32, #tpu.memory_space<hbm>>
      tpu.wait_indirect_dma semaphore(%arg11 : memref<!tpu.dma_semaphore, #tpu.memory_space<semaphore_mem>>) src(%dma_wait3A_91 : memref<20480x128xf32, #tpu.memory_space<hbm>>) dst(%dma_wait3A_85 : memref<128x128xf32, #tpu.memory_space<vmem>>)
      %run_scoped3A_92 = arith.constant 1 : i32
      %run_scoped3A_93 = arith.constant 1 : i32
      "tpu.region"() ({
        %run_scoped3A_154 = tpu.sem_alloc : memref<!tpu.dma_semaphore, #tpu.memory_space<semaphore_mem>>
        %dma_start3A_155 = arith.constant 0 : i32
        %dma_start3A_156 = arith.constant 0 : i32
        %dma_start3A_157 = tpu.memref_slice %arg8[%run_scoped3A_92, %dma_start3A_155, %dma_start3A_156] : memref<2x128x128xf32, #tpu.memory_space<vmem>> -> memref<1x128x128xf32, #tpu.memory_space<vmem>>
        %dma_start3A_158 = tpu.memref_squeeze %dma_start3A_157 : memref<1x128x128xf32, #tpu.memory_space<vmem>> -> memref<128x128xf32, #tpu.memory_space<vmem>>
        %dma_start3A_159 = arith.constant 0 : i32
        %dma_start3A_160 = tpu.memref_slice %arg7[%run_scoped3A_93, %dma_start3A_159] : memref<4x128xi32, #tpu.memory_space<vmem>> -> memref<1x128xi32, #tpu.memory_space<vmem>>
        %dma_start3A_161 = tpu.memref_squeeze %dma_start3A_160 : memref<1x128xi32, #tpu.memory_space<vmem>> -> memref<128xi32, #tpu.memory_space<vmem>>
        %dma_start3A_162 = arith.constant 0 : i32
        %dma_start3A_163 = arith.constant 0 : i32
        %dma_start3A_164 = tpu.memref_slice %arg9[%dma_start3A_162, %dma_start3A_163] : memref<10240x128xf32, #tpu.memory_space<vmem_shared>> -> memref<10240x128xf32, #tpu.memory_space<vmem_shared>>
        tpu.enqueue_indirect_dma source(%dma_start3A_158 : memref<128x128xf32, #tpu.memory_space<vmem>>) target(%dma_start3A_164 : memref<10240x128xf32, #tpu.memory_space<vmem_shared>>) offsets(%dma_start3A_161 : memref<128xi32, #tpu.memory_space<vmem>>) semaphore(%run_scoped3A_154 : memref<!tpu.dma_semaphore, #tpu.memory_space<semaphore_mem>>) {add = true}
        %dma_wait3A_165 = arith.constant 0 : i32
        %dma_wait3A_166 = arith.constant 0 : i32
        %dma_wait3A_167 = tpu.memref_slice %arg8[%run_scoped3A_92, %dma_wait3A_165, %dma_wait3A_166] : memref<2x128x128xf32, #tpu.memory_space<vmem>> -> memref<1x128x128xf32, #tpu.memory_space<vmem>>
        %dma_wait3A_168 = tpu.memref_squeeze %dma_wait3A_167 : memref<1x128x128xf32, #tpu.memory_space<vmem>> -> memref<128x128xf32, #tpu.memory_space<vmem>>
        %dma_wait3A_169 = arith.constant 0 : i32
        %dma_wait3A_170 = tpu.memref_slice %arg7[%run_scoped3A_93, %dma_wait3A_169] : memref<4x128xi32, #tpu.memory_space<vmem>> -> memref<1x128xi32, #tpu.memory_space<vmem>>
        %dma_wait3A_171 = tpu.memref_squeeze %dma_wait3A_170 : memref<1x128xi32, #tpu.memory_space<vmem>> -> memref<128xi32, #tpu.memory_space<vmem>>
        %dma_wait3A_172 = arith.constant 0 : i32
        %dma_wait3A_173 = arith.constant 0 : i32
        %dma_wait3A_174 = tpu.memref_slice %arg9[%dma_wait3A_172, %dma_wait3A_173] : memref<10240x128xf32, #tpu.memory_space<vmem_shared>> -> memref<10240x128xf32, #tpu.memory_space<vmem_shared>>
        tpu.wait_indirect_dma semaphore(%run_scoped3A_154 : memref<!tpu.dma_semaphore, #tpu.memory_space<semaphore_mem>>) src(%dma_wait3A_168 : memref<128x128xf32, #tpu.memory_space<vmem>>) dst(%dma_wait3A_174 : memref<10240x128xf32, #tpu.memory_space<vmem_shared>>)
        tpu.yield
      }) : () -> ()
      %add3A_94 = arith.constant 2 : i32
      %add3A_95 = arith.addi %mul3A_40, %add3A_94 : i32
      %dma_start3A_96 = arith.constant 0 : i32
      %dma_start3A_97 = arith.constant 0 : i32
      %dma_start3A_98 = arith.constant 0 : i32
      %dma_start3A_99 = tpu.memref_slice %arg8[%dma_start3A_96, %dma_start3A_97, %dma_start3A_98] : memref<2x128x128xf32, #tpu.memory_space<vmem>> -> memref<1x128x128xf32, #tpu.memory_space<vmem>>
      %dma_start3A_100 = tpu.memref_squeeze %dma_start3A_99 : memref<1x128x128xf32, #tpu.memory_space<vmem>> -> memref<128x128xf32, #tpu.memory_space<vmem>>
      %dma_start3A_101 = arith.constant 0 : i32
      %dma_start3A_102 = tpu.memref_slice %arg6[%add3A_95, %dma_start3A_101] : memref<80x128xi32, #tpu.memory_space<vmem>> -> memref<1x128xi32, #tpu.memory_space<vmem>>
      %dma_start3A_103 = tpu.memref_squeeze %dma_start3A_102 : memref<1x128xi32, #tpu.memory_space<vmem>> -> memref<128xi32, #tpu.memory_space<vmem>>
      %dma_start3A_104 = arith.constant 0 : i32
      %dma_start3A_105 = arith.constant 0 : i32
      %dma_start3A_106 = tpu.memref_slice %arg2[%dma_start3A_104, %dma_start3A_105] : memref<20480x128xf32, #tpu.memory_space<hbm>> -> memref<20480x128xf32, #tpu.memory_space<hbm>>
      tpu.enqueue_indirect_dma source(%dma_start3A_106 : memref<20480x128xf32, #tpu.memory_space<hbm>>) target(%dma_start3A_100 : memref<128x128xf32, #tpu.memory_space<vmem>>) offsets(%dma_start3A_103 : memref<128xi32, #tpu.memory_space<vmem>>) semaphore(%arg10 : memref<!tpu.dma_semaphore, #tpu.memory_space<semaphore_mem>>)
      %add3A_107 = arith.constant 1 : i32
      %add3A_108 = arith.addi %add3A_95, %add3A_107 : i32
      %dma_start3A_109 = arith.constant 1 : i32
      %dma_start3A_110 = arith.constant 0 : i32
      %dma_start3A_111 = arith.constant 0 : i32
      %dma_start3A_112 = tpu.memref_slice %arg8[%dma_start3A_109, %dma_start3A_110, %dma_start3A_111] : memref<2x128x128xf32, #tpu.memory_space<vmem>> -> memref<1x128x128xf32, #tpu.memory_space<vmem>>
      %dma_start3A_113 = tpu.memref_squeeze %dma_start3A_112 : memref<1x128x128xf32, #tpu.memory_space<vmem>> -> memref<128x128xf32, #tpu.memory_space<vmem>>
      %dma_start3A_114 = arith.constant 0 : i32
      %dma_start3A_115 = tpu.memref_slice %arg6[%add3A_108, %dma_start3A_114] : memref<80x128xi32, #tpu.memory_space<vmem>> -> memref<1x128xi32, #tpu.memory_space<vmem>>
      %dma_start3A_116 = tpu.memref_squeeze %dma_start3A_115 : memref<1x128xi32, #tpu.memory_space<vmem>> -> memref<128xi32, #tpu.memory_space<vmem>>
      %dma_start3A_117 = arith.constant 0 : i32
      %dma_start3A_118 = arith.constant 0 : i32
      %dma_start3A_119 = tpu.memref_slice %arg2[%dma_start3A_117, %dma_start3A_118] : memref<20480x128xf32, #tpu.memory_space<hbm>> -> memref<20480x128xf32, #tpu.memory_space<hbm>>
      tpu.enqueue_indirect_dma source(%dma_start3A_119 : memref<20480x128xf32, #tpu.memory_space<hbm>>) target(%dma_start3A_113 : memref<128x128xf32, #tpu.memory_space<vmem>>) offsets(%dma_start3A_116 : memref<128xi32, #tpu.memory_space<vmem>>) semaphore(%arg11 : memref<!tpu.dma_semaphore, #tpu.memory_space<semaphore_mem>>)
      %add3A_120 = arith.constant 2 : i32
      %add3A_121 = arith.addi %add3A_95, %add3A_120 : i32
      %lt3A_122 = arith.constant 80 : i32
      %lt3A_123 = arith.cmpi slt, %add3A_121, %lt3A_122 : i32
      %convert_element_type3A_124 = arith.extui %lt3A_123 : i1 to i32
      %cond3A_125 = arith.constant 0 : i32
      %cond3A_126 = arith.cmpi ne, %convert_element_type3A_124, %cond3A_125 : i32
      scf.if %cond3A_126 {
        %add3A_154 = arith.addi %mul3A_4, %add3A_95 : i32
        %add3A_155 = arith.constant 2 : i32
        %add3A_156 = arith.addi %add3A_154, %add3A_155 : i32
        "tpu.region"() ({
          %run_scoped3A_157 = tpu.sem_alloc : memref<!tpu.dma_semaphore, #tpu.memory_space<semaphore_mem>>
          %dma_start3A_158 = arith.constant 0 : i32
          %dma_start3A_159 = arith.constant 0 : i32
          %dma_start3A_160 = tpu.memref_slice %arg7[%dma_start3A_158, %dma_start3A_159] : memref<4x128xi32, #tpu.memory_space<vmem>> -> memref<2x128xi32, #tpu.memory_space<vmem>>
          %dma_start3A_161 = arith.constant 0 : i32
          %dma_start3A_162 = tpu.memref_slice %arg4[%add3A_156, %dma_start3A_161] : memref<1280x128xi32, #tpu.memory_space<hbm>> -> memref<2x128xi32, #tpu.memory_space<hbm>>
          %dma_start3A_163 = arith.constant 0 : i32
          %dma_start3A_164 = arith.constant 0 : i32
          %dma_start3A_165 = tpu.memref_slice %arg7[%dma_start3A_163, %dma_start3A_164] : memref<4x128xi32, #tpu.memory_space<vmem>> -> memref<2x128xi32, #tpu.memory_space<vmem>>
          %dma_start3A_166 = arith.constant 0 : i32
          %dma_start3A_167 = tpu.memref_slice %arg4[%add3A_156, %dma_start3A_166] : memref<1280x128xi32, #tpu.memory_space<hbm>> -> memref<2x128xi32, #tpu.memory_space<hbm>>
          tpu.enqueue_dma source(%dma_start3A_167 : memref<2x128xi32, #tpu.memory_space<hbm>>) target(%dma_start3A_165 : memref<2x128xi32, #tpu.memory_space<vmem>>) target_semaphore(%run_scoped3A_157 : memref<!tpu.dma_semaphore, #tpu.memory_space<semaphore_mem>>)
          %dma_wait3A_168 = arith.constant 0 : i32
          %dma_wait3A_169 = arith.constant 0 : i32
          %dma_wait3A_170 = tpu.memref_slice %arg7[%dma_wait3A_168, %dma_wait3A_169] : memref<4x128xi32, #tpu.memory_space<vmem>> -> memref<2x128xi32, #tpu.memory_space<vmem>>
          %dma_wait3A_171 = arith.constant 0 : i32
          %dma_wait3A_172 = tpu.memref_slice %arg4[%add3A_156, %dma_wait3A_171] : memref<1280x128xi32, #tpu.memory_space<hbm>> -> memref<2x128xi32, #tpu.memory_space<hbm>>
          %dma_wait3A_173 = arith.constant 0 : i32
          %dma_wait3A_174 = arith.constant 0 : i32
          %dma_wait3A_175 = tpu.memref_slice %arg7[%dma_wait3A_173, %dma_wait3A_174] : memref<4x128xi32, #tpu.memory_space<vmem>> -> memref<2x128xi32, #tpu.memory_space<vmem>>
          %dma_wait3A_176 = arith.constant 0 : i32
          %dma_wait3A_177 = tpu.memref_slice %arg4[%add3A_156, %dma_wait3A_176] : memref<1280x128xi32, #tpu.memory_space<hbm>> -> memref<2x128xi32, #tpu.memory_space<hbm>>
          tpu.wait_dma2 semaphore(%run_scoped3A_157 : memref<!tpu.dma_semaphore, #tpu.memory_space<semaphore_mem>>) src(%dma_wait3A_177 : memref<2x128xi32, #tpu.memory_space<hbm>>) dst(%dma_wait3A_175 : memref<2x128xi32, #tpu.memory_space<vmem>>)
          tpu.yield
        }) : () -> ()
      } else {
      }
      %dma_wait3A_127 = arith.constant 0 : i32
      %dma_wait3A_128 = arith.constant 0 : i32
      %dma_wait3A_129 = arith.constant 0 : i32
      %dma_wait3A_130 = tpu.memref_slice %arg8[%dma_wait3A_127, %dma_wait3A_128, %dma_wait3A_129] : memref<2x128x128xf32, #tpu.memory_space<vmem>> -> memref<1x128x128xf32, #tpu.memory_space<vmem>>
      %dma_wait3A_131 = tpu.memref_squeeze %dma_wait3A_130 : memref<1x128x128xf32, #tpu.memory_space<vmem>> -> memref<128x128xf32, #tpu.memory_space<vmem>>
      %dma_wait3A_132 = arith.constant 0 : i32
      %dma_wait3A_133 = tpu.memref_slice %arg6[%add3A_95, %dma_wait3A_132] : memref<80x128xi32, #tpu.memory_space<vmem>> -> memref<1x128xi32, #tpu.memory_space<vmem>>
      %dma_wait3A_134 = tpu.memref_squeeze %dma_wait3A_133 : memref<1x128xi32, #tpu.memory_space<vmem>> -> memref<128xi32, #tpu.memory_space<vmem>>
      %dma_wait3A_135 = arith.constant 0 : i32
      %dma_wait3A_136 = arith.constant 0 : i32
      %dma_wait3A_137 = tpu.memref_slice %arg2[%dma_wait3A_135, %dma_wait3A_136] : memref<20480x128xf32, #tpu.memory_space<hbm>> -> memref<20480x128xf32, #tpu.memory_space<hbm>>
      tpu.wait_indirect_dma semaphore(%arg10 : memref<!tpu.dma_semaphore, #tpu.memory_space<semaphore_mem>>) src(%dma_wait3A_137 : memref<20480x128xf32, #tpu.memory_space<hbm>>) dst(%dma_wait3A_131 : memref<128x128xf32, #tpu.memory_space<vmem>>)
      %run_scoped3A_138 = arith.constant 0 : i32
      %run_scoped3A_139 = arith.constant 2 : i32
      "tpu.region"() ({
        %run_scoped3A_154 = tpu.sem_alloc : memref<!tpu.dma_semaphore, #tpu.memory_space<semaphore_mem>>
        %dma_start3A_155 = arith.constant 0 : i32
        %dma_start3A_156 = arith.constant 0 : i32
        %dma_start3A_157 = tpu.memref_slice %arg8[%run_scoped3A_138, %dma_start3A_155, %dma_start3A_156] : memref<2x128x128xf32, #tpu.memory_space<vmem>> -> memref<1x128x128xf32, #tpu.memory_space<vmem>>
        %dma_start3A_158 = tpu.memref_squeeze %dma_start3A_157 : memref<1x128x128xf32, #tpu.memory_space<vmem>> -> memref<128x128xf32, #tpu.memory_space<vmem>>
        %dma_start3A_159 = arith.constant 0 : i32
        %dma_start3A_160 = tpu.memref_slice %arg7[%run_scoped3A_139, %dma_start3A_159] : memref<4x128xi32, #tpu.memory_space<vmem>> -> memref<1x128xi32, #tpu.memory_space<vmem>>
        %dma_start3A_161 = tpu.memref_squeeze %dma_start3A_160 : memref<1x128xi32, #tpu.memory_space<vmem>> -> memref<128xi32, #tpu.memory_space<vmem>>
        %dma_start3A_162 = arith.constant 0 : i32
        %dma_start3A_163 = arith.constant 0 : i32
        %dma_start3A_164 = tpu.memref_slice %arg9[%dma_start3A_162, %dma_start3A_163] : memref<10240x128xf32, #tpu.memory_space<vmem_shared>> -> memref<10240x128xf32, #tpu.memory_space<vmem_shared>>
        tpu.enqueue_indirect_dma source(%dma_start3A_158 : memref<128x128xf32, #tpu.memory_space<vmem>>) target(%dma_start3A_164 : memref<10240x128xf32, #tpu.memory_space<vmem_shared>>) offsets(%dma_start3A_161 : memref<128xi32, #tpu.memory_space<vmem>>) semaphore(%run_scoped3A_154 : memref<!tpu.dma_semaphore, #tpu.memory_space<semaphore_mem>>) {add = true}
        %dma_wait3A_165 = arith.constant 0 : i32
        %dma_wait3A_166 = arith.constant 0 : i32
        %dma_wait3A_167 = tpu.memref_slice %arg8[%run_scoped3A_138, %dma_wait3A_165, %dma_wait3A_166] : memref<2x128x128xf32, #tpu.memory_space<vmem>> -> memref<1x128x128xf32, #tpu.memory_space<vmem>>
        %dma_wait3A_168 = tpu.memref_squeeze %dma_wait3A_167 : memref<1x128x128xf32, #tpu.memory_space<vmem>> -> memref<128x128xf32, #tpu.memory_space<vmem>>
        %dma_wait3A_169 = arith.constant 0 : i32
        %dma_wait3A_170 = tpu.memref_slice %arg7[%run_scoped3A_139, %dma_wait3A_169] : memref<4x128xi32, #tpu.memory_space<vmem>> -> memref<1x128xi32, #tpu.memory_space<vmem>>
        %dma_wait3A_171 = tpu.memref_squeeze %dma_wait3A_170 : memref<1x128xi32, #tpu.memory_space<vmem>> -> memref<128xi32, #tpu.memory_space<vmem>>
        %dma_wait3A_172 = arith.constant 0 : i32
        %dma_wait3A_173 = arith.constant 0 : i32
        %dma_wait3A_174 = tpu.memref_slice %arg9[%dma_wait3A_172, %dma_wait3A_173] : memref<10240x128xf32, #tpu.memory_space<vmem_shared>> -> memref<10240x128xf32, #tpu.memory_space<vmem_shared>>
        tpu.wait_indirect_dma semaphore(%run_scoped3A_154 : memref<!tpu.dma_semaphore, #tpu.memory_space<semaphore_mem>>) src(%dma_wait3A_168 : memref<128x128xf32, #tpu.memory_space<vmem>>) dst(%dma_wait3A_174 : memref<10240x128xf32, #tpu.memory_space<vmem_shared>>)
        tpu.yield
      }) : () -> ()
      %dma_wait3A_140 = arith.constant 1 : i32
      %dma_wait3A_141 = arith.constant 0 : i32
      %dma_wait3A_142 = arith.constant 0 : i32
      %dma_wait3A_143 = tpu.memref_slice %arg8[%dma_wait3A_140, %dma_wait3A_141, %dma_wait3A_142] : memref<2x128x128xf32, #tpu.memory_space<vmem>> -> memref<1x128x128xf32, #tpu.memory_space<vmem>>
      %dma_wait3A_144 = tpu.memref_squeeze %dma_wait3A_143 : memref<1x128x128xf32, #tpu.memory_space<vmem>> -> memref<128x128xf32, #tpu.memory_space<vmem>>
      %dma_wait3A_145 = arith.constant 0 : i32
      %dma_wait3A_146 = tpu.memref_slice %arg6[%add3A_108, %dma_wait3A_145] : memref<80x128xi32, #tpu.memory_space<vmem>> -> memref<1x128xi32, #tpu.memory_space<vmem>>
      %dma_wait3A_147 = tpu.memref_squeeze %dma_wait3A_146 : memref<1x128xi32, #tpu.memory_space<vmem>> -> memref<128xi32, #tpu.memory_space<vmem>>
      %dma_wait3A_148 = arith.constant 0 : i32
      %dma_wait3A_149 = arith.constant 0 : i32
      %dma_wait3A_150 = tpu.memref_slice %arg2[%dma_wait3A_148, %dma_wait3A_149] : memref<20480x128xf32, #tpu.memory_space<hbm>> -> memref<20480x128xf32, #tpu.memory_space<hbm>>
      tpu.wait_indirect_dma semaphore(%arg11 : memref<!tpu.dma_semaphore, #tpu.memory_space<semaphore_mem>>) src(%dma_wait3A_150 : memref<20480x128xf32, #tpu.memory_space<hbm>>) dst(%dma_wait3A_144 : memref<128x128xf32, #tpu.memory_space<vmem>>)
      %run_scoped3A_151 = arith.constant 1 : i32
      %run_scoped3A_152 = arith.constant 3 : i32
      "tpu.region"() ({
        %run_scoped3A_154 = tpu.sem_alloc : memref<!tpu.dma_semaphore, #tpu.memory_space<semaphore_mem>>
        %dma_start3A_155 = arith.constant 0 : i32
        %dma_start3A_156 = arith.constant 0 : i32
        %dma_start3A_157 = tpu.memref_slice %arg8[%run_scoped3A_151, %dma_start3A_155, %dma_start3A_156] : memref<2x128x128xf32, #tpu.memory_space<vmem>> -> memref<1x128x128xf32, #tpu.memory_space<vmem>>
        %dma_start3A_158 = tpu.memref_squeeze %dma_start3A_157 : memref<1x128x128xf32, #tpu.memory_space<vmem>> -> memref<128x128xf32, #tpu.memory_space<vmem>>
        %dma_start3A_159 = arith.constant 0 : i32
        %dma_start3A_160 = tpu.memref_slice %arg7[%run_scoped3A_152, %dma_start3A_159] : memref<4x128xi32, #tpu.memory_space<vmem>> -> memref<1x128xi32, #tpu.memory_space<vmem>>
        %dma_start3A_161 = tpu.memref_squeeze %dma_start3A_160 : memref<1x128xi32, #tpu.memory_space<vmem>> -> memref<128xi32, #tpu.memory_space<vmem>>
        %dma_start3A_162 = arith.constant 0 : i32
        %dma_start3A_163 = arith.constant 0 : i32
        %dma_start3A_164 = tpu.memref_slice %arg9[%dma_start3A_162, %dma_start3A_163] : memref<10240x128xf32, #tpu.memory_space<vmem_shared>> -> memref<10240x128xf32, #tpu.memory_space<vmem_shared>>
        tpu.enqueue_indirect_dma source(%dma_start3A_158 : memref<128x128xf32, #tpu.memory_space<vmem>>) target(%dma_start3A_164 : memref<10240x128xf32, #tpu.memory_space<vmem_shared>>) offsets(%dma_start3A_161 : memref<128xi32, #tpu.memory_space<vmem>>) semaphore(%run_scoped3A_154 : memref<!tpu.dma_semaphore, #tpu.memory_space<semaphore_mem>>) {add = true}
        %dma_wait3A_165 = arith.constant 0 : i32
        %dma_wait3A_166 = arith.constant 0 : i32
        %dma_wait3A_167 = tpu.memref_slice %arg8[%run_scoped3A_151, %dma_wait3A_165, %dma_wait3A_166] : memref<2x128x128xf32, #tpu.memory_space<vmem>> -> memref<1x128x128xf32, #tpu.memory_space<vmem>>
        %dma_wait3A_168 = tpu.memref_squeeze %dma_wait3A_167 : memref<1x128x128xf32, #tpu.memory_space<vmem>> -> memref<128x128xf32, #tpu.memory_space<vmem>>
        %dma_wait3A_169 = arith.constant 0 : i32
        %dma_wait3A_170 = tpu.memref_slice %arg7[%run_scoped3A_152, %dma_wait3A_169] : memref<4x128xi32, #tpu.memory_space<vmem>> -> memref<1x128xi32, #tpu.memory_space<vmem>>
        %dma_wait3A_171 = tpu.memref_squeeze %dma_wait3A_170 : memref<1x128xi32, #tpu.memory_space<vmem>> -> memref<128xi32, #tpu.memory_space<vmem>>
        %dma_wait3A_172 = arith.constant 0 : i32
        %dma_wait3A_173 = arith.constant 0 : i32
        %dma_wait3A_174 = tpu.memref_slice %arg9[%dma_wait3A_172, %dma_wait3A_173] : memref<10240x128xf32, #tpu.memory_space<vmem_shared>> -> memref<10240x128xf32, #tpu.memory_space<vmem_shared>>
        tpu.wait_indirect_dma semaphore(%run_scoped3A_154 : memref<!tpu.dma_semaphore, #tpu.memory_space<semaphore_mem>>) src(%dma_wait3A_168 : memref<128x128xf32, #tpu.memory_space<vmem>>) dst(%dma_wait3A_174 : memref<10240x128xf32, #tpu.memory_space<vmem_shared>>)
        tpu.yield
      }) : () -> ()
      %scan3A_153 = arith.constant 0 : i32
      scf.yield %scan3A_153 : i32
    }
    %scan3A_28 = arith.constant 20 : i32
    %barrier3A_29 = arith.constant 0 : index
    tpu.barrier barrier_id(%barrier3A_29)
    %mul3A_30 = arith.constant 640 : i32
    %mul3A_31 = arith.muli %arg1, %mul3A_30 : i32
    %mul3A_32 = arith.constant 10240 : i32
    %mul3A_33 = arith.muli %arg0, %mul3A_32 : i32
    %mul3A_34 = arith.constant 640 : i32
    %mul3A_35 = arith.muli %arg1, %mul3A_34 : i32
    %add3A_36 = arith.addi %mul3A_33, %mul3A_35 : i32
    "tpu.region"() ({
      %run_scoped3A = tpu.sem_alloc : memref<!tpu.dma_semaphore, #tpu.memory_space<semaphore_mem>>
      %dma_start3A = arith.constant 0 : i32
      %dma_start3A_37 = tpu.memref_slice %arg5[%add3A_36, %dma_start3A] : memref<20480x128xf32, #tpu.memory_space<hbm>> -> memref<640x128xf32, #tpu.memory_space<hbm>>
      %dma_start3A_38 = arith.constant 0 : i32
      %dma_start3A_39 = tpu.memref_slice %arg9[%mul3A_31, %dma_start3A_38] : memref<10240x128xf32, #tpu.memory_space<vmem_shared>> -> memref<640x128xf32, #tpu.memory_space<vmem_shared>>
      tpu.enqueue_dma source(%dma_start3A_39 : memref<640x128xf32, #tpu.memory_space<vmem_shared>>) target(%dma_start3A_37 : memref<640x128xf32, #tpu.memory_space<hbm>>) target_semaphore(%run_scoped3A : memref<!tpu.dma_semaphore, #tpu.memory_space<semaphore_mem>>)
      %dma_wait3A = arith.constant 0 : i32
      %dma_wait3A_40 = tpu.memref_slice %arg5[%add3A_36, %dma_wait3A] : memref<20480x128xf32, #tpu.memory_space<hbm>> -> memref<640x128xf32, #tpu.memory_space<hbm>>
      %dma_wait3A_41 = arith.constant 0 : i32
      %dma_wait3A_42 = tpu.memref_slice %arg9[%mul3A_31, %dma_wait3A_41] : memref<10240x128xf32, #tpu.memory_space<vmem_shared>> -> memref<640x128xf32, #tpu.memory_space<vmem_shared>>
      tpu.wait_dma2 semaphore(%run_scoped3A : memref<!tpu.dma_semaphore, #tpu.memory_space<semaphore_mem>>) src(%dma_wait3A_42 : memref<640x128xf32, #tpu.memory_space<vmem_shared>>) dst(%dma_wait3A_40 : memref<640x128xf32, #tpu.memory_space<hbm>>)
      tpu.yield
    }) : () -> ()
    return
  }
}

#map = affine_map<(d0, d1) -> (0, 0)>
module attributes {stable_mosaic.version = 14 : i64} {
  func.func @agg_kernel(%arg0: i32, %arg1: i32, %arg2: memref<20480x128xf32, #tpu.memory_space<hbm>>, %arg3: memref<2560x128xi32, #tpu.memory_space<hbm>>, %arg4: memref<1280x128xi32, #tpu.memory_space<hbm>>, %arg5: memref<20480x128xf32, #tpu.memory_space<hbm>>, %arg6: memref<80x128xi32, #tpu.memory_space<vmem>>, %arg7: memref<4x128xi32, #tpu.memory_space<vmem>>, %arg8: memref<2x128x128xf32, #tpu.memory_space<vmem>>, %arg9: memref<10240x128xf32, #tpu.memory_space<vmem_shared>>, %arg10: memref<!tpu.dma_semaphore, #tpu.memory_space<semaphore_mem>>, %arg11: memref<!tpu.dma_semaphore, #tpu.memory_space<semaphore_mem>>) attributes {dimension_semantics = [#tpu.dimension_semantics<core_parallel>, #tpu.dimension_semantics<subcore_parallel>], iteration_bounds = array<i64: 2, 16>, scalar_prefetch = 0 : i64, scratch_operands = 6 : i64, tpu.core_type = #tpu.core_type<sc_vector_subcore>, window_params = [{transform_indices = #map}, {transform_indices = #map}, {transform_indices = #map}, {transform_indices = #map}]} {
    %mul3A = arith.constant 16 : i32
    %mul3A_0 = arith.muli %arg0, %mul3A : i32
    %add3A = arith.addi %mul3A_0, %arg1 : i32
    %mul3A_1 = arith.constant 80 : i32
    %mul3A_2 = arith.muli %add3A, %mul3A_1 : i32
    %mul3A_3 = arith.constant 80 : i32
    %mul3A_4 = arith.muli %arg1, %mul3A_3 : i32
    %scan3A = arith.constant 0 : i32
    %scan3A_5 = arith.constant 0 : i32
    %scan3A_6 = arith.constant 128 : i32
    %scan3A_7 = arith.addi %scan3A_5, %scan3A_6 : i32
    %scan3A_8 = arith.constant 1 : i32
    %scan3A_9 = scf.for %scan3A_37 = %scan3A_5 to %scan3A_7 step %scan3A_8 iter_args(%scan3A_38 = %scan3A) -> (i32)  : i32 {
      %broadcast_in_dim3A = arith.constant 0.000000e+00 : f32
      %broadcast_in_dim3A_39 = vector.broadcast %broadcast_in_dim3A : f32 to vector<16xf32>
      %swap3A = arith.constant 0 : i32
      %swap3A_40 = arith.index_cast %swap3A : i32 to index
      %swap3A_41 = arith.index_cast %scan3A_37 : i32 to index
      %swap3A_42 = arith.constant 0 : index
      %swap3A_43 = tpu.vector_load %arg8[%swap3A_40, %swap3A_41, %swap3A_42] {strides = array<i32>} : memref<2x128x128xf32, #tpu.memory_space<vmem>>, vector<1x1x16xf32>,
      %swap3A_44 = vector.shape_cast %swap3A_43 : vector<1x1x16xf32> to vector<16xf32>
      %swap3A_45 = vector.shape_cast %broadcast_in_dim3A_39 : vector<16xf32> to vector<1x1x16xf32>
      tpu.vector_store %arg8[%swap3A_40, %swap3A_41, %swap3A_42], %swap3A_45 {strides = array<i32>} : memref<2x128x128xf32, #tpu.memory_space<vmem>>, vector<1x1x16xf32>,
      %broadcast_in_dim3A_46 = arith.constant 0.000000e+00 : f32
      %broadcast_in_dim3A_47 = vector.broadcast %broadcast_in_dim3A_46 : f32 to vector<16xf32>
      %swap3A_48 = arith.constant 0 : i32
      %swap3A_49 = arith.index_cast %swap3A_48 : i32 to index
      %swap3A_50 = arith.index_cast %scan3A_37 : i32 to index
      %swap3A_51 = arith.constant 16 : index
      %swap3A_52 = tpu.vector_load %arg8[%swap3A_49, %swap3A_50, %swap3A_51] {strides = array<i32>} : memref<2x128x128xf32, #tpu.memory_space<vmem>>, vector<1x1x16xf32>,
      %swap3A_53 = vector.shape_cast %swap3A_52 : vector<1x1x16xf32> to vector<16xf32>
      %swap3A_54 = vector.shape_cast %broadcast_in_dim3A_47 : vector<16xf32> to vector<1x1x16xf32>
      tpu.vector_store %arg8[%swap3A_49, %swap3A_50, %swap3A_51], %swap3A_54 {strides = array<i32>} : memref<2x128x128xf32, #tpu.memory_space<vmem>>, vector<1x1x16xf32>,
      %broadcast_in_dim3A_55 = arith.constant 0.000000e+00 : f32
      %broadcast_in_dim3A_56 = vector.broadcast %broadcast_in_dim3A_55 : f32 to vector<16xf32>
      %swap3A_57 = arith.constant 0 : i32
      %swap3A_58 = arith.index_cast %swap3A_57 : i32 to index
      %swap3A_59 = arith.index_cast %scan3A_37 : i32 to index
      %swap3A_60 = arith.constant 32 : index
      %swap3A_61 = tpu.vector_load %arg8[%swap3A_58, %swap3A_59, %swap3A_60] {strides = array<i32>} : memref<2x128x128xf32, #tpu.memory_space<vmem>>, vector<1x1x16xf32>,
      %swap3A_62 = vector.shape_cast %swap3A_61 : vector<1x1x16xf32> to vector<16xf32>
      %swap3A_63 = vector.shape_cast %broadcast_in_dim3A_56 : vector<16xf32> to vector<1x1x16xf32>
      tpu.vector_store %arg8[%swap3A_58, %swap3A_59, %swap3A_60], %swap3A_63 {strides = array<i32>} : memref<2x128x128xf32, #tpu.memory_space<vmem>>, vector<1x1x16xf32>,
      %broadcast_in_dim3A_64 = arith.constant 0.000000e+00 : f32
      %broadcast_in_dim3A_65 = vector.broadcast %broadcast_in_dim3A_64 : f32 to vector<16xf32>
      %swap3A_66 = arith.constant 0 : i32
      %swap3A_67 = arith.index_cast %swap3A_66 : i32 to index
      %swap3A_68 = arith.index_cast %scan3A_37 : i32 to index
      %swap3A_69 = arith.constant 48 : index
      %swap3A_70 = tpu.vector_load %arg8[%swap3A_67, %swap3A_68, %swap3A_69] {strides = array<i32>} : memref<2x128x128xf32, #tpu.memory_space<vmem>>, vector<1x1x16xf32>,
      %swap3A_71 = vector.shape_cast %swap3A_70 : vector<1x1x16xf32> to vector<16xf32>
      %swap3A_72 = vector.shape_cast %broadcast_in_dim3A_65 : vector<16xf32> to vector<1x1x16xf32>
      tpu.vector_store %arg8[%swap3A_67, %swap3A_68, %swap3A_69], %swap3A_72 {strides = array<i32>} : memref<2x128x128xf32, #tpu.memory_space<vmem>>, vector<1x1x16xf32>,
      %broadcast_in_dim3A_73 = arith.constant 0.000000e+00 : f32
      %broadcast_in_dim3A_74 = vector.broadcast %broadcast_in_dim3A_73 : f32 to vector<16xf32>
      %swap3A_75 = arith.constant 0 : i32
      %swap3A_76 = arith.index_cast %swap3A_75 : i32 to index
      %swap3A_77 = arith.index_cast %scan3A_37 : i32 to index
      %swap3A_78 = arith.constant 64 : index
      %swap3A_79 = tpu.vector_load %arg8[%swap3A_76, %swap3A_77, %swap3A_78] {strides = array<i32>} : memref<2x128x128xf32, #tpu.memory_space<vmem>>, vector<1x1x16xf32>,
      %swap3A_80 = vector.shape_cast %swap3A_79 : vector<1x1x16xf32> to vector<16xf32>
      %swap3A_81 = vector.shape_cast %broadcast_in_dim3A_74 : vector<16xf32> to vector<1x1x16xf32>
      tpu.vector_store %arg8[%swap3A_76, %swap3A_77, %swap3A_78], %swap3A_81 {strides = array<i32>} : memref<2x128x128xf32, #tpu.memory_space<vmem>>, vector<1x1x16xf32>,
      %broadcast_in_dim3A_82 = arith.constant 0.000000e+00 : f32
      %broadcast_in_dim3A_83 = vector.broadcast %broadcast_in_dim3A_82 : f32 to vector<16xf32>
      %swap3A_84 = arith.constant 0 : i32
      %swap3A_85 = arith.index_cast %swap3A_84 : i32 to index
      %swap3A_86 = arith.index_cast %scan3A_37 : i32 to index
      %swap3A_87 = arith.constant 80 : index
      %swap3A_88 = tpu.vector_load %arg8[%swap3A_85, %swap3A_86, %swap3A_87] {strides = array<i32>} : memref<2x128x128xf32, #tpu.memory_space<vmem>>, vector<1x1x16xf32>,
      %swap3A_89 = vector.shape_cast %swap3A_88 : vector<1x1x16xf32> to vector<16xf32>
      %swap3A_90 = vector.shape_cast %broadcast_in_dim3A_83 : vector<16xf32> to vector<1x1x16xf32>
      tpu.vector_store %arg8[%swap3A_85, %swap3A_86, %swap3A_87], %swap3A_90 {strides = array<i32>} : memref<2x128x128xf32, #tpu.memory_space<vmem>>, vector<1x1x16xf32>,
      %broadcast_in_dim3A_91 = arith.constant 0.000000e+00 : f32
      %broadcast_in_dim3A_92 = vector.broadcast %broadcast_in_dim3A_91 : f32 to vector<16xf32>
      %swap3A_93 = arith.constant 0 : i32
      %swap3A_94 = arith.index_cast %swap3A_93 : i32 to index
      %swap3A_95 = arith.index_cast %scan3A_37 : i32 to index
      %swap3A_96 = arith.constant 96 : index
      %swap3A_97 = tpu.vector_load %arg8[%swap3A_94, %swap3A_95, %swap3A_96] {strides = array<i32>} : memref<2x128x128xf32, #tpu.memory_space<vmem>>, vector<1x1x16xf32>,
      %swap3A_98 = vector.shape_cast %swap3A_97 : vector<1x1x16xf32> to vector<16xf32>
      %swap3A_99 = vector.shape_cast %broadcast_in_dim3A_92 : vector<16xf32> to vector<1x1x16xf32>
      tpu.vector_store %arg8[%swap3A_94, %swap3A_95, %swap3A_96], %swap3A_99 {strides = array<i32>} : memref<2x128x128xf32, #tpu.memory_space<vmem>>, vector<1x1x16xf32>,
      %broadcast_in_dim3A_100 = arith.constant 0.000000e+00 : f32
      %broadcast_in_dim3A_101 = vector.broadcast %broadcast_in_dim3A_100 : f32 to vector<16xf32>
      %swap3A_102 = arith.constant 0 : i32
      %swap3A_103 = arith.index_cast %swap3A_102 : i32 to index
      %swap3A_104 = arith.index_cast %scan3A_37 : i32 to index
      %swap3A_105 = arith.constant 112 : index
      %swap3A_106 = tpu.vector_load %arg8[%swap3A_103, %swap3A_104, %swap3A_105] {strides = array<i32>} : memref<2x128x128xf32, #tpu.memory_space<vmem>>, vector<1x1x16xf32>,
      %swap3A_107 = vector.shape_cast %swap3A_106 : vector<1x1x16xf32> to vector<16xf32>
      %swap3A_108 = vector.shape_cast %broadcast_in_dim3A_101 : vector<16xf32> to vector<1x1x16xf32>
      tpu.vector_store %arg8[%swap3A_103, %swap3A_104, %swap3A_105], %swap3A_108 {strides = array<i32>} : memref<2x128x128xf32, #tpu.memory_space<vmem>>, vector<1x1x16xf32>,
      %scan3A_109 = arith.constant 0 : i32
      scf.yield %scan3A_109 : i32
    }
    %scan3A_10 = arith.constant 128 : i32
    %scan3A_11 = arith.constant 0 : i32
    %scan3A_12 = arith.constant 0 : i32
    %scan3A_13 = arith.constant 5 : i32
    %scan3A_14 = arith.addi %scan3A_12, %scan3A_13 : i32
    %scan3A_15 = arith.constant 1 : i32
    %scan3A_16 = scf.for %scan3A_37 = %scan3A_12 to %scan3A_14 step %scan3A_15 iter_args(%scan3A_38 = %scan3A_11) -> (i32)  : i32 {
      %mul3A_39 = arith.constant 640 : i32
      %mul3A_40 = arith.muli %arg1, %mul3A_39 : i32
      %mul3A_41 = arith.constant 128 : i32
      %mul3A_42 = arith.muli %scan3A_37, %mul3A_41 : i32
      %add3A_43 = arith.addi %mul3A_40, %mul3A_42 : i32
      %run_scoped3A = arith.constant 0 : i32
      "tpu.region"() ({
        %run_scoped3A_45 = tpu.sem_alloc : memref<!tpu.dma_semaphore, #tpu.memory_space<semaphore_mem>>
        %dma_start3A = arith.constant 0 : i32
        %dma_start3A_46 = arith.constant 0 : i32
        %dma_start3A_47 = tpu.memref_slice %arg8[%run_scoped3A, %dma_start3A, %dma_start3A_46] : memref<2x128x128xf32, #tpu.memory_space<vmem>> -> memref<1x128x128xf32, #tpu.memory_space<vmem>>
        %dma_start3A_48 = tpu.memref_squeeze %dma_start3A_47 : memref<1x128x128xf32, #tpu.memory_space<vmem>> -> memref<128x128xf32, #tpu.memory_space<vmem>>
        %dma_start3A_49 = arith.constant 0 : i32
        %dma_start3A_50 = tpu.memref_slice %arg9[%add3A_43, %dma_start3A_49] : memref<10240x128xf32, #tpu.memory_space<vmem_shared>> -> memref<128x128xf32, #tpu.memory_space<vmem_shared>>
        %dma_start3A_51 = arith.constant 0 : i32
        %dma_start3A_52 = tpu.memref_slice %arg9[%add3A_43, %dma_start3A_51] : memref<10240x128xf32, #tpu.memory_space<vmem_shared>> -> memref<128x128xf32, #tpu.memory_space<vmem_shared>>
        %dma_start3A_53 = arith.constant 0 : i32
        %dma_start3A_54 = arith.constant 0 : i32
        %dma_start3A_55 = tpu.memref_slice %arg8[%run_scoped3A, %dma_start3A_53, %dma_start3A_54] : memref<2x128x128xf32, #tpu.memory_space<vmem>> -> memref<1x128x128xf32, #tpu.memory_space<vmem>>
        %dma_start3A_56 = tpu.memref_squeeze %dma_start3A_55 : memref<1x128x128xf32, #tpu.memory_space<vmem>> -> memref<128x128xf32, #tpu.memory_space<vmem>>
        tpu.enqueue_dma source(%dma_start3A_56 : memref<128x128xf32, #tpu.memory_space<vmem>>) target(%dma_start3A_52 : memref<128x128xf32, #tpu.memory_space<vmem_shared>>) target_semaphore(%run_scoped3A_45 : memref<!tpu.dma_semaphore, #tpu.memory_space<semaphore_mem>>)
        %dma_wait3A = arith.constant 0 : i32
        %dma_wait3A_57 = arith.constant 0 : i32
        %dma_wait3A_58 = tpu.memref_slice %arg8[%run_scoped3A, %dma_wait3A, %dma_wait3A_57] : memref<2x128x128xf32, #tpu.memory_space<vmem>> -> memref<1x128x128xf32, #tpu.memory_space<vmem>>
        %dma_wait3A_59 = tpu.memref_squeeze %dma_wait3A_58 : memref<1x128x128xf32, #tpu.memory_space<vmem>> -> memref<128x128xf32, #tpu.memory_space<vmem>>
        %dma_wait3A_60 = arith.constant 0 : i32
        %dma_wait3A_61 = tpu.memref_slice %arg9[%add3A_43, %dma_wait3A_60] : memref<10240x128xf32, #tpu.memory_space<vmem_shared>> -> memref<128x128xf32, #tpu.memory_space<vmem_shared>>
        %dma_wait3A_62 = arith.constant 0 : i32
        %dma_wait3A_63 = tpu.memref_slice %arg9[%add3A_43, %dma_wait3A_62] : memref<10240x128xf32, #tpu.memory_space<vmem_shared>> -> memref<128x128xf32, #tpu.memory_space<vmem_shared>>
        %dma_wait3A_64 = arith.constant 0 : i32
        %dma_wait3A_65 = arith.constant 0 : i32
        %dma_wait3A_66 = tpu.memref_slice %arg8[%run_scoped3A, %dma_wait3A_64, %dma_wait3A_65] : memref<2x128x128xf32, #tpu.memory_space<vmem>> -> memref<1x128x128xf32, #tpu.memory_space<vmem>>
        %dma_wait3A_67 = tpu.memref_squeeze %dma_wait3A_66 : memref<1x128x128xf32, #tpu.memory_space<vmem>> -> memref<128x128xf32, #tpu.memory_space<vmem>>
        tpu.wait_dma2 semaphore(%run_scoped3A_45 : memref<!tpu.dma_semaphore, #tpu.memory_space<semaphore_mem>>) src(%dma_wait3A_67 : memref<128x128xf32, #tpu.memory_space<vmem>>) dst(%dma_wait3A_63 : memref<128x128xf32, #tpu.memory_space<vmem_shared>>)
        tpu.yield
      }) : () -> ()
      %scan3A_44 = arith.constant 0 : i32
      scf.yield %scan3A_44 : i32
    }
    %scan3A_17 = arith.constant 5 : i32
    %barrier3A = arith.constant 0 : index
    tpu.barrier barrier_id(%barrier3A)
    "tpu.region"() ({
      %run_scoped3A = tpu.sem_alloc : memref<!tpu.dma_semaphore, #tpu.memory_space<semaphore_mem>>
      %dma_start3A = arith.constant 0 : i32
      %dma_start3A_37 = tpu.memref_slice %arg3[%mul3A_2, %dma_start3A] : memref<2560x128xi32, #tpu.memory_space<hbm>> -> memref<80x128xi32, #tpu.memory_space<hbm>>
      %dma_start3A_38 = arith.constant 0 : i32
      %dma_start3A_39 = tpu.memref_slice %arg3[%mul3A_2, %dma_start3A_38] : memref<2560x128xi32, #tpu.memory_space<hbm>> -> memref<80x128xi32, #tpu.memory_space<hbm>>
      tpu.enqueue_dma source(%dma_start3A_39 : memref<80x128xi32, #tpu.memory_space<hbm>>) target(%arg6 : memref<80x128xi32, #tpu.memory_space<vmem>>) target_semaphore(%run_scoped3A : memref<!tpu.dma_semaphore, #tpu.memory_space<semaphore_mem>>)
      %dma_wait3A = arith.constant 0 : i32
      %dma_wait3A_40 = tpu.memref_slice %arg3[%mul3A_2, %dma_wait3A] : memref<2560x128xi32, #tpu.memory_space<hbm>> -> memref<80x128xi32, #tpu.memory_space<hbm>>
      %dma_wait3A_41 = arith.constant 0 : i32
      %dma_wait3A_42 = tpu.memref_slice %arg3[%mul3A_2, %dma_wait3A_41] : memref<2560x128xi32, #tpu.memory_space<hbm>> -> memref<80x128xi32, #tpu.memory_space<hbm>>
      tpu.wait_dma2 semaphore(%run_scoped3A : memref<!tpu.dma_semaphore, #tpu.memory_space<semaphore_mem>>) src(%dma_wait3A_42 : memref<80x128xi32, #tpu.memory_space<hbm>>) dst(%arg6 : memref<80x128xi32, #tpu.memory_space<vmem>>)
      tpu.yield
    }) : () -> ()
    %add3A_18 = arith.constant 0 : i32
    %add3A_19 = arith.addi %mul3A_4, %add3A_18 : i32
    "tpu.region"() ({
      %run_scoped3A = tpu.sem_alloc : memref<!tpu.dma_semaphore, #tpu.memory_space<semaphore_mem>>
      %dma_start3A = arith.constant 0 : i32
      %dma_start3A_37 = arith.constant 0 : i32
      %dma_start3A_38 = tpu.memref_slice %arg7[%dma_start3A, %dma_start3A_37] : memref<4x128xi32, #tpu.memory_space<vmem>> -> memref<1x128xi32, #tpu.memory_space<vmem>>
      %dma_start3A_39 = arith.constant 0 : i32
      %dma_start3A_40 = tpu.memref_slice %arg4[%add3A_19, %dma_start3A_39] : memref<1280x128xi32, #tpu.memory_space<hbm>> -> memref<1x128xi32, #tpu.memory_space<hbm>>
      %dma_start3A_41 = arith.constant 0 : i32
      %dma_start3A_42 = arith.constant 0 : i32
      %dma_start3A_43 = tpu.memref_slice %arg7[%dma_start3A_41, %dma_start3A_42] : memref<4x128xi32, #tpu.memory_space<vmem>> -> memref<1x128xi32, #tpu.memory_space<vmem>>
      %dma_start3A_44 = arith.constant 0 : i32
      %dma_start3A_45 = tpu.memref_slice %arg4[%add3A_19, %dma_start3A_44] : memref<1280x128xi32, #tpu.memory_space<hbm>> -> memref<1x128xi32, #tpu.memory_space<hbm>>
      tpu.enqueue_dma source(%dma_start3A_45 : memref<1x128xi32, #tpu.memory_space<hbm>>) target(%dma_start3A_43 : memref<1x128xi32, #tpu.memory_space<vmem>>) target_semaphore(%run_scoped3A : memref<!tpu.dma_semaphore, #tpu.memory_space<semaphore_mem>>)
      %dma_wait3A = arith.constant 0 : i32
      %dma_wait3A_46 = arith.constant 0 : i32
      %dma_wait3A_47 = tpu.memref_slice %arg7[%dma_wait3A, %dma_wait3A_46] : memref<4x128xi32, #tpu.memory_space<vmem>> -> memref<1x128xi32, #tpu.memory_space<vmem>>
      %dma_wait3A_48 = arith.constant 0 : i32
      %dma_wait3A_49 = tpu.memref_slice %arg4[%add3A_19, %dma_wait3A_48] : memref<1280x128xi32, #tpu.memory_space<hbm>> -> memref<1x128xi32, #tpu.memory_space<hbm>>
      %dma_wait3A_50 = arith.constant 0 : i32
      %dma_wait3A_51 = arith.constant 0 : i32
      %dma_wait3A_52 = tpu.memref_slice %arg7[%dma_wait3A_50, %dma_wait3A_51] : memref<4x128xi32, #tpu.memory_space<vmem>> -> memref<1x128xi32, #tpu.memory_space<vmem>>
      %dma_wait3A_53 = arith.constant 0 : i32
      %dma_wait3A_54 = tpu.memref_slice %arg4[%add3A_19, %dma_wait3A_53] : memref<1280x128xi32, #tpu.memory_space<hbm>> -> memref<1x128xi32, #tpu.memory_space<hbm>>
      tpu.wait_dma2 semaphore(%run_scoped3A : memref<!tpu.dma_semaphore, #tpu.memory_space<semaphore_mem>>) src(%dma_wait3A_54 : memref<1x128xi32, #tpu.memory_space<hbm>>) dst(%dma_wait3A_52 : memref<1x128xi32, #tpu.memory_space<vmem>>)
      tpu.yield
    }) : () -> ()
    %add3A_20 = arith.constant 1 : i32
    %add3A_21 = arith.addi %mul3A_4, %add3A_20 : i32
    "tpu.region"() ({
      %run_scoped3A = tpu.sem_alloc : memref<!tpu.dma_semaphore, #tpu.memory_space<semaphore_mem>>
      %dma_start3A = arith.constant 1 : i32
      %dma_start3A_37 = arith.constant 0 : i32
      %dma_start3A_38 = tpu.memref_slice %arg7[%dma_start3A, %dma_start3A_37] : memref<4x128xi32, #tpu.memory_space<vmem>> -> memref<1x128xi32, #tpu.memory_space<vmem>>
      %dma_start3A_39 = arith.constant 0 : i32
      %dma_start3A_40 = tpu.memref_slice %arg4[%add3A_21, %dma_start3A_39] : memref<1280x128xi32, #tpu.memory_space<hbm>> -> memref<1x128xi32, #tpu.memory_space<hbm>>
      %dma_start3A_41 = arith.constant 1 : i32
      %dma_start3A_42 = arith.constant 0 : i32
      %dma_start3A_43 = tpu.memref_slice %arg7[%dma_start3A_41, %dma_start3A_42] : memref<4x128xi32, #tpu.memory_space<vmem>> -> memref<1x128xi32, #tpu.memory_space<vmem>>
      %dma_start3A_44 = arith.constant 0 : i32
      %dma_start3A_45 = tpu.memref_slice %arg4[%add3A_21, %dma_start3A_44] : memref<1280x128xi32, #tpu.memory_space<hbm>> -> memref<1x128xi32, #tpu.memory_space<hbm>>
      tpu.enqueue_dma source(%dma_start3A_45 : memref<1x128xi32, #tpu.memory_space<hbm>>) target(%dma_start3A_43 : memref<1x128xi32, #tpu.memory_space<vmem>>) target_semaphore(%run_scoped3A : memref<!tpu.dma_semaphore, #tpu.memory_space<semaphore_mem>>)
      %dma_wait3A = arith.constant 1 : i32
      %dma_wait3A_46 = arith.constant 0 : i32
      %dma_wait3A_47 = tpu.memref_slice %arg7[%dma_wait3A, %dma_wait3A_46] : memref<4x128xi32, #tpu.memory_space<vmem>> -> memref<1x128xi32, #tpu.memory_space<vmem>>
      %dma_wait3A_48 = arith.constant 0 : i32
      %dma_wait3A_49 = tpu.memref_slice %arg4[%add3A_21, %dma_wait3A_48] : memref<1280x128xi32, #tpu.memory_space<hbm>> -> memref<1x128xi32, #tpu.memory_space<hbm>>
      %dma_wait3A_50 = arith.constant 1 : i32
      %dma_wait3A_51 = arith.constant 0 : i32
      %dma_wait3A_52 = tpu.memref_slice %arg7[%dma_wait3A_50, %dma_wait3A_51] : memref<4x128xi32, #tpu.memory_space<vmem>> -> memref<1x128xi32, #tpu.memory_space<vmem>>
      %dma_wait3A_53 = arith.constant 0 : i32
      %dma_wait3A_54 = tpu.memref_slice %arg4[%add3A_21, %dma_wait3A_53] : memref<1280x128xi32, #tpu.memory_space<hbm>> -> memref<1x128xi32, #tpu.memory_space<hbm>>
      tpu.wait_dma2 semaphore(%run_scoped3A : memref<!tpu.dma_semaphore, #tpu.memory_space<semaphore_mem>>) src(%dma_wait3A_54 : memref<1x128xi32, #tpu.memory_space<hbm>>) dst(%dma_wait3A_52 : memref<1x128xi32, #tpu.memory_space<vmem>>)
      tpu.yield
    }) : () -> ()
    %scan3A_22 = arith.constant 0 : i32
    %scan3A_23 = arith.constant 0 : i32
    %scan3A_24 = arith.constant 20 : i32
    %scan3A_25 = arith.addi %scan3A_23, %scan3A_24 : i32
    %scan3A_26 = arith.constant 1 : i32
    %scan3A_27 = scf.for %scan3A_37 = %scan3A_23 to %scan3A_25 step %scan3A_26 iter_args(%scan3A_38 = %scan3A_22) -> (i32)  : i32 {
      %mul3A_39 = arith.constant 4 : i32
      %mul3A_40 = arith.muli %mul3A_39, %scan3A_37 : i32
      %add3A_41 = arith.constant 0 : i32
      %add3A_42 = arith.addi %mul3A_40, %add3A_41 : i32
      %dma_start3A = arith.constant 0 : i32
      %dma_start3A_43 = arith.constant 0 : i32
      %dma_start3A_44 = arith.constant 0 : i32
      %dma_start3A_45 = tpu.memref_slice %arg8[%dma_start3A, %dma_start3A_43, %dma_start3A_44] : memref<2x128x128xf32, #tpu.memory_space<vmem>> -> memref<1x128x128xf32, #tpu.memory_space<vmem>>
      %dma_start3A_46 = tpu.memref_squeeze %dma_start3A_45 : memref<1x128x128xf32, #tpu.memory_space<vmem>> -> memref<128x128xf32, #tpu.memory_space<vmem>>
      %dma_start3A_47 = arith.constant 0 : i32
      %dma_start3A_48 = tpu.memref_slice %arg6[%add3A_42, %dma_start3A_47] : memref<80x128xi32, #tpu.memory_space<vmem>> -> memref<1x128xi32, #tpu.memory_space<vmem>>
      %dma_start3A_49 = tpu.memref_squeeze %dma_start3A_48 : memref<1x128xi32, #tpu.memory_space<vmem>> -> memref<128xi32, #tpu.memory_space<vmem>>
      %dma_start3A_50 = arith.constant 0 : i32
      %dma_start3A_51 = arith.constant 0 : i32
      %dma_start3A_52 = tpu.memref_slice %arg2[%dma_start3A_50, %dma_start3A_51] : memref<20480x128xf32, #tpu.memory_space<hbm>> -> memref<20480x128xf32, #tpu.memory_space<hbm>>
      tpu.enqueue_indirect_dma source(%dma_start3A_52 : memref<20480x128xf32, #tpu.memory_space<hbm>>) target(%dma_start3A_46 : memref<128x128xf32, #tpu.memory_space<vmem>>) offsets(%dma_start3A_49 : memref<128xi32, #tpu.memory_space<vmem>>) semaphore(%arg10 : memref<!tpu.dma_semaphore, #tpu.memory_space<semaphore_mem>>)
      %add3A_53 = arith.constant 1 : i32
      %add3A_54 = arith.addi %add3A_42, %add3A_53 : i32
      %dma_start3A_55 = arith.constant 1 : i32
      %dma_start3A_56 = arith.constant 0 : i32
      %dma_start3A_57 = arith.constant 0 : i32
      %dma_start3A_58 = tpu.memref_slice %arg8[%dma_start3A_55, %dma_start3A_56, %dma_start3A_57] : memref<2x128x128xf32, #tpu.memory_space<vmem>> -> memref<1x128x128xf32, #tpu.memory_space<vmem>>
      %dma_start3A_59 = tpu.memref_squeeze %dma_start3A_58 : memref<1x128x128xf32, #tpu.memory_space<vmem>> -> memref<128x128xf32, #tpu.memory_space<vmem>>
      %dma_start3A_60 = arith.constant 0 : i32
      %dma_start3A_61 = tpu.memref_slice %arg6[%add3A_54, %dma_start3A_60] : memref<80x128xi32, #tpu.memory_space<vmem>> -> memref<1x128xi32, #tpu.memory_space<vmem>>
      %dma_start3A_62 = tpu.memref_squeeze %dma_start3A_61 : memref<1x128xi32, #tpu.memory_space<vmem>> -> memref<128xi32, #tpu.memory_space<vmem>>
      %dma_start3A_63 = arith.constant 0 : i32
      %dma_start3A_64 = arith.constant 0 : i32
      %dma_start3A_65 = tpu.memref_slice %arg2[%dma_start3A_63, %dma_start3A_64] : memref<20480x128xf32, #tpu.memory_space<hbm>> -> memref<20480x128xf32, #tpu.memory_space<hbm>>
      tpu.enqueue_indirect_dma source(%dma_start3A_65 : memref<20480x128xf32, #tpu.memory_space<hbm>>) target(%dma_start3A_59 : memref<128x128xf32, #tpu.memory_space<vmem>>) offsets(%dma_start3A_62 : memref<128xi32, #tpu.memory_space<vmem>>) semaphore(%arg11 : memref<!tpu.dma_semaphore, #tpu.memory_space<semaphore_mem>>)
      %add3A_66 = arith.constant 2 : i32
      %add3A_67 = arith.addi %add3A_42, %add3A_66 : i32
      %lt3A = arith.constant 80 : i32
      %lt3A_68 = arith.cmpi slt, %add3A_67, %lt3A : i32
      %convert_element_type3A = arith.extui %lt3A_68 : i1 to i32
      %cond3A = arith.constant 0 : i32
      %cond3A_69 = arith.cmpi ne, %convert_element_type3A, %cond3A : i32
      scf.if %cond3A_69 {
        %add3A_154 = arith.addi %mul3A_4, %add3A_42 : i32
        %add3A_155 = arith.constant 2 : i32
        %add3A_156 = arith.addi %add3A_154, %add3A_155 : i32
        "tpu.region"() ({
          %run_scoped3A_157 = tpu.sem_alloc : memref<!tpu.dma_semaphore, #tpu.memory_space<semaphore_mem>>
          %dma_start3A_158 = arith.constant 2 : i32
          %dma_start3A_159 = arith.constant 0 : i32
          %dma_start3A_160 = tpu.memref_slice %arg7[%dma_start3A_158, %dma_start3A_159] : memref<4x128xi32, #tpu.memory_space<vmem>> -> memref<2x128xi32, #tpu.memory_space<vmem>>
          %dma_start3A_161 = arith.constant 0 : i32
          %dma_start3A_162 = tpu.memref_slice %arg4[%add3A_156, %dma_start3A_161] : memref<1280x128xi32, #tpu.memory_space<hbm>> -> memref<2x128xi32, #tpu.memory_space<hbm>>
          %dma_start3A_163 = arith.constant 2 : i32
          %dma_start3A_164 = arith.constant 0 : i32
          %dma_start3A_165 = tpu.memref_slice %arg7[%dma_start3A_163, %dma_start3A_164] : memref<4x128xi32, #tpu.memory_space<vmem>> -> memref<2x128xi32, #tpu.memory_space<vmem>>
          %dma_start3A_166 = arith.constant 0 : i32
          %dma_start3A_167 = tpu.memref_slice %arg4[%add3A_156, %dma_start3A_166] : memref<1280x128xi32, #tpu.memory_space<hbm>> -> memref<2x128xi32, #tpu.memory_space<hbm>>
          tpu.enqueue_dma source(%dma_start3A_167 : memref<2x128xi32, #tpu.memory_space<hbm>>) target(%dma_start3A_165 : memref<2x128xi32, #tpu.memory_space<vmem>>) target_semaphore(%run_scoped3A_157 : memref<!tpu.dma_semaphore, #tpu.memory_space<semaphore_mem>>)
          %dma_wait3A_168 = arith.constant 2 : i32
          %dma_wait3A_169 = arith.constant 0 : i32
          %dma_wait3A_170 = tpu.memref_slice %arg7[%dma_wait3A_168, %dma_wait3A_169] : memref<4x128xi32, #tpu.memory_space<vmem>> -> memref<2x128xi32, #tpu.memory_space<vmem>>
          %dma_wait3A_171 = arith.constant 0 : i32
          %dma_wait3A_172 = tpu.memref_slice %arg4[%add3A_156, %dma_wait3A_171] : memref<1280x128xi32, #tpu.memory_space<hbm>> -> memref<2x128xi32, #tpu.memory_space<hbm>>
          %dma_wait3A_173 = arith.constant 2 : i32
          %dma_wait3A_174 = arith.constant 0 : i32
          %dma_wait3A_175 = tpu.memref_slice %arg7[%dma_wait3A_173, %dma_wait3A_174] : memref<4x128xi32, #tpu.memory_space<vmem>> -> memref<2x128xi32, #tpu.memory_space<vmem>>
          %dma_wait3A_176 = arith.constant 0 : i32
          %dma_wait3A_177 = tpu.memref_slice %arg4[%add3A_156, %dma_wait3A_176] : memref<1280x128xi32, #tpu.memory_space<hbm>> -> memref<2x128xi32, #tpu.memory_space<hbm>>
          tpu.wait_dma2 semaphore(%run_scoped3A_157 : memref<!tpu.dma_semaphore, #tpu.memory_space<semaphore_mem>>) src(%dma_wait3A_177 : memref<2x128xi32, #tpu.memory_space<hbm>>) dst(%dma_wait3A_175 : memref<2x128xi32, #tpu.memory_space<vmem>>)
          tpu.yield
        }) : () -> ()
      } else {
      }
      %dma_wait3A = arith.constant 0 : i32
      %dma_wait3A_70 = arith.constant 0 : i32
      %dma_wait3A_71 = arith.constant 0 : i32
      %dma_wait3A_72 = tpu.memref_slice %arg8[%dma_wait3A, %dma_wait3A_70, %dma_wait3A_71] : memref<2x128x128xf32, #tpu.memory_space<vmem>> -> memref<1x128x128xf32, #tpu.memory_space<vmem>>
      %dma_wait3A_73 = tpu.memref_squeeze %dma_wait3A_72 : memref<1x128x128xf32, #tpu.memory_space<vmem>> -> memref<128x128xf32, #tpu.memory_space<vmem>>
      %dma_wait3A_74 = arith.constant 0 : i32
      %dma_wait3A_75 = tpu.memref_slice %arg6[%add3A_42, %dma_wait3A_74] : memref<80x128xi32, #tpu.memory_space<vmem>> -> memref<1x128xi32, #tpu.memory_space<vmem>>
      %dma_wait3A_76 = tpu.memref_squeeze %dma_wait3A_75 : memref<1x128xi32, #tpu.memory_space<vmem>> -> memref<128xi32, #tpu.memory_space<vmem>>
      %dma_wait3A_77 = arith.constant 0 : i32
      %dma_wait3A_78 = arith.constant 0 : i32
      %dma_wait3A_79 = tpu.memref_slice %arg2[%dma_wait3A_77, %dma_wait3A_78] : memref<20480x128xf32, #tpu.memory_space<hbm>> -> memref<20480x128xf32, #tpu.memory_space<hbm>>
      tpu.wait_indirect_dma semaphore(%arg10 : memref<!tpu.dma_semaphore, #tpu.memory_space<semaphore_mem>>) src(%dma_wait3A_79 : memref<20480x128xf32, #tpu.memory_space<hbm>>) dst(%dma_wait3A_73 : memref<128x128xf32, #tpu.memory_space<vmem>>)
      %run_scoped3A = arith.constant 0 : i32
      %run_scoped3A_80 = arith.constant 0 : i32
      "tpu.region"() ({
        %run_scoped3A_154 = tpu.sem_alloc : memref<!tpu.dma_semaphore, #tpu.memory_space<semaphore_mem>>
        %dma_start3A_155 = arith.constant 0 : i32
        %dma_start3A_156 = arith.constant 0 : i32
        %dma_start3A_157 = tpu.memref_slice %arg8[%run_scoped3A, %dma_start3A_155, %dma_start3A_156] : memref<2x128x128xf32, #tpu.memory_space<vmem>> -> memref<1x128x128xf32, #tpu.memory_space<vmem>>
        %dma_start3A_158 = tpu.memref_squeeze %dma_start3A_157 : memref<1x128x128xf32, #tpu.memory_space<vmem>> -> memref<128x128xf32, #tpu.memory_space<vmem>>
        %dma_start3A_159 = arith.constant 0 : i32
        %dma_start3A_160 = tpu.memref_slice %arg7[%run_scoped3A_80, %dma_start3A_159] : memref<4x128xi32, #tpu.memory_space<vmem>> -> memref<1x128xi32, #tpu.memory_space<vmem>>
        %dma_start3A_161 = tpu.memref_squeeze %dma_start3A_160 : memref<1x128xi32, #tpu.memory_space<vmem>> -> memref<128xi32, #tpu.memory_space<vmem>>
        %dma_start3A_162 = arith.constant 0 : i32
        %dma_start3A_163 = arith.constant 0 : i32
        %dma_start3A_164 = tpu.memref_slice %arg9[%dma_start3A_162, %dma_start3A_163] : memref<10240x128xf32, #tpu.memory_space<vmem_shared>> -> memref<10240x128xf32, #tpu.memory_space<vmem_shared>>
        tpu.enqueue_indirect_dma source(%dma_start3A_158 : memref<128x128xf32, #tpu.memory_space<vmem>>) target(%dma_start3A_164 : memref<10240x128xf32, #tpu.memory_space<vmem_shared>>) offsets(%dma_start3A_161 : memref<128xi32, #tpu.memory_space<vmem>>) semaphore(%run_scoped3A_154 : memref<!tpu.dma_semaphore, #tpu.memory_space<semaphore_mem>>) {add = true}
        %dma_wait3A_165 = arith.constant 0 : i32
        %dma_wait3A_166 = arith.constant 0 : i32
        %dma_wait3A_167 = tpu.memref_slice %arg8[%run_scoped3A, %dma_wait3A_165, %dma_wait3A_166] : memref<2x128x128xf32, #tpu.memory_space<vmem>> -> memref<1x128x128xf32, #tpu.memory_space<vmem>>
        %dma_wait3A_168 = tpu.memref_squeeze %dma_wait3A_167 : memref<1x128x128xf32, #tpu.memory_space<vmem>> -> memref<128x128xf32, #tpu.memory_space<vmem>>
        %dma_wait3A_169 = arith.constant 0 : i32
        %dma_wait3A_170 = tpu.memref_slice %arg7[%run_scoped3A_80, %dma_wait3A_169] : memref<4x128xi32, #tpu.memory_space<vmem>> -> memref<1x128xi32, #tpu.memory_space<vmem>>
        %dma_wait3A_171 = tpu.memref_squeeze %dma_wait3A_170 : memref<1x128xi32, #tpu.memory_space<vmem>> -> memref<128xi32, #tpu.memory_space<vmem>>
        %dma_wait3A_172 = arith.constant 0 : i32
        %dma_wait3A_173 = arith.constant 0 : i32
        %dma_wait3A_174 = tpu.memref_slice %arg9[%dma_wait3A_172, %dma_wait3A_173] : memref<10240x128xf32, #tpu.memory_space<vmem_shared>> -> memref<10240x128xf32, #tpu.memory_space<vmem_shared>>
        tpu.wait_indirect_dma semaphore(%run_scoped3A_154 : memref<!tpu.dma_semaphore, #tpu.memory_space<semaphore_mem>>) src(%dma_wait3A_168 : memref<128x128xf32, #tpu.memory_space<vmem>>) dst(%dma_wait3A_174 : memref<10240x128xf32, #tpu.memory_space<vmem_shared>>)
        tpu.yield
      }) : () -> ()
      %dma_wait3A_81 = arith.constant 1 : i32
      %dma_wait3A_82 = arith.constant 0 : i32
      %dma_wait3A_83 = arith.constant 0 : i32
      %dma_wait3A_84 = tpu.memref_slice %arg8[%dma_wait3A_81, %dma_wait3A_82, %dma_wait3A_83] : memref<2x128x128xf32, #tpu.memory_space<vmem>> -> memref<1x128x128xf32, #tpu.memory_space<vmem>>
      %dma_wait3A_85 = tpu.memref_squeeze %dma_wait3A_84 : memref<1x128x128xf32, #tpu.memory_space<vmem>> -> memref<128x128xf32, #tpu.memory_space<vmem>>
      %dma_wait3A_86 = arith.constant 0 : i32
      %dma_wait3A_87 = tpu.memref_slice %arg6[%add3A_54, %dma_wait3A_86] : memref<80x128xi32, #tpu.memory_space<vmem>> -> memref<1x128xi32, #tpu.memory_space<vmem>>
      %dma_wait3A_88 = tpu.memref_squeeze %dma_wait3A_87 : memref<1x128xi32, #tpu.memory_space<vmem>> -> memref<128xi32, #tpu.memory_space<vmem>>
      %dma_wait3A_89 = arith.constant 0 : i32
      %dma_wait3A_90 = arith.constant 0 : i32
      %dma_wait3A_91 = tpu.memref_slice %arg2[%dma_wait3A_89, %dma_wait3A_90] : memref<20480x128xf32, #tpu.memory_space<hbm>> -> memref<20480x128xf32, #tpu.memory_space<hbm>>
      tpu.wait_indirect_dma semaphore(%arg11 : memref<!tpu.dma_semaphore, #tpu.memory_space<semaphore_mem>>) src(%dma_wait3A_91 : memref<20480x128xf32, #tpu.memory_space<hbm>>) dst(%dma_wait3A_85 : memref<128x128xf32, #tpu.memory_space<vmem>>)
      %run_scoped3A_92 = arith.constant 1 : i32
      %run_scoped3A_93 = arith.constant 1 : i32
      "tpu.region"() ({
        %run_scoped3A_154 = tpu.sem_alloc : memref<!tpu.dma_semaphore, #tpu.memory_space<semaphore_mem>>
        %dma_start3A_155 = arith.constant 0 : i32
        %dma_start3A_156 = arith.constant 0 : i32
        %dma_start3A_157 = tpu.memref_slice %arg8[%run_scoped3A_92, %dma_start3A_155, %dma_start3A_156] : memref<2x128x128xf32, #tpu.memory_space<vmem>> -> memref<1x128x128xf32, #tpu.memory_space<vmem>>
        %dma_start3A_158 = tpu.memref_squeeze %dma_start3A_157 : memref<1x128x128xf32, #tpu.memory_space<vmem>> -> memref<128x128xf32, #tpu.memory_space<vmem>>
        %dma_start3A_159 = arith.constant 0 : i32
        %dma_start3A_160 = tpu.memref_slice %arg7[%run_scoped3A_93, %dma_start3A_159] : memref<4x128xi32, #tpu.memory_space<vmem>> -> memref<1x128xi32, #tpu.memory_space<vmem>>
        %dma_start3A_161 = tpu.memref_squeeze %dma_start3A_160 : memref<1x128xi32, #tpu.memory_space<vmem>> -> memref<128xi32, #tpu.memory_space<vmem>>
        %dma_start3A_162 = arith.constant 0 : i32
        %dma_start3A_163 = arith.constant 0 : i32
        %dma_start3A_164 = tpu.memref_slice %arg9[%dma_start3A_162, %dma_start3A_163] : memref<10240x128xf32, #tpu.memory_space<vmem_shared>> -> memref<10240x128xf32, #tpu.memory_space<vmem_shared>>
        tpu.enqueue_indirect_dma source(%dma_start3A_158 : memref<128x128xf32, #tpu.memory_space<vmem>>) target(%dma_start3A_164 : memref<10240x128xf32, #tpu.memory_space<vmem_shared>>) offsets(%dma_start3A_161 : memref<128xi32, #tpu.memory_space<vmem>>) semaphore(%run_scoped3A_154 : memref<!tpu.dma_semaphore, #tpu.memory_space<semaphore_mem>>) {add = true}
        %dma_wait3A_165 = arith.constant 0 : i32
        %dma_wait3A_166 = arith.constant 0 : i32
        %dma_wait3A_167 = tpu.memref_slice %arg8[%run_scoped3A_92, %dma_wait3A_165, %dma_wait3A_166] : memref<2x128x128xf32, #tpu.memory_space<vmem>> -> memref<1x128x128xf32, #tpu.memory_space<vmem>>
        %dma_wait3A_168 = tpu.memref_squeeze %dma_wait3A_167 : memref<1x128x128xf32, #tpu.memory_space<vmem>> -> memref<128x128xf32, #tpu.memory_space<vmem>>
        %dma_wait3A_169 = arith.constant 0 : i32
        %dma_wait3A_170 = tpu.memref_slice %arg7[%run_scoped3A_93, %dma_wait3A_169] : memref<4x128xi32, #tpu.memory_space<vmem>> -> memref<1x128xi32, #tpu.memory_space<vmem>>
        %dma_wait3A_171 = tpu.memref_squeeze %dma_wait3A_170 : memref<1x128xi32, #tpu.memory_space<vmem>> -> memref<128xi32, #tpu.memory_space<vmem>>
        %dma_wait3A_172 = arith.constant 0 : i32
        %dma_wait3A_173 = arith.constant 0 : i32
        %dma_wait3A_174 = tpu.memref_slice %arg9[%dma_wait3A_172, %dma_wait3A_173] : memref<10240x128xf32, #tpu.memory_space<vmem_shared>> -> memref<10240x128xf32, #tpu.memory_space<vmem_shared>>
        tpu.wait_indirect_dma semaphore(%run_scoped3A_154 : memref<!tpu.dma_semaphore, #tpu.memory_space<semaphore_mem>>) src(%dma_wait3A_168 : memref<128x128xf32, #tpu.memory_space<vmem>>) dst(%dma_wait3A_174 : memref<10240x128xf32, #tpu.memory_space<vmem_shared>>)
        tpu.yield
      }) : () -> ()
      %add3A_94 = arith.constant 2 : i32
      %add3A_95 = arith.addi %mul3A_40, %add3A_94 : i32
      %dma_start3A_96 = arith.constant 0 : i32
      %dma_start3A_97 = arith.constant 0 : i32
      %dma_start3A_98 = arith.constant 0 : i32
      %dma_start3A_99 = tpu.memref_slice %arg8[%dma_start3A_96, %dma_start3A_97, %dma_start3A_98] : memref<2x128x128xf32, #tpu.memory_space<vmem>> -> memref<1x128x128xf32, #tpu.memory_space<vmem>>
      %dma_start3A_100 = tpu.memref_squeeze %dma_start3A_99 : memref<1x128x128xf32, #tpu.memory_space<vmem>> -> memref<128x128xf32, #tpu.memory_space<vmem>>
      %dma_start3A_101 = arith.constant 0 : i32
      %dma_start3A_102 = tpu.memref_slice %arg6[%add3A_95, %dma_start3A_101] : memref<80x128xi32, #tpu.memory_space<vmem>> -> memref<1x128xi32, #tpu.memory_space<vmem>>
      %dma_start3A_103 = tpu.memref_squeeze %dma_start3A_102 : memref<1x128xi32, #tpu.memory_space<vmem>> -> memref<128xi32, #tpu.memory_space<vmem>>
      %dma_start3A_104 = arith.constant 0 : i32
      %dma_start3A_105 = arith.constant 0 : i32
      %dma_start3A_106 = tpu.memref_slice %arg2[%dma_start3A_104, %dma_start3A_105] : memref<20480x128xf32, #tpu.memory_space<hbm>> -> memref<20480x128xf32, #tpu.memory_space<hbm>>
      tpu.enqueue_indirect_dma source(%dma_start3A_106 : memref<20480x128xf32, #tpu.memory_space<hbm>>) target(%dma_start3A_100 : memref<128x128xf32, #tpu.memory_space<vmem>>) offsets(%dma_start3A_103 : memref<128xi32, #tpu.memory_space<vmem>>) semaphore(%arg10 : memref<!tpu.dma_semaphore, #tpu.memory_space<semaphore_mem>>)
      %add3A_107 = arith.constant 1 : i32
      %add3A_108 = arith.addi %add3A_95, %add3A_107 : i32
      %dma_start3A_109 = arith.constant 1 : i32
      %dma_start3A_110 = arith.constant 0 : i32
      %dma_start3A_111 = arith.constant 0 : i32
      %dma_start3A_112 = tpu.memref_slice %arg8[%dma_start3A_109, %dma_start3A_110, %dma_start3A_111] : memref<2x128x128xf32, #tpu.memory_space<vmem>> -> memref<1x128x128xf32, #tpu.memory_space<vmem>>
      %dma_start3A_113 = tpu.memref_squeeze %dma_start3A_112 : memref<1x128x128xf32, #tpu.memory_space<vmem>> -> memref<128x128xf32, #tpu.memory_space<vmem>>
      %dma_start3A_114 = arith.constant 0 : i32
      %dma_start3A_115 = tpu.memref_slice %arg6[%add3A_108, %dma_start3A_114] : memref<80x128xi32, #tpu.memory_space<vmem>> -> memref<1x128xi32, #tpu.memory_space<vmem>>
      %dma_start3A_116 = tpu.memref_squeeze %dma_start3A_115 : memref<1x128xi32, #tpu.memory_space<vmem>> -> memref<128xi32, #tpu.memory_space<vmem>>
      %dma_start3A_117 = arith.constant 0 : i32
      %dma_start3A_118 = arith.constant 0 : i32
      %dma_start3A_119 = tpu.memref_slice %arg2[%dma_start3A_117, %dma_start3A_118] : memref<20480x128xf32, #tpu.memory_space<hbm>> -> memref<20480x128xf32, #tpu.memory_space<hbm>>
      tpu.enqueue_indirect_dma source(%dma_start3A_119 : memref<20480x128xf32, #tpu.memory_space<hbm>>) target(%dma_start3A_113 : memref<128x128xf32, #tpu.memory_space<vmem>>) offsets(%dma_start3A_116 : memref<128xi32, #tpu.memory_space<vmem>>) semaphore(%arg11 : memref<!tpu.dma_semaphore, #tpu.memory_space<semaphore_mem>>)
      %add3A_120 = arith.constant 2 : i32
      %add3A_121 = arith.addi %add3A_95, %add3A_120 : i32
      %lt3A_122 = arith.constant 80 : i32
      %lt3A_123 = arith.cmpi slt, %add3A_121, %lt3A_122 : i32
      %convert_element_type3A_124 = arith.extui %lt3A_123 : i1 to i32
      %cond3A_125 = arith.constant 0 : i32
      %cond3A_126 = arith.cmpi ne, %convert_element_type3A_124, %cond3A_125 : i32
      scf.if %cond3A_126 {
        %add3A_154 = arith.addi %mul3A_4, %add3A_95 : i32
        %add3A_155 = arith.constant 2 : i32
        %add3A_156 = arith.addi %add3A_154, %add3A_155 : i32
        "tpu.region"() ({
          %run_scoped3A_157 = tpu.sem_alloc : memref<!tpu.dma_semaphore, #tpu.memory_space<semaphore_mem>>
          %dma_start3A_158 = arith.constant 0 : i32
          %dma_start3A_159 = arith.constant 0 : i32
          %dma_start3A_160 = tpu.memref_slice %arg7[%dma_start3A_158, %dma_start3A_159] : memref<4x128xi32, #tpu.memory_space<vmem>> -> memref<2x128xi32, #tpu.memory_space<vmem>>
          %dma_start3A_161 = arith.constant 0 : i32
          %dma_start3A_162 = tpu.memref_slice %arg4[%add3A_156, %dma_start3A_161] : memref<1280x128xi32, #tpu.memory_space<hbm>> -> memref<2x128xi32, #tpu.memory_space<hbm>>
          %dma_start3A_163 = arith.constant 0 : i32
          %dma_start3A_164 = arith.constant 0 : i32
          %dma_start3A_165 = tpu.memref_slice %arg7[%dma_start3A_163, %dma_start3A_164] : memref<4x128xi32, #tpu.memory_space<vmem>> -> memref<2x128xi32, #tpu.memory_space<vmem>>
          %dma_start3A_166 = arith.constant 0 : i32
          %dma_start3A_167 = tpu.memref_slice %arg4[%add3A_156, %dma_start3A_166] : memref<1280x128xi32, #tpu.memory_space<hbm>> -> memref<2x128xi32, #tpu.memory_space<hbm>>
          tpu.enqueue_dma source(%dma_start3A_167 : memref<2x128xi32, #tpu.memory_space<hbm>>) target(%dma_start3A_165 : memref<2x128xi32, #tpu.memory_space<vmem>>) target_semaphore(%run_scoped3A_157 : memref<!tpu.dma_semaphore, #tpu.memory_space<semaphore_mem>>)
          %dma_wait3A_168 = arith.constant 0 : i32
          %dma_wait3A_169 = arith.constant 0 : i32
          %dma_wait3A_170 = tpu.memref_slice %arg7[%dma_wait3A_168, %dma_wait3A_169] : memref<4x128xi32, #tpu.memory_space<vmem>> -> memref<2x128xi32, #tpu.memory_space<vmem>>
          %dma_wait3A_171 = arith.constant 0 : i32
          %dma_wait3A_172 = tpu.memref_slice %arg4[%add3A_156, %dma_wait3A_171] : memref<1280x128xi32, #tpu.memory_space<hbm>> -> memref<2x128xi32, #tpu.memory_space<hbm>>
          %dma_wait3A_173 = arith.constant 0 : i32
          %dma_wait3A_174 = arith.constant 0 : i32
          %dma_wait3A_175 = tpu.memref_slice %arg7[%dma_wait3A_173, %dma_wait3A_174] : memref<4x128xi32, #tpu.memory_space<vmem>> -> memref<2x128xi32, #tpu.memory_space<vmem>>
          %dma_wait3A_176 = arith.constant 0 : i32
          %dma_wait3A_177 = tpu.memref_slice %arg4[%add3A_156, %dma_wait3A_176] : memref<1280x128xi32, #tpu.memory_space<hbm>> -> memref<2x128xi32, #tpu.memory_space<hbm>>
          tpu.wait_dma2 semaphore(%run_scoped3A_157 : memref<!tpu.dma_semaphore, #tpu.memory_space<semaphore_mem>>) src(%dma_wait3A_177 : memref<2x128xi32, #tpu.memory_space<hbm>>) dst(%dma_wait3A_175 : memref<2x128xi32, #tpu.memory_space<vmem>>)
          tpu.yield
        }) : () -> ()
      } else {
      }
      %dma_wait3A_127 = arith.constant 0 : i32
      %dma_wait3A_128 = arith.constant 0 : i32
      %dma_wait3A_129 = arith.constant 0 : i32
      %dma_wait3A_130 = tpu.memref_slice %arg8[%dma_wait3A_127, %dma_wait3A_128, %dma_wait3A_129] : memref<2x128x128xf32, #tpu.memory_space<vmem>> -> memref<1x128x128xf32, #tpu.memory_space<vmem>>
      %dma_wait3A_131 = tpu.memref_squeeze %dma_wait3A_130 : memref<1x128x128xf32, #tpu.memory_space<vmem>> -> memref<128x128xf32, #tpu.memory_space<vmem>>
      %dma_wait3A_132 = arith.constant 0 : i32
      %dma_wait3A_133 = tpu.memref_slice %arg6[%add3A_95, %dma_wait3A_132] : memref<80x128xi32, #tpu.memory_space<vmem>> -> memref<1x128xi32, #tpu.memory_space<vmem>>
      %dma_wait3A_134 = tpu.memref_squeeze %dma_wait3A_133 : memref<1x128xi32, #tpu.memory_space<vmem>> -> memref<128xi32, #tpu.memory_space<vmem>>
      %dma_wait3A_135 = arith.constant 0 : i32
      %dma_wait3A_136 = arith.constant 0 : i32
      %dma_wait3A_137 = tpu.memref_slice %arg2[%dma_wait3A_135, %dma_wait3A_136] : memref<20480x128xf32, #tpu.memory_space<hbm>> -> memref<20480x128xf32, #tpu.memory_space<hbm>>
      tpu.wait_indirect_dma semaphore(%arg10 : memref<!tpu.dma_semaphore, #tpu.memory_space<semaphore_mem>>) src(%dma_wait3A_137 : memref<20480x128xf32, #tpu.memory_space<hbm>>) dst(%dma_wait3A_131 : memref<128x128xf32, #tpu.memory_space<vmem>>)
      %run_scoped3A_138 = arith.constant 0 : i32
      %run_scoped3A_139 = arith.constant 2 : i32
      "tpu.region"() ({
        %run_scoped3A_154 = tpu.sem_alloc : memref<!tpu.dma_semaphore, #tpu.memory_space<semaphore_mem>>
        %dma_start3A_155 = arith.constant 0 : i32
        %dma_start3A_156 = arith.constant 0 : i32
        %dma_start3A_157 = tpu.memref_slice %arg8[%run_scoped3A_138, %dma_start3A_155, %dma_start3A_156] : memref<2x128x128xf32, #tpu.memory_space<vmem>> -> memref<1x128x128xf32, #tpu.memory_space<vmem>>
        %dma_start3A_158 = tpu.memref_squeeze %dma_start3A_157 : memref<1x128x128xf32, #tpu.memory_space<vmem>> -> memref<128x128xf32, #tpu.memory_space<vmem>>
        %dma_start3A_159 = arith.constant 0 : i32
        %dma_start3A_160 = tpu.memref_slice %arg7[%run_scoped3A_139, %dma_start3A_159] : memref<4x128xi32, #tpu.memory_space<vmem>> -> memref<1x128xi32, #tpu.memory_space<vmem>>
        %dma_start3A_161 = tpu.memref_squeeze %dma_start3A_160 : memref<1x128xi32, #tpu.memory_space<vmem>> -> memref<128xi32, #tpu.memory_space<vmem>>
        %dma_start3A_162 = arith.constant 0 : i32
        %dma_start3A_163 = arith.constant 0 : i32
        %dma_start3A_164 = tpu.memref_slice %arg9[%dma_start3A_162, %dma_start3A_163] : memref<10240x128xf32, #tpu.memory_space<vmem_shared>> -> memref<10240x128xf32, #tpu.memory_space<vmem_shared>>
        tpu.enqueue_indirect_dma source(%dma_start3A_158 : memref<128x128xf32, #tpu.memory_space<vmem>>) target(%dma_start3A_164 : memref<10240x128xf32, #tpu.memory_space<vmem_shared>>) offsets(%dma_start3A_161 : memref<128xi32, #tpu.memory_space<vmem>>) semaphore(%run_scoped3A_154 : memref<!tpu.dma_semaphore, #tpu.memory_space<semaphore_mem>>) {add = true}
        %dma_wait3A_165 = arith.constant 0 : i32
        %dma_wait3A_166 = arith.constant 0 : i32
        %dma_wait3A_167 = tpu.memref_slice %arg8[%run_scoped3A_138, %dma_wait3A_165, %dma_wait3A_166] : memref<2x128x128xf32, #tpu.memory_space<vmem>> -> memref<1x128x128xf32, #tpu.memory_space<vmem>>
        %dma_wait3A_168 = tpu.memref_squeeze %dma_wait3A_167 : memref<1x128x128xf32, #tpu.memory_space<vmem>> -> memref<128x128xf32, #tpu.memory_space<vmem>>
        %dma_wait3A_169 = arith.constant 0 : i32
        %dma_wait3A_170 = tpu.memref_slice %arg7[%run_scoped3A_139, %dma_wait3A_169] : memref<4x128xi32, #tpu.memory_space<vmem>> -> memref<1x128xi32, #tpu.memory_space<vmem>>
        %dma_wait3A_171 = tpu.memref_squeeze %dma_wait3A_170 : memref<1x128xi32, #tpu.memory_space<vmem>> -> memref<128xi32, #tpu.memory_space<vmem>>
        %dma_wait3A_172 = arith.constant 0 : i32
        %dma_wait3A_173 = arith.constant 0 : i32
        %dma_wait3A_174 = tpu.memref_slice %arg9[%dma_wait3A_172, %dma_wait3A_173] : memref<10240x128xf32, #tpu.memory_space<vmem_shared>> -> memref<10240x128xf32, #tpu.memory_space<vmem_shared>>
        tpu.wait_indirect_dma semaphore(%run_scoped3A_154 : memref<!tpu.dma_semaphore, #tpu.memory_space<semaphore_mem>>) src(%dma_wait3A_168 : memref<128x128xf32, #tpu.memory_space<vmem>>) dst(%dma_wait3A_174 : memref<10240x128xf32, #tpu.memory_space<vmem_shared>>)
        tpu.yield
      }) : () -> ()
      %dma_wait3A_140 = arith.constant 1 : i32
      %dma_wait3A_141 = arith.constant 0 : i32
      %dma_wait3A_142 = arith.constant 0 : i32
      %dma_wait3A_143 = tpu.memref_slice %arg8[%dma_wait3A_140, %dma_wait3A_141, %dma_wait3A_142] : memref<2x128x128xf32, #tpu.memory_space<vmem>> -> memref<1x128x128xf32, #tpu.memory_space<vmem>>
      %dma_wait3A_144 = tpu.memref_squeeze %dma_wait3A_143 : memref<1x128x128xf32, #tpu.memory_space<vmem>> -> memref<128x128xf32, #tpu.memory_space<vmem>>
      %dma_wait3A_145 = arith.constant 0 : i32
      %dma_wait3A_146 = tpu.memref_slice %arg6[%add3A_108, %dma_wait3A_145] : memref<80x128xi32, #tpu.memory_space<vmem>> -> memref<1x128xi32, #tpu.memory_space<vmem>>
      %dma_wait3A_147 = tpu.memref_squeeze %dma_wait3A_146 : memref<1x128xi32, #tpu.memory_space<vmem>> -> memref<128xi32, #tpu.memory_space<vmem>>
      %dma_wait3A_148 = arith.constant 0 : i32
      %dma_wait3A_149 = arith.constant 0 : i32
      %dma_wait3A_150 = tpu.memref_slice %arg2[%dma_wait3A_148, %dma_wait3A_149] : memref<20480x128xf32, #tpu.memory_space<hbm>> -> memref<20480x128xf32, #tpu.memory_space<hbm>>
      tpu.wait_indirect_dma semaphore(%arg11 : memref<!tpu.dma_semaphore, #tpu.memory_space<semaphore_mem>>) src(%dma_wait3A_150 : memref<20480x128xf32, #tpu.memory_space<hbm>>) dst(%dma_wait3A_144 : memref<128x128xf32, #tpu.memory_space<vmem>>)
      %run_scoped3A_151 = arith.constant 1 : i32
      %run_scoped3A_152 = arith.constant 3 : i32
      "tpu.region"() ({
        %run_scoped3A_154 = tpu.sem_alloc : memref<!tpu.dma_semaphore, #tpu.memory_space<semaphore_mem>>
        %dma_start3A_155 = arith.constant 0 : i32
        %dma_start3A_156 = arith.constant 0 : i32
        %dma_start3A_157 = tpu.memref_slice %arg8[%run_scoped3A_151, %dma_start3A_155, %dma_start3A_156] : memref<2x128x128xf32, #tpu.memory_space<vmem>> -> memref<1x128x128xf32, #tpu.memory_space<vmem>>
        %dma_start3A_158 = tpu.memref_squeeze %dma_start3A_157 : memref<1x128x128xf32, #tpu.memory_space<vmem>> -> memref<128x128xf32, #tpu.memory_space<vmem>>
        %dma_start3A_159 = arith.constant 0 : i32
        %dma_start3A_160 = tpu.memref_slice %arg7[%run_scoped3A_152, %dma_start3A_159] : memref<4x128xi32, #tpu.memory_space<vmem>> -> memref<1x128xi32, #tpu.memory_space<vmem>>
        %dma_start3A_161 = tpu.memref_squeeze %dma_start3A_160 : memref<1x128xi32, #tpu.memory_space<vmem>> -> memref<128xi32, #tpu.memory_space<vmem>>
        %dma_start3A_162 = arith.constant 0 : i32
        %dma_start3A_163 = arith.constant 0 : i32
        %dma_start3A_164 = tpu.memref_slice %arg9[%dma_start3A_162, %dma_start3A_163] : memref<10240x128xf32, #tpu.memory_space<vmem_shared>> -> memref<10240x128xf32, #tpu.memory_space<vmem_shared>>
        tpu.enqueue_indirect_dma source(%dma_start3A_158 : memref<128x128xf32, #tpu.memory_space<vmem>>) target(%dma_start3A_164 : memref<10240x128xf32, #tpu.memory_space<vmem_shared>>) offsets(%dma_start3A_161 : memref<128xi32, #tpu.memory_space<vmem>>) semaphore(%run_scoped3A_154 : memref<!tpu.dma_semaphore, #tpu.memory_space<semaphore_mem>>) {add = true}
        %dma_wait3A_165 = arith.constant 0 : i32
        %dma_wait3A_166 = arith.constant 0 : i32
        %dma_wait3A_167 = tpu.memref_slice %arg8[%run_scoped3A_151, %dma_wait3A_165, %dma_wait3A_166] : memref<2x128x128xf32, #tpu.memory_space<vmem>> -> memref<1x128x128xf32, #tpu.memory_space<vmem>>
        %dma_wait3A_168 = tpu.memref_squeeze %dma_wait3A_167 : memref<1x128x128xf32, #tpu.memory_space<vmem>> -> memref<128x128xf32, #tpu.memory_space<vmem>>
        %dma_wait3A_169 = arith.constant 0 : i32
        %dma_wait3A_170 = tpu.memref_slice %arg7[%run_scoped3A_152, %dma_wait3A_169] : memref<4x128xi32, #tpu.memory_space<vmem>> -> memref<1x128xi32, #tpu.memory_space<vmem>>
        %dma_wait3A_171 = tpu.memref_squeeze %dma_wait3A_170 : memref<1x128xi32, #tpu.memory_space<vmem>> -> memref<128xi32, #tpu.memory_space<vmem>>
        %dma_wait3A_172 = arith.constant 0 : i32
        %dma_wait3A_173 = arith.constant 0 : i32
        %dma_wait3A_174 = tpu.memref_slice %arg9[%dma_wait3A_172, %dma_wait3A_173] : memref<10240x128xf32, #tpu.memory_space<vmem_shared>> -> memref<10240x128xf32, #tpu.memory_space<vmem_shared>>
        tpu.wait_indirect_dma semaphore(%run_scoped3A_154 : memref<!tpu.dma_semaphore, #tpu.memory_space<semaphore_mem>>) src(%dma_wait3A_168 : memref<128x128xf32, #tpu.memory_space<vmem>>) dst(%dma_wait3A_174 : memref<10240x128xf32, #tpu.memory_space<vmem_shared>>)
        tpu.yield
      }) : () -> ()
      %scan3A_153 = arith.constant 0 : i32
      scf.yield %scan3A_153 : i32
    }
    %scan3A_28 = arith.constant 20 : i32
    %barrier3A_29 = arith.constant 0 : index
    tpu.barrier barrier_id(%barrier3A_29)
    %mul3A_30 = arith.constant 640 : i32
    %mul3A_31 = arith.muli %arg1, %mul3A_30 : i32
    %mul3A_32 = arith.constant 10240 : i32
    %mul3A_33 = arith.muli %arg0, %mul3A_32 : i32
    %mul3A_34 = arith.constant 640 : i32
    %mul3A_35 = arith.muli %arg1, %mul3A_34 : i32
    %add3A_36 = arith.addi %mul3A_33, %mul3A_35 : i32
    "tpu.region"() ({
      %run_scoped3A = tpu.sem_alloc : memref<!tpu.dma_semaphore, #tpu.memory_space<semaphore_mem>>
      %dma_start3A = arith.constant 0 : i32
      %dma_start3A_37 = tpu.memref_slice %arg5[%add3A_36, %dma_start3A] : memref<20480x128xf32, #tpu.memory_space<hbm>> -> memref<640x128xf32, #tpu.memory_space<hbm>>
      %dma_start3A_38 = arith.constant 0 : i32
      %dma_start3A_39 = tpu.memref_slice %arg9[%mul3A_31, %dma_start3A_38] : memref<10240x128xf32, #tpu.memory_space<vmem_shared>> -> memref<640x128xf32, #tpu.memory_space<vmem_shared>>
      tpu.enqueue_dma source(%dma_start3A_39 : memref<640x128xf32, #tpu.memory_space<vmem_shared>>) target(%dma_start3A_37 : memref<640x128xf32, #tpu.memory_space<hbm>>) target_semaphore(%run_scoped3A : memref<!tpu.dma_semaphore, #tpu.memory_space<semaphore_mem>>)
      %dma_wait3A = arith.constant 0 : i32
      %dma_wait3A_40 = tpu.memref_slice %arg5[%add3A_36, %dma_wait3A] : memref<20480x128xf32, #tpu.memory_space<hbm>> -> memref<640x128xf32, #tpu.memory_space<hbm>>
      %dma_wait3A_41 = arith.constant 0 : i32
      %dma_wait3A_42 = tpu.memref_slice %arg9[%mul3A_31, %dma_wait3A_41] : memref<10240x128xf32, #tpu.memory_space<vmem_shared>> -> memref<640x128xf32, #tpu.memory_space<vmem_shared>>
      tpu.wait_dma2 semaphore(%run_scoped3A : memref<!tpu.dma_semaphore, #tpu.memory_space<semaphore_mem>>) src(%dma_wait3A_42 : memref<640x128xf32, #tpu.memory_space<vmem_shared>>) dst(%dma_wait3A_40 : memref<640x128xf32, #tpu.memory_space<hbm>>)
      tpu.yield
    }) : () -> ()
    return
  }
}

#map = affine_map<(d0, d1) -> (0, 0)>
module attributes {stable_mosaic.version = 14 : i64} {
  func.func @agg_kernel(%arg0: i32, %arg1: i32, %arg2: memref<20480x128xf32, #tpu.memory_space<hbm>>, %arg3: memref<2560x128xi32, #tpu.memory_space<hbm>>, %arg4: memref<1280x128xi32, #tpu.memory_space<hbm>>, %arg5: memref<20480x128xf32, #tpu.memory_space<hbm>>, %arg6: memref<80x128xi32, #tpu.memory_space<vmem>>, %arg7: memref<4x128xi32, #tpu.memory_space<vmem>>, %arg8: memref<2x128x128xf32, #tpu.memory_space<vmem>>, %arg9: memref<10240x128xf32, #tpu.memory_space<vmem_shared>>, %arg10: memref<!tpu.dma_semaphore, #tpu.memory_space<semaphore_mem>>, %arg11: memref<!tpu.dma_semaphore, #tpu.memory_space<semaphore_mem>>) attributes {dimension_semantics = [#tpu.dimension_semantics<core_parallel>, #tpu.dimension_semantics<subcore_parallel>], iteration_bounds = array<i64: 2, 16>, scalar_prefetch = 0 : i64, scratch_operands = 6 : i64, tpu.core_type = #tpu.core_type<sc_vector_subcore>, window_params = [{transform_indices = #map}, {transform_indices = #map}, {transform_indices = #map}, {transform_indices = #map}]} {
    %mul3A = arith.constant 16 : i32
    %mul3A_0 = arith.muli %arg0, %mul3A : i32
    %add3A = arith.addi %mul3A_0, %arg1 : i32
    %mul3A_1 = arith.constant 80 : i32
    %mul3A_2 = arith.muli %add3A, %mul3A_1 : i32
    %mul3A_3 = arith.constant 80 : i32
    %mul3A_4 = arith.muli %arg1, %mul3A_3 : i32
    %scan3A = arith.constant 0 : i32
    %scan3A_5 = arith.constant 0 : i32
    %scan3A_6 = arith.constant 128 : i32
    %scan3A_7 = arith.addi %scan3A_5, %scan3A_6 : i32
    %scan3A_8 = arith.constant 1 : i32
    %scan3A_9 = scf.for %scan3A_37 = %scan3A_5 to %scan3A_7 step %scan3A_8 iter_args(%scan3A_38 = %scan3A) -> (i32)  : i32 {
      %broadcast_in_dim3A = arith.constant 0.000000e+00 : f32
      %broadcast_in_dim3A_39 = vector.broadcast %broadcast_in_dim3A : f32 to vector<16xf32>
      %swap3A = arith.constant 0 : i32
      %swap3A_40 = arith.index_cast %swap3A : i32 to index
      %swap3A_41 = arith.index_cast %scan3A_37 : i32 to index
      %swap3A_42 = arith.constant 0 : index
      %swap3A_43 = tpu.vector_load %arg8[%swap3A_40, %swap3A_41, %swap3A_42] {strides = array<i32>} : memref<2x128x128xf32, #tpu.memory_space<vmem>>, vector<1x1x16xf32>,
      %swap3A_44 = vector.shape_cast %swap3A_43 : vector<1x1x16xf32> to vector<16xf32>
      %swap3A_45 = vector.shape_cast %broadcast_in_dim3A_39 : vector<16xf32> to vector<1x1x16xf32>
      tpu.vector_store %arg8[%swap3A_40, %swap3A_41, %swap3A_42], %swap3A_45 {strides = array<i32>} : memref<2x128x128xf32, #tpu.memory_space<vmem>>, vector<1x1x16xf32>,
      %broadcast_in_dim3A_46 = arith.constant 0.000000e+00 : f32
      %broadcast_in_dim3A_47 = vector.broadcast %broadcast_in_dim3A_46 : f32 to vector<16xf32>
      %swap3A_48 = arith.constant 0 : i32
      %swap3A_49 = arith.index_cast %swap3A_48 : i32 to index
      %swap3A_50 = arith.index_cast %scan3A_37 : i32 to index
      %swap3A_51 = arith.constant 16 : index
      %swap3A_52 = tpu.vector_load %arg8[%swap3A_49, %swap3A_50, %swap3A_51] {strides = array<i32>} : memref<2x128x128xf32, #tpu.memory_space<vmem>>, vector<1x1x16xf32>,
      %swap3A_53 = vector.shape_cast %swap3A_52 : vector<1x1x16xf32> to vector<16xf32>
      %swap3A_54 = vector.shape_cast %broadcast_in_dim3A_47 : vector<16xf32> to vector<1x1x16xf32>
      tpu.vector_store %arg8[%swap3A_49, %swap3A_50, %swap3A_51], %swap3A_54 {strides = array<i32>} : memref<2x128x128xf32, #tpu.memory_space<vmem>>, vector<1x1x16xf32>,
      %broadcast_in_dim3A_55 = arith.constant 0.000000e+00 : f32
      %broadcast_in_dim3A_56 = vector.broadcast %broadcast_in_dim3A_55 : f32 to vector<16xf32>
      %swap3A_57 = arith.constant 0 : i32
      %swap3A_58 = arith.index_cast %swap3A_57 : i32 to index
      %swap3A_59 = arith.index_cast %scan3A_37 : i32 to index
      %swap3A_60 = arith.constant 32 : index
      %swap3A_61 = tpu.vector_load %arg8[%swap3A_58, %swap3A_59, %swap3A_60] {strides = array<i32>} : memref<2x128x128xf32, #tpu.memory_space<vmem>>, vector<1x1x16xf32>,
      %swap3A_62 = vector.shape_cast %swap3A_61 : vector<1x1x16xf32> to vector<16xf32>
      %swap3A_63 = vector.shape_cast %broadcast_in_dim3A_56 : vector<16xf32> to vector<1x1x16xf32>
      tpu.vector_store %arg8[%swap3A_58, %swap3A_59, %swap3A_60], %swap3A_63 {strides = array<i32>} : memref<2x128x128xf32, #tpu.memory_space<vmem>>, vector<1x1x16xf32>,
      %broadcast_in_dim3A_64 = arith.constant 0.000000e+00 : f32
      %broadcast_in_dim3A_65 = vector.broadcast %broadcast_in_dim3A_64 : f32 to vector<16xf32>
      %swap3A_66 = arith.constant 0 : i32
      %swap3A_67 = arith.index_cast %swap3A_66 : i32 to index
      %swap3A_68 = arith.index_cast %scan3A_37 : i32 to index
      %swap3A_69 = arith.constant 48 : index
      %swap3A_70 = tpu.vector_load %arg8[%swap3A_67, %swap3A_68, %swap3A_69] {strides = array<i32>} : memref<2x128x128xf32, #tpu.memory_space<vmem>>, vector<1x1x16xf32>,
      %swap3A_71 = vector.shape_cast %swap3A_70 : vector<1x1x16xf32> to vector<16xf32>
      %swap3A_72 = vector.shape_cast %broadcast_in_dim3A_65 : vector<16xf32> to vector<1x1x16xf32>
      tpu.vector_store %arg8[%swap3A_67, %swap3A_68, %swap3A_69], %swap3A_72 {strides = array<i32>} : memref<2x128x128xf32, #tpu.memory_space<vmem>>, vector<1x1x16xf32>,
      %broadcast_in_dim3A_73 = arith.constant 0.000000e+00 : f32
      %broadcast_in_dim3A_74 = vector.broadcast %broadcast_in_dim3A_73 : f32 to vector<16xf32>
      %swap3A_75 = arith.constant 0 : i32
      %swap3A_76 = arith.index_cast %swap3A_75 : i32 to index
      %swap3A_77 = arith.index_cast %scan3A_37 : i32 to index
      %swap3A_78 = arith.constant 64 : index
      %swap3A_79 = tpu.vector_load %arg8[%swap3A_76, %swap3A_77, %swap3A_78] {strides = array<i32>} : memref<2x128x128xf32, #tpu.memory_space<vmem>>, vector<1x1x16xf32>,
      %swap3A_80 = vector.shape_cast %swap3A_79 : vector<1x1x16xf32> to vector<16xf32>
      %swap3A_81 = vector.shape_cast %broadcast_in_dim3A_74 : vector<16xf32> to vector<1x1x16xf32>
      tpu.vector_store %arg8[%swap3A_76, %swap3A_77, %swap3A_78], %swap3A_81 {strides = array<i32>} : memref<2x128x128xf32, #tpu.memory_space<vmem>>, vector<1x1x16xf32>,
      %broadcast_in_dim3A_82 = arith.constant 0.000000e+00 : f32
      %broadcast_in_dim3A_83 = vector.broadcast %broadcast_in_dim3A_82 : f32 to vector<16xf32>
      %swap3A_84 = arith.constant 0 : i32
      %swap3A_85 = arith.index_cast %swap3A_84 : i32 to index
      %swap3A_86 = arith.index_cast %scan3A_37 : i32 to index
      %swap3A_87 = arith.constant 80 : index
      %swap3A_88 = tpu.vector_load %arg8[%swap3A_85, %swap3A_86, %swap3A_87] {strides = array<i32>} : memref<2x128x128xf32, #tpu.memory_space<vmem>>, vector<1x1x16xf32>,
      %swap3A_89 = vector.shape_cast %swap3A_88 : vector<1x1x16xf32> to vector<16xf32>
      %swap3A_90 = vector.shape_cast %broadcast_in_dim3A_83 : vector<16xf32> to vector<1x1x16xf32>
      tpu.vector_store %arg8[%swap3A_85, %swap3A_86, %swap3A_87], %swap3A_90 {strides = array<i32>} : memref<2x128x128xf32, #tpu.memory_space<vmem>>, vector<1x1x16xf32>,
      %broadcast_in_dim3A_91 = arith.constant 0.000000e+00 : f32
      %broadcast_in_dim3A_92 = vector.broadcast %broadcast_in_dim3A_91 : f32 to vector<16xf32>
      %swap3A_93 = arith.constant 0 : i32
      %swap3A_94 = arith.index_cast %swap3A_93 : i32 to index
      %swap3A_95 = arith.index_cast %scan3A_37 : i32 to index
      %swap3A_96 = arith.constant 96 : index
      %swap3A_97 = tpu.vector_load %arg8[%swap3A_94, %swap3A_95, %swap3A_96] {strides = array<i32>} : memref<2x128x128xf32, #tpu.memory_space<vmem>>, vector<1x1x16xf32>,
      %swap3A_98 = vector.shape_cast %swap3A_97 : vector<1x1x16xf32> to vector<16xf32>
      %swap3A_99 = vector.shape_cast %broadcast_in_dim3A_92 : vector<16xf32> to vector<1x1x16xf32>
      tpu.vector_store %arg8[%swap3A_94, %swap3A_95, %swap3A_96], %swap3A_99 {strides = array<i32>} : memref<2x128x128xf32, #tpu.memory_space<vmem>>, vector<1x1x16xf32>,
      %broadcast_in_dim3A_100 = arith.constant 0.000000e+00 : f32
      %broadcast_in_dim3A_101 = vector.broadcast %broadcast_in_dim3A_100 : f32 to vector<16xf32>
      %swap3A_102 = arith.constant 0 : i32
      %swap3A_103 = arith.index_cast %swap3A_102 : i32 to index
      %swap3A_104 = arith.index_cast %scan3A_37 : i32 to index
      %swap3A_105 = arith.constant 112 : index
      %swap3A_106 = tpu.vector_load %arg8[%swap3A_103, %swap3A_104, %swap3A_105] {strides = array<i32>} : memref<2x128x128xf32, #tpu.memory_space<vmem>>, vector<1x1x16xf32>,
      %swap3A_107 = vector.shape_cast %swap3A_106 : vector<1x1x16xf32> to vector<16xf32>
      %swap3A_108 = vector.shape_cast %broadcast_in_dim3A_101 : vector<16xf32> to vector<1x1x16xf32>
      tpu.vector_store %arg8[%swap3A_103, %swap3A_104, %swap3A_105], %swap3A_108 {strides = array<i32>} : memref<2x128x128xf32, #tpu.memory_space<vmem>>, vector<1x1x16xf32>,
      %scan3A_109 = arith.constant 0 : i32
      scf.yield %scan3A_109 : i32
    }
    %scan3A_10 = arith.constant 128 : i32
    %scan3A_11 = arith.constant 0 : i32
    %scan3A_12 = arith.constant 0 : i32
    %scan3A_13 = arith.constant 5 : i32
    %scan3A_14 = arith.addi %scan3A_12, %scan3A_13 : i32
    %scan3A_15 = arith.constant 1 : i32
    %scan3A_16 = scf.for %scan3A_37 = %scan3A_12 to %scan3A_14 step %scan3A_15 iter_args(%scan3A_38 = %scan3A_11) -> (i32)  : i32 {
      %mul3A_39 = arith.constant 640 : i32
      %mul3A_40 = arith.muli %arg1, %mul3A_39 : i32
      %mul3A_41 = arith.constant 128 : i32
      %mul3A_42 = arith.muli %scan3A_37, %mul3A_41 : i32
      %add3A_43 = arith.addi %mul3A_40, %mul3A_42 : i32
      %run_scoped3A = arith.constant 0 : i32
      "tpu.region"() ({
        %run_scoped3A_45 = tpu.sem_alloc : memref<!tpu.dma_semaphore, #tpu.memory_space<semaphore_mem>>
        %dma_start3A = arith.constant 0 : i32
        %dma_start3A_46 = arith.constant 0 : i32
        %dma_start3A_47 = tpu.memref_slice %arg8[%run_scoped3A, %dma_start3A, %dma_start3A_46] : memref<2x128x128xf32, #tpu.memory_space<vmem>> -> memref<1x128x128xf32, #tpu.memory_space<vmem>>
        %dma_start3A_48 = tpu.memref_squeeze %dma_start3A_47 : memref<1x128x128xf32, #tpu.memory_space<vmem>> -> memref<128x128xf32, #tpu.memory_space<vmem>>
        %dma_start3A_49 = arith.constant 0 : i32
        %dma_start3A_50 = tpu.memref_slice %arg9[%add3A_43, %dma_start3A_49] : memref<10240x128xf32, #tpu.memory_space<vmem_shared>> -> memref<128x128xf32, #tpu.memory_space<vmem_shared>>
        %dma_start3A_51 = arith.constant 0 : i32
        %dma_start3A_52 = tpu.memref_slice %arg9[%add3A_43, %dma_start3A_51] : memref<10240x128xf32, #tpu.memory_space<vmem_shared>> -> memref<128x128xf32, #tpu.memory_space<vmem_shared>>
        %dma_start3A_53 = arith.constant 0 : i32
        %dma_start3A_54 = arith.constant 0 : i32
        %dma_start3A_55 = tpu.memref_slice %arg8[%run_scoped3A, %dma_start3A_53, %dma_start3A_54] : memref<2x128x128xf32, #tpu.memory_space<vmem>> -> memref<1x128x128xf32, #tpu.memory_space<vmem>>
        %dma_start3A_56 = tpu.memref_squeeze %dma_start3A_55 : memref<1x128x128xf32, #tpu.memory_space<vmem>> -> memref<128x128xf32, #tpu.memory_space<vmem>>
        tpu.enqueue_dma source(%dma_start3A_56 : memref<128x128xf32, #tpu.memory_space<vmem>>) target(%dma_start3A_52 : memref<128x128xf32, #tpu.memory_space<vmem_shared>>) target_semaphore(%run_scoped3A_45 : memref<!tpu.dma_semaphore, #tpu.memory_space<semaphore_mem>>)
        %dma_wait3A = arith.constant 0 : i32
        %dma_wait3A_57 = arith.constant 0 : i32
        %dma_wait3A_58 = tpu.memref_slice %arg8[%run_scoped3A, %dma_wait3A, %dma_wait3A_57] : memref<2x128x128xf32, #tpu.memory_space<vmem>> -> memref<1x128x128xf32, #tpu.memory_space<vmem>>
        %dma_wait3A_59 = tpu.memref_squeeze %dma_wait3A_58 : memref<1x128x128xf32, #tpu.memory_space<vmem>> -> memref<128x128xf32, #tpu.memory_space<vmem>>
        %dma_wait3A_60 = arith.constant 0 : i32
        %dma_wait3A_61 = tpu.memref_slice %arg9[%add3A_43, %dma_wait3A_60] : memref<10240x128xf32, #tpu.memory_space<vmem_shared>> -> memref<128x128xf32, #tpu.memory_space<vmem_shared>>
        %dma_wait3A_62 = arith.constant 0 : i32
        %dma_wait3A_63 = tpu.memref_slice %arg9[%add3A_43, %dma_wait3A_62] : memref<10240x128xf32, #tpu.memory_space<vmem_shared>> -> memref<128x128xf32, #tpu.memory_space<vmem_shared>>
        %dma_wait3A_64 = arith.constant 0 : i32
        %dma_wait3A_65 = arith.constant 0 : i32
        %dma_wait3A_66 = tpu.memref_slice %arg8[%run_scoped3A, %dma_wait3A_64, %dma_wait3A_65] : memref<2x128x128xf32, #tpu.memory_space<vmem>> -> memref<1x128x128xf32, #tpu.memory_space<vmem>>
        %dma_wait3A_67 = tpu.memref_squeeze %dma_wait3A_66 : memref<1x128x128xf32, #tpu.memory_space<vmem>> -> memref<128x128xf32, #tpu.memory_space<vmem>>
        tpu.wait_dma2 semaphore(%run_scoped3A_45 : memref<!tpu.dma_semaphore, #tpu.memory_space<semaphore_mem>>) src(%dma_wait3A_67 : memref<128x128xf32, #tpu.memory_space<vmem>>) dst(%dma_wait3A_63 : memref<128x128xf32, #tpu.memory_space<vmem_shared>>)
        tpu.yield
      }) : () -> ()
      %scan3A_44 = arith.constant 0 : i32
      scf.yield %scan3A_44 : i32
    }
    %scan3A_17 = arith.constant 5 : i32
    %barrier3A = arith.constant 0 : index
    tpu.barrier barrier_id(%barrier3A)
    "tpu.region"() ({
      %run_scoped3A = tpu.sem_alloc : memref<!tpu.dma_semaphore, #tpu.memory_space<semaphore_mem>>
      %dma_start3A = arith.constant 0 : i32
      %dma_start3A_37 = tpu.memref_slice %arg3[%mul3A_2, %dma_start3A] : memref<2560x128xi32, #tpu.memory_space<hbm>> -> memref<80x128xi32, #tpu.memory_space<hbm>>
      %dma_start3A_38 = arith.constant 0 : i32
      %dma_start3A_39 = tpu.memref_slice %arg3[%mul3A_2, %dma_start3A_38] : memref<2560x128xi32, #tpu.memory_space<hbm>> -> memref<80x128xi32, #tpu.memory_space<hbm>>
      tpu.enqueue_dma source(%dma_start3A_39 : memref<80x128xi32, #tpu.memory_space<hbm>>) target(%arg6 : memref<80x128xi32, #tpu.memory_space<vmem>>) target_semaphore(%run_scoped3A : memref<!tpu.dma_semaphore, #tpu.memory_space<semaphore_mem>>)
      %dma_wait3A = arith.constant 0 : i32
      %dma_wait3A_40 = tpu.memref_slice %arg3[%mul3A_2, %dma_wait3A] : memref<2560x128xi32, #tpu.memory_space<hbm>> -> memref<80x128xi32, #tpu.memory_space<hbm>>
      %dma_wait3A_41 = arith.constant 0 : i32
      %dma_wait3A_42 = tpu.memref_slice %arg3[%mul3A_2, %dma_wait3A_41] : memref<2560x128xi32, #tpu.memory_space<hbm>> -> memref<80x128xi32, #tpu.memory_space<hbm>>
      tpu.wait_dma2 semaphore(%run_scoped3A : memref<!tpu.dma_semaphore, #tpu.memory_space<semaphore_mem>>) src(%dma_wait3A_42 : memref<80x128xi32, #tpu.memory_space<hbm>>) dst(%arg6 : memref<80x128xi32, #tpu.memory_space<vmem>>)
      tpu.yield
    }) : () -> ()
    %add3A_18 = arith.constant 0 : i32
    %add3A_19 = arith.addi %mul3A_4, %add3A_18 : i32
    "tpu.region"() ({
      %run_scoped3A = tpu.sem_alloc : memref<!tpu.dma_semaphore, #tpu.memory_space<semaphore_mem>>
      %dma_start3A = arith.constant 0 : i32
      %dma_start3A_37 = arith.constant 0 : i32
      %dma_start3A_38 = tpu.memref_slice %arg7[%dma_start3A, %dma_start3A_37] : memref<4x128xi32, #tpu.memory_space<vmem>> -> memref<1x128xi32, #tpu.memory_space<vmem>>
      %dma_start3A_39 = arith.constant 0 : i32
      %dma_start3A_40 = tpu.memref_slice %arg4[%add3A_19, %dma_start3A_39] : memref<1280x128xi32, #tpu.memory_space<hbm>> -> memref<1x128xi32, #tpu.memory_space<hbm>>
      %dma_start3A_41 = arith.constant 0 : i32
      %dma_start3A_42 = arith.constant 0 : i32
      %dma_start3A_43 = tpu.memref_slice %arg7[%dma_start3A_41, %dma_start3A_42] : memref<4x128xi32, #tpu.memory_space<vmem>> -> memref<1x128xi32, #tpu.memory_space<vmem>>
      %dma_start3A_44 = arith.constant 0 : i32
      %dma_start3A_45 = tpu.memref_slice %arg4[%add3A_19, %dma_start3A_44] : memref<1280x128xi32, #tpu.memory_space<hbm>> -> memref<1x128xi32, #tpu.memory_space<hbm>>
      tpu.enqueue_dma source(%dma_start3A_45 : memref<1x128xi32, #tpu.memory_space<hbm>>) target(%dma_start3A_43 : memref<1x128xi32, #tpu.memory_space<vmem>>) target_semaphore(%run_scoped3A : memref<!tpu.dma_semaphore, #tpu.memory_space<semaphore_mem>>)
      %dma_wait3A = arith.constant 0 : i32
      %dma_wait3A_46 = arith.constant 0 : i32
      %dma_wait3A_47 = tpu.memref_slice %arg7[%dma_wait3A, %dma_wait3A_46] : memref<4x128xi32, #tpu.memory_space<vmem>> -> memref<1x128xi32, #tpu.memory_space<vmem>>
      %dma_wait3A_48 = arith.constant 0 : i32
      %dma_wait3A_49 = tpu.memref_slice %arg4[%add3A_19, %dma_wait3A_48] : memref<1280x128xi32, #tpu.memory_space<hbm>> -> memref<1x128xi32, #tpu.memory_space<hbm>>
      %dma_wait3A_50 = arith.constant 0 : i32
      %dma_wait3A_51 = arith.constant 0 : i32
      %dma_wait3A_52 = tpu.memref_slice %arg7[%dma_wait3A_50, %dma_wait3A_51] : memref<4x128xi32, #tpu.memory_space<vmem>> -> memref<1x128xi32, #tpu.memory_space<vmem>>
      %dma_wait3A_53 = arith.constant 0 : i32
      %dma_wait3A_54 = tpu.memref_slice %arg4[%add3A_19, %dma_wait3A_53] : memref<1280x128xi32, #tpu.memory_space<hbm>> -> memref<1x128xi32, #tpu.memory_space<hbm>>
      tpu.wait_dma2 semaphore(%run_scoped3A : memref<!tpu.dma_semaphore, #tpu.memory_space<semaphore_mem>>) src(%dma_wait3A_54 : memref<1x128xi32, #tpu.memory_space<hbm>>) dst(%dma_wait3A_52 : memref<1x128xi32, #tpu.memory_space<vmem>>)
      tpu.yield
    }) : () -> ()
    %add3A_20 = arith.constant 1 : i32
    %add3A_21 = arith.addi %mul3A_4, %add3A_20 : i32
    "tpu.region"() ({
      %run_scoped3A = tpu.sem_alloc : memref<!tpu.dma_semaphore, #tpu.memory_space<semaphore_mem>>
      %dma_start3A = arith.constant 1 : i32
      %dma_start3A_37 = arith.constant 0 : i32
      %dma_start3A_38 = tpu.memref_slice %arg7[%dma_start3A, %dma_start3A_37] : memref<4x128xi32, #tpu.memory_space<vmem>> -> memref<1x128xi32, #tpu.memory_space<vmem>>
      %dma_start3A_39 = arith.constant 0 : i32
      %dma_start3A_40 = tpu.memref_slice %arg4[%add3A_21, %dma_start3A_39] : memref<1280x128xi32, #tpu.memory_space<hbm>> -> memref<1x128xi32, #tpu.memory_space<hbm>>
      %dma_start3A_41 = arith.constant 1 : i32
      %dma_start3A_42 = arith.constant 0 : i32
      %dma_start3A_43 = tpu.memref_slice %arg7[%dma_start3A_41, %dma_start3A_42] : memref<4x128xi32, #tpu.memory_space<vmem>> -> memref<1x128xi32, #tpu.memory_space<vmem>>
      %dma_start3A_44 = arith.constant 0 : i32
      %dma_start3A_45 = tpu.memref_slice %arg4[%add3A_21, %dma_start3A_44] : memref<1280x128xi32, #tpu.memory_space<hbm>> -> memref<1x128xi32, #tpu.memory_space<hbm>>
      tpu.enqueue_dma source(%dma_start3A_45 : memref<1x128xi32, #tpu.memory_space<hbm>>) target(%dma_start3A_43 : memref<1x128xi32, #tpu.memory_space<vmem>>) target_semaphore(%run_scoped3A : memref<!tpu.dma_semaphore, #tpu.memory_space<semaphore_mem>>)
      %dma_wait3A = arith.constant 1 : i32
      %dma_wait3A_46 = arith.constant 0 : i32
      %dma_wait3A_47 = tpu.memref_slice %arg7[%dma_wait3A, %dma_wait3A_46] : memref<4x128xi32, #tpu.memory_space<vmem>> -> memref<1x128xi32, #tpu.memory_space<vmem>>
      %dma_wait3A_48 = arith.constant 0 : i32
      %dma_wait3A_49 = tpu.memref_slice %arg4[%add3A_21, %dma_wait3A_48] : memref<1280x128xi32, #tpu.memory_space<hbm>> -> memref<1x128xi32, #tpu.memory_space<hbm>>
      %dma_wait3A_50 = arith.constant 1 : i32
      %dma_wait3A_51 = arith.constant 0 : i32
      %dma_wait3A_52 = tpu.memref_slice %arg7[%dma_wait3A_50, %dma_wait3A_51] : memref<4x128xi32, #tpu.memory_space<vmem>> -> memref<1x128xi32, #tpu.memory_space<vmem>>
      %dma_wait3A_53 = arith.constant 0 : i32
      %dma_wait3A_54 = tpu.memref_slice %arg4[%add3A_21, %dma_wait3A_53] : memref<1280x128xi32, #tpu.memory_space<hbm>> -> memref<1x128xi32, #tpu.memory_space<hbm>>
      tpu.wait_dma2 semaphore(%run_scoped3A : memref<!tpu.dma_semaphore, #tpu.memory_space<semaphore_mem>>) src(%dma_wait3A_54 : memref<1x128xi32, #tpu.memory_space<hbm>>) dst(%dma_wait3A_52 : memref<1x128xi32, #tpu.memory_space<vmem>>)
      tpu.yield
    }) : () -> ()
    %scan3A_22 = arith.constant 0 : i32
    %scan3A_23 = arith.constant 0 : i32
    %scan3A_24 = arith.constant 20 : i32
    %scan3A_25 = arith.addi %scan3A_23, %scan3A_24 : i32
    %scan3A_26 = arith.constant 1 : i32
    %scan3A_27 = scf.for %scan3A_37 = %scan3A_23 to %scan3A_25 step %scan3A_26 iter_args(%scan3A_38 = %scan3A_22) -> (i32)  : i32 {
      %mul3A_39 = arith.constant 4 : i32
      %mul3A_40 = arith.muli %mul3A_39, %scan3A_37 : i32
      %add3A_41 = arith.constant 0 : i32
      %add3A_42 = arith.addi %mul3A_40, %add3A_41 : i32
      %dma_start3A = arith.constant 0 : i32
      %dma_start3A_43 = arith.constant 0 : i32
      %dma_start3A_44 = arith.constant 0 : i32
      %dma_start3A_45 = tpu.memref_slice %arg8[%dma_start3A, %dma_start3A_43, %dma_start3A_44] : memref<2x128x128xf32, #tpu.memory_space<vmem>> -> memref<1x128x128xf32, #tpu.memory_space<vmem>>
      %dma_start3A_46 = tpu.memref_squeeze %dma_start3A_45 : memref<1x128x128xf32, #tpu.memory_space<vmem>> -> memref<128x128xf32, #tpu.memory_space<vmem>>
      %dma_start3A_47 = arith.constant 0 : i32
      %dma_start3A_48 = tpu.memref_slice %arg6[%add3A_42, %dma_start3A_47] : memref<80x128xi32, #tpu.memory_space<vmem>> -> memref<1x128xi32, #tpu.memory_space<vmem>>
      %dma_start3A_49 = tpu.memref_squeeze %dma_start3A_48 : memref<1x128xi32, #tpu.memory_space<vmem>> -> memref<128xi32, #tpu.memory_space<vmem>>
      %dma_start3A_50 = arith.constant 0 : i32
      %dma_start3A_51 = arith.constant 0 : i32
      %dma_start3A_52 = tpu.memref_slice %arg2[%dma_start3A_50, %dma_start3A_51] : memref<20480x128xf32, #tpu.memory_space<hbm>> -> memref<20480x128xf32, #tpu.memory_space<hbm>>
      tpu.enqueue_indirect_dma source(%dma_start3A_52 : memref<20480x128xf32, #tpu.memory_space<hbm>>) target(%dma_start3A_46 : memref<128x128xf32, #tpu.memory_space<vmem>>) offsets(%dma_start3A_49 : memref<128xi32, #tpu.memory_space<vmem>>) semaphore(%arg10 : memref<!tpu.dma_semaphore, #tpu.memory_space<semaphore_mem>>)
      %add3A_53 = arith.constant 1 : i32
      %add3A_54 = arith.addi %add3A_42, %add3A_53 : i32
      %dma_start3A_55 = arith.constant 1 : i32
      %dma_start3A_56 = arith.constant 0 : i32
      %dma_start3A_57 = arith.constant 0 : i32
      %dma_start3A_58 = tpu.memref_slice %arg8[%dma_start3A_55, %dma_start3A_56, %dma_start3A_57] : memref<2x128x128xf32, #tpu.memory_space<vmem>> -> memref<1x128x128xf32, #tpu.memory_space<vmem>>
      %dma_start3A_59 = tpu.memref_squeeze %dma_start3A_58 : memref<1x128x128xf32, #tpu.memory_space<vmem>> -> memref<128x128xf32, #tpu.memory_space<vmem>>
      %dma_start3A_60 = arith.constant 0 : i32
      %dma_start3A_61 = tpu.memref_slice %arg6[%add3A_54, %dma_start3A_60] : memref<80x128xi32, #tpu.memory_space<vmem>> -> memref<1x128xi32, #tpu.memory_space<vmem>>
      %dma_start3A_62 = tpu.memref_squeeze %dma_start3A_61 : memref<1x128xi32, #tpu.memory_space<vmem>> -> memref<128xi32, #tpu.memory_space<vmem>>
      %dma_start3A_63 = arith.constant 0 : i32
      %dma_start3A_64 = arith.constant 0 : i32
      %dma_start3A_65 = tpu.memref_slice %arg2[%dma_start3A_63, %dma_start3A_64] : memref<20480x128xf32, #tpu.memory_space<hbm>> -> memref<20480x128xf32, #tpu.memory_space<hbm>>
      tpu.enqueue_indirect_dma source(%dma_start3A_65 : memref<20480x128xf32, #tpu.memory_space<hbm>>) target(%dma_start3A_59 : memref<128x128xf32, #tpu.memory_space<vmem>>) offsets(%dma_start3A_62 : memref<128xi32, #tpu.memory_space<vmem>>) semaphore(%arg11 : memref<!tpu.dma_semaphore, #tpu.memory_space<semaphore_mem>>)
      %add3A_66 = arith.constant 2 : i32
      %add3A_67 = arith.addi %add3A_42, %add3A_66 : i32
      %lt3A = arith.constant 80 : i32
      %lt3A_68 = arith.cmpi slt, %add3A_67, %lt3A : i32
      %convert_element_type3A = arith.extui %lt3A_68 : i1 to i32
      %cond3A = arith.constant 0 : i32
      %cond3A_69 = arith.cmpi ne, %convert_element_type3A, %cond3A : i32
      scf.if %cond3A_69 {
        %add3A_154 = arith.addi %mul3A_4, %add3A_42 : i32
        %add3A_155 = arith.constant 2 : i32
        %add3A_156 = arith.addi %add3A_154, %add3A_155 : i32
        "tpu.region"() ({
          %run_scoped3A_157 = tpu.sem_alloc : memref<!tpu.dma_semaphore, #tpu.memory_space<semaphore_mem>>
          %dma_start3A_158 = arith.constant 2 : i32
          %dma_start3A_159 = arith.constant 0 : i32
          %dma_start3A_160 = tpu.memref_slice %arg7[%dma_start3A_158, %dma_start3A_159] : memref<4x128xi32, #tpu.memory_space<vmem>> -> memref<2x128xi32, #tpu.memory_space<vmem>>
          %dma_start3A_161 = arith.constant 0 : i32
          %dma_start3A_162 = tpu.memref_slice %arg4[%add3A_156, %dma_start3A_161] : memref<1280x128xi32, #tpu.memory_space<hbm>> -> memref<2x128xi32, #tpu.memory_space<hbm>>
          %dma_start3A_163 = arith.constant 2 : i32
          %dma_start3A_164 = arith.constant 0 : i32
          %dma_start3A_165 = tpu.memref_slice %arg7[%dma_start3A_163, %dma_start3A_164] : memref<4x128xi32, #tpu.memory_space<vmem>> -> memref<2x128xi32, #tpu.memory_space<vmem>>
          %dma_start3A_166 = arith.constant 0 : i32
          %dma_start3A_167 = tpu.memref_slice %arg4[%add3A_156, %dma_start3A_166] : memref<1280x128xi32, #tpu.memory_space<hbm>> -> memref<2x128xi32, #tpu.memory_space<hbm>>
          tpu.enqueue_dma source(%dma_start3A_167 : memref<2x128xi32, #tpu.memory_space<hbm>>) target(%dma_start3A_165 : memref<2x128xi32, #tpu.memory_space<vmem>>) target_semaphore(%run_scoped3A_157 : memref<!tpu.dma_semaphore, #tpu.memory_space<semaphore_mem>>)
          %dma_wait3A_168 = arith.constant 2 : i32
          %dma_wait3A_169 = arith.constant 0 : i32
          %dma_wait3A_170 = tpu.memref_slice %arg7[%dma_wait3A_168, %dma_wait3A_169] : memref<4x128xi32, #tpu.memory_space<vmem>> -> memref<2x128xi32, #tpu.memory_space<vmem>>
          %dma_wait3A_171 = arith.constant 0 : i32
          %dma_wait3A_172 = tpu.memref_slice %arg4[%add3A_156, %dma_wait3A_171] : memref<1280x128xi32, #tpu.memory_space<hbm>> -> memref<2x128xi32, #tpu.memory_space<hbm>>
          %dma_wait3A_173 = arith.constant 2 : i32
          %dma_wait3A_174 = arith.constant 0 : i32
          %dma_wait3A_175 = tpu.memref_slice %arg7[%dma_wait3A_173, %dma_wait3A_174] : memref<4x128xi32, #tpu.memory_space<vmem>> -> memref<2x128xi32, #tpu.memory_space<vmem>>
          %dma_wait3A_176 = arith.constant 0 : i32
          %dma_wait3A_177 = tpu.memref_slice %arg4[%add3A_156, %dma_wait3A_176] : memref<1280x128xi32, #tpu.memory_space<hbm>> -> memref<2x128xi32, #tpu.memory_space<hbm>>
          tpu.wait_dma2 semaphore(%run_scoped3A_157 : memref<!tpu.dma_semaphore, #tpu.memory_space<semaphore_mem>>) src(%dma_wait3A_177 : memref<2x128xi32, #tpu.memory_space<hbm>>) dst(%dma_wait3A_175 : memref<2x128xi32, #tpu.memory_space<vmem>>)
          tpu.yield
        }) : () -> ()
      } else {
      }
      %dma_wait3A = arith.constant 0 : i32
      %dma_wait3A_70 = arith.constant 0 : i32
      %dma_wait3A_71 = arith.constant 0 : i32
      %dma_wait3A_72 = tpu.memref_slice %arg8[%dma_wait3A, %dma_wait3A_70, %dma_wait3A_71] : memref<2x128x128xf32, #tpu.memory_space<vmem>> -> memref<1x128x128xf32, #tpu.memory_space<vmem>>
      %dma_wait3A_73 = tpu.memref_squeeze %dma_wait3A_72 : memref<1x128x128xf32, #tpu.memory_space<vmem>> -> memref<128x128xf32, #tpu.memory_space<vmem>>
      %dma_wait3A_74 = arith.constant 0 : i32
      %dma_wait3A_75 = tpu.memref_slice %arg6[%add3A_42, %dma_wait3A_74] : memref<80x128xi32, #tpu.memory_space<vmem>> -> memref<1x128xi32, #tpu.memory_space<vmem>>
      %dma_wait3A_76 = tpu.memref_squeeze %dma_wait3A_75 : memref<1x128xi32, #tpu.memory_space<vmem>> -> memref<128xi32, #tpu.memory_space<vmem>>
      %dma_wait3A_77 = arith.constant 0 : i32
      %dma_wait3A_78 = arith.constant 0 : i32
      %dma_wait3A_79 = tpu.memref_slice %arg2[%dma_wait3A_77, %dma_wait3A_78] : memref<20480x128xf32, #tpu.memory_space<hbm>> -> memref<20480x128xf32, #tpu.memory_space<hbm>>
      tpu.wait_indirect_dma semaphore(%arg10 : memref<!tpu.dma_semaphore, #tpu.memory_space<semaphore_mem>>) src(%dma_wait3A_79 : memref<20480x128xf32, #tpu.memory_space<hbm>>) dst(%dma_wait3A_73 : memref<128x128xf32, #tpu.memory_space<vmem>>)
      %run_scoped3A = arith.constant 0 : i32
      %run_scoped3A_80 = arith.constant 0 : i32
      "tpu.region"() ({
        %run_scoped3A_154 = tpu.sem_alloc : memref<!tpu.dma_semaphore, #tpu.memory_space<semaphore_mem>>
        %dma_start3A_155 = arith.constant 0 : i32
        %dma_start3A_156 = arith.constant 0 : i32
        %dma_start3A_157 = tpu.memref_slice %arg8[%run_scoped3A, %dma_start3A_155, %dma_start3A_156] : memref<2x128x128xf32, #tpu.memory_space<vmem>> -> memref<1x128x128xf32, #tpu.memory_space<vmem>>
        %dma_start3A_158 = tpu.memref_squeeze %dma_start3A_157 : memref<1x128x128xf32, #tpu.memory_space<vmem>> -> memref<128x128xf32, #tpu.memory_space<vmem>>
        %dma_start3A_159 = arith.constant 0 : i32
        %dma_start3A_160 = tpu.memref_slice %arg7[%run_scoped3A_80, %dma_start3A_159] : memref<4x128xi32, #tpu.memory_space<vmem>> -> memref<1x128xi32, #tpu.memory_space<vmem>>
        %dma_start3A_161 = tpu.memref_squeeze %dma_start3A_160 : memref<1x128xi32, #tpu.memory_space<vmem>> -> memref<128xi32, #tpu.memory_space<vmem>>
        %dma_start3A_162 = arith.constant 0 : i32
        %dma_start3A_163 = arith.constant 0 : i32
        %dma_start3A_164 = tpu.memref_slice %arg9[%dma_start3A_162, %dma_start3A_163] : memref<10240x128xf32, #tpu.memory_space<vmem_shared>> -> memref<10240x128xf32, #tpu.memory_space<vmem_shared>>
        tpu.enqueue_indirect_dma source(%dma_start3A_158 : memref<128x128xf32, #tpu.memory_space<vmem>>) target(%dma_start3A_164 : memref<10240x128xf32, #tpu.memory_space<vmem_shared>>) offsets(%dma_start3A_161 : memref<128xi32, #tpu.memory_space<vmem>>) semaphore(%run_scoped3A_154 : memref<!tpu.dma_semaphore, #tpu.memory_space<semaphore_mem>>) {add = true}
        %dma_wait3A_165 = arith.constant 0 : i32
        %dma_wait3A_166 = arith.constant 0 : i32
        %dma_wait3A_167 = tpu.memref_slice %arg8[%run_scoped3A, %dma_wait3A_165, %dma_wait3A_166] : memref<2x128x128xf32, #tpu.memory_space<vmem>> -> memref<1x128x128xf32, #tpu.memory_space<vmem>>
        %dma_wait3A_168 = tpu.memref_squeeze %dma_wait3A_167 : memref<1x128x128xf32, #tpu.memory_space<vmem>> -> memref<128x128xf32, #tpu.memory_space<vmem>>
        %dma_wait3A_169 = arith.constant 0 : i32
        %dma_wait3A_170 = tpu.memref_slice %arg7[%run_scoped3A_80, %dma_wait3A_169] : memref<4x128xi32, #tpu.memory_space<vmem>> -> memref<1x128xi32, #tpu.memory_space<vmem>>
        %dma_wait3A_171 = tpu.memref_squeeze %dma_wait3A_170 : memref<1x128xi32, #tpu.memory_space<vmem>> -> memref<128xi32, #tpu.memory_space<vmem>>
        %dma_wait3A_172 = arith.constant 0 : i32
        %dma_wait3A_173 = arith.constant 0 : i32
        %dma_wait3A_174 = tpu.memref_slice %arg9[%dma_wait3A_172, %dma_wait3A_173] : memref<10240x128xf32, #tpu.memory_space<vmem_shared>> -> memref<10240x128xf32, #tpu.memory_space<vmem_shared>>
        tpu.wait_indirect_dma semaphore(%run_scoped3A_154 : memref<!tpu.dma_semaphore, #tpu.memory_space<semaphore_mem>>) src(%dma_wait3A_168 : memref<128x128xf32, #tpu.memory_space<vmem>>) dst(%dma_wait3A_174 : memref<10240x128xf32, #tpu.memory_space<vmem_shared>>)
        tpu.yield
      }) : () -> ()
      %dma_wait3A_81 = arith.constant 1 : i32
      %dma_wait3A_82 = arith.constant 0 : i32
      %dma_wait3A_83 = arith.constant 0 : i32
      %dma_wait3A_84 = tpu.memref_slice %arg8[%dma_wait3A_81, %dma_wait3A_82, %dma_wait3A_83] : memref<2x128x128xf32, #tpu.memory_space<vmem>> -> memref<1x128x128xf32, #tpu.memory_space<vmem>>
      %dma_wait3A_85 = tpu.memref_squeeze %dma_wait3A_84 : memref<1x128x128xf32, #tpu.memory_space<vmem>> -> memref<128x128xf32, #tpu.memory_space<vmem>>
      %dma_wait3A_86 = arith.constant 0 : i32
      %dma_wait3A_87 = tpu.memref_slice %arg6[%add3A_54, %dma_wait3A_86] : memref<80x128xi32, #tpu.memory_space<vmem>> -> memref<1x128xi32, #tpu.memory_space<vmem>>
      %dma_wait3A_88 = tpu.memref_squeeze %dma_wait3A_87 : memref<1x128xi32, #tpu.memory_space<vmem>> -> memref<128xi32, #tpu.memory_space<vmem>>
      %dma_wait3A_89 = arith.constant 0 : i32
      %dma_wait3A_90 = arith.constant 0 : i32
      %dma_wait3A_91 = tpu.memref_slice %arg2[%dma_wait3A_89, %dma_wait3A_90] : memref<20480x128xf32, #tpu.memory_space<hbm>> -> memref<20480x128xf32, #tpu.memory_space<hbm>>
      tpu.wait_indirect_dma semaphore(%arg11 : memref<!tpu.dma_semaphore, #tpu.memory_space<semaphore_mem>>) src(%dma_wait3A_91 : memref<20480x128xf32, #tpu.memory_space<hbm>>) dst(%dma_wait3A_85 : memref<128x128xf32, #tpu.memory_space<vmem>>)
      %run_scoped3A_92 = arith.constant 1 : i32
      %run_scoped3A_93 = arith.constant 1 : i32
      "tpu.region"() ({
        %run_scoped3A_154 = tpu.sem_alloc : memref<!tpu.dma_semaphore, #tpu.memory_space<semaphore_mem>>
        %dma_start3A_155 = arith.constant 0 : i32
        %dma_start3A_156 = arith.constant 0 : i32
        %dma_start3A_157 = tpu.memref_slice %arg8[%run_scoped3A_92, %dma_start3A_155, %dma_start3A_156] : memref<2x128x128xf32, #tpu.memory_space<vmem>> -> memref<1x128x128xf32, #tpu.memory_space<vmem>>
        %dma_start3A_158 = tpu.memref_squeeze %dma_start3A_157 : memref<1x128x128xf32, #tpu.memory_space<vmem>> -> memref<128x128xf32, #tpu.memory_space<vmem>>
        %dma_start3A_159 = arith.constant 0 : i32
        %dma_start3A_160 = tpu.memref_slice %arg7[%run_scoped3A_93, %dma_start3A_159] : memref<4x128xi32, #tpu.memory_space<vmem>> -> memref<1x128xi32, #tpu.memory_space<vmem>>
        %dma_start3A_161 = tpu.memref_squeeze %dma_start3A_160 : memref<1x128xi32, #tpu.memory_space<vmem>> -> memref<128xi32, #tpu.memory_space<vmem>>
        %dma_start3A_162 = arith.constant 0 : i32
        %dma_start3A_163 = arith.constant 0 : i32
        %dma_start3A_164 = tpu.memref_slice %arg9[%dma_start3A_162, %dma_start3A_163] : memref<10240x128xf32, #tpu.memory_space<vmem_shared>> -> memref<10240x128xf32, #tpu.memory_space<vmem_shared>>
        tpu.enqueue_indirect_dma source(%dma_start3A_158 : memref<128x128xf32, #tpu.memory_space<vmem>>) target(%dma_start3A_164 : memref<10240x128xf32, #tpu.memory_space<vmem_shared>>) offsets(%dma_start3A_161 : memref<128xi32, #tpu.memory_space<vmem>>) semaphore(%run_scoped3A_154 : memref<!tpu.dma_semaphore, #tpu.memory_space<semaphore_mem>>) {add = true}
        %dma_wait3A_165 = arith.constant 0 : i32
        %dma_wait3A_166 = arith.constant 0 : i32
        %dma_wait3A_167 = tpu.memref_slice %arg8[%run_scoped3A_92, %dma_wait3A_165, %dma_wait3A_166] : memref<2x128x128xf32, #tpu.memory_space<vmem>> -> memref<1x128x128xf32, #tpu.memory_space<vmem>>
        %dma_wait3A_168 = tpu.memref_squeeze %dma_wait3A_167 : memref<1x128x128xf32, #tpu.memory_space<vmem>> -> memref<128x128xf32, #tpu.memory_space<vmem>>
        %dma_wait3A_169 = arith.constant 0 : i32
        %dma_wait3A_170 = tpu.memref_slice %arg7[%run_scoped3A_93, %dma_wait3A_169] : memref<4x128xi32, #tpu.memory_space<vmem>> -> memref<1x128xi32, #tpu.memory_space<vmem>>
        %dma_wait3A_171 = tpu.memref_squeeze %dma_wait3A_170 : memref<1x128xi32, #tpu.memory_space<vmem>> -> memref<128xi32, #tpu.memory_space<vmem>>
        %dma_wait3A_172 = arith.constant 0 : i32
        %dma_wait3A_173 = arith.constant 0 : i32
        %dma_wait3A_174 = tpu.memref_slice %arg9[%dma_wait3A_172, %dma_wait3A_173] : memref<10240x128xf32, #tpu.memory_space<vmem_shared>> -> memref<10240x128xf32, #tpu.memory_space<vmem_shared>>
        tpu.wait_indirect_dma semaphore(%run_scoped3A_154 : memref<!tpu.dma_semaphore, #tpu.memory_space<semaphore_mem>>) src(%dma_wait3A_168 : memref<128x128xf32, #tpu.memory_space<vmem>>) dst(%dma_wait3A_174 : memref<10240x128xf32, #tpu.memory_space<vmem_shared>>)
        tpu.yield
      }) : () -> ()
      %add3A_94 = arith.constant 2 : i32
      %add3A_95 = arith.addi %mul3A_40, %add3A_94 : i32
      %dma_start3A_96 = arith.constant 0 : i32
      %dma_start3A_97 = arith.constant 0 : i32
      %dma_start3A_98 = arith.constant 0 : i32
      %dma_start3A_99 = tpu.memref_slice %arg8[%dma_start3A_96, %dma_start3A_97, %dma_start3A_98] : memref<2x128x128xf32, #tpu.memory_space<vmem>> -> memref<1x128x128xf32, #tpu.memory_space<vmem>>
      %dma_start3A_100 = tpu.memref_squeeze %dma_start3A_99 : memref<1x128x128xf32, #tpu.memory_space<vmem>> -> memref<128x128xf32, #tpu.memory_space<vmem>>
      %dma_start3A_101 = arith.constant 0 : i32
      %dma_start3A_102 = tpu.memref_slice %arg6[%add3A_95, %dma_start3A_101] : memref<80x128xi32, #tpu.memory_space<vmem>> -> memref<1x128xi32, #tpu.memory_space<vmem>>
      %dma_start3A_103 = tpu.memref_squeeze %dma_start3A_102 : memref<1x128xi32, #tpu.memory_space<vmem>> -> memref<128xi32, #tpu.memory_space<vmem>>
      %dma_start3A_104 = arith.constant 0 : i32
      %dma_start3A_105 = arith.constant 0 : i32
      %dma_start3A_106 = tpu.memref_slice %arg2[%dma_start3A_104, %dma_start3A_105] : memref<20480x128xf32, #tpu.memory_space<hbm>> -> memref<20480x128xf32, #tpu.memory_space<hbm>>
      tpu.enqueue_indirect_dma source(%dma_start3A_106 : memref<20480x128xf32, #tpu.memory_space<hbm>>) target(%dma_start3A_100 : memref<128x128xf32, #tpu.memory_space<vmem>>) offsets(%dma_start3A_103 : memref<128xi32, #tpu.memory_space<vmem>>) semaphore(%arg10 : memref<!tpu.dma_semaphore, #tpu.memory_space<semaphore_mem>>)
      %add3A_107 = arith.constant 1 : i32
      %add3A_108 = arith.addi %add3A_95, %add3A_107 : i32
      %dma_start3A_109 = arith.constant 1 : i32
      %dma_start3A_110 = arith.constant 0 : i32
      %dma_start3A_111 = arith.constant 0 : i32
      %dma_start3A_112 = tpu.memref_slice %arg8[%dma_start3A_109, %dma_start3A_110, %dma_start3A_111] : memref<2x128x128xf32, #tpu.memory_space<vmem>> -> memref<1x128x128xf32, #tpu.memory_space<vmem>>
      %dma_start3A_113 = tpu.memref_squeeze %dma_start3A_112 : memref<1x128x128xf32, #tpu.memory_space<vmem>> -> memref<128x128xf32, #tpu.memory_space<vmem>>
      %dma_start3A_114 = arith.constant 0 : i32
      %dma_start3A_115 = tpu.memref_slice %arg6[%add3A_108, %dma_start3A_114] : memref<80x128xi32, #tpu.memory_space<vmem>> -> memref<1x128xi32, #tpu.memory_space<vmem>>
      %dma_start3A_116 = tpu.memref_squeeze %dma_start3A_115 : memref<1x128xi32, #tpu.memory_space<vmem>> -> memref<128xi32, #tpu.memory_space<vmem>>
      %dma_start3A_117 = arith.constant 0 : i32
      %dma_start3A_118 = arith.constant 0 : i32
      %dma_start3A_119 = tpu.memref_slice %arg2[%dma_start3A_117, %dma_start3A_118] : memref<20480x128xf32, #tpu.memory_space<hbm>> -> memref<20480x128xf32, #tpu.memory_space<hbm>>
      tpu.enqueue_indirect_dma source(%dma_start3A_119 : memref<20480x128xf32, #tpu.memory_space<hbm>>) target(%dma_start3A_113 : memref<128x128xf32, #tpu.memory_space<vmem>>) offsets(%dma_start3A_116 : memref<128xi32, #tpu.memory_space<vmem>>) semaphore(%arg11 : memref<!tpu.dma_semaphore, #tpu.memory_space<semaphore_mem>>)
      %add3A_120 = arith.constant 2 : i32
      %add3A_121 = arith.addi %add3A_95, %add3A_120 : i32
      %lt3A_122 = arith.constant 80 : i32
      %lt3A_123 = arith.cmpi slt, %add3A_121, %lt3A_122 : i32
      %convert_element_type3A_124 = arith.extui %lt3A_123 : i1 to i32
      %cond3A_125 = arith.constant 0 : i32
      %cond3A_126 = arith.cmpi ne, %convert_element_type3A_124, %cond3A_125 : i32
      scf.if %cond3A_126 {
        %add3A_154 = arith.addi %mul3A_4, %add3A_95 : i32
        %add3A_155 = arith.constant 2 : i32
        %add3A_156 = arith.addi %add3A_154, %add3A_155 : i32
        "tpu.region"() ({
          %run_scoped3A_157 = tpu.sem_alloc : memref<!tpu.dma_semaphore, #tpu.memory_space<semaphore_mem>>
          %dma_start3A_158 = arith.constant 0 : i32
          %dma_start3A_159 = arith.constant 0 : i32
          %dma_start3A_160 = tpu.memref_slice %arg7[%dma_start3A_158, %dma_start3A_159] : memref<4x128xi32, #tpu.memory_space<vmem>> -> memref<2x128xi32, #tpu.memory_space<vmem>>
          %dma_start3A_161 = arith.constant 0 : i32
          %dma_start3A_162 = tpu.memref_slice %arg4[%add3A_156, %dma_start3A_161] : memref<1280x128xi32, #tpu.memory_space<hbm>> -> memref<2x128xi32, #tpu.memory_space<hbm>>
          %dma_start3A_163 = arith.constant 0 : i32
          %dma_start3A_164 = arith.constant 0 : i32
          %dma_start3A_165 = tpu.memref_slice %arg7[%dma_start3A_163, %dma_start3A_164] : memref<4x128xi32, #tpu.memory_space<vmem>> -> memref<2x128xi32, #tpu.memory_space<vmem>>
          %dma_start3A_166 = arith.constant 0 : i32
          %dma_start3A_167 = tpu.memref_slice %arg4[%add3A_156, %dma_start3A_166] : memref<1280x128xi32, #tpu.memory_space<hbm>> -> memref<2x128xi32, #tpu.memory_space<hbm>>
          tpu.enqueue_dma source(%dma_start3A_167 : memref<2x128xi32, #tpu.memory_space<hbm>>) target(%dma_start3A_165 : memref<2x128xi32, #tpu.memory_space<vmem>>) target_semaphore(%run_scoped3A_157 : memref<!tpu.dma_semaphore, #tpu.memory_space<semaphore_mem>>)
          %dma_wait3A_168 = arith.constant 0 : i32
          %dma_wait3A_169 = arith.constant 0 : i32
          %dma_wait3A_170 = tpu.memref_slice %arg7[%dma_wait3A_168, %dma_wait3A_169] : memref<4x128xi32, #tpu.memory_space<vmem>> -> memref<2x128xi32, #tpu.memory_space<vmem>>
          %dma_wait3A_171 = arith.constant 0 : i32
          %dma_wait3A_172 = tpu.memref_slice %arg4[%add3A_156, %dma_wait3A_171] : memref<1280x128xi32, #tpu.memory_space<hbm>> -> memref<2x128xi32, #tpu.memory_space<hbm>>
          %dma_wait3A_173 = arith.constant 0 : i32
          %dma_wait3A_174 = arith.constant 0 : i32
          %dma_wait3A_175 = tpu.memref_slice %arg7[%dma_wait3A_173, %dma_wait3A_174] : memref<4x128xi32, #tpu.memory_space<vmem>> -> memref<2x128xi32, #tpu.memory_space<vmem>>
          %dma_wait3A_176 = arith.constant 0 : i32
          %dma_wait3A_177 = tpu.memref_slice %arg4[%add3A_156, %dma_wait3A_176] : memref<1280x128xi32, #tpu.memory_space<hbm>> -> memref<2x128xi32, #tpu.memory_space<hbm>>
          tpu.wait_dma2 semaphore(%run_scoped3A_157 : memref<!tpu.dma_semaphore, #tpu.memory_space<semaphore_mem>>) src(%dma_wait3A_177 : memref<2x128xi32, #tpu.memory_space<hbm>>) dst(%dma_wait3A_175 : memref<2x128xi32, #tpu.memory_space<vmem>>)
          tpu.yield
        }) : () -> ()
      } else {
      }
      %dma_wait3A_127 = arith.constant 0 : i32
      %dma_wait3A_128 = arith.constant 0 : i32
      %dma_wait3A_129 = arith.constant 0 : i32
      %dma_wait3A_130 = tpu.memref_slice %arg8[%dma_wait3A_127, %dma_wait3A_128, %dma_wait3A_129] : memref<2x128x128xf32, #tpu.memory_space<vmem>> -> memref<1x128x128xf32, #tpu.memory_space<vmem>>
      %dma_wait3A_131 = tpu.memref_squeeze %dma_wait3A_130 : memref<1x128x128xf32, #tpu.memory_space<vmem>> -> memref<128x128xf32, #tpu.memory_space<vmem>>
      %dma_wait3A_132 = arith.constant 0 : i32
      %dma_wait3A_133 = tpu.memref_slice %arg6[%add3A_95, %dma_wait3A_132] : memref<80x128xi32, #tpu.memory_space<vmem>> -> memref<1x128xi32, #tpu.memory_space<vmem>>
      %dma_wait3A_134 = tpu.memref_squeeze %dma_wait3A_133 : memref<1x128xi32, #tpu.memory_space<vmem>> -> memref<128xi32, #tpu.memory_space<vmem>>
      %dma_wait3A_135 = arith.constant 0 : i32
      %dma_wait3A_136 = arith.constant 0 : i32
      %dma_wait3A_137 = tpu.memref_slice %arg2[%dma_wait3A_135, %dma_wait3A_136] : memref<20480x128xf32, #tpu.memory_space<hbm>> -> memref<20480x128xf32, #tpu.memory_space<hbm>>
      tpu.wait_indirect_dma semaphore(%arg10 : memref<!tpu.dma_semaphore, #tpu.memory_space<semaphore_mem>>) src(%dma_wait3A_137 : memref<20480x128xf32, #tpu.memory_space<hbm>>) dst(%dma_wait3A_131 : memref<128x128xf32, #tpu.memory_space<vmem>>)
      %run_scoped3A_138 = arith.constant 0 : i32
      %run_scoped3A_139 = arith.constant 2 : i32
      "tpu.region"() ({
        %run_scoped3A_154 = tpu.sem_alloc : memref<!tpu.dma_semaphore, #tpu.memory_space<semaphore_mem>>
        %dma_start3A_155 = arith.constant 0 : i32
        %dma_start3A_156 = arith.constant 0 : i32
        %dma_start3A_157 = tpu.memref_slice %arg8[%run_scoped3A_138, %dma_start3A_155, %dma_start3A_156] : memref<2x128x128xf32, #tpu.memory_space<vmem>> -> memref<1x128x128xf32, #tpu.memory_space<vmem>>
        %dma_start3A_158 = tpu.memref_squeeze %dma_start3A_157 : memref<1x128x128xf32, #tpu.memory_space<vmem>> -> memref<128x128xf32, #tpu.memory_space<vmem>>
        %dma_start3A_159 = arith.constant 0 : i32
        %dma_start3A_160 = tpu.memref_slice %arg7[%run_scoped3A_139, %dma_start3A_159] : memref<4x128xi32, #tpu.memory_space<vmem>> -> memref<1x128xi32, #tpu.memory_space<vmem>>
        %dma_start3A_161 = tpu.memref_squeeze %dma_start3A_160 : memref<1x128xi32, #tpu.memory_space<vmem>> -> memref<128xi32, #tpu.memory_space<vmem>>
        %dma_start3A_162 = arith.constant 0 : i32
        %dma_start3A_163 = arith.constant 0 : i32
        %dma_start3A_164 = tpu.memref_slice %arg9[%dma_start3A_162, %dma_start3A_163] : memref<10240x128xf32, #tpu.memory_space<vmem_shared>> -> memref<10240x128xf32, #tpu.memory_space<vmem_shared>>
        tpu.enqueue_indirect_dma source(%dma_start3A_158 : memref<128x128xf32, #tpu.memory_space<vmem>>) target(%dma_start3A_164 : memref<10240x128xf32, #tpu.memory_space<vmem_shared>>) offsets(%dma_start3A_161 : memref<128xi32, #tpu.memory_space<vmem>>) semaphore(%run_scoped3A_154 : memref<!tpu.dma_semaphore, #tpu.memory_space<semaphore_mem>>) {add = true}
        %dma_wait3A_165 = arith.constant 0 : i32
        %dma_wait3A_166 = arith.constant 0 : i32
        %dma_wait3A_167 = tpu.memref_slice %arg8[%run_scoped3A_138, %dma_wait3A_165, %dma_wait3A_166] : memref<2x128x128xf32, #tpu.memory_space<vmem>> -> memref<1x128x128xf32, #tpu.memory_space<vmem>>
        %dma_wait3A_168 = tpu.memref_squeeze %dma_wait3A_167 : memref<1x128x128xf32, #tpu.memory_space<vmem>> -> memref<128x128xf32, #tpu.memory_space<vmem>>
        %dma_wait3A_169 = arith.constant 0 : i32
        %dma_wait3A_170 = tpu.memref_slice %arg7[%run_scoped3A_139, %dma_wait3A_169] : memref<4x128xi32, #tpu.memory_space<vmem>> -> memref<1x128xi32, #tpu.memory_space<vmem>>
        %dma_wait3A_171 = tpu.memref_squeeze %dma_wait3A_170 : memref<1x128xi32, #tpu.memory_space<vmem>> -> memref<128xi32, #tpu.memory_space<vmem>>
        %dma_wait3A_172 = arith.constant 0 : i32
        %dma_wait3A_173 = arith.constant 0 : i32
        %dma_wait3A_174 = tpu.memref_slice %arg9[%dma_wait3A_172, %dma_wait3A_173] : memref<10240x128xf32, #tpu.memory_space<vmem_shared>> -> memref<10240x128xf32, #tpu.memory_space<vmem_shared>>
        tpu.wait_indirect_dma semaphore(%run_scoped3A_154 : memref<!tpu.dma_semaphore, #tpu.memory_space<semaphore_mem>>) src(%dma_wait3A_168 : memref<128x128xf32, #tpu.memory_space<vmem>>) dst(%dma_wait3A_174 : memref<10240x128xf32, #tpu.memory_space<vmem_shared>>)
        tpu.yield
      }) : () -> ()
      %dma_wait3A_140 = arith.constant 1 : i32
      %dma_wait3A_141 = arith.constant 0 : i32
      %dma_wait3A_142 = arith.constant 0 : i32
      %dma_wait3A_143 = tpu.memref_slice %arg8[%dma_wait3A_140, %dma_wait3A_141, %dma_wait3A_142] : memref<2x128x128xf32, #tpu.memory_space<vmem>> -> memref<1x128x128xf32, #tpu.memory_space<vmem>>
      %dma_wait3A_144 = tpu.memref_squeeze %dma_wait3A_143 : memref<1x128x128xf32, #tpu.memory_space<vmem>> -> memref<128x128xf32, #tpu.memory_space<vmem>>
      %dma_wait3A_145 = arith.constant 0 : i32
      %dma_wait3A_146 = tpu.memref_slice %arg6[%add3A_108, %dma_wait3A_145] : memref<80x128xi32, #tpu.memory_space<vmem>> -> memref<1x128xi32, #tpu.memory_space<vmem>>
      %dma_wait3A_147 = tpu.memref_squeeze %dma_wait3A_146 : memref<1x128xi32, #tpu.memory_space<vmem>> -> memref<128xi32, #tpu.memory_space<vmem>>
      %dma_wait3A_148 = arith.constant 0 : i32
      %dma_wait3A_149 = arith.constant 0 : i32
      %dma_wait3A_150 = tpu.memref_slice %arg2[%dma_wait3A_148, %dma_wait3A_149] : memref<20480x128xf32, #tpu.memory_space<hbm>> -> memref<20480x128xf32, #tpu.memory_space<hbm>>
      tpu.wait_indirect_dma semaphore(%arg11 : memref<!tpu.dma_semaphore, #tpu.memory_space<semaphore_mem>>) src(%dma_wait3A_150 : memref<20480x128xf32, #tpu.memory_space<hbm>>) dst(%dma_wait3A_144 : memref<128x128xf32, #tpu.memory_space<vmem>>)
      %run_scoped3A_151 = arith.constant 1 : i32
      %run_scoped3A_152 = arith.constant 3 : i32
      "tpu.region"() ({
        %run_scoped3A_154 = tpu.sem_alloc : memref<!tpu.dma_semaphore, #tpu.memory_space<semaphore_mem>>
        %dma_start3A_155 = arith.constant 0 : i32
        %dma_start3A_156 = arith.constant 0 : i32
        %dma_start3A_157 = tpu.memref_slice %arg8[%run_scoped3A_151, %dma_start3A_155, %dma_start3A_156] : memref<2x128x128xf32, #tpu.memory_space<vmem>> -> memref<1x128x128xf32, #tpu.memory_space<vmem>>
        %dma_start3A_158 = tpu.memref_squeeze %dma_start3A_157 : memref<1x128x128xf32, #tpu.memory_space<vmem>> -> memref<128x128xf32, #tpu.memory_space<vmem>>
        %dma_start3A_159 = arith.constant 0 : i32
        %dma_start3A_160 = tpu.memref_slice %arg7[%run_scoped3A_152, %dma_start3A_159] : memref<4x128xi32, #tpu.memory_space<vmem>> -> memref<1x128xi32, #tpu.memory_space<vmem>>
        %dma_start3A_161 = tpu.memref_squeeze %dma_start3A_160 : memref<1x128xi32, #tpu.memory_space<vmem>> -> memref<128xi32, #tpu.memory_space<vmem>>
        %dma_start3A_162 = arith.constant 0 : i32
        %dma_start3A_163 = arith.constant 0 : i32
        %dma_start3A_164 = tpu.memref_slice %arg9[%dma_start3A_162, %dma_start3A_163] : memref<10240x128xf32, #tpu.memory_space<vmem_shared>> -> memref<10240x128xf32, #tpu.memory_space<vmem_shared>>
        tpu.enqueue_indirect_dma source(%dma_start3A_158 : memref<128x128xf32, #tpu.memory_space<vmem>>) target(%dma_start3A_164 : memref<10240x128xf32, #tpu.memory_space<vmem_shared>>) offsets(%dma_start3A_161 : memref<128xi32, #tpu.memory_space<vmem>>) semaphore(%run_scoped3A_154 : memref<!tpu.dma_semaphore, #tpu.memory_space<semaphore_mem>>) {add = true}
        %dma_wait3A_165 = arith.constant 0 : i32
        %dma_wait3A_166 = arith.constant 0 : i32
        %dma_wait3A_167 = tpu.memref_slice %arg8[%run_scoped3A_151, %dma_wait3A_165, %dma_wait3A_166] : memref<2x128x128xf32, #tpu.memory_space<vmem>> -> memref<1x128x128xf32, #tpu.memory_space<vmem>>
        %dma_wait3A_168 = tpu.memref_squeeze %dma_wait3A_167 : memref<1x128x128xf32, #tpu.memory_space<vmem>> -> memref<128x128xf32, #tpu.memory_space<vmem>>
        %dma_wait3A_169 = arith.constant 0 : i32
        %dma_wait3A_170 = tpu.memref_slice %arg7[%run_scoped3A_152, %dma_wait3A_169] : memref<4x128xi32, #tpu.memory_space<vmem>> -> memref<1x128xi32, #tpu.memory_space<vmem>>
        %dma_wait3A_171 = tpu.memref_squeeze %dma_wait3A_170 : memref<1x128xi32, #tpu.memory_space<vmem>> -> memref<128xi32, #tpu.memory_space<vmem>>
        %dma_wait3A_172 = arith.constant 0 : i32
        %dma_wait3A_173 = arith.constant 0 : i32
        %dma_wait3A_174 = tpu.memref_slice %arg9[%dma_wait3A_172, %dma_wait3A_173] : memref<10240x128xf32, #tpu.memory_space<vmem_shared>> -> memref<10240x128xf32, #tpu.memory_space<vmem_shared>>
        tpu.wait_indirect_dma semaphore(%run_scoped3A_154 : memref<!tpu.dma_semaphore, #tpu.memory_space<semaphore_mem>>) src(%dma_wait3A_168 : memref<128x128xf32, #tpu.memory_space<vmem>>) dst(%dma_wait3A_174 : memref<10240x128xf32, #tpu.memory_space<vmem_shared>>)
        tpu.yield
      }) : () -> ()
      %scan3A_153 = arith.constant 0 : i32
      scf.yield %scan3A_153 : i32
    }
    %scan3A_28 = arith.constant 20 : i32
    %barrier3A_29 = arith.constant 0 : index
    tpu.barrier barrier_id(%barrier3A_29)
    %mul3A_30 = arith.constant 640 : i32
    %mul3A_31 = arith.muli %arg1, %mul3A_30 : i32
    %mul3A_32 = arith.constant 10240 : i32
    %mul3A_33 = arith.muli %arg0, %mul3A_32 : i32
    %mul3A_34 = arith.constant 640 : i32
    %mul3A_35 = arith.muli %arg1, %mul3A_34 : i32
    %add3A_36 = arith.addi %mul3A_33, %mul3A_35 : i32
    "tpu.region"() ({
      %run_scoped3A = tpu.sem_alloc : memref<!tpu.dma_semaphore, #tpu.memory_space<semaphore_mem>>
      %dma_start3A = arith.constant 0 : i32
      %dma_start3A_37 = tpu.memref_slice %arg5[%add3A_36, %dma_start3A] : memref<20480x128xf32, #tpu.memory_space<hbm>> -> memref<640x128xf32, #tpu.memory_space<hbm>>
      %dma_start3A_38 = arith.constant 0 : i32
      %dma_start3A_39 = tpu.memref_slice %arg9[%mul3A_31, %dma_start3A_38] : memref<10240x128xf32, #tpu.memory_space<vmem_shared>> -> memref<640x128xf32, #tpu.memory_space<vmem_shared>>
      tpu.enqueue_dma source(%dma_start3A_39 : memref<640x128xf32, #tpu.memory_space<vmem_shared>>) target(%dma_start3A_37 : memref<640x128xf32, #tpu.memory_space<hbm>>) target_semaphore(%run_scoped3A : memref<!tpu.dma_semaphore, #tpu.memory_space<semaphore_mem>>)
      %dma_wait3A = arith.constant 0 : i32
      %dma_wait3A_40 = tpu.memref_slice %arg5[%add3A_36, %dma_wait3A] : memref<20480x128xf32, #tpu.memory_space<hbm>> -> memref<640x128xf32, #tpu.memory_space<hbm>>
      %dma_wait3A_41 = arith.constant 0 : i32
      %dma_wait3A_42 = tpu.memref_slice %arg9[%mul3A_31, %dma_wait3A_41] : memref<10240x128xf32, #tpu.memory_space<vmem_shared>> -> memref<640x128xf32, #tpu.memory_space<vmem_shared>>
      tpu.wait_dma2 semaphore(%run_scoped3A : memref<!tpu.dma_semaphore, #tpu.memory_space<semaphore_mem>>) src(%dma_wait3A_42 : memref<640x128xf32, #tpu.memory_space<vmem_shared>>) dst(%dma_wait3A_40 : memref<640x128xf32, #tpu.memory_space<hbm>>)
      tpu.yield
    }) : () -> ()
    return
  }
}

module attributes {stable_mosaic.version = 14 : i64} {
  func.func @body(%arg0: i32, %arg1: memref<512x256xf32, #tpu.memory_space<vmem>>, %arg2: memref<512x16xf32, #tpu.memory_space<vmem>>, %arg3: memref<512x16xf32, #tpu.memory_space<vmem>>, %arg4: memref<256x256xf32, #tpu.memory_space<vmem>>, %arg5: memref<512x1xf32, #tpu.memory_space<vmem>>, %arg6: memref<2x512x128xf32, #tpu.memory_space<vmem>>) attributes {dimension_semantics = [#tpu.dimension_semantics<arbitrary>], iteration_bounds = array<i64: 20>, scalar_prefetch = 0 : i64, scratch_operands = 0 : i64, tpu.core_type = #tpu.core_type<tc>, window_params = [{transform_indices = @transform_0, window_bounds = array<i64: 512, 256>}, {transform_indices = @transform_1, window_bounds = array<i64: 512, 16>}, {transform_indices = @transform_2, window_bounds = array<i64: 512, 16>}, {pipeline_mode = #tpu.pipeline_mode<synchronous>, transform_indices = @transform_3, window_bounds = array<i64: 256, 256>}, {transform_indices = @transform_4, window_bounds = array<i64: 512, 1>}, {transform_indices = @transform_5, window_bounds = array<i64: 2, 512, 128>}]} {
    %get3A = arith.constant 0 : index
    %get3A_0 = arith.constant 0 : index
    %get3A_1 = vector.load %arg2[%get3A, %get3A_0] : memref<512x16xf32, #tpu.memory_space<vmem>>, vector<512x1xf32>
    %add3A = arith.constant 1.000000e+00 : f32
    %add3A_2 = vector.broadcast %add3A : f32 to vector<512x1xf32>
    %add3A_3 = arith.addf %add3A_2, %get3A_1 : vector<512x1xf32>
    %get3A_4 = arith.constant 0 : index
    %get3A_5 = arith.constant 0 : index
    %get3A_6 = vector.load %arg3[%get3A_4, %get3A_5] : memref<512x16xf32, #tpu.memory_space<vmem>>, vector<512x1xf32>
    %add3A_7 = arith.addf %add3A_3, %get3A_6 : vector<512x1xf32>
    %rsqrt3A = math.rsqrt %add3A_7 : vector<512x1xf32>
    %get3A_8 = arith.constant 0 : index
    %get3A_9 = arith.constant 0 : index
    %get3A_10 = vector.load %arg1[%get3A_8, %get3A_9] : memref<512x256xf32, #tpu.memory_space<vmem>>, vector<512x256xf32>
    %get3A_11 = arith.constant 0 : index
    %get3A_12 = arith.constant 0 : index
    %get3A_13 = vector.load %arg4[%get3A_11, %get3A_12] : memref<256x256xf32, #tpu.memory_space<vmem>>, vector<256x256xf32>
    %dot_general3A = arith.constant dense<0.000000e+00> : vector<512x256xf32>
    %dot_general3A_14 = tpu.matmul %get3A_10, %get3A_13, %dot_general3A {dimension_numbers = #tpu.dot_dimension_numbers<[1], [0], [0], [1], [0, 0, 1, 1], [], []>, transpose_lhs_hint = false} : vector<512x256xf32>, vector<256x256xf32>, vector<512x256xf32> -> vector<512x256xf32>
    %mul3A = vector.broadcast %rsqrt3A : vector<512x1xf32> to vector<512x256xf32>
    %mul3A_15 = arith.mulf %mul3A, %dot_general3A_14 : vector<512x256xf32>
    %swap3A = arith.constant 0 : index
    %swap3A_16 = arith.constant 0 : index
    %swap3A_17 = vector.load %arg5[%swap3A, %swap3A_16] : memref<512x1xf32, #tpu.memory_space<vmem>>, vector<512x1xf32>
    tpu.vector_store %arg5[%swap3A, %swap3A_16], %rsqrt3A {strides = array<i32>} : memref<512x1xf32, #tpu.memory_space<vmem>>, vector<512x1xf32>,
    %slice3A = vector.extract_strided_slice %mul3A_15 {offsets = [0, 0], sizes = [512, 128], strides = [1, 1]} : vector<512x256xf32> to vector<512x128xf32>
    %swap3A_18 = arith.constant 0 : index
    %swap3A_19 = arith.constant 0 : index
    %swap3A_20 = arith.constant 0 : index
    %swap3A_21 = vector.load %arg6[%swap3A_18, %swap3A_19, %swap3A_20] : memref<2x512x128xf32, #tpu.memory_space<vmem>>, vector<1x512x128xf32>
    %swap3A_22 = vector.shape_cast %swap3A_21 : vector<1x512x128xf32> to vector<512x128xf32>
    %swap3A_23 = vector.shape_cast %slice3A : vector<512x128xf32> to vector<1x512x128xf32>
    tpu.vector_store %arg6[%swap3A_18, %swap3A_19, %swap3A_20], %swap3A_23 {strides = array<i32>} : memref<2x512x128xf32, #tpu.memory_space<vmem>>, vector<1x512x128xf32>,
    %slice3A_24 = vector.extract_strided_slice %mul3A_15 {offsets = [0, 128], sizes = [512, 128], strides = [1, 1]} : vector<512x256xf32> to vector<512x128xf32>
    %swap3A_25 = arith.constant 1 : index
    %swap3A_26 = arith.constant 0 : index
    %swap3A_27 = arith.constant 0 : index
    %swap3A_28 = vector.load %arg6[%swap3A_25, %swap3A_26, %swap3A_27] : memref<2x512x128xf32, #tpu.memory_space<vmem>>, vector<1x512x128xf32>
    %swap3A_29 = vector.shape_cast %swap3A_28 : vector<1x512x128xf32> to vector<512x128xf32>
    %swap3A_30 = vector.shape_cast %slice3A_24 : vector<512x128xf32> to vector<1x512x128xf32>
    tpu.vector_store %arg6[%swap3A_25, %swap3A_26, %swap3A_27], %swap3A_30 {strides = array<i32>} : memref<2x512x128xf32, #tpu.memory_space<vmem>>, vector<1x512x128xf32>,
    return
  }
  func.func @transform_0(%arg0: i32) -> (i32, i32) {
    %c0_i32 = arith.constant 0 : i32
    %c0_i32_0 = arith.constant 0 : i32
    return %arg0, %c0_i32 : i32, i32
  }
  func.func @transform_1(%arg0: i32) -> (i32, i32) {
    %c0_i32 = arith.constant 0 : i32
    %c0_i32_0 = arith.constant 0 : i32
    return %arg0, %c0_i32 : i32, i32
  }
  func.func @transform_2(%arg0: i32) -> (i32, i32) {
    %add3A = arith.constant 20 : i32
    %add3A_0 = arith.addi %arg0, %add3A : i32
    %c0_i32 = arith.constant 0 : i32
    %c0_i32_1 = arith.constant 0 : i32
    return %add3A_0, %c0_i32 : i32, i32
  }
  func.func @transform_3(%arg0: i32) -> (i32, i32) {
    %c0_i32 = arith.constant 0 : i32
    %c0_i32_0 = arith.constant 0 : i32
    %c0_i32_1 = arith.constant 0 : i32
    return %c0_i32, %c0_i32_0 : i32, i32
  }
  func.func @transform_4(%arg0: i32) -> (i32, i32) {
    %c0_i32 = arith.constant 0 : i32
    %c0_i32_0 = arith.constant 0 : i32
    return %arg0, %c0_i32 : i32, i32
  }
  func.func @transform_5(%arg0: i32) -> (i32, i32, i32) {
    %c0_i32 = arith.constant 0 : i32
    %c0_i32_0 = arith.constant 0 : i32
    %c0_i32_1 = arith.constant 0 : i32
    return %c0_i32, %arg0, %c0_i32_0 : i32, i32, i32
  }
}

module attributes {stable_mosaic.version = 14 : i64} {
  func.func @body(%arg0: i32, %arg1: memref<2x512x128xf32, #tpu.memory_space<vmem>>, %arg2: memref<2x512x128xf32, #tpu.memory_space<vmem>>, %arg3: memref<512x1xf32, #tpu.memory_space<vmem>>, %arg4: memref<1x256xf32, #tpu.memory_space<vmem>>, %arg5: memref<256x256xf32, #tpu.memory_space<vmem>>, %arg6: memref<2x512x128xf32, #tpu.memory_space<vmem>>) attributes {dimension_semantics = [#tpu.dimension_semantics<arbitrary>], iteration_bounds = array<i64: 20>, scalar_prefetch = 0 : i64, scratch_operands = 0 : i64, tpu.core_type = #tpu.core_type<tc>, window_params = [{transform_indices = @transform_0, window_bounds = array<i64: 2, 512, 128>}, {transform_indices = @transform_1, window_bounds = array<i64: 2, 512, 128>}, {transform_indices = @transform_2, window_bounds = array<i64: 512, 1>}, {pipeline_mode = #tpu.pipeline_mode<synchronous>, transform_indices = @transform_3, window_bounds = array<i64: 1, 256>}, {pipeline_mode = #tpu.pipeline_mode<synchronous>, transform_indices = @transform_4, window_bounds = array<i64: 256, 256>}, {transform_indices = @transform_5, window_bounds = array<i64: 2, 512, 128>}]} {
    %get3A = arith.constant 0 : index
    %get3A_0 = arith.constant 0 : index
    %get3A_1 = vector.load %arg3[%get3A, %get3A_0] : memref<512x1xf32, #tpu.memory_space<vmem>>, vector<512x1xf32>
    %get3A_2 = arith.constant 0 : index
    %get3A_3 = arith.constant 0 : index
    %get3A_4 = arith.constant 0 : index
    %get3A_5 = vector.load %arg1[%get3A_2, %get3A_3, %get3A_4] : memref<2x512x128xf32, #tpu.memory_space<vmem>>, vector<1x512x128xf32>
    %get3A_6 = vector.shape_cast %get3A_5 : vector<1x512x128xf32> to vector<512x128xf32>
    %get3A_7 = arith.constant 0 : index
    %get3A_8 = arith.constant 0 : index
    %get3A_9 = arith.constant 0 : index
    %get3A_10 = vector.load %arg2[%get3A_7, %get3A_8, %get3A_9] : memref<2x512x128xf32, #tpu.memory_space<vmem>>, vector<1x512x128xf32>
    %get3A_11 = vector.shape_cast %get3A_10 : vector<1x512x128xf32> to vector<512x128xf32>
    %add3A = arith.addf %get3A_6, %get3A_11 : vector<512x128xf32>
    %get3A_12 = arith.constant 1 : index
    %get3A_13 = arith.constant 0 : index
    %get3A_14 = arith.constant 0 : index
    %get3A_15 = vector.load %arg1[%get3A_12, %get3A_13, %get3A_14] : memref<2x512x128xf32, #tpu.memory_space<vmem>>, vector<1x512x128xf32>
    %get3A_16 = vector.shape_cast %get3A_15 : vector<1x512x128xf32> to vector<512x128xf32>
    %get3A_17 = arith.constant 1 : index
    %get3A_18 = arith.constant 0 : index
    %get3A_19 = arith.constant 0 : index
    %get3A_20 = vector.load %arg2[%get3A_17, %get3A_18, %get3A_19] : memref<2x512x128xf32, #tpu.memory_space<vmem>>, vector<1x512x128xf32>
    %get3A_21 = vector.shape_cast %get3A_20 : vector<1x512x128xf32> to vector<512x128xf32>
    %add3A_22 = arith.addf %get3A_16, %get3A_21 : vector<512x128xf32>
    %concatenate3A = tpu.concatenate %add3A, %add3A_22 in 1 : vector<512x128xf32>, vector<512x128xf32> -> vector<512x256xf32>
    %mul3A = vector.broadcast %get3A_1 : vector<512x1xf32> to vector<512x256xf32>
    %mul3A_23 = arith.mulf %mul3A, %concatenate3A : vector<512x256xf32>
    %get3A_24 = arith.constant 0 : index
    %get3A_25 = arith.constant 0 : index
    %get3A_26 = vector.load %arg4[%get3A_24, %get3A_25] : memref<1x256xf32, #tpu.memory_space<vmem>>, vector<1x256xf32>
    %add3A_27 = vector.broadcast %get3A_26 : vector<1x256xf32> to vector<512x256xf32>
    %add3A_28 = arith.addf %mul3A_23, %add3A_27 : vector<512x256xf32>
    %get3A_29 = arith.constant 0 : index
    %get3A_30 = arith.constant 0 : index
    %get3A_31 = vector.load %arg5[%get3A_29, %get3A_30] : memref<256x256xf32, #tpu.memory_space<vmem>>, vector<256x256xf32>
    %dot_general3A = arith.constant dense<0.000000e+00> : vector<512x256xf32>
    %dot_general3A_32 = tpu.matmul %add3A_28, %get3A_31, %dot_general3A {dimension_numbers = #tpu.dot_dimension_numbers<[1], [0], [0], [1], [0, 0, 1, 1], [], []>, transpose_lhs_hint = false} : vector<512x256xf32>, vector<256x256xf32>, vector<512x256xf32> -> vector<512x256xf32>
    %slice3A = vector.extract_strided_slice %dot_general3A_32 {offsets = [0, 0], sizes = [512, 128], strides = [1, 1]} : vector<512x256xf32> to vector<512x128xf32>
    %mul3A_33 = vector.broadcast %get3A_1 : vector<512x1xf32> to vector<512x128xf32>
    %mul3A_34 = arith.mulf %mul3A_33, %slice3A : vector<512x128xf32>
    %swap3A = arith.constant 0 : index
    %swap3A_35 = arith.constant 0 : index
    %swap3A_36 = arith.constant 0 : index
    %swap3A_37 = vector.load %arg6[%swap3A, %swap3A_35, %swap3A_36] : memref<2x512x128xf32, #tpu.memory_space<vmem>>, vector<1x512x128xf32>
    %swap3A_38 = vector.shape_cast %swap3A_37 : vector<1x512x128xf32> to vector<512x128xf32>
    %swap3A_39 = vector.shape_cast %mul3A_34 : vector<512x128xf32> to vector<1x512x128xf32>
    tpu.vector_store %arg6[%swap3A, %swap3A_35, %swap3A_36], %swap3A_39 {strides = array<i32>} : memref<2x512x128xf32, #tpu.memory_space<vmem>>, vector<1x512x128xf32>,
    %slice3A_40 = vector.extract_strided_slice %dot_general3A_32 {offsets = [0, 128], sizes = [512, 128], strides = [1, 1]} : vector<512x256xf32> to vector<512x128xf32>
    %mul3A_41 = vector.broadcast %get3A_1 : vector<512x1xf32> to vector<512x128xf32>
    %mul3A_42 = arith.mulf %mul3A_41, %slice3A_40 : vector<512x128xf32>
    %swap3A_43 = arith.constant 1 : index
    %swap3A_44 = arith.constant 0 : index
    %swap3A_45 = arith.constant 0 : index
    %swap3A_46 = vector.load %arg6[%swap3A_43, %swap3A_44, %swap3A_45] : memref<2x512x128xf32, #tpu.memory_space<vmem>>, vector<1x512x128xf32>
    %swap3A_47 = vector.shape_cast %swap3A_46 : vector<1x512x128xf32> to vector<512x128xf32>
    %swap3A_48 = vector.shape_cast %mul3A_42 : vector<512x128xf32> to vector<1x512x128xf32>
    tpu.vector_store %arg6[%swap3A_43, %swap3A_44, %swap3A_45], %swap3A_48 {strides = array<i32>} : memref<2x512x128xf32, #tpu.memory_space<vmem>>, vector<1x512x128xf32>,
    return
  }
  func.func @transform_0(%arg0: i32) -> (i32, i32, i32) {
    %c0_i32 = arith.constant 0 : i32
    %c0_i32_0 = arith.constant 0 : i32
    %c0_i32_1 = arith.constant 0 : i32
    return %c0_i32, %arg0, %c0_i32_0 : i32, i32, i32
  }
  func.func @transform_1(%arg0: i32) -> (i32, i32, i32) {
    %c0_i32 = arith.constant 0 : i32
    %c0_i32_0 = arith.constant 0 : i32
    %c0_i32_1 = arith.constant 0 : i32
    return %c0_i32, %arg0, %c0_i32_0 : i32, i32, i32
  }
  func.func @transform_2(%arg0: i32) -> (i32, i32) {
    %c0_i32 = arith.constant 0 : i32
    %c0_i32_0 = arith.constant 0 : i32
    return %arg0, %c0_i32 : i32, i32
  }
  func.func @transform_3(%arg0: i32) -> (i32, i32) {
    %c0_i32 = arith.constant 0 : i32
    %c0_i32_0 = arith.constant 0 : i32
    %c0_i32_1 = arith.constant 0 : i32
    return %c0_i32, %c0_i32_0 : i32, i32
  }
  func.func @transform_4(%arg0: i32) -> (i32, i32) {
    %c0_i32 = arith.constant 0 : i32
    %c0_i32_0 = arith.constant 0 : i32
    %c0_i32_1 = arith.constant 0 : i32
    return %c0_i32, %c0_i32_0 : i32, i32
  }
  func.func @transform_5(%arg0: i32) -> (i32, i32, i32) {
    %c0_i32 = arith.constant 0 : i32
    %c0_i32_0 = arith.constant 0 : i32
    %c0_i32_1 = arith.constant 0 : i32
    return %c0_i32, %arg0, %c0_i32_0 : i32, i32, i32
  }
}

module attributes {stable_mosaic.version = 14 : i64} {
  func.func @body(%arg0: i32, %arg1: memref<2x512x128xf32, #tpu.memory_space<vmem>>, %arg2: memref<2x512x128xf32, #tpu.memory_space<vmem>>, %arg3: memref<512x1xf32, #tpu.memory_space<vmem>>, %arg4: memref<1x256xf32, #tpu.memory_space<vmem>>, %arg5: memref<512x1xi32, #tpu.memory_space<vmem>>, %arg6: memref<512x256xf32, #tpu.memory_space<vmem>>, %arg7: memref<1x256xf32, #tpu.memory_space<vmem>>, %arg8: memref<256x256xf32, #tpu.memory_space<vmem>>, %arg9: memref<1x256xf32, #tpu.memory_space<vmem>>, %arg10: memref<64x256xf32, #tpu.memory_space<vmem>>, %arg11: memref<64x256xf32, #tpu.memory_space<vmem>>, %arg12: memref<64x1xf32, #tpu.memory_space<vmem>>) attributes {dimension_semantics = [#tpu.dimension_semantics<arbitrary>], iteration_bounds = array<i64: 20>, scalar_prefetch = 0 : i64, scratch_operands = 2 : i64, tpu.core_type = #tpu.core_type<tc>, window_params = [{transform_indices = @transform_0, window_bounds = array<i64: 2, 512, 128>}, {transform_indices = @transform_1, window_bounds = array<i64: 2, 512, 128>}, {transform_indices = @transform_2, window_bounds = array<i64: 512, 1>}, {pipeline_mode = #tpu.pipeline_mode<synchronous>, transform_indices = @transform_3, window_bounds = array<i64: 1, 256>}, {transform_indices = @transform_4, window_bounds = array<i64: 512, 1>}, {pipeline_mode = #tpu.pipeline_mode<synchronous>, transform_indices = @transform_5, window_bounds = array<i64: 512, 256>}, {pipeline_mode = #tpu.pipeline_mode<synchronous>, transform_indices = @transform_6, window_bounds = array<i64: 1, 256>}, {pipeline_mode = #tpu.pipeline_mode<synchronous>, transform_indices = @transform_7, window_bounds = array<i64: 256, 256>}, {pipeline_mode = #tpu.pipeline_mode<synchronous>, transform_indices = @transform_8, window_bounds = array<i64: 1, 256>}, {pipeline_mode = #tpu.pipeline_mode<synchronous>, transform_indices = @transform_9, window_bounds = array<i64: 64, 256>}]} {
    %eq3A = arith.constant 0 : i32
    %eq3A_0 = arith.cmpi eq, %arg0, %eq3A : i32
    %convert_element_type3A = arith.extui %eq3A_0 : i1 to i32
    %cond3A = arith.constant 0 : i32
    %cond3A_1 = arith.cmpi ne, %convert_element_type3A, %cond3A : i32
    scf.if %cond3A_1 {
      %broadcast_in_dim3A_58 = arith.constant 0.000000e+00 : f32
      %broadcast_in_dim3A_59 = vector.broadcast %broadcast_in_dim3A_58 : f32 to vector<64x256xf32>
      %swap3A_60 = arith.constant 0 : index
      %swap3A_61 = arith.constant 0 : index
      %swap3A_62 = vector.load %arg11[%swap3A_60, %swap3A_61] : memref<64x256xf32, #tpu.memory_space<vmem>>, vector<64x256xf32>
      tpu.vector_store %arg11[%swap3A_60, %swap3A_61], %broadcast_in_dim3A_59 {strides = array<i32>} : memref<64x256xf32, #tpu.memory_space<vmem>>, vector<64x256xf32>,
      %broadcast_in_dim3A_63 = arith.constant 0.000000e+00 : f32
      %broadcast_in_dim3A_64 = vector.broadcast %broadcast_in_dim3A_63 : f32 to vector<64x1xf32>
      %swap3A_65 = arith.constant 0 : index
      %swap3A_66 = arith.constant 0 : index
      %swap3A_67 = vector.load %arg12[%swap3A_65, %swap3A_66] : memref<64x1xf32, #tpu.memory_space<vmem>>, vector<64x1xf32>
      tpu.vector_store %arg12[%swap3A_65, %swap3A_66], %broadcast_in_dim3A_64 {strides = array<i32>} : memref<64x1xf32, #tpu.memory_space<vmem>>, vector<64x1xf32>,
    } else {
    }
    %get3A = arith.constant 0 : index
    %get3A_2 = arith.constant 0 : index
    %get3A_3 = arith.constant 0 : index
    %get3A_4 = vector.load %arg1[%get3A, %get3A_2, %get3A_3] : memref<2x512x128xf32, #tpu.memory_space<vmem>>, vector<1x512x128xf32>
    %get3A_5 = vector.shape_cast %get3A_4 : vector<1x512x128xf32> to vector<512x128xf32>
    %get3A_6 = arith.constant 0 : index
    %get3A_7 = arith.constant 0 : index
    %get3A_8 = arith.constant 0 : index
    %get3A_9 = vector.load %arg2[%get3A_6, %get3A_7, %get3A_8] : memref<2x512x128xf32, #tpu.memory_space<vmem>>, vector<1x512x128xf32>
    %get3A_10 = vector.shape_cast %get3A_9 : vector<1x512x128xf32> to vector<512x128xf32>
    %add3A = arith.addf %get3A_5, %get3A_10 : vector<512x128xf32>
    %get3A_11 = arith.constant 1 : index
    %get3A_12 = arith.constant 0 : index
    %get3A_13 = arith.constant 0 : index
    %get3A_14 = vector.load %arg1[%get3A_11, %get3A_12, %get3A_13] : memref<2x512x128xf32, #tpu.memory_space<vmem>>, vector<1x512x128xf32>
    %get3A_15 = vector.shape_cast %get3A_14 : vector<1x512x128xf32> to vector<512x128xf32>
    %get3A_16 = arith.constant 1 : index
    %get3A_17 = arith.constant 0 : index
    %get3A_18 = arith.constant 0 : index
    %get3A_19 = vector.load %arg2[%get3A_16, %get3A_17, %get3A_18] : memref<2x512x128xf32, #tpu.memory_space<vmem>>, vector<1x512x128xf32>
    %get3A_20 = vector.shape_cast %get3A_19 : vector<1x512x128xf32> to vector<512x128xf32>
    %add3A_21 = arith.addf %get3A_15, %get3A_20 : vector<512x128xf32>
    %concatenate3A = tpu.concatenate %add3A, %add3A_21 in 1 : vector<512x128xf32>, vector<512x128xf32> -> vector<512x256xf32>
    %get3A_22 = arith.constant 0 : index
    %get3A_23 = arith.constant 0 : index
    %get3A_24 = vector.load %arg3[%get3A_22, %get3A_23] : memref<512x1xf32, #tpu.memory_space<vmem>>, vector<512x1xf32>
    %mul3A = vector.broadcast %get3A_24 : vector<512x1xf32> to vector<512x256xf32>
    %mul3A_25 = arith.mulf %mul3A, %concatenate3A : vector<512x256xf32>
    %get3A_26 = arith.constant 0 : index
    %get3A_27 = arith.constant 0 : index
    %get3A_28 = vector.load %arg4[%get3A_26, %get3A_27] : memref<1x256xf32, #tpu.memory_space<vmem>>, vector<1x256xf32>
    %add3A_29 = vector.broadcast %get3A_28 : vector<1x256xf32> to vector<512x256xf32>
    %add3A_30 = arith.addf %mul3A_25, %add3A_29 : vector<512x256xf32>
    %iota3A = tpu.iota {dimensions = array<i32: 1>} : vector<512x64xi32>
    %get3A_31 = arith.constant 0 : index
    %get3A_32 = arith.constant 0 : index
    %get3A_33 = vector.load %arg5[%get3A_31, %get3A_32] : memref<512x1xi32, #tpu.memory_space<vmem>>, vector<512x1xi32>
    %eq3A_34 = vector.broadcast %get3A_33 : vector<512x1xi32> to vector<512x64xi32>
    %eq3A_35 = arith.cmpi eq, %eq3A_34, %iota3A : vector<512x64xi32>
    %convert_element_type3A_36 = arith.extui %eq3A_35 : vector<512x64xi1> to vector<512x64xi32>
    %convert_element_type3A_37 = arith.sitofp %convert_element_type3A_36 : vector<512x64xi32> to vector<512x64xf32>
    %get3A_38 = arith.constant 0 : index
    %get3A_39 = arith.constant 0 : index
    %get3A_40 = vector.load %arg11[%get3A_38, %get3A_39] : memref<64x256xf32, #tpu.memory_space<vmem>>, vector<64x256xf32>
    %dot_general3A = arith.constant dense<0.000000e+00> : vector<64x256xf32>
    %dot_general3A_41 = tpu.matmul %convert_element_type3A_37, %add3A_30, %dot_general3A {dimension_numbers = #tpu.dot_dimension_numbers<[0], [0], [1], [1], [0, 1, 1, 1], [], []>, transpose_lhs_hint = false} : vector<512x64xf32>, vector<512x256xf32>, vector<64x256xf32> -> vector<64x256xf32>
    %add3A_42 = arith.addf %get3A_40, %dot_general3A_41 : vector<64x256xf32>
    %swap3A = arith.constant 0 : index
    %swap3A_43 = arith.constant 0 : index
    %swap3A_44 = vector.load %arg11[%swap3A, %swap3A_43] : memref<64x256xf32, #tpu.memory_space<vmem>>, vector<64x256xf32>
    tpu.vector_store %arg11[%swap3A, %swap3A_43], %add3A_42 {strides = array<i32>} : memref<64x256xf32, #tpu.memory_space<vmem>>, vector<64x256xf32>,
    %get3A_45 = arith.constant 0 : index
    %get3A_46 = arith.constant 0 : index
    %get3A_47 = vector.load %arg12[%get3A_45, %get3A_46] : memref<64x1xf32, #tpu.memory_space<vmem>>, vector<64x1xf32>
    %reduce_sum3A = arith.constant dense<0.000000e+00> : vector<64xf32>
    %reduce_sum3A_48 = vector.multi_reduction <add>, %convert_element_type3A_37, %reduce_sum3A [0] : vector<512x64xf32> to vector<64xf32>
    %broadcast_in_dim3A = vector.shape_cast %reduce_sum3A_48 : vector<64xf32> to vector<64x1xf32>
    %add3A_49 = arith.addf %get3A_47, %broadcast_in_dim3A : vector<64x1xf32>
    %swap3A_50 = arith.constant 0 : index
    %swap3A_51 = arith.constant 0 : index
    %swap3A_52 = vector.load %arg12[%swap3A_50, %swap3A_51] : memref<64x1xf32, #tpu.memory_space<vmem>>, vector<64x1xf32>
    tpu.vector_store %arg12[%swap3A_50, %swap3A_51], %add3A_49 {strides = array<i32>} : memref<64x1xf32, #tpu.memory_space<vmem>>, vector<64x1xf32>,
    %eq3A_53 = arith.constant 19 : i32
    %eq3A_54 = arith.cmpi eq, %arg0, %eq3A_53 : i32
    %convert_element_type3A_55 = arith.extui %eq3A_54 : i1 to i32
    %cond3A_56 = arith.constant 0 : i32
    %cond3A_57 = arith.cmpi ne, %convert_element_type3A_55, %cond3A_56 : i32
    scf.if %cond3A_57 {
      %get3A_58 = arith.constant 0 : index
      %get3A_59 = arith.constant 0 : index
      %get3A_60 = vector.load %arg11[%get3A_58, %get3A_59] : memref<64x256xf32, #tpu.memory_space<vmem>>, vector<64x256xf32>
      %get3A_61 = arith.constant 0 : index
      %get3A_62 = arith.constant 0 : index
      %get3A_63 = vector.load %arg12[%get3A_61, %get3A_62] : memref<64x1xf32, #tpu.memory_space<vmem>>, vector<64x1xf32>
      %max3A = arith.constant 1.000000e+00 : f32
      %max3A_64 = vector.broadcast %max3A : f32 to vector<64x1xf32>
      %max3A_65 = arith.maximumf %get3A_63, %max3A_64 : vector<64x1xf32>
      %div3A = vector.broadcast %max3A_65 : vector<64x1xf32> to vector<64x256xf32>
      %div3A_66 = arith.divf %get3A_60, %div3A : vector<64x256xf32>
      %concatenate3A_67 = tpu.concatenate %get3A_60, %div3A_66 in 1 : vector<64x256xf32>, vector<64x256xf32> -> vector<64x512xf32>
      %get3A_68 = arith.constant 0 : index
      %get3A_69 = arith.constant 0 : index
      %get3A_70 = vector.load %arg6[%get3A_68, %get3A_69] : memref<512x256xf32, #tpu.memory_space<vmem>>, vector<512x256xf32>
      %dot_general3A_71 = arith.constant dense<0.000000e+00> : vector<64x256xf32>
      %dot_general3A_72 = tpu.matmul %concatenate3A_67, %get3A_70, %dot_general3A_71 {dimension_numbers = #tpu.dot_dimension_numbers<[1], [0], [0], [1], [0, 0, 1, 1], [], []>, precision = #tpu.contract_precision<fp32>, transpose_lhs_hint = false} : vector<64x512xf32>, vector<512x256xf32>, vector<64x256xf32> -> vector<64x256xf32>
      %get3A_73 = arith.constant 0 : index
      %get3A_74 = arith.constant 0 : index
      %get3A_75 = vector.load %arg7[%get3A_73, %get3A_74] : memref<1x256xf32, #tpu.memory_space<vmem>>, vector<1x256xf32>
      %add3A_76 = vector.broadcast %get3A_75 : vector<1x256xf32> to vector<64x256xf32>
      %add3A_77 = arith.addf %dot_general3A_72, %add3A_76 : vector<64x256xf32>
      %max3A_78 = arith.constant 0.000000e+00 : f32
      %max3A_79 = vector.broadcast %max3A_78 : f32 to vector<64x256xf32>
      %max3A_80 = arith.maximumf %add3A_77, %max3A_79 : vector<64x256xf32>
      %get3A_81 = arith.constant 0 : index
      %get3A_82 = arith.constant 0 : index
      %get3A_83 = vector.load %arg8[%get3A_81, %get3A_82] : memref<256x256xf32, #tpu.memory_space<vmem>>, vector<256x256xf32>
      %dot_general3A_84 = arith.constant dense<0.000000e+00> : vector<64x256xf32>
      %dot_general3A_85 = tpu.matmul %max3A_80, %get3A_83, %dot_general3A_84 {dimension_numbers = #tpu.dot_dimension_numbers<[1], [0], [0], [1], [0, 0, 1, 1], [], []>, precision = #tpu.contract_precision<fp32>, transpose_lhs_hint = false} : vector<64x256xf32>, vector<256x256xf32>, vector<64x256xf32> -> vector<64x256xf32>
      %get3A_86 = arith.constant 0 : index
      %get3A_87 = arith.constant 0 : index
      %get3A_88 = vector.load %arg9[%get3A_86, %get3A_87] : memref<1x256xf32, #tpu.memory_space<vmem>>, vector<1x256xf32>
      %add3A_89 = vector.broadcast %get3A_88 : vector<1x256xf32> to vector<64x256xf32>
      %add3A_90 = arith.addf %dot_general3A_85, %add3A_89 : vector<64x256xf32>
      %swap3A_91 = arith.constant 0 : index
      %swap3A_92 = arith.constant 0 : index
      %swap3A_93 = vector.load %arg10[%swap3A_91, %swap3A_92] : memref<64x256xf32, #tpu.memory_space<vmem>>, vector<64x256xf32>
      tpu.vector_store %arg10[%swap3A_91, %swap3A_92], %add3A_90 {strides = array<i32>} : memref<64x256xf32, #tpu.memory_space<vmem>>, vector<64x256xf32>,
    } else {
    }
    return
  }
  func.func @transform_0(%arg0: i32) -> (i32, i32, i32) {
    %c0_i32 = arith.constant 0 : i32
    %c0_i32_0 = arith.constant 0 : i32
    %c0_i32_1 = arith.constant 0 : i32
    return %c0_i32, %arg0, %c0_i32_0 : i32, i32, i32
  }
  func.func @transform_1(%arg0: i32) -> (i32, i32, i32) {
    %c0_i32 = arith.constant 0 : i32
    %c0_i32_0 = arith.constant 0 : i32
    %c0_i32_1 = arith.constant 0 : i32
    return %c0_i32, %arg0, %c0_i32_0 : i32, i32, i32
  }
  func.func @transform_2(%arg0: i32) -> (i32, i32) {
    %c0_i32 = arith.constant 0 : i32
    %c0_i32_0 = arith.constant 0 : i32
    return %arg0, %c0_i32 : i32, i32
  }
  func.func @transform_3(%arg0: i32) -> (i32, i32) {
    %c0_i32 = arith.constant 0 : i32
    %c0_i32_0 = arith.constant 0 : i32
    %c0_i32_1 = arith.constant 0 : i32
    return %c0_i32, %c0_i32_0 : i32, i32
  }
  func.func @transform_4(%arg0: i32) -> (i32, i32) {
    %c0_i32 = arith.constant 0 : i32
    %c0_i32_0 = arith.constant 0 : i32
    return %arg0, %c0_i32 : i32, i32
  }
  func.func @transform_5(%arg0: i32) -> (i32, i32) {
    %c0_i32 = arith.constant 0 : i32
    %c0_i32_0 = arith.constant 0 : i32
    %c0_i32_1 = arith.constant 0 : i32
    return %c0_i32, %c0_i32_0 : i32, i32
  }
  func.func @transform_6(%arg0: i32) -> (i32, i32) {
    %c0_i32 = arith.constant 0 : i32
    %c0_i32_0 = arith.constant 0 : i32
    %c0_i32_1 = arith.constant 0 : i32
    return %c0_i32, %c0_i32_0 : i32, i32
  }
  func.func @transform_7(%arg0: i32) -> (i32, i32) {
    %c0_i32 = arith.constant 0 : i32
    %c0_i32_0 = arith.constant 0 : i32
    %c0_i32_1 = arith.constant 0 : i32
    return %c0_i32, %c0_i32_0 : i32, i32
  }
  func.func @transform_8(%arg0: i32) -> (i32, i32) {
    %c0_i32 = arith.constant 0 : i32
    %c0_i32_0 = arith.constant 0 : i32
    %c0_i32_1 = arith.constant 0 : i32
    return %c0_i32, %c0_i32_0 : i32, i32
  }
  func.func @transform_9(%arg0: i32) -> (i32, i32) {
    %c0_i32 = arith.constant 0 : i32
    %c0_i32_0 = arith.constant 0 : i32
    %c0_i32_1 = arith.constant 0 : i32
    return %c0_i32, %c0_i32_0 : i32, i32
  }
}

</mosaic_0001>

<sc_bundles>
// kernel: kernel.10.cloned.1.call-start
scs
__scs_entry_jumppad:
0x0: {  	(pc) =	sbr.rel $0x88, $3  }
0x1: {  	(tag) =	ssettag $0x0;
	lr =	simm.s32 $0x1  }
0x2: {  	[smem:$0x3F98] =	sst lr;
	_ =	strace $0xD0000000  }
0x3: {  	_ = 	snop  }
0x4: {  	_ = 	snop  }
0x5: {  	_ = 	snop  }
0x6: {  	_ = 	snop  }
0x7: {  	_ = 	snop  }
__scs_overlays_trampoline_lowered:
0x8: {  	[smem:$0x3FA7] =	sst s0  }
0x9: {  	[smem:$0x3FA8] =	sst s1  }
0xa: {  	[smem:$0x3FA9] =	sst s2  }
0xb: {  	[smem:$0x3FAA] =	sst s3  }
0xc: {  	[smem:$0x3FAB] =	sst s4  }
0xd: {  	[smem:$0x3FAC] =	sst s5  }
0xe: {  	[smem:$0x3FAD] =	sst s6  }
0xf: {  	[smem:$0x3FAE] =	sst s7  }
0x10: {  	[smem:$0x3FAF] =	sst s8  }
0x11: {  	[smem:$0x3FB0] =	sst s9;
	s0 =	simm.s32 @!p0 $0x0  }
0x12: {  	s1 =	sld [smem:$0x3F96];
	s0 =	simm.s32 @p0 $0x1  }
0x13: {  	[smem:$0x3FB1] =	sst s0;
	s0 =	simm.s32 @!p1 $0x0  }
0x14: {  	s2 =	sld [smem:$0x3F95];
	s0 =	simm.s32 @p1 $0x1  }
0x15: {  	[smem:$0x3FB2] =	sst s0;
	s0 =	simm.s32 @!p2 $0x0  }
0x16: {  	s3 =	sld [smem:$0x3FDB];
	s0 =	simm.s32 @p2 $0x1  }
0x17: {  	s4 =	simm.s32 $0x1BF5;
	[smem:$0x3FB4] =	sst s0  }
0x18: {  	s0 =	sld [smem:$0x3F97];
	_ =	swait.ge [sflag:s4], $0x0  }
0x19: {  	s7 =	sld [smem:$0x3F98]  }
0x1a: {  	s8 =	sadd.s32 $0xFFFFE003, lr  }
0x1b: {  	s9 =	sadd.s32 $0xFFFFFEF7, lr;
	s5 =	simm.s32 $0xFFFFFFFF;
	p2 =	slt.u32 s8, $0xFFFFF086  }
0x1c: {  	p1 =	slt.u32 s9, $0xF7A;
	s5 =	simm.s32 @!p2 $0x0  }
0x1d: {  	s5 =	simm.s32 @p1 $0x1;
	p0 =	seq.s32 s7, s2  }
0x1e: {  	s7 =	smul.u32 @!p0 $0xF7A, s2;
	p2 =	seq.s32 @!p0 s5, $0x0  }
0x1f: {  	s9 =	smul.u32 $0xF7A, s1;
	s8 =	simm.s32 @!p0 $0x1BF5;
	p2 =	por !p2, p0  }
0x20: {  	[sflag:s8] =	ssyncset.s32 @!p0 $0xFFFFF086;
	s6 =	sadd.s32 @!p0 s3, s7;
	s7 =	simm.s32 @!p0 $0x108  }
0x21: {  	s3 =	sadd.s32 s3, s9;
	s6 =	sadd.s32 @!p0 $0x88, s6;
	s7 =	simm.s32 @p2 $0x1082  }
0x22: {  	[simem:s7], [sflag:s8] =	dma.local @!p0 [hbm:s6], $0xF7A  }
0x23: {  	s9 =	sor.u32 $0xD0000000, s2;
	s6 =	simm.s32 $0x108;
	_ =	swait.ge @!p0 [sflag:s8], $0x0  }
0x24: {  	s3 =	sadd.s32 $0x88, s3;
	s6 =	simm.s32 @!p1 $0x1082;
	[sflag:s4] =	ssyncset.s32 $0xFFFFF086  }
0x25: {  	[simem:s6], [sflag:s4] =	dma.local [hbm:s3], $0xF7A  }
0x26: {  	[smem:$0x3F98] =	sst s1;
	(tag) =	ssettag s2;
	_ =	strace s9  }
0x27: {  	s1 =	sld [smem:$0x3FA8]  }
0x28: {  	s2 =	sld [smem:$0x3FA9]  }
0x29: {  	s4 =	sld [smem:$0x3FAB]  }
0x2a: {  	p0 =	seq.s32 s5, $0x0;
	s5 =	sld [smem:$0x3FAC]  }
0x2b: {  	s6 =	sld [smem:$0x3FAD]  }
0x2c: {  	s7 =	sld [smem:$0x3FAE]  }
0x2d: {  	s3 =	simm.s32 $0x108;
	s8 =	sld [smem:$0x3FAF]  }
0x2e: {  	s3 =	simm.s32 @!p0 $0x1082;
	s9 =	sld [smem:$0x3FB0]  }
0x2f: {  	lr =	sadd.s32 s0, s3;
	s0 =	sld [smem:$0x3FA7]  }
0x30: {  	s3 =	sld [smem:$0x3FAA]  }
0x31: {  	[smem:$0x3FB3] =	sst s10  }
0x32: {  	s10 =	sld [smem:$0x3FB1];
	_ =	sdelay $0x3  }
0x33: {  	p0 =	seq.s32 s10, $0x1;
	s10 =	sld [smem:$0x3FB3];
	_ =	sdelay $0x3  }
0x34: {  	[smem:$0x3FB3] =	sst s10  }
0x35: {  	s10 =	sld [smem:$0x3FB2];
	_ =	sdelay $0x3  }
0x36: {  	p1 =	seq.s32 s10, $0x1;
	s10 =	sld [smem:$0x3FB3];
	_ =	sdelay $0x3  }
0x37: {  	[smem:$0x3FB3] =	sst s10  }
0x38: {  	s10 =	sld [smem:$0x3FB4]  }
0x39: {  	_ = 	snop;
	(pc) =	sbr.ind lr, $3  }
0x3a: {  	_ = 	snop  }
0x3b: {  	_ = 	snop  }
0x3c: {  	p2 =	seq.s32 s10, $0x1;
	s10 =	sld [smem:$0x3FB3]  }
0x3d: {  	_ =	shalt  }
0x3e: {  	_ =	shalt  }
0x3f: {  	_ =	shalt  }
0x40: {  	_ =	shalt  }
0x41: {  	_ =	shalt  }
0x42: {  	_ =	shalt  }
0x43: {  	_ =	shalt  }
0x44: {  	_ =	shalt  }
0x45: {  	_ =	shalt  }
0x46: {  	_ =	shalt  }
0x47: {  	_ =	shalt  }
0x48: {  	_ =	shalt  }
0x49: {  	_ =	shalt  }
0x4a: {  	_ =	shalt  }
0x4b: {  	_ =	shalt  }
0x4c: {  	_ =	shalt  }
0x4d: {  	_ =	shalt  }
0x4e: {  	_ =	shalt  }
0x4f: {  	_ =	shalt  }
0x50: {  	_ =	shalt  }
0x51: {  	_ =	shalt  }
0x52: {  	_ =	shalt  }
0x53: {  	_ =	shalt  }
0x54: {  	_ =	shalt  }
0x55: {  	_ =	shalt  }
0x56: {  	_ =	shalt  }
0x57: {  	_ =	shalt  }
0x58: {  	_ =	shalt  }
0x59: {  	_ =	shalt  }
0x5a: {  	_ =	shalt  }
0x5b: {  	_ =	shalt  }
0x5c: {  	_ =	shalt  }
0x5d: {  	_ =	shalt  }
0x5e: {  	_ =	shalt  }
0x5f: {  	_ =	shalt  }
0x60: {  	_ =	shalt  }
0x61: {  	_ =	shalt  }
0x62: {  	_ =	shalt  }
0x63: {  	_ =	shalt  }
0x64: {  	_ =	shalt  }
0x65: {  	_ =	shalt  }
0x66: {  	_ =	shalt  }
0x67: {  	_ =	shalt  }
0x68: {  	_ =	shalt  }
0x69: {  	_ =	shalt  }
0x6a: {  	_ =	shalt  }
0x6b: {  	_ =	shalt  }
0x6c: {  	_ =	shalt  }
0x6d: {  	_ =	shalt  }
0x6e: {  	_ =	shalt  }
0x6f: {  	_ =	shalt  }
0x70: {  	_ =	shalt  }
0x71: {  	_ =	shalt  }
0x72: {  	_ =	shalt  }
0x73: {  	_ =	shalt  }
0x74: {  	_ =	shalt  }
0x75: {  	_ =	shalt  }
0x76: {  	_ =	shalt  }
0x77: {  	_ =	shalt  }
0x78: {  	_ =	shalt  }
0x79: {  	_ =	shalt  }
0x7a: {  	_ =	shalt  }
0x7b: {  	_ =	shalt  }
0x7c: {  	_ =	shalt  }
0x7d: {  	_ =	shalt  }
0x7e: {  	_ =	shalt  }
0x7f: {  	_ =	shalt  }
0x80: {  	_ =	shalt  }
0x81: {  	_ =	shalt  }
0x82: {  	_ =	shalt  }
0x83: {  	_ =	shalt  }
0x84: {  	_ =	shalt  }
0x85: {  	_ =	shalt  }
0x86: {  	_ =	shalt  }
0x87: {  	_ =	shalt  }
.Lfunc_end0:
.L_simem_size_0:
called_computation_lowered:
.L_overlay_start_0:
0x88: {  	s2 =	sld [smem:$0x3FD9]  }
0x89: {  	s3 =	sld [smem:$0x3FFE];
	_ =	sdelay $0x1  }
0x8a: {  	s1 =	srdreg.scid  }
0x8b: {  	s0 =	sand.u32 $0x1, s1  }
0x8c: {  	s16 =	sshll.u32 s0, $0xA;
	s2 =	sadd.s32 s3, s2  }
0x8d: {  	s2 =	sadd.s32 s2, s16  }
0x8e: {  	[smem:$0x3FBF] =	sst s2  }
0x8f: {  	_ = 	snop  }
0x90: {  	(tm) =	ssettm $0x1  }
0x91: {  	s17 =	sld [smem:$0x3FFB];
	_ =	sdelay $0x3  }
0x92: {  	_ =	strace s17  }
0x93: {  	s2 =	sld [smem:$0x3FFC];
	_ =	sdelay $0x3  }
0x94: {  	_ =	strace s2  }
0x95: {  	s2 =	sld [smem:$0x3FFD];
	_ =	sdelay $0x3  }
0x96: {  	_ =	strace s2  }
0x97: {  	_ =	strace $0x8FFFFFFF  }
0x98: {  	s18 =	sld [smem:$0x3FDB];
	_ =	sdelay $0x1  }
0x99: {  	s19 =	simm.s32 $_scs_section_size  }
0x9a: {  	s4 =	simm.s32 $_size__tile_overlayer_lowered;
	s5 =	simm.s32 $_tile_overlayer_lowered  }
0x9b: {  	s22 =	simm.s32 $0x1BFF;
	s21 =	sshll.u32 s5, $0x1;
	s2 =	sadd.s32 s19, s18  }
0x9c: {  	s6 =	simm.s32 $0x0;
	s20 =	sshll.u32 s4, $0x1;
	s4 =	sadd.s32 s21, s2  }
0x9d: {  	[timem:s6], [sflag:s22] =	dma.local [hbm:s4], s20  }
0x9e: {  	_ =	swait.ge [sflag:s22], s20  }
0x9f: {  	s3 =	ssub.s32 $0x0, s20;
	[sflag:s22] =	ssyncset.done $0x0  }
0xa0: {  	[sflag:s22] =	ssyncadd.s32 s3;
	_ =	sdelay $0x1  }
0xa1: {  	s23 =	simm.s32 $0x1B8B  }
0xa2: {  	_ =	swait.ge [sflag:s23], $0x1  }
0xa3: {  	[sflag:s23] =	ssyncset.done $0x0  }
0xa4: {  	s25 =	simm.s32 $0x1B8E;
	s24 =	sld [smem:$0x3FFE];
	[sflag:s23] =	ssyncadd.s32 $0xFFFFFFFF  }
0xa5: {  	s26 =	simm.s32 $execute0_lowered;
	[smem:$0x3FD2] =	sst s25  }
0xa6: {  	s4 =	sshll.u32 s26, $0x1;
	_ =	strace $0x80000046;
	[dreg:$0x1] =	wrdreg $0xFFFFFFFF  }
0xa7: {  	s28 =	simm.s32 $_size_execute0_lowered;
	s2 =	sadd.s32 s2, s4;
	[dreg:$0x0] =	wrdreg $0x0  }
0xa8: {  	s4 =	sshll.u32 s28, $0x1;
	[dreg:$0x2] =	wrdreg s2  }
0xa9: {  	[dreg:$0x3] =	wrdreg s4  }
0xaa: {  	[dreg:$0x4] =	wrdreg $0xC0  }
0xab: {  	_ =	task [dreg:s6], $0x5FFFF  }
0xac: {  	[dreg:$0x1] =	wrdreg $0xFFFFFFFF  }
0xad: {  	[dreg:$0x0] =	wrdreg $0x60  }
0xae: {  	[dreg:$0x2] =	wrdreg s24  }
0xaf: {  	[dreg:$0x3] =	wrdreg $0x94000  }
0xb0: {  	[dreg:$0x4] =	wrdreg $0x9  }
0xb1: {  	_ =	task.clear_ibuf [dreg:s6], $0x5FFFF;
	_ =	strace $0x90000046  }
0xb2: {  	s29 =	simm.s32 $0x9;
	_ =	strace $0x80000048  }
0xb3: {  	_ =	swait.ge [sflag:s29], $0x1  }
0xb4: {  	[sflag:s29] =	ssyncadd.s32 $0xFFFFFFFF  }
0xb5: {  	_ =	strace $0x90000048  }
0xb6: {  	_ =	sfence  }
0xb7: {  	s30 =	sld [smem:$0x0];
	_ =	sdelay $0x2  }
0xb8: {  	s31 =	sshll.u32 s1, $0xD;
	s1 =	sshrl.u32 s1, $0x2  }
0xb9: {  	s3 =	sand.u32 $0x4000, s31;
	s1 =	sadd.s32 s1, s30  }
0xba: {  	s0 =	sor.u32 s3, s0;
	s1 =	sshll.u32 s1, $0x11  }
0xbb: {  	s0 =	sor.u32 s1, s0  }
0xbc: {  	s0 =	sadd.s32 $0x8F2B, s0  }
0xbd: {  	[sflag:s0] =	ssyncadd.remote.s32 $0x1  }
0xbe: {  	_ =	sfence.sel $0xFFFF  }
0xbf: {  	[dreg:$0x0] =	wrdreg $0xFFFFFFFF;
	(pc) =	sbr.abs _section_cstart, $3  }
0xc0: {  	[dreg:$0x1] =	wrdreg $0xFFFFFFFF  }
0xc1: {  	_ =	task.clear_ibuf [dreg:s6], $0x2FFFF;
	_ =	strace $0x9FFFFFFF  }
0xc2: {  	(tm) =	ssettm $0x7FFFFFFF  }
0xc3: {  	_ =	shalt  }
tec
execute0_lowered:
.L_overlay_start_1:
0x0: {  	(tag) =	ssettag $0x1  }
0x1: {  	s5 =	rddreg [dreg:$0x0]  }
0x2: {  	s0 =	srdreg.scid;
	s2 =	rddreg [dreg:$0x1];
	s3 =	simm.s32 $0x0  }
0x3: {  	s12 =	simm.s32 $0x5400;
	s13 =	simm.s32 $0x1;
	s4 =	sand.u32 $0x1, s0  }
0x4: {  	s14 =	simm.s32 $0x80;
	s0 =	stileid.u32;
	s7 =	smul.u32 $0x28000, s4  }
0x5: {  	s15 =	simm.s32 $0x1400;
	[smem:$0x7FF] =	sst s3;
	s8 =	smul.u32 $0x2800, s0  }
0x6: {  	s1 =	sshll.u32 s4, $0x4;
	s4 =	ssub.s32 $0x2, s4;
	s9 =	smul.u32 $0x50000, s0  }
0x7: {  	s16 =	sshll.u32 s0, $0x6;
	s1 =	sor.u32 s0, s1;
	s30 =	sshrl.u32 s4, $0x1  }
0x8: {  	s16 =	sor.u32 $0x1C01, s16;
	s6 =	smul.u32 $0x280, s1;
	s1 =	rddreg [dreg:$0x2]  }
0x9: {  	_ =	strace $0x80000047;
	s7 =	sadd.s32 s8, s7;
	s31 =	sshrl.u32 s9, $0x2  }
0xa: {  	s8 =	ssub.s32 s4, s30;
	s7 =	sadd.s32 s7, s5;
	s4 =	sadd.s32 s31, s2  }
0xb: {  	s6 =	sadd.s32 s6, s5;
	s9 =	sadd.s32 $0x8000, s4;
	s10 =	sadd.s32 $0xC000, s4  }
0xc: {  	s11 =	sadd.s32 $0x10000, s4;
	s17 =	sshrl.u32 s4, $0x3;
	s5 =	sadd.s32 $0x2E00, s6  }
0xd: {  	v0 =	vimm.f32 $1.000000000e+00;
	v1 =	vimm.f32 $0.0e+00;
	s6 =	sadd.s32 $0x7E00, s7;
	s7 =	smax.u32 s8, $0x1;
	s8 =	sadd.s32 $0x4000, s4  }
.LBB2_1:
0xe: {  	s18 =	simm.s32 $0x200;
	s19 =	simm.s32 $0x0  }
.LBB2_2:
0xf: {  	p0 =	sne.s32 s18, $0xFE00;
	[tilespmem:s19+$0x1400] =	vst v0;
	s20 =	smov.u32 s18;
	s18 =	sadd.s32 $0x200, s18  }
.Ltmp0:
0x10: {  	[tilespmem:s19+$0x5400] =	vst v1;
	(pc) =	sbr.rel @p0 .LBB2_2-.Ltmp0, $2  }
0x11: {  	_ =	sdelay $0x2  }
0x12: {  	s19 =	sshra.s32 s20, $0x2  }
0x13: {  	[tilespmem:s19+$0x1400] =	vst v0  }
0x14: {  	[tilespmem:s19+$0x5400] =	vst v1  }
0x15: {  	[spmem:s4] =	stream.linear.scatter [tilespmem:s12], [sflag:$0x1], $0x4000, $0x38;
	[tilespmem:$0xBC00] =	vst v63  }
0x16: {  	_ =	swait.ge [sflag:s13], $0x4000  }
0x17: {  	[sflag:s13] =	ssyncset.done $0x0  }
0x18: {  	[sflag:s13] =	ssyncadd.s32 $0xFFFFC000  }
0x19: {  	[spmem:s8] =	stream.linear.scatter [tilespmem:s12], [sflag:$0x1], $0x4000, $0x38;
	[tilespmem:$0xBC00] =	vst v63  }
0x1a: {  	_ =	swait.ge [sflag:s13], $0x4000  }
0x1b: {  	[sflag:s13] =	ssyncset.done $0x0  }
0x1c: {  	[sflag:s13] =	ssyncadd.s32 $0xFFFFC000  }
0x1d: {  	[spmem:s9] =	stream.linear.scatter [tilespmem:s12], [sflag:$0x1], $0x4000, $0x38;
	[tilespmem:$0xBC00] =	vst v63  }
0x1e: {  	_ =	swait.ge [sflag:s13], $0x4000  }
0x1f: {  	[sflag:s13] =	ssyncset.done $0x0  }
0x20: {  	[sflag:s13] =	ssyncadd.s32 $0xFFFFC000  }
0x21: {  	[spmem:s10] =	stream.linear.scatter [tilespmem:s12], [sflag:$0x1], $0x4000, $0x38;
	[tilespmem:$0xBC00] =	vst v63  }
0x22: {  	_ =	swait.ge [sflag:s13], $0x4000  }
0x23: {  	[sflag:s13] =	ssyncset.done $0x0  }
0x24: {  	[sflag:s13] =	ssyncadd.s32 $0xFFFFC000  }
0x25: {  	[spmem:s11] =	stream.linear.scatter [tilespmem:s12], [sflag:$0x1], $0x4000, $0x38;
	[tilespmem:$0xBC00] =	vst v63  }
0x26: {  	_ =	swait.ge [sflag:s13], $0x4000  }
0x27: {  	[sflag:s13] =	ssyncset.done $0x0  }
0x28: {  	s18 =	simm.s32 $0x0;
	[sflag:s13] =	ssyncadd.s32 $0xFFFFC000  }
0x29: {  	[tilespmem:s18], [sflag:$0x1] =	stream.linear.gather [hbm4b:s5+s18], $0x1400, $0x38;
	[tilespmem:$0xBC00] =	vst v63  }
0x2a: {  	_ =	swait.ge [sflag:s13], $0x1400  }
0x2b: {  	[sflag:s13] =	ssyncset.done $0x0  }
0x2c: {  	[sflag:s13] =	ssyncadd.s32 $0xFFFFEC00  }
0x2d: {  	s31 =	simm.s32 $0x0;
	[bflag:$0x0] =	sbarrier.arrive $0xFFFF  }
0x2e: {  	[spmem:s2] =	stream.indirect.scatter.add.f32 [tilespmem:s15], [sflag:$0x1], $0x10, s31, s14, $0xb8;
	[tilespmem:$0xBC00] =	vst v63  }
0x2f: {  	_ =	swait.ge [sflag:s13], $0x800  }
0x30: {  	s18 =	simm.s32 $0x200;
	[sflag:s13] =	ssyncset.done $0x0  }
.LBB2_4:
0x31: {  	s19 =	sshra.s32 s18, $0x2;
	[sflag:s13] =	ssyncadd.s32 $0xFFFFF800;
	p0 =	sne.s32 s18, $0x4E00  }
0x32: {  	[spmem:s2] =	stream.indirect.scatter.add.f32 [tilespmem:s15], [sflag:$0x1], $0x10, s19, s14, $0xb8;
	[tilespmem:$0xBC00] =	vst v63  }
.Ltmp1:
0x33: {  	_ = 	snop;
	(pc) =	sbr.rel @p0 .LBB2_4-.Ltmp1, $4  }
0x34: {  	_ = 	snop  }
0x35: {  	s18 =	sadd.s32 $0x200, s18  }
0x36: {  	_ =	swait.ge [sflag:s13], $0x800  }
0x37: {  	[sflag:s13] =	ssyncset.done $0x0  }
0x38: {  	s3 =	sadd.s32 $0x1, s3  }
0x39: {  	[sflag:s13] =	ssyncadd.s32 $0xFFFFF800;
	p0 =	sne.s32 s3, s7  }
.Ltmp2:
0x3a: {  	[bflag:$0x0] =	sbarrier.arrive $0xFFFF;
	(pc) =	sbr.rel @p0 .LBB2_1-.Ltmp2, $4  }
0x3b: {  	[hbm:s6], [sflag:s16] =	dma.local [spmem:s17], $0x2800  }
0x3c: {  	_ =	swait.ge [sflag:s13], $0x2800  }
0x3d: {  	[sflag:s13] =	ssyncset.done $0x0  }
0x3e: {  	[sflag:s13] =	ssyncadd.s32 $0xFFFFD800  }
0x3f: {  	_ =	sfence.sel $0x180000  }
0x40: {  	[bflag:$0x0] =	sbarrier.arrive $0xFFFF  }
0x41: {  	p0 =	sne.s32 s0, $0x0;
	_ =	strace $0x90000047  }
0x42: {  	s0 =	sadd.s32 @!p0 $0x100000, s1;
	[bflag:$0x2] =	sbarrier.arrive $0xFFFF  }
0x43: {  	[sflag:s0] =	ssyncadd.tile.s32 @!p0 $0x1;
	_ =	shalt  }
.Lfunc_end2:
_tile_overlayer_lowered:
.L_overlay_start_2:
0x44: {  	(tag) =	ssettag $0x2  }
0x45: {  	s0 =	rddreg [dreg:$0x0];
	s2 =	stileid.u32  }
0x46: {  	s1 =	rddreg [dreg:$0x1];
	p0 =	sne.s32 s2, $0x0  }
0x47: {  	s3 =	rddreg [dreg:$0x2];
	[bflag:$0x3] =	sbarrier.arrive $0xFFFF;
	s2 =	simm.s32 @!p0 $0x1C01  }
0x48: {  	[timem:s3], [sflag:s2] =	dma.local @!p0 [hbm:s0], s1  }
0x49: {  	s0 =	simm.s32 @!p0 $0x1  }
0x4a: {  	_ =	swait.ge @!p0 [sflag:s0], s1  }
0x4b: {  	s1 =	ssub.s32 @!p0 $0x0, s1;
	[sflag:s0] =	ssyncset.done @!p0 $0x0  }
0x4c: {  	[sflag:s0] =	ssyncadd.s32 @!p0 s1  }
0x4d: {  	[bflag:$0x3] =	sbarrier.arrive $0xFFFF  }
0x4e: {  	_ =	shalt  }

// kernel: kernel.13.cloned.1.call-start
scs
__scs_entry_jumppad:
0x0: {  	(pc) =	sbr.rel $0x88, $3  }
0x1: {  	(tag) =	ssettag $0x0;
	lr =	simm.s32 $0x1  }
0x2: {  	[smem:$0x3F98] =	sst lr;
	_ =	strace $0xD0000000  }
0x3: {  	_ = 	snop  }
0x4: {  	_ = 	snop  }
0x5: {  	_ = 	snop  }
0x6: {  	_ = 	snop  }
0x7: {  	_ = 	snop  }
__scs_overlays_trampoline_lowered:
0x8: {  	[smem:$0x3FA7] =	sst s0  }
0x9: {  	[smem:$0x3FA8] =	sst s1  }
0xa: {  	[smem:$0x3FA9] =	sst s2  }
0xb: {  	[smem:$0x3FAA] =	sst s3  }
0xc: {  	[smem:$0x3FAB] =	sst s4  }
0xd: {  	[smem:$0x3FAC] =	sst s5  }
0xe: {  	[smem:$0x3FAD] =	sst s6  }
0xf: {  	[smem:$0x3FAE] =	sst s7  }
0x10: {  	[smem:$0x3FAF] =	sst s8  }
0x11: {  	[smem:$0x3FB0] =	sst s9;
	s0 =	simm.s32 @!p0 $0x0  }
0x12: {  	s1 =	sld [smem:$0x3F96];
	s0 =	simm.s32 @p0 $0x1  }
0x13: {  	[smem:$0x3FB1] =	sst s0;
	s0 =	simm.s32 @!p1 $0x0  }
0x14: {  	s2 =	sld [smem:$0x3F95];
	s0 =	simm.s32 @p1 $0x1  }
0x15: {  	[smem:$0x3FB2] =	sst s0;
	s0 =	simm.s32 @!p2 $0x0  }
0x16: {  	s3 =	sld [smem:$0x3FDB];
	s0 =	simm.s32 @p2 $0x1  }
0x17: {  	s4 =	simm.s32 $0x1BF5;
	[smem:$0x3FB4] =	sst s0  }
0x18: {  	s0 =	sld [smem:$0x3F97];
	_ =	swait.ge [sflag:s4], $0x0  }
0x19: {  	s7 =	sld [smem:$0x3F98]  }
0x1a: {  	s8 =	sadd.s32 $0xFFFFE003, lr  }
0x1b: {  	s9 =	sadd.s32 $0xFFFFFEF7, lr;
	s5 =	simm.s32 $0xFFFFFFFF;
	p2 =	slt.u32 s8, $0xFFFFF086  }
0x1c: {  	p1 =	slt.u32 s9, $0xF7A;
	s5 =	simm.s32 @!p2 $0x0  }
0x1d: {  	s5 =	simm.s32 @p1 $0x1;
	p0 =	seq.s32 s7, s2  }
0x1e: {  	s7 =	smul.u32 @!p0 $0xF7A, s2;
	p2 =	seq.s32 @!p0 s5, $0x0  }
0x1f: {  	s9 =	smul.u32 $0xF7A, s1;
	s8 =	simm.s32 @!p0 $0x1BF5;
	p2 =	por !p2, p0  }
0x20: {  	[sflag:s8] =	ssyncset.s32 @!p0 $0xFFFFF086;
	s6 =	sadd.s32 @!p0 s3, s7;
	s7 =	simm.s32 @!p0 $0x108  }
0x21: {  	s3 =	sadd.s32 s3, s9;
	s6 =	sadd.s32 @!p0 $0x88, s6;
	s7 =	simm.s32 @p2 $0x1082  }
0x22: {  	[simem:s7], [sflag:s8] =	dma.local @!p0 [hbm:s6], $0xF7A  }
0x23: {  	s9 =	sor.u32 $0xD0000000, s2;
	s6 =	simm.s32 $0x108;
	_ =	swait.ge @!p0 [sflag:s8], $0x0  }
0x24: {  	s3 =	sadd.s32 $0x88, s3;
	s6 =	simm.s32 @!p1 $0x1082;
	[sflag:s4] =	ssyncset.s32 $0xFFFFF086  }
0x25: {  	[simem:s6], [sflag:s4] =	dma.local [hbm:s3], $0xF7A  }
0x26: {  	[smem:$0x3F98] =	sst s1;
	(tag) =	ssettag s2;
	_ =	strace s9  }
0x27: {  	s1 =	sld [smem:$0x3FA8]  }
0x28: {  	s2 =	sld [smem:$0x3FA9]  }
0x29: {  	s4 =	sld [smem:$0x3FAB]  }
0x2a: {  	p0 =	seq.s32 s5, $0x0;
	s5 =	sld [smem:$0x3FAC]  }
0x2b: {  	s6 =	sld [smem:$0x3FAD]  }
0x2c: {  	s7 =	sld [smem:$0x3FAE]  }
0x2d: {  	s3 =	simm.s32 $0x108;
	s8 =	sld [smem:$0x3FAF]  }
0x2e: {  	s3 =	simm.s32 @!p0 $0x1082;
	s9 =	sld [smem:$0x3FB0]  }
0x2f: {  	lr =	sadd.s32 s0, s3;
	s0 =	sld [smem:$0x3FA7]  }
0x30: {  	s3 =	sld [smem:$0x3FAA]  }
0x31: {  	[smem:$0x3FB3] =	sst s10  }
0x32: {  	s10 =	sld [smem:$0x3FB1];
	_ =	sdelay $0x3  }
0x33: {  	p0 =	seq.s32 s10, $0x1;
	s10 =	sld [smem:$0x3FB3];
	_ =	sdelay $0x3  }
0x34: {  	[smem:$0x3FB3] =	sst s10  }
0x35: {  	s10 =	sld [smem:$0x3FB2];
	_ =	sdelay $0x3  }
0x36: {  	p1 =	seq.s32 s10, $0x1;
	s10 =	sld [smem:$0x3FB3];
	_ =	sdelay $0x3  }
0x37: {  	[smem:$0x3FB3] =	sst s10  }
0x38: {  	s10 =	sld [smem:$0x3FB4]  }
0x39: {  	_ = 	snop;
	(pc) =	sbr.ind lr, $3  }
0x3a: {  	_ = 	snop  }
0x3b: {  	_ = 	snop  }
0x3c: {  	p2 =	seq.s32 s10, $0x1;
	s10 =	sld [smem:$0x3FB3]  }
0x3d: {  	_ =	shalt  }
0x3e: {  	_ =	shalt  }
0x3f: {  	_ =	shalt  }
0x40: {  	_ =	shalt  }
0x41: {  	_ =	shalt  }
0x42: {  	_ =	shalt  }
0x43: {  	_ =	shalt  }
0x44: {  	_ =	shalt  }
0x45: {  	_ =	shalt  }
0x46: {  	_ =	shalt  }
0x47: {  	_ =	shalt  }
0x48: {  	_ =	shalt  }
0x49: {  	_ =	shalt  }
0x4a: {  	_ =	shalt  }
0x4b: {  	_ =	shalt  }
0x4c: {  	_ =	shalt  }
0x4d: {  	_ =	shalt  }
0x4e: {  	_ =	shalt  }
0x4f: {  	_ =	shalt  }
0x50: {  	_ =	shalt  }
0x51: {  	_ =	shalt  }
0x52: {  	_ =	shalt  }
0x53: {  	_ =	shalt  }
0x54: {  	_ =	shalt  }
0x55: {  	_ =	shalt  }
0x56: {  	_ =	shalt  }
0x57: {  	_ =	shalt  }
0x58: {  	_ =	shalt  }
0x59: {  	_ =	shalt  }
0x5a: {  	_ =	shalt  }
0x5b: {  	_ =	shalt  }
0x5c: {  	_ =	shalt  }
0x5d: {  	_ =	shalt  }
0x5e: {  	_ =	shalt  }
0x5f: {  	_ =	shalt  }
0x60: {  	_ =	shalt  }
0x61: {  	_ =	shalt  }
0x62: {  	_ =	shalt  }
0x63: {  	_ =	shalt  }
0x64: {  	_ =	shalt  }
0x65: {  	_ =	shalt  }
0x66: {  	_ =	shalt  }
0x67: {  	_ =	shalt  }
0x68: {  	_ =	shalt  }
0x69: {  	_ =	shalt  }
0x6a: {  	_ =	shalt  }
0x6b: {  	_ =	shalt  }
0x6c: {  	_ =	shalt  }
0x6d: {  	_ =	shalt  }
0x6e: {  	_ =	shalt  }
0x6f: {  	_ =	shalt  }
0x70: {  	_ =	shalt  }
0x71: {  	_ =	shalt  }
0x72: {  	_ =	shalt  }
0x73: {  	_ =	shalt  }
0x74: {  	_ =	shalt  }
0x75: {  	_ =	shalt  }
0x76: {  	_ =	shalt  }
0x77: {  	_ =	shalt  }
0x78: {  	_ =	shalt  }
0x79: {  	_ =	shalt  }
0x7a: {  	_ =	shalt  }
0x7b: {  	_ =	shalt  }
0x7c: {  	_ =	shalt  }
0x7d: {  	_ =	shalt  }
0x7e: {  	_ =	shalt  }
0x7f: {  	_ =	shalt  }
0x80: {  	_ =	shalt  }
0x81: {  	_ =	shalt  }
0x82: {  	_ =	shalt  }
0x83: {  	_ =	shalt  }
0x84: {  	_ =	shalt  }
0x85: {  	_ =	shalt  }
0x86: {  	_ =	shalt  }
0x87: {  	_ =	shalt  }
.Lfunc_end0:
.L_simem_size_0:
called_computation.1_lowered:
.L_overlay_start_0:
0x88: {  	s2 =	sld [smem:$0x3FD9]  }
0x89: {  	s3 =	sld [smem:$0x3FFE];
	_ =	sdelay $0x1  }
0x8a: {  	s1 =	srdreg.scid  }
0x8b: {  	s0 =	sand.u32 $0x1, s1  }
0x8c: {  	s16 =	sshll.u32 s0, $0xA;
	s2 =	sadd.s32 s3, s2  }
0x8d: {  	s2 =	sadd.s32 s2, s16  }
0x8e: {  	[smem:$0x3FBF] =	sst s2  }
0x8f: {  	_ = 	snop  }
0x90: {  	(tm) =	ssettm $0x1  }
0x91: {  	s17 =	sld [smem:$0x3FFB];
	_ =	sdelay $0x3  }
0x92: {  	_ =	strace s17  }
0x93: {  	s2 =	sld [smem:$0x3FFC];
	_ =	sdelay $0x3  }
0x94: {  	_ =	strace s2  }
0x95: {  	s2 =	sld [smem:$0x3FFD];
	_ =	sdelay $0x3  }
0x96: {  	_ =	strace s2  }
0x97: {  	_ =	strace $0x8FFFFFFF  }
0x98: {  	s18 =	sld [smem:$0x3FDB];
	_ =	sdelay $0x1  }
0x99: {  	s19 =	simm.s32 $_scs_section_size  }
0x9a: {  	s4 =	simm.s32 $_size__tile_overlayer_lowered;
	s5 =	simm.s32 $_tile_overlayer_lowered  }
0x9b: {  	s22 =	simm.s32 $0x1BFF;
	s21 =	sshll.u32 s5, $0x1;
	s2 =	sadd.s32 s19, s18  }
0x9c: {  	s6 =	simm.s32 $0x0;
	s20 =	sshll.u32 s4, $0x1;
	s4 =	sadd.s32 s21, s2  }
0x9d: {  	[timem:s6], [sflag:s22] =	dma.local [hbm:s4], s20  }
0x9e: {  	_ =	swait.ge [sflag:s22], s20  }
0x9f: {  	s3 =	ssub.s32 $0x0, s20;
	[sflag:s22] =	ssyncset.done $0x0  }
0xa0: {  	[sflag:s22] =	ssyncadd.s32 s3;
	_ =	sdelay $0x1  }
0xa1: {  	s23 =	simm.s32 $0x1B8B  }
0xa2: {  	_ =	swait.ge [sflag:s23], $0x1  }
0xa3: {  	[sflag:s23] =	ssyncset.done $0x0  }
0xa4: {  	s25 =	simm.s32 $0x1B8E;
	s24 =	sld [smem:$0x3FFE];
	[sflag:s23] =	ssyncadd.s32 $0xFFFFFFFF  }
0xa5: {  	s26 =	simm.s32 $execute0_lowered;
	[smem:$0x3FD2] =	sst s25  }
0xa6: {  	s4 =	sshll.u32 s26, $0x1;
	_ =	strace $0x80000049;
	[dreg:$0x1] =	wrdreg $0xFFFFFFFF  }
0xa7: {  	s28 =	simm.s32 $_size_execute0_lowered;
	s2 =	sadd.s32 s2, s4;
	[dreg:$0x0] =	wrdreg $0x0  }
0xa8: {  	s4 =	sshll.u32 s28, $0x1;
	[dreg:$0x2] =	wrdreg s2  }
0xa9: {  	[dreg:$0x3] =	wrdreg s4  }
0xaa: {  	[dreg:$0x4] =	wrdreg $0xC0  }
0xab: {  	_ =	task [dreg:s6], $0x5FFFF  }
0xac: {  	[dreg:$0x1] =	wrdreg $0xFFFFFFFF  }
0xad: {  	[dreg:$0x0] =	wrdreg $0x60  }
0xae: {  	[dreg:$0x2] =	wrdreg s24  }
0xaf: {  	[dreg:$0x3] =	wrdreg $0xAA000  }
0xb0: {  	[dreg:$0x4] =	wrdreg $0x9  }
0xb1: {  	_ =	task.clear_ibuf [dreg:s6], $0x5FFFF;
	_ =	strace $0x90000049  }
0xb2: {  	s29 =	simm.s32 $0x9;
	_ =	strace $0x8000004B  }
0xb3: {  	_ =	swait.ge [sflag:s29], $0x1  }
0xb4: {  	[sflag:s29] =	ssyncadd.s32 $0xFFFFFFFF  }
0xb5: {  	_ =	strace $0x9000004B  }
0xb6: {  	_ =	sfence  }
0xb7: {  	s30 =	sld [smem:$0x0];
	_ =	sdelay $0x2  }
0xb8: {  	s31 =	sshll.u32 s1, $0xD;
	s1 =	sshrl.u32 s1, $0x2  }
0xb9: {  	s3 =	sand.u32 $0x4000, s31;
	s1 =	sadd.s32 s1, s30  }
0xba: {  	s0 =	sor.u32 s3, s0;
	s1 =	sshll.u32 s1, $0x11  }
0xbb: {  	s0 =	sor.u32 s1, s0  }
0xbc: {  	s0 =	sadd.s32 $0x8F2B, s0  }
0xbd: {  	[sflag:s0] =	ssyncadd.remote.s32 $0x1  }
0xbe: {  	_ =	sfence.sel $0xFFFF  }
0xbf: {  	[dreg:$0x0] =	wrdreg $0xFFFFFFFF;
	(pc) =	sbr.abs _section_cstart, $3  }
0xc0: {  	[dreg:$0x1] =	wrdreg $0xFFFFFFFF  }
0xc1: {  	_ =	task.clear_ibuf [dreg:s6], $0x2FFFF;
	_ =	strace $0x9FFFFFFF  }
0xc2: {  	(tm) =	ssettm $0x7FFFFFFF  }
0xc3: {  	_ =	shalt  }
tec
execute0_lowered:
.L_overlay_start_1:
0x0: {  	(tag) =	ssettag $0x1  }
0x1: {  	s1 =	rddreg [dreg:$0x0]  }
0x2: {  	s0 =	srdreg.scid;
	s2 =	rddreg [dreg:$0x1]  }
0x3: {  	s11 =	stileid.u32;
	s3 =	simm.s32 $0x0;
	s19 =	simm.s32 $0x2A00  }
0x4: {  	s20 =	simm.s32 $0x3;
	s21 =	simm.s32 $0x2800;
	s22 =	simm.s32 $0x2880  }
0x5: {  	s23 =	simm.s32 $0x80;
	s24 =	simm.s32 $0x6A00;
	s25 =	simm.s32 $0x2900  }
0x6: {  	s28 =	simm.s32 $0x2;
	s29 =	simm.s32 $0x2980;
	s31 =	simm.s32 $0x0  }
0x7: {  	s0 =	sand.u32 $0x1, s0;
	[smem:$0x7FF] =	sst s3;
	s7 =	smul.u32 $0x2800, s11  }
0x8: {  	s9 =	smul.u32 $0x50000, s11;
	s4 =	sshll.u32 s0, $0x4;
	_ =	strace $0x8000004A  }
0x9: {  	s6 =	smul.u32 $0x28000, s0;
	s0 =	ssub.s32 $0x2, s0;
	s4 =	sor.u32 s11, s4  }
0xa: {  	s10 =	sshrl.u32 s0, $0x1;
	s26 =	sshrl.u32 s9, $0x2;
	s5 =	smul.u32 $0x500, s4  }
0xb: {  	s4 =	sadd.s32 $0x7E00, s1;
	s7 =	sadd.s32 s7, s6;
	s0 =	ssub.s32 s0, s10  }
0xc: {  	s6 =	smul.u32 $0x500, s11;
	s0 =	smax.u32 s0, $0x1;
	s8 =	sadd.s32 s5, s1  }
0xd: {  	s5 =	sadd.s32 $0x2E00, s1;
	s1 =	sadd.s32 s7, s1;
	s7 =	sadd.s32 s26, s2  }
0xe: {  	[dreg:$0x6] =	wrdreg s0;
	s26 =	simm.s32 $0x1;
	s8 =	sadd.s32 $0x57E00, s8  }
0xf: {  	s9 =	sadd.s32 s5, s6;
	s1 =	sadd.s32 $0x61E00, s1;
	s13 =	sadd.s32 $0x4000, s7  }
0x10: {  	s14 =	sadd.s32 $0x8000, s7;
	s15 =	sadd.s32 $0xC000, s7;
	[dreg:$0x3] =	wrdreg s8  }
0x11: {  	s16 =	sadd.s32 $0x10000, s7;
	s30 =	sadd.s32 $0x10, s9;
	[dreg:$0x5] =	wrdreg s1  }
0x12: {  	v0 =	vimm.f32 $0.0e+00;
	s17 =	sadd.s32 $0x4E0, s9;
	s18 =	sadd.s32 $0x40, s9;
	[dreg:$0x4] =	wrdreg s30  }
.LBB2_1:
0x13: {  	s0 =	simm.s32 $0x0;
	s1 =	simm.s32 $0x200  }
.LBB2_2:
0x14: {  	p0 =	sne.s32 s1, $0xFE00;
	[tilespmem:s0+$0x2A70] =	vst v0  }
0x15: {  	[tilespmem:s0+$0x2A00] =	vst v0  }
0x16: {  	[tilespmem:s0+$0x2A10] =	vst v0  }
.Ltmp0:
0x17: {  	[tilespmem:s0+$0x2A20] =	vst v0;
	(pc) =	sbr.rel @p0 .LBB2_2-.Ltmp0, $4  }
0x18: {  	[tilespmem:s0+$0x2A30] =	vst v0  }
0x19: {  	[tilespmem:s0+$0x2A40] =	vst v0  }
0x1a: {  	[tilespmem:s0+$0x2A50] =	vst v0  }
0x1b: {  	[tilespmem:s0+$0x2A60] =	vst v0;
	s0 =	sshra.s32 s1, $0x2;
	s1 =	sadd.s32 $0x200, s1  }
0x1c: {  	[tilespmem:s0+$0x2A70] =	vst v0  }
0x1d: {  	[tilespmem:s0+$0x2A00] =	vst v0  }
0x1e: {  	[tilespmem:s0+$0x2A10] =	vst v0  }
0x1f: {  	[tilespmem:s0+$0x2A20] =	vst v0  }
0x20: {  	[tilespmem:s0+$0x2A30] =	vst v0  }
0x21: {  	[tilespmem:s0+$0x2A40] =	vst v0  }
0x22: {  	[tilespmem:s0+$0x2A50] =	vst v0  }
0x23: {  	[tilespmem:s0+$0x2A60] =	vst v0  }
0x24: {  	[spmem:s7] =	stream.linear.scatter [tilespmem:s19], [sflag:$0x3], $0x4000, $0x38;
	[tilespmem:$0x1EA00] =	vst v63  }
0x25: {  	_ =	swait.ge [sflag:s20], $0x4000  }
0x26: {  	[sflag:s20] =	ssyncset.done $0x0  }
0x27: {  	[sflag:s20] =	ssyncadd.s32 $0xFFFFC000  }
0x28: {  	[spmem:s13] =	stream.linear.scatter [tilespmem:s19], [sflag:$0x3], $0x4000, $0x38;
	[tilespmem:$0x1EA00] =	vst v63  }
0x29: {  	_ =	swait.ge [sflag:s20], $0x4000  }
0x2a: {  	[sflag:s20] =	ssyncset.done $0x0  }
0x2b: {  	[sflag:s20] =	ssyncadd.s32 $0xFFFFC000  }
0x2c: {  	[spmem:s14] =	stream.linear.scatter [tilespmem:s19], [sflag:$0x3], $0x4000, $0x38;
	[tilespmem:$0x1EA00] =	vst v63  }
0x2d: {  	_ =	swait.ge [sflag:s20], $0x4000  }
0x2e: {  	[sflag:s20] =	ssyncset.done $0x0  }
0x2f: {  	[sflag:s20] =	ssyncadd.s32 $0xFFFFC000  }
0x30: {  	[spmem:s15] =	stream.linear.scatter [tilespmem:s19], [sflag:$0x3], $0x4000, $0x38;
	[tilespmem:$0x1EA00] =	vst v63  }
0x31: {  	_ =	swait.ge [sflag:s20], $0x4000  }
0x32: {  	[sflag:s20] =	ssyncset.done $0x0  }
0x33: {  	[sflag:s20] =	ssyncadd.s32 $0xFFFFC000  }
0x34: {  	[spmem:s16] =	stream.linear.scatter [tilespmem:s19], [sflag:$0x3], $0x4000, $0x38;
	[tilespmem:$0x1EA00] =	vst v63  }
0x35: {  	_ =	swait.ge [sflag:s20], $0x4000  }
0x36: {  	[sflag:s20] =	ssyncset.done $0x0  }
0x37: {  	[sflag:s20] =	ssyncadd.s32 $0xFFFFC000  }
0x38: {  	[bflag:$0x0] =	sbarrier.arrive $0xFFFF  }
0x39: {  	s10 =	simm.s32 $0x0;
	s1 =	rddreg [dreg:$0x3]  }
0x3a: {  	[tilespmem:s10], [sflag:$0x3] =	stream.linear.gather [hbm4b:s1+s10], $0x2800, $0x38;
	[tilespmem:$0x1EA00] =	vst v63  }
0x3b: {  	_ =	swait.ge [sflag:s20], $0x2800  }
0x3c: {  	[sflag:s20] =	ssyncset.done $0x0  }
0x3d: {  	[sflag:s20] =	ssyncadd.s32 $0xFFFFD800  }
0x3e: {  	[tilespmem:s21], [sflag:$0x3] =	stream.linear.gather [hbm4b:s9+s10], $0x80, $0x38;
	[tilespmem:$0x1EA00] =	vst v63  }
0x3f: {  	_ =	swait.ge [sflag:s20], $0x80  }
0x40: {  	[sflag:s20] =	ssyncset.done $0x0  }
0x41: {  	s11 =	rddreg [dreg:$0x4];
	[sflag:s20] =	ssyncadd.s32 $0xFFFFFF80  }
0x42: {  	[tilespmem:s22], [sflag:$0x3] =	stream.linear.gather [hbm4b:s11+s10], $0x80, $0x38;
	[tilespmem:$0x1EA00] =	vst v63  }
0x43: {  	s12 =	sadd.s32 $0x0, s6;
	_ =	swait.ge [sflag:s20], $0x80  }
0x44: {  	s8 =	simm.s32 $0x0;
	s0 =	sand.u32 $0x40, s10;
	[sflag:s20] =	ssyncset.done $0x0  }
0x45: {  	s0 =	sadd.s32 s0, s5;
	s1 =	sand.u32 $0xFF80, s12;
	[sflag:s20] =	ssyncadd.s32 $0xFFFFFF80  }
0x46: {  	[tilespmem:s19], [sflag:$0x1] =	stream.indirect.gather [hbm4b:s4+s23], $0x80, s8, s23, $0xb8;
	[tilespmem:$0x1EA00] =	vst v63  }
0x47: {  	s0 =	sadd.s32 s1, s0;
	s8 =	simm.s32 $0x80  }
0x48: {  	[tilespmem:s24], [sflag:$0x2] =	stream.indirect.gather [hbm4b:s4+s23], $0x80, s8, s23, $0xb8;
	[tilespmem:$0x1EA00] =	vst v63  }
0x49: {  	s0 =	sadd.s32 $0x20, s0  }
0x4a: {  	[tilespmem:s25], [sflag:$0x3] =	stream.linear.gather [hbm4b:s0+s3], $0x100, $0x38;
	[tilespmem:$0x1EA00] =	vst v63  }
0x4b: {  	_ =	swait.ge [sflag:s20], $0x100  }
0x4c: {  	[sflag:s20] =	ssyncset.done $0x0  }
0x4d: {  	[sflag:s20] =	ssyncadd.s32 $0xFFFFFF00  }
0x4e: {  	_ =	swait.ge [sflag:s26], $0x4000  }
0x4f: {  	[sflag:s26] =	ssyncset.done $0x0  }
0x50: {  	[sflag:s26] =	ssyncadd.s32 $0xFFFFC000  }
0x51: {  	[spmem:s2] =	stream.indirect.scatter.add.f32 [tilespmem:s19], [sflag:$0x3], $0x80, s21, s23, $0xb8;
	[tilespmem:$0x1EA00] =	vst v63  }
0x52: {  	_ =	swait.ge [sflag:s20], $0x4000  }
0x53: {  	[sflag:s20] =	ssyncset.done $0x0  }
0x54: {  	[sflag:s20] =	ssyncadd.s32 $0xFFFFC000  }
0x55: {  	_ =	swait.ge [sflag:s28], $0x4000  }
0x56: {  	[sflag:s28] =	ssyncset.done $0x0  }
0x57: {  	[sflag:s28] =	ssyncadd.s32 $0xFFFFC000  }
0x58: {  	[spmem:s2] =	stream.indirect.scatter.add.f32 [tilespmem:s24], [sflag:$0x3], $0x80, s22, s23, $0xb8;
	[tilespmem:$0x1EA00] =	vst v63  }
0x59: {  	_ =	swait.ge [sflag:s20], $0x4000  }
0x5a: {  	[sflag:s20] =	ssyncset.done $0x0  }
0x5b: {  	s10 =	simm.s32 $0x100;
	[sflag:s20] =	ssyncadd.s32 $0xFFFFC000  }
0x5c: {  	[tilespmem:s19], [sflag:$0x1] =	stream.indirect.gather [hbm4b:s4+s23], $0x80, s10, s23, $0xb8;
	[tilespmem:$0x1EA00] =	vst v63  }
0x5d: {  	s11 =	simm.s32 $0x180  }
0x5e: {  	[tilespmem:s24], [sflag:$0x2] =	stream.indirect.gather [hbm4b:s4+s23], $0x80, s11, s23, $0xb8;
	[tilespmem:$0x1EA00] =	vst v63  }
0x5f: {  	s12 =	sadd.s32 $0x0, s18  }
0x60: {  	[tilespmem:s21], [sflag:$0x3] =	stream.linear.gather [hbm4b:s12+s3], $0x100, $0x38;
	[tilespmem:$0x1EA00] =	vst v63  }
0x61: {  	_ =	swait.ge [sflag:s20], $0x100  }
0x62: {  	[sflag:s20] =	ssyncset.done $0x0  }
0x63: {  	[sflag:s20] =	ssyncadd.s32 $0xFFFFFF00  }
0x64: {  	_ =	swait.ge [sflag:s26], $0x4000  }
0x65: {  	[sflag:s26] =	ssyncset.done $0x0  }
0x66: {  	[sflag:s26] =	ssyncadd.s32 $0xFFFFC000  }
0x67: {  	[spmem:s2] =	stream.indirect.scatter.add.f32 [tilespmem:s19], [sflag:$0x3], $0x80, s25, s23, $0xb8;
	[tilespmem:$0x1EA00] =	vst v63  }
0x68: {  	_ =	swait.ge [sflag:s20], $0x4000  }
0x69: {  	[sflag:s20] =	ssyncset.done $0x0  }
0x6a: {  	[sflag:s20] =	ssyncadd.s32 $0xFFFFC000  }
0x6b: {  	_ =	swait.ge [sflag:s28], $0x4000  }
0x6c: {  	s30 =	simm.s32 $0x800;
	s0 =	simm.s32 $0x40;
	[sflag:s28] =	ssyncset.done $0x0  }
0x6d: {  	s1 =	simm.s32 $0x1000;
	s8 =	sand.u32 $0x40, s0;
	[sflag:s28] =	ssyncadd.s32 $0xFFFFC000  }
0x6e: {  	[spmem:s2] =	stream.indirect.scatter.add.f32 [tilespmem:s24], [sflag:$0x3], $0x80, s29, s23, $0xb8;
	[tilespmem:$0x1EA00] =	vst v63  }
.LBB2_4:
0x6f: {  	s11 =	sshra.s32 s30, $0x2  }
0x70: {  	s10 =	sadd.s32 s0, s6;
	_ =	swait.ge [sflag:s20], $0x4000;
	s30 =	smov.u32 s1  }
0x71: {  	s8 =	sadd.s32 s8, s5;
	s12 =	sand.u32 $0xFF80, s10;
	[sflag:s20] =	ssyncset.done $0x0  }
0x72: {  	s10 =	sadd.s32 $0x800, s1;
	s8 =	sadd.s32 s12, s8;
	[sflag:s20] =	ssyncadd.s32 $0xFFFFC000  }
0x73: {  	[tilespmem:s19], [sflag:$0x1] =	stream.indirect.gather [hbm4b:s4+s23], $0x80, s11, s23, $0xb8;
	[tilespmem:$0x1EA00] =	vst v63  }
0x74: {  	p0 =	sne.s32 s1, $0x9000;
	s1 =	sadd.s32 $0x80, s11  }
0x75: {  	[tilespmem:s24], [sflag:$0x2] =	stream.indirect.gather [hbm4b:s4+s23], $0x80, s1, s23, $0xb8;
	[tilespmem:$0x1EA00] =	vst v63  }
0x76: {  	s1 =	sadd.s32 $0x20, s8  }
0x77: {  	[tilespmem:s25], [sflag:$0x3] =	stream.linear.gather [hbm4b:s1+s3], $0x100, $0x38;
	[tilespmem:$0x1EA00] =	vst v63  }
0x78: {  	_ =	swait.ge [sflag:s20], $0x100  }
0x79: {  	[sflag:s20] =	ssyncset.done $0x0  }
0x7a: {  	[sflag:s20] =	ssyncadd.s32 $0xFFFFFF00  }
0x7b: {  	_ =	swait.ge [sflag:s26], $0x4000  }
0x7c: {  	[sflag:s26] =	ssyncset.done $0x0  }
0x7d: {  	[sflag:s26] =	ssyncadd.s32 $0xFFFFC000  }
0x7e: {  	[spmem:s2] =	stream.indirect.scatter.add.f32 [tilespmem:s19], [sflag:$0x3], $0x80, s21, s23, $0xb8;
	[tilespmem:$0x1EA00] =	vst v63  }
0x7f: {  	_ =	swait.ge [sflag:s20], $0x4000  }
0x80: {  	[sflag:s20] =	ssyncset.done $0x0  }
0x81: {  	[sflag:s20] =	ssyncadd.s32 $0xFFFFC000  }
0x82: {  	_ =	swait.ge [sflag:s28], $0x4000  }
0x83: {  	[sflag:s28] =	ssyncset.done $0x0  }
0x84: {  	[sflag:s28] =	ssyncadd.s32 $0xFFFFC000  }
0x85: {  	[spmem:s2] =	stream.indirect.scatter.add.f32 [tilespmem:s24], [sflag:$0x3], $0x80, s22, s23, $0xb8;
	[tilespmem:$0x1EA00] =	vst v63  }
0x86: {  	s1 =	sadd.s32 $0x100, s11;
	_ =	swait.ge [sflag:s20], $0x4000  }
0x87: {  	[sflag:s20] =	ssyncset.done $0x0  }
0x88: {  	s8 =	sadd.s32 $0x180, s11;
	[sflag:s20] =	ssyncadd.s32 $0xFFFFC000  }
0x89: {  	[tilespmem:s19], [sflag:$0x1] =	stream.indirect.gather [hbm4b:s4+s23], $0x80, s1, s23, $0xb8;
	[tilespmem:$0x1EA00] =	vst v63  }
0x8a: {  	s1 =	sadd.s32 s0, s18  }
0x8b: {  	[tilespmem:s24], [sflag:$0x2] =	stream.indirect.gather [hbm4b:s4+s23], $0x80, s8, s23, $0xb8;
	[tilespmem:$0x1EA00] =	vst v63  }
0x8c: {  	_ = 	snop  }
0x8d: {  	[tilespmem:s21], [sflag:$0x3] =	stream.linear.gather [hbm4b:s1+s3], $0x100, $0x38;
	[tilespmem:$0x1EA00] =	vst v63  }
0x8e: {  	_ =	swait.ge [sflag:s20], $0x100  }
0x8f: {  	[sflag:s20] =	ssyncset.done $0x0  }
0x90: {  	[sflag:s20] =	ssyncadd.s32 $0xFFFFFF00  }
0x91: {  	_ =	swait.ge [sflag:s26], $0x4000  }
0x92: {  	[sflag:s26] =	ssyncset.done $0x0  }
0x93: {  	[sflag:s26] =	ssyncadd.s32 $0xFFFFC000  }
0x94: {  	[spmem:s2] =	stream.indirect.scatter.add.f32 [tilespmem:s19], [sflag:$0x3], $0x80, s25, s23, $0xb8;
	[tilespmem:$0x1EA00] =	vst v63  }
0x95: {  	_ =	swait.ge [sflag:s20], $0x4000  }
0x96: {  	[sflag:s20] =	ssyncset.done $0x0  }
.Ltmp1:
0x97: {  	[sflag:s20] =	ssyncadd.s32 $0xFFFFC000;
	(pc) =	sbr.rel @p0 .LBB2_4-.Ltmp1, $4  }
0x98: {  	_ =	swait.ge [sflag:s28], $0x4000  }
0x99: {  	s0 =	sadd.s32 $0x40, s0;
	[sflag:s28] =	ssyncset.done $0x0  }
0x9a: {  	s8 =	sand.u32 $0x40, s0;
	s1 =	smov.u32 s10;
	[sflag:s28] =	ssyncadd.s32 $0xFFFFC000  }
0x9b: {  	[spmem:s2] =	stream.indirect.scatter.add.f32 [tilespmem:s24], [sflag:$0x3], $0x80, s29, s23, $0xb8;
	[tilespmem:$0x1EA00] =	vst v63  }
0x9c: {  	_ =	swait.ge [sflag:s20], $0x4000  }
0x9d: {  	s1 =	sshra.s32 s30, $0x2;
	s10 =	sadd.s32 s0, s6;
	[sflag:s20] =	ssyncset.done $0x0  }
0x9e: {  	s8 =	sadd.s32 s8, s5;
	s10 =	sand.u32 $0xFF80, s10;
	[sflag:s20] =	ssyncadd.s32 $0xFFFFC000  }
0x9f: {  	[tilespmem:s19], [sflag:$0x1] =	stream.indirect.gather [hbm4b:s4+s23], $0x80, s1, s23, $0xb8;
	[tilespmem:$0x1EA00] =	vst v63  }
0xa0: {  	s30 =	sadd.s32 $0x80, s1;
	s8 =	sadd.s32 s10, s8  }
0xa1: {  	[tilespmem:s24], [sflag:$0x2] =	stream.indirect.gather [hbm4b:s4+s23], $0x80, s30, s23, $0xb8;
	[tilespmem:$0x1EA00] =	vst v63  }
0xa2: {  	s8 =	sadd.s32 $0x20, s8  }
0xa3: {  	[tilespmem:s25], [sflag:$0x3] =	stream.linear.gather [hbm4b:s8+s3], $0x100, $0x38;
	[tilespmem:$0x1EA00] =	vst v63  }
0xa4: {  	_ =	swait.ge [sflag:s20], $0x100  }
0xa5: {  	[sflag:s20] =	ssyncset.done $0x0  }
0xa6: {  	[sflag:s20] =	ssyncadd.s32 $0xFFFFFF00  }
0xa7: {  	_ =	swait.ge [sflag:s26], $0x4000  }
0xa8: {  	[sflag:s26] =	ssyncset.done $0x0  }
0xa9: {  	[sflag:s26] =	ssyncadd.s32 $0xFFFFC000  }
0xaa: {  	[spmem:s2] =	stream.indirect.scatter.add.f32 [tilespmem:s19], [sflag:$0x3], $0x80, s21, s23, $0xb8;
	[tilespmem:$0x1EA00] =	vst v63  }
0xab: {  	_ =	swait.ge [sflag:s20], $0x4000  }
0xac: {  	[sflag:s20] =	ssyncset.done $0x0  }
0xad: {  	[sflag:s20] =	ssyncadd.s32 $0xFFFFC000  }
0xae: {  	_ =	swait.ge [sflag:s28], $0x4000  }
0xaf: {  	[sflag:s28] =	ssyncset.done $0x0  }
0xb0: {  	[sflag:s28] =	ssyncadd.s32 $0xFFFFC000  }
0xb1: {  	[spmem:s2] =	stream.indirect.scatter.add.f32 [tilespmem:s24], [sflag:$0x3], $0x80, s22, s23, $0xb8;
	[tilespmem:$0x1EA00] =	vst v63  }
0xb2: {  	_ =	swait.ge [sflag:s20], $0x4000  }
0xb3: {  	[sflag:s20] =	ssyncset.done $0x0  }
0xb4: {  	s10 =	sadd.s32 $0x100, s1;
	[sflag:s20] =	ssyncadd.s32 $0xFFFFC000  }
0xb5: {  	[tilespmem:s19], [sflag:$0x1] =	stream.indirect.gather [hbm4b:s4+s23], $0x80, s10, s23, $0xb8;
	[tilespmem:$0x1EA00] =	vst v63  }
0xb6: {  	s1 =	sadd.s32 $0x180, s1  }
0xb7: {  	[tilespmem:s24], [sflag:$0x2] =	stream.indirect.gather [hbm4b:s4+s23], $0x80, s1, s23, $0xb8;
	[tilespmem:$0x1EA00] =	vst v63  }
0xb8: {  	s11 =	sadd.s32 s0, s18  }
0xb9: {  	[tilespmem:s21], [sflag:$0x3] =	stream.linear.gather [hbm4b:s11+s3], $0x100, $0x38;
	[tilespmem:$0x1EA00] =	vst v63  }
0xba: {  	_ =	swait.ge [sflag:s20], $0x100  }
0xbb: {  	[sflag:s20] =	ssyncset.done $0x0  }
0xbc: {  	[sflag:s20] =	ssyncadd.s32 $0xFFFFFF00  }
0xbd: {  	_ =	swait.ge [sflag:s26], $0x4000  }
0xbe: {  	[sflag:s26] =	ssyncset.done $0x0  }
0xbf: {  	[sflag:s26] =	ssyncadd.s32 $0xFFFFC000  }
0xc0: {  	[spmem:s2] =	stream.indirect.scatter.add.f32 [tilespmem:s19], [sflag:$0x3], $0x80, s25, s23, $0xb8;
	[tilespmem:$0x1EA00] =	vst v63  }
0xc1: {  	_ =	swait.ge [sflag:s20], $0x4000  }
0xc2: {  	[sflag:s20] =	ssyncset.done $0x0  }
0xc3: {  	[sflag:s20] =	ssyncadd.s32 $0xFFFFC000  }
0xc4: {  	_ =	swait.ge [sflag:s28], $0x4000  }
0xc5: {  	[sflag:s28] =	ssyncset.done $0x0  }
0xc6: {  	[sflag:s28] =	ssyncadd.s32 $0xFFFFC000  }
0xc7: {  	[spmem:s2] =	stream.indirect.scatter.add.f32 [tilespmem:s24], [sflag:$0x3], $0x80, s29, s23, $0xb8;
	[tilespmem:$0x1EA00] =	vst v63  }
0xc8: {  	_ =	swait.ge [sflag:s20], $0x4000  }
0xc9: {  	[sflag:s20] =	ssyncset.done $0x0  }
0xca: {  	s12 =	simm.s32 $0x2600;
	[sflag:s20] =	ssyncadd.s32 $0xFFFFC000  }
0xcb: {  	[tilespmem:s19], [sflag:$0x1] =	stream.indirect.gather [hbm4b:s4+s23], $0x80, s12, s23, $0xb8;
	[tilespmem:$0x1EA00] =	vst v63  }
0xcc: {  	s30 =	simm.s32 $0x2680  }
0xcd: {  	[tilespmem:s24], [sflag:$0x2] =	stream.indirect.gather [hbm4b:s4+s23], $0x80, s30, s23, $0xb8;
	[tilespmem:$0x1EA00] =	vst v63  }
0xce: {  	_ = 	snop  }
0xcf: {  	[tilespmem:s25], [sflag:$0x3] =	stream.linear.gather [hbm4b:s17+s3], $0x100, $0x38;
	[tilespmem:$0x1EA00] =	vst v63  }
0xd0: {  	_ =	swait.ge [sflag:s20], $0x100  }
0xd1: {  	[sflag:s20] =	ssyncset.done $0x0  }
0xd2: {  	[sflag:s20] =	ssyncadd.s32 $0xFFFFFF00  }
0xd3: {  	_ =	swait.ge [sflag:s26], $0x4000  }
0xd4: {  	[sflag:s26] =	ssyncset.done $0x0  }
0xd5: {  	[sflag:s26] =	ssyncadd.s32 $0xFFFFC000  }
0xd6: {  	[spmem:s2] =	stream.indirect.scatter.add.f32 [tilespmem:s19], [sflag:$0x3], $0x80, s21, s23, $0xb8;
	[tilespmem:$0x1EA00] =	vst v63  }
0xd7: {  	_ =	swait.ge [sflag:s20], $0x4000  }
0xd8: {  	[sflag:s20] =	ssyncset.done $0x0  }
0xd9: {  	[sflag:s20] =	ssyncadd.s32 $0xFFFFC000  }
0xda: {  	_ =	swait.ge [sflag:s28], $0x4000  }
0xdb: {  	[sflag:s28] =	ssyncset.done $0x0  }
0xdc: {  	[sflag:s28] =	ssyncadd.s32 $0xFFFFC000  }
0xdd: {  	[spmem:s2] =	stream.indirect.scatter.add.f32 [tilespmem:s24], [sflag:$0x3], $0x80, s22, s23, $0xb8;
	[tilespmem:$0x1EA00] =	vst v63  }
0xde: {  	_ =	swait.ge [sflag:s20], $0x4000  }
0xdf: {  	[sflag:s20] =	ssyncset.done $0x0  }
0xe0: {  	s1 =	simm.s32 $0x2700;
	[sflag:s20] =	ssyncadd.s32 $0xFFFFC000  }
0xe1: {  	[tilespmem:s19], [sflag:$0x1] =	stream.indirect.gather [hbm4b:s4+s23], $0x80, s1, s23, $0xb8;
	[tilespmem:$0x1EA00] =	vst v63  }
0xe2: {  	s8 =	simm.s32 $0x2780  }
0xe3: {  	[tilespmem:s24], [sflag:$0x2] =	stream.indirect.gather [hbm4b:s4+s23], $0x80, s8, s23, $0xb8;
	[tilespmem:$0x1EA00] =	vst v63  }
0xe4: {  	_ =	swait.ge [sflag:s26], $0x4000  }
0xe5: {  	[sflag:s26] =	ssyncset.done $0x0  }
0xe6: {  	[sflag:s26] =	ssyncadd.s32 $0xFFFFC000  }
0xe7: {  	[spmem:s2] =	stream.indirect.scatter.add.f32 [tilespmem:s19], [sflag:$0x3], $0x80, s25, s23, $0xb8;
	[tilespmem:$0x1EA00] =	vst v63  }
0xe8: {  	_ =	swait.ge [sflag:s20], $0x4000  }
0xe9: {  	[sflag:s20] =	ssyncset.done $0x0  }
0xea: {  	[sflag:s20] =	ssyncadd.s32 $0xFFFFC000  }
0xeb: {  	_ =	swait.ge [sflag:s28], $0x4000  }
0xec: {  	[sflag:s28] =	ssyncset.done $0x0  }
0xed: {  	[sflag:s28] =	ssyncadd.s32 $0xFFFFC000  }
0xee: {  	[spmem:s2] =	stream.indirect.scatter.add.f32 [tilespmem:s24], [sflag:$0x3], $0x80, s29, s23, $0xb8;
	[tilespmem:$0x1EA00] =	vst v63  }
0xef: {  	_ =	swait.ge [sflag:s20], $0x4000  }
0xf0: {  	[sflag:s20] =	ssyncset.done $0x0  }
0xf1: {  	s10 =	stileid.u32;
	[sflag:s20] =	ssyncadd.s32 $0xFFFFC000  }
0xf2: {  	s0 =	sshll.u32 s10, $0x6;
	[bflag:$0x0] =	sbarrier.arrive $0xFFFF  }
0xf3: {  	s0 =	sor.u32 $0x1C03, s0;
	s11 =	sshrl.u32 s7, $0x3;
	s12 =	rddreg [dreg:$0x5]  }
0xf4: {  	[hbm:s12], [sflag:s0] =	dma.local [spmem:s11], $0x2800  }
0xf5: {  	_ =	swait.ge [sflag:s20], $0x2800  }
0xf6: {  	s31 =	sadd.s32 $0x1, s31;
	s30 =	rddreg [dreg:$0x6]  }
0xf7: {  	p0 =	sne.s32 s31, s30  }
.Ltmp2:
0xf8: {  	_ = 	snop;
	(pc) =	sbr.rel @p0 .LBB2_1-.Ltmp2, $3  }
0xf9: {  	_ =	sdelay $0x1  }
0xfa: {  	[sflag:s20] =	ssyncset.done $0x0  }
0xfb: {  	[sflag:s20] =	ssyncadd.s32 $0xFFFFD800  }
0xfc: {  	_ =	sfence.sel $0x180000  }
0xfd: {  	[bflag:$0x0] =	sbarrier.arrive $0xFFFF  }
0xfe: {  	_ =	strace $0x9000004A  }
0xff: {  	s0 =	stileid.u32;
	[bflag:$0x2] =	sbarrier.arrive $0xFFFF  }
0x100: {  	p0 =	sne.s32 s0, $0x0;
	s0 =	rddreg [dreg:$0x2]  }
0x101: {  	s0 =	sadd.s32 @!p0 $0x100000, s0  }
0x102: {  	[sflag:s0] =	ssyncadd.tile.s32 @!p0 $0x1;
	_ =	shalt  }
.Lfunc_end2:
_tile_overlayer_lowered:
.L_overlay_start_2:
0x103: {  	(tag) =	ssettag $0x2  }
0x104: {  	s0 =	rddreg [dreg:$0x0];
	s2 =	stileid.u32  }
0x105: {  	s1 =	rddreg [dreg:$0x1];
	p0 =	sne.s32 s2, $0x0  }
0x106: {  	s3 =	rddreg [dreg:$0x2];
	[bflag:$0x3] =	sbarrier.arrive $0xFFFF;
	s2 =	simm.s32 @!p0 $0x1C03  }
0x107: {  	[timem:s3], [sflag:s2] =	dma.local @!p0 [hbm:s0], s1  }
0x108: {  	s0 =	simm.s32 @!p0 $0x3  }
0x109: {  	_ =	swait.ge @!p0 [sflag:s0], s1  }
0x10a: {  	s1 =	ssub.s32 @!p0 $0x0, s1;
	[sflag:s0] =	ssyncset.done @!p0 $0x0  }
0x10b: {  	[sflag:s0] =	ssyncadd.s32 @!p0 s1  }
0x10c: {  	[bflag:$0x3] =	sbarrier.arrive $0xFFFF  }
0x10d: {  	_ =	shalt  }

// kernel: kernel.16.cloned.1.call-start
scs
__scs_entry_jumppad:
0x0: {  	(pc) =	sbr.rel $0x88, $3  }
0x1: {  	(tag) =	ssettag $0x0;
	lr =	simm.s32 $0x1  }
0x2: {  	[smem:$0x3F98] =	sst lr;
	_ =	strace $0xD0000000  }
0x3: {  	_ = 	snop  }
0x4: {  	_ = 	snop  }
0x5: {  	_ = 	snop  }
0x6: {  	_ = 	snop  }
0x7: {  	_ = 	snop  }
__scs_overlays_trampoline_lowered:
0x8: {  	[smem:$0x3FA7] =	sst s0  }
0x9: {  	[smem:$0x3FA8] =	sst s1  }
0xa: {  	[smem:$0x3FA9] =	sst s2  }
0xb: {  	[smem:$0x3FAA] =	sst s3  }
0xc: {  	[smem:$0x3FAB] =	sst s4  }
0xd: {  	[smem:$0x3FAC] =	sst s5  }
0xe: {  	[smem:$0x3FAD] =	sst s6  }
0xf: {  	[smem:$0x3FAE] =	sst s7  }
0x10: {  	[smem:$0x3FAF] =	sst s8  }
0x11: {  	[smem:$0x3FB0] =	sst s9;
	s0 =	simm.s32 @!p0 $0x0  }
0x12: {  	s1 =	sld [smem:$0x3F96];
	s0 =	simm.s32 @p0 $0x1  }
0x13: {  	[smem:$0x3FB1] =	sst s0;
	s0 =	simm.s32 @!p1 $0x0  }
0x14: {  	s2 =	sld [smem:$0x3F95];
	s0 =	simm.s32 @p1 $0x1  }
0x15: {  	[smem:$0x3FB2] =	sst s0;
	s0 =	simm.s32 @!p2 $0x0  }
0x16: {  	s3 =	sld [smem:$0x3FDB];
	s0 =	simm.s32 @p2 $0x1  }
0x17: {  	s4 =	simm.s32 $0x1BF5;
	[smem:$0x3FB4] =	sst s0  }
0x18: {  	s0 =	sld [smem:$0x3F97];
	_ =	swait.ge [sflag:s4], $0x0  }
0x19: {  	s7 =	sld [smem:$0x3F98]  }
0x1a: {  	s8 =	sadd.s32 $0xFFFFE003, lr  }
0x1b: {  	s9 =	sadd.s32 $0xFFFFFEF7, lr;
	s5 =	simm.s32 $0xFFFFFFFF;
	p2 =	slt.u32 s8, $0xFFFFF086  }
0x1c: {  	p1 =	slt.u32 s9, $0xF7A;
	s5 =	simm.s32 @!p2 $0x0  }
0x1d: {  	s5 =	simm.s32 @p1 $0x1;
	p0 =	seq.s32 s7, s2  }
0x1e: {  	s7 =	smul.u32 @!p0 $0xF7A, s2;
	p2 =	seq.s32 @!p0 s5, $0x0  }
0x1f: {  	s9 =	smul.u32 $0xF7A, s1;
	s8 =	simm.s32 @!p0 $0x1BF5;
	p2 =	por !p2, p0  }
0x20: {  	[sflag:s8] =	ssyncset.s32 @!p0 $0xFFFFF086;
	s6 =	sadd.s32 @!p0 s3, s7;
	s7 =	simm.s32 @!p0 $0x108  }
0x21: {  	s3 =	sadd.s32 s3, s9;
	s6 =	sadd.s32 @!p0 $0x88, s6;
	s7 =	simm.s32 @p2 $0x1082  }
0x22: {  	[simem:s7], [sflag:s8] =	dma.local @!p0 [hbm:s6], $0xF7A  }
0x23: {  	s9 =	sor.u32 $0xD0000000, s2;
	s6 =	simm.s32 $0x108;
	_ =	swait.ge @!p0 [sflag:s8], $0x0  }
0x24: {  	s3 =	sadd.s32 $0x88, s3;
	s6 =	simm.s32 @!p1 $0x1082;
	[sflag:s4] =	ssyncset.s32 $0xFFFFF086  }
0x25: {  	[simem:s6], [sflag:s4] =	dma.local [hbm:s3], $0xF7A  }
0x26: {  	[smem:$0x3F98] =	sst s1;
	(tag) =	ssettag s2;
	_ =	strace s9  }
0x27: {  	s1 =	sld [smem:$0x3FA8]  }
0x28: {  	s2 =	sld [smem:$0x3FA9]  }
0x29: {  	s4 =	sld [smem:$0x3FAB]  }
0x2a: {  	p0 =	seq.s32 s5, $0x0;
	s5 =	sld [smem:$0x3FAC]  }
0x2b: {  	s6 =	sld [smem:$0x3FAD]  }
0x2c: {  	s7 =	sld [smem:$0x3FAE]  }
0x2d: {  	s3 =	simm.s32 $0x108;
	s8 =	sld [smem:$0x3FAF]  }
0x2e: {  	s3 =	simm.s32 @!p0 $0x1082;
	s9 =	sld [smem:$0x3FB0]  }
0x2f: {  	lr =	sadd.s32 s0, s3;
	s0 =	sld [smem:$0x3FA7]  }
0x30: {  	s3 =	sld [smem:$0x3FAA]  }
0x31: {  	[smem:$0x3FB3] =	sst s10  }
0x32: {  	s10 =	sld [smem:$0x3FB1];
	_ =	sdelay $0x3  }
0x33: {  	p0 =	seq.s32 s10, $0x1;
	s10 =	sld [smem:$0x3FB3];
	_ =	sdelay $0x3  }
0x34: {  	[smem:$0x3FB3] =	sst s10  }
0x35: {  	s10 =	sld [smem:$0x3FB2];
	_ =	sdelay $0x3  }
0x36: {  	p1 =	seq.s32 s10, $0x1;
	s10 =	sld [smem:$0x3FB3];
	_ =	sdelay $0x3  }
0x37: {  	[smem:$0x3FB3] =	sst s10  }
0x38: {  	s10 =	sld [smem:$0x3FB4]  }
0x39: {  	_ = 	snop;
	(pc) =	sbr.ind lr, $3  }
0x3a: {  	_ = 	snop  }
0x3b: {  	_ = 	snop  }
0x3c: {  	p2 =	seq.s32 s10, $0x1;
	s10 =	sld [smem:$0x3FB3]  }
0x3d: {  	_ =	shalt  }
0x3e: {  	_ =	shalt  }
0x3f: {  	_ =	shalt  }
0x40: {  	_ =	shalt  }
0x41: {  	_ =	shalt  }
0x42: {  	_ =	shalt  }
0x43: {  	_ =	shalt  }
0x44: {  	_ =	shalt  }
0x45: {  	_ =	shalt  }
0x46: {  	_ =	shalt  }
0x47: {  	_ =	shalt  }
0x48: {  	_ =	shalt  }
0x49: {  	_ =	shalt  }
0x4a: {  	_ =	shalt  }
0x4b: {  	_ =	shalt  }
0x4c: {  	_ =	shalt  }
0x4d: {  	_ =	shalt  }
0x4e: {  	_ =	shalt  }
0x4f: {  	_ =	shalt  }
0x50: {  	_ =	shalt  }
0x51: {  	_ =	shalt  }
0x52: {  	_ =	shalt  }
0x53: {  	_ =	shalt  }
0x54: {  	_ =	shalt  }
0x55: {  	_ =	shalt  }
0x56: {  	_ =	shalt  }
0x57: {  	_ =	shalt  }
0x58: {  	_ =	shalt  }
0x59: {  	_ =	shalt  }
0x5a: {  	_ =	shalt  }
0x5b: {  	_ =	shalt  }
0x5c: {  	_ =	shalt  }
0x5d: {  	_ =	shalt  }
0x5e: {  	_ =	shalt  }
0x5f: {  	_ =	shalt  }
0x60: {  	_ =	shalt  }
0x61: {  	_ =	shalt  }
0x62: {  	_ =	shalt  }
0x63: {  	_ =	shalt  }
0x64: {  	_ =	shalt  }
0x65: {  	_ =	shalt  }
0x66: {  	_ =	shalt  }
0x67: {  	_ =	shalt  }
0x68: {  	_ =	shalt  }
0x69: {  	_ =	shalt  }
0x6a: {  	_ =	shalt  }
0x6b: {  	_ =	shalt  }
0x6c: {  	_ =	shalt  }
0x6d: {  	_ =	shalt  }
0x6e: {  	_ =	shalt  }
0x6f: {  	_ =	shalt  }
0x70: {  	_ =	shalt  }
0x71: {  	_ =	shalt  }
0x72: {  	_ =	shalt  }
0x73: {  	_ =	shalt  }
0x74: {  	_ =	shalt  }
0x75: {  	_ =	shalt  }
0x76: {  	_ =	shalt  }
0x77: {  	_ =	shalt  }
0x78: {  	_ =	shalt  }
0x79: {  	_ =	shalt  }
0x7a: {  	_ =	shalt  }
0x7b: {  	_ =	shalt  }
0x7c: {  	_ =	shalt  }
0x7d: {  	_ =	shalt  }
0x7e: {  	_ =	shalt  }
0x7f: {  	_ =	shalt  }
0x80: {  	_ =	shalt  }
0x81: {  	_ =	shalt  }
0x82: {  	_ =	shalt  }
0x83: {  	_ =	shalt  }
0x84: {  	_ =	shalt  }
0x85: {  	_ =	shalt  }
0x86: {  	_ =	shalt  }
0x87: {  	_ =	shalt  }
.Lfunc_end0:
.L_simem_size_0:
called_computation.2_lowered:
.L_overlay_start_0:
0x88: {  	s2 =	sld [smem:$0x3FD9]  }
0x89: {  	s3 =	sld [smem:$0x3FFE];
	_ =	sdelay $0x1  }
0x8a: {  	s1 =	srdreg.scid  }
0x8b: {  	s0 =	sand.u32 $0x1, s1  }
0x8c: {  	s16 =	sshll.u32 s0, $0xA;
	s2 =	sadd.s32 s3, s2  }
0x8d: {  	s2 =	sadd.s32 s2, s16  }
0x8e: {  	[smem:$0x3FBF] =	sst s2  }
0x8f: {  	_ = 	snop  }
0x90: {  	(tm) =	ssettm $0x1  }
0x91: {  	s17 =	sld [smem:$0x3FFB];
	_ =	sdelay $0x3  }
0x92: {  	_ =	strace s17  }
0x93: {  	s2 =	sld [smem:$0x3FFC];
	_ =	sdelay $0x3  }
0x94: {  	_ =	strace s2  }
0x95: {  	s2 =	sld [smem:$0x3FFD];
	_ =	sdelay $0x3  }
0x96: {  	_ =	strace s2  }
0x97: {  	_ =	strace $0x8FFFFFFF  }
0x98: {  	s18 =	sld [smem:$0x3FDB];
	_ =	sdelay $0x1  }
0x99: {  	s19 =	simm.s32 $_scs_section_size  }
0x9a: {  	s4 =	simm.s32 $_size__tile_overlayer_lowered;
	s5 =	simm.s32 $_tile_overlayer_lowered  }
0x9b: {  	s22 =	simm.s32 $0x1BFF;
	s21 =	sshll.u32 s5, $0x1;
	s2 =	sadd.s32 s19, s18  }
0x9c: {  	s6 =	simm.s32 $0x0;
	s20 =	sshll.u32 s4, $0x1;
	s4 =	sadd.s32 s21, s2  }
0x9d: {  	[timem:s6], [sflag:s22] =	dma.local [hbm:s4], s20  }
0x9e: {  	_ =	swait.ge [sflag:s22], s20  }
0x9f: {  	s3 =	ssub.s32 $0x0, s20;
	[sflag:s22] =	ssyncset.done $0x0  }
0xa0: {  	[sflag:s22] =	ssyncadd.s32 s3;
	_ =	sdelay $0x1  }
0xa1: {  	s23 =	simm.s32 $0x1B8B  }
0xa2: {  	_ =	swait.ge [sflag:s23], $0x1  }
0xa3: {  	[sflag:s23] =	ssyncset.done $0x0  }
0xa4: {  	s25 =	simm.s32 $0x1B8E;
	s24 =	sld [smem:$0x3FFE];
	[sflag:s23] =	ssyncadd.s32 $0xFFFFFFFF  }
0xa5: {  	s26 =	simm.s32 $execute0_lowered;
	[smem:$0x3FD2] =	sst s25  }
0xa6: {  	s4 =	sshll.u32 s26, $0x1;
	_ =	strace $0x8000004C;
	[dreg:$0x1] =	wrdreg $0xFFFFFFFF  }
0xa7: {  	s28 =	simm.s32 $_size_execute0_lowered;
	s2 =	sadd.s32 s2, s4;
	[dreg:$0x0] =	wrdreg $0x0  }
0xa8: {  	s4 =	sshll.u32 s28, $0x1;
	[dreg:$0x2] =	wrdreg s2  }
0xa9: {  	[dreg:$0x3] =	wrdreg s4  }
0xaa: {  	[dreg:$0x4] =	wrdreg $0xC0  }
0xab: {  	_ =	task [dreg:s6], $0x5FFFF  }
0xac: {  	[dreg:$0x1] =	wrdreg $0xFFFFFFFF  }
0xad: {  	[dreg:$0x0] =	wrdreg $0x60  }
0xae: {  	[dreg:$0x2] =	wrdreg s24  }
0xaf: {  	[dreg:$0x3] =	wrdreg $0xAA000  }
0xb0: {  	[dreg:$0x4] =	wrdreg $0x9  }
0xb1: {  	_ =	task.clear_ibuf [dreg:s6], $0x5FFFF;
	_ =	strace $0x9000004C  }
0xb2: {  	s29 =	simm.s32 $0x9;
	_ =	strace $0x8000004E  }
0xb3: {  	_ =	swait.ge [sflag:s29], $0x1  }
0xb4: {  	[sflag:s29] =	ssyncadd.s32 $0xFFFFFFFF  }
0xb5: {  	_ =	strace $0x9000004E  }
0xb6: {  	_ =	sfence  }
0xb7: {  	s30 =	sld [smem:$0x0];
	_ =	sdelay $0x2  }
0xb8: {  	s31 =	sshll.u32 s1, $0xD;
	s1 =	sshrl.u32 s1, $0x2  }
0xb9: {  	s3 =	sand.u32 $0x4000, s31;
	s1 =	sadd.s32 s1, s30  }
0xba: {  	s0 =	sor.u32 s3, s0;
	s1 =	sshll.u32 s1, $0x11  }
0xbb: {  	s0 =	sor.u32 s1, s0  }
0xbc: {  	s0 =	sadd.s32 $0x8F2B, s0  }
0xbd: {  	[sflag:s0] =	ssyncadd.remote.s32 $0x1  }
0xbe: {  	_ =	sfence.sel $0xFFFF  }
0xbf: {  	[dreg:$0x0] =	wrdreg $0xFFFFFFFF;
	(pc) =	sbr.abs _section_cstart, $3  }
0xc0: {  	[dreg:$0x1] =	wrdreg $0xFFFFFFFF  }
0xc1: {  	_ =	task.clear_ibuf [dreg:s6], $0x2FFFF;
	_ =	strace $0x9FFFFFFF  }
0xc2: {  	(tm) =	ssettm $0x7FFFFFFF  }
0xc3: {  	_ =	shalt  }
tec
execute0_lowered:
.L_overlay_start_1:
0x0: {  	(tag) =	ssettag $0x1  }
0x1: {  	s1 =	rddreg [dreg:$0x0]  }
0x2: {  	s0 =	srdreg.scid;
	s2 =	rddreg [dreg:$0x1]  }
0x3: {  	s11 =	stileid.u32;
	s3 =	simm.s32 $0x0;
	s19 =	simm.s32 $0x2A00  }
0x4: {  	s20 =	simm.s32 $0x3;
	s21 =	simm.s32 $0x2800;
	s22 =	simm.s32 $0x2880  }
0x5: {  	s23 =	simm.s32 $0x80;
	s24 =	simm.s32 $0x6A00;
	s25 =	simm.s32 $0x2900  }
0x6: {  	s28 =	simm.s32 $0x2;
	s29 =	simm.s32 $0x2980;
	s31 =	simm.s32 $0x0  }
0x7: {  	s0 =	sand.u32 $0x1, s0;
	[smem:$0x7FF] =	sst s3;
	s7 =	smul.u32 $0x2800, s11  }
0x8: {  	s9 =	smul.u32 $0x50000, s11;
	s4 =	sshll.u32 s0, $0x4;
	_ =	strace $0x8000004D  }
0x9: {  	s6 =	smul.u32 $0x28000, s0;
	s0 =	ssub.s32 $0x2, s0;
	s4 =	sor.u32 s11, s4  }
0xa: {  	s10 =	sshrl.u32 s0, $0x1;
	s26 =	sshrl.u32 s9, $0x2;
	s5 =	smul.u32 $0x500, s4  }
0xb: {  	s4 =	sadd.s32 $0x7E00, s1;
	s7 =	sadd.s32 s7, s6;
	s0 =	ssub.s32 s0, s10  }
0xc: {  	s6 =	smul.u32 $0x500, s11;
	s0 =	smax.u32 s0, $0x1;
	s8 =	sadd.s32 s5, s1  }
0xd: {  	s5 =	sadd.s32 $0x2E00, s1;
	s1 =	sadd.s32 s7, s1;
	s7 =	sadd.s32 s26, s2  }
0xe: {  	[dreg:$0x6] =	wrdreg s0;
	s26 =	simm.s32 $0x1;
	s8 =	sadd.s32 $0x57E00, s8  }
0xf: {  	s9 =	sadd.s32 s5, s6;
	s1 =	sadd.s32 $0x61E00, s1;
	s13 =	sadd.s32 $0x4000, s7  }
0x10: {  	s14 =	sadd.s32 $0x8000, s7;
	s15 =	sadd.s32 $0xC000, s7;
	[dreg:$0x3] =	wrdreg s8  }
0x11: {  	s16 =	sadd.s32 $0x10000, s7;
	s30 =	sadd.s32 $0x10, s9;
	[dreg:$0x5] =	wrdreg s1  }
0x12: {  	v0 =	vimm.f32 $0.0e+00;
	s17 =	sadd.s32 $0x4E0, s9;
	s18 =	sadd.s32 $0x40, s9;
	[dreg:$0x4] =	wrdreg s30  }
.LBB2_1:
0x13: {  	s0 =	simm.s32 $0x0;
	s1 =	simm.s32 $0x200  }
.LBB2_2:
0x14: {  	p0 =	sne.s32 s1, $0xFE00;
	[tilespmem:s0+$0x2A70] =	vst v0  }
0x15: {  	[tilespmem:s0+$0x2A00] =	vst v0  }
0x16: {  	[tilespmem:s0+$0x2A10] =	vst v0  }
.Ltmp0:
0x17: {  	[tilespmem:s0+$0x2A20] =	vst v0;
	(pc) =	sbr.rel @p0 .LBB2_2-.Ltmp0, $4  }
0x18: {  	[tilespmem:s0+$0x2A30] =	vst v0  }
0x19: {  	[tilespmem:s0+$0x2A40] =	vst v0  }
0x1a: {  	[tilespmem:s0+$0x2A50] =	vst v0  }
0x1b: {  	[tilespmem:s0+$0x2A60] =	vst v0;
	s0 =	sshra.s32 s1, $0x2;
	s1 =	sadd.s32 $0x200, s1  }
0x1c: {  	[tilespmem:s0+$0x2A70] =	vst v0  }
0x1d: {  	[tilespmem:s0+$0x2A00] =	vst v0  }
0x1e: {  	[tilespmem:s0+$0x2A10] =	vst v0  }
0x1f: {  	[tilespmem:s0+$0x2A20] =	vst v0  }
0x20: {  	[tilespmem:s0+$0x2A30] =	vst v0  }
0x21: {  	[tilespmem:s0+$0x2A40] =	vst v0  }
0x22: {  	[tilespmem:s0+$0x2A50] =	vst v0  }
0x23: {  	[tilespmem:s0+$0x2A60] =	vst v0  }
0x24: {  	[spmem:s7] =	stream.linear.scatter [tilespmem:s19], [sflag:$0x3], $0x4000, $0x38;
	[tilespmem:$0x1EA00] =	vst v63  }
0x25: {  	_ =	swait.ge [sflag:s20], $0x4000  }
0x26: {  	[sflag:s20] =	ssyncset.done $0x0  }
0x27: {  	[sflag:s20] =	ssyncadd.s32 $0xFFFFC000  }
0x28: {  	[spmem:s13] =	stream.linear.scatter [tilespmem:s19], [sflag:$0x3], $0x4000, $0x38;
	[tilespmem:$0x1EA00] =	vst v63  }
0x29: {  	_ =	swait.ge [sflag:s20], $0x4000  }
0x2a: {  	[sflag:s20] =	ssyncset.done $0x0  }
0x2b: {  	[sflag:s20] =	ssyncadd.s32 $0xFFFFC000  }
0x2c: {  	[spmem:s14] =	stream.linear.scatter [tilespmem:s19], [sflag:$0x3], $0x4000, $0x38;
	[tilespmem:$0x1EA00] =	vst v63  }
0x2d: {  	_ =	swait.ge [sflag:s20], $0x4000  }
0x2e: {  	[sflag:s20] =	ssyncset.done $0x0  }
0x2f: {  	[sflag:s20] =	ssyncadd.s32 $0xFFFFC000  }
0x30: {  	[spmem:s15] =	stream.linear.scatter [tilespmem:s19], [sflag:$0x3], $0x4000, $0x38;
	[tilespmem:$0x1EA00] =	vst v63  }
0x31: {  	_ =	swait.ge [sflag:s20], $0x4000  }
0x32: {  	[sflag:s20] =	ssyncset.done $0x0  }
0x33: {  	[sflag:s20] =	ssyncadd.s32 $0xFFFFC000  }
0x34: {  	[spmem:s16] =	stream.linear.scatter [tilespmem:s19], [sflag:$0x3], $0x4000, $0x38;
	[tilespmem:$0x1EA00] =	vst v63  }
0x35: {  	_ =	swait.ge [sflag:s20], $0x4000  }
0x36: {  	[sflag:s20] =	ssyncset.done $0x0  }
0x37: {  	[sflag:s20] =	ssyncadd.s32 $0xFFFFC000  }
0x38: {  	[bflag:$0x0] =	sbarrier.arrive $0xFFFF  }
0x39: {  	s10 =	simm.s32 $0x0;
	s1 =	rddreg [dreg:$0x3]  }
0x3a: {  	[tilespmem:s10], [sflag:$0x3] =	stream.linear.gather [hbm4b:s1+s10], $0x2800, $0x38;
	[tilespmem:$0x1EA00] =	vst v63  }
0x3b: {  	_ =	swait.ge [sflag:s20], $0x2800  }
0x3c: {  	[sflag:s20] =	ssyncset.done $0x0  }
0x3d: {  	[sflag:s20] =	ssyncadd.s32 $0xFFFFD800  }
0x3e: {  	[tilespmem:s21], [sflag:$0x3] =	stream.linear.gather [hbm4b:s9+s10], $0x80, $0x38;
	[tilespmem:$0x1EA00] =	vst v63  }
0x3f: {  	_ =	swait.ge [sflag:s20], $0x80  }
0x40: {  	[sflag:s20] =	ssyncset.done $0x0  }
0x41: {  	s11 =	rddreg [dreg:$0x4];
	[sflag:s20] =	ssyncadd.s32 $0xFFFFFF80  }
0x42: {  	[tilespmem:s22], [sflag:$0x3] =	stream.linear.gather [hbm4b:s11+s10], $0x80, $0x38;
	[tilespmem:$0x1EA00] =	vst v63  }
0x43: {  	s12 =	sadd.s32 $0x0, s6;
	_ =	swait.ge [sflag:s20], $0x80  }
0x44: {  	s8 =	simm.s32 $0x0;
	s0 =	sand.u32 $0x40, s10;
	[sflag:s20] =	ssyncset.done $0x0  }
0x45: {  	s0 =	sadd.s32 s0, s5;
	s1 =	sand.u32 $0xFF80, s12;
	[sflag:s20] =	ssyncadd.s32 $0xFFFFFF80  }
0x46: {  	[tilespmem:s19], [sflag:$0x1] =	stream.indirect.gather [hbm4b:s4+s23], $0x80, s8, s23, $0xb8;
	[tilespmem:$0x1EA00] =	vst v63  }
0x47: {  	s0 =	sadd.s32 s1, s0;
	s8 =	simm.s32 $0x80  }
0x48: {  	[tilespmem:s24], [sflag:$0x2] =	stream.indirect.gather [hbm4b:s4+s23], $0x80, s8, s23, $0xb8;
	[tilespmem:$0x1EA00] =	vst v63  }
0x49: {  	s0 =	sadd.s32 $0x20, s0  }
0x4a: {  	[tilespmem:s25], [sflag:$0x3] =	stream.linear.gather [hbm4b:s0+s3], $0x100, $0x38;
	[tilespmem:$0x1EA00] =	vst v63  }
0x4b: {  	_ =	swait.ge [sflag:s20], $0x100  }
0x4c: {  	[sflag:s20] =	ssyncset.done $0x0  }
0x4d: {  	[sflag:s20] =	ssyncadd.s32 $0xFFFFFF00  }
0x4e: {  	_ =	swait.ge [sflag:s26], $0x4000  }
0x4f: {  	[sflag:s26] =	ssyncset.done $0x0  }
0x50: {  	[sflag:s26] =	ssyncadd.s32 $0xFFFFC000  }
0x51: {  	[spmem:s2] =	stream.indirect.scatter.add.f32 [tilespmem:s19], [sflag:$0x3], $0x80, s21, s23, $0xb8;
	[tilespmem:$0x1EA00] =	vst v63  }
0x52: {  	_ =	swait.ge [sflag:s20], $0x4000  }
0x53: {  	[sflag:s20] =	ssyncset.done $0x0  }
0x54: {  	[sflag:s20] =	ssyncadd.s32 $0xFFFFC000  }
0x55: {  	_ =	swait.ge [sflag:s28], $0x4000  }
0x56: {  	[sflag:s28] =	ssyncset.done $0x0  }
0x57: {  	[sflag:s28] =	ssyncadd.s32 $0xFFFFC000  }
0x58: {  	[spmem:s2] =	stream.indirect.scatter.add.f32 [tilespmem:s24], [sflag:$0x3], $0x80, s22, s23, $0xb8;
	[tilespmem:$0x1EA00] =	vst v63  }
0x59: {  	_ =	swait.ge [sflag:s20], $0x4000  }
0x5a: {  	[sflag:s20] =	ssyncset.done $0x0  }
0x5b: {  	s10 =	simm.s32 $0x100;
	[sflag:s20] =	ssyncadd.s32 $0xFFFFC000  }
0x5c: {  	[tilespmem:s19], [sflag:$0x1] =	stream.indirect.gather [hbm4b:s4+s23], $0x80, s10, s23, $0xb8;
	[tilespmem:$0x1EA00] =	vst v63  }
0x5d: {  	s11 =	simm.s32 $0x180  }
0x5e: {  	[tilespmem:s24], [sflag:$0x2] =	stream.indirect.gather [hbm4b:s4+s23], $0x80, s11, s23, $0xb8;
	[tilespmem:$0x1EA00] =	vst v63  }
0x5f: {  	s12 =	sadd.s32 $0x0, s18  }
0x60: {  	[tilespmem:s21], [sflag:$0x3] =	stream.linear.gather [hbm4b:s12+s3], $0x100, $0x38;
	[tilespmem:$0x1EA00] =	vst v63  }
0x61: {  	_ =	swait.ge [sflag:s20], $0x100  }
0x62: {  	[sflag:s20] =	ssyncset.done $0x0  }
0x63: {  	[sflag:s20] =	ssyncadd.s32 $0xFFFFFF00  }
0x64: {  	_ =	swait.ge [sflag:s26], $0x4000  }
0x65: {  	[sflag:s26] =	ssyncset.done $0x0  }
0x66: {  	[sflag:s26] =	ssyncadd.s32 $0xFFFFC000  }
0x67: {  	[spmem:s2] =	stream.indirect.scatter.add.f32 [tilespmem:s19], [sflag:$0x3], $0x80, s25, s23, $0xb8;
	[tilespmem:$0x1EA00] =	vst v63  }
0x68: {  	_ =	swait.ge [sflag:s20], $0x4000  }
0x69: {  	[sflag:s20] =	ssyncset.done $0x0  }
0x6a: {  	[sflag:s20] =	ssyncadd.s32 $0xFFFFC000  }
0x6b: {  	_ =	swait.ge [sflag:s28], $0x4000  }
0x6c: {  	s30 =	simm.s32 $0x800;
	s0 =	simm.s32 $0x40;
	[sflag:s28] =	ssyncset.done $0x0  }
0x6d: {  	s1 =	simm.s32 $0x1000;
	s8 =	sand.u32 $0x40, s0;
	[sflag:s28] =	ssyncadd.s32 $0xFFFFC000  }
0x6e: {  	[spmem:s2] =	stream.indirect.scatter.add.f32 [tilespmem:s24], [sflag:$0x3], $0x80, s29, s23, $0xb8;
	[tilespmem:$0x1EA00] =	vst v63  }
.LBB2_4:
0x6f: {  	s11 =	sshra.s32 s30, $0x2  }
0x70: {  	s10 =	sadd.s32 s0, s6;
	_ =	swait.ge [sflag:s20], $0x4000;
	s30 =	smov.u32 s1  }
0x71: {  	s8 =	sadd.s32 s8, s5;
	s12 =	sand.u32 $0xFF80, s10;
	[sflag:s20] =	ssyncset.done $0x0  }
0x72: {  	s10 =	sadd.s32 $0x800, s1;
	s8 =	sadd.s32 s12, s8;
	[sflag:s20] =	ssyncadd.s32 $0xFFFFC000  }
0x73: {  	[tilespmem:s19], [sflag:$0x1] =	stream.indirect.gather [hbm4b:s4+s23], $0x80, s11, s23, $0xb8;
	[tilespmem:$0x1EA00] =	vst v63  }
0x74: {  	p0 =	sne.s32 s1, $0x9000;
	s1 =	sadd.s32 $0x80, s11  }
0x75: {  	[tilespmem:s24], [sflag:$0x2] =	stream.indirect.gather [hbm4b:s4+s23], $0x80, s1, s23, $0xb8;
	[tilespmem:$0x1EA00] =	vst v63  }
0x76: {  	s1 =	sadd.s32 $0x20, s8  }
0x77: {  	[tilespmem:s25], [sflag:$0x3] =	stream.linear.gather [hbm4b:s1+s3], $0x100, $0x38;
	[tilespmem:$0x1EA00] =	vst v63  }
0x78: {  	_ =	swait.ge [sflag:s20], $0x100  }
0x79: {  	[sflag:s20] =	ssyncset.done $0x0  }
0x7a: {  	[sflag:s20] =	ssyncadd.s32 $0xFFFFFF00  }
0x7b: {  	_ =	swait.ge [sflag:s26], $0x4000  }
0x7c: {  	[sflag:s26] =	ssyncset.done $0x0  }
0x7d: {  	[sflag:s26] =	ssyncadd.s32 $0xFFFFC000  }
0x7e: {  	[spmem:s2] =	stream.indirect.scatter.add.f32 [tilespmem:s19], [sflag:$0x3], $0x80, s21, s23, $0xb8;
	[tilespmem:$0x1EA00] =	vst v63  }
0x7f: {  	_ =	swait.ge [sflag:s20], $0x4000  }
0x80: {  	[sflag:s20] =	ssyncset.done $0x0  }
0x81: {  	[sflag:s20] =	ssyncadd.s32 $0xFFFFC000  }
0x82: {  	_ =	swait.ge [sflag:s28], $0x4000  }
0x83: {  	[sflag:s28] =	ssyncset.done $0x0  }
0x84: {  	[sflag:s28] =	ssyncadd.s32 $0xFFFFC000  }
0x85: {  	[spmem:s2] =	stream.indirect.scatter.add.f32 [tilespmem:s24], [sflag:$0x3], $0x80, s22, s23, $0xb8;
	[tilespmem:$0x1EA00] =	vst v63  }
0x86: {  	s1 =	sadd.s32 $0x100, s11;
	_ =	swait.ge [sflag:s20], $0x4000  }
0x87: {  	[sflag:s20] =	ssyncset.done $0x0  }
0x88: {  	s8 =	sadd.s32 $0x180, s11;
	[sflag:s20] =	ssyncadd.s32 $0xFFFFC000  }
0x89: {  	[tilespmem:s19], [sflag:$0x1] =	stream.indirect.gather [hbm4b:s4+s23], $0x80, s1, s23, $0xb8;
	[tilespmem:$0x1EA00] =	vst v63  }
0x8a: {  	s1 =	sadd.s32 s0, s18  }
0x8b: {  	[tilespmem:s24], [sflag:$0x2] =	stream.indirect.gather [hbm4b:s4+s23], $0x80, s8, s23, $0xb8;
	[tilespmem:$0x1EA00] =	vst v63  }
0x8c: {  	_ = 	snop  }
0x8d: {  	[tilespmem:s21], [sflag:$0x3] =	stream.linear.gather [hbm4b:s1+s3], $0x100, $0x38;
	[tilespmem:$0x1EA00] =	vst v63  }
0x8e: {  	_ =	swait.ge [sflag:s20], $0x100  }
0x8f: {  	[sflag:s20] =	ssyncset.done $0x0  }
0x90: {  	[sflag:s20] =	ssyncadd.s32 $0xFFFFFF00  }
0x91: {  	_ =	swait.ge [sflag:s26], $0x4000  }
0x92: {  	[sflag:s26] =	ssyncset.done $0x0  }
0x93: {  	[sflag:s26] =	ssyncadd.s32 $0xFFFFC000  }
0x94: {  	[spmem:s2] =	stream.indirect.scatter.add.f32 [tilespmem:s19], [sflag:$0x3], $0x80, s25, s23, $0xb8;
	[tilespmem:$0x1EA00] =	vst v63  }
0x95: {  	_ =	swait.ge [sflag:s20], $0x4000  }
0x96: {  	[sflag:s20] =	ssyncset.done $0x0  }
.Ltmp1:
0x97: {  	[sflag:s20] =	ssyncadd.s32 $0xFFFFC000;
	(pc) =	sbr.rel @p0 .LBB2_4-.Ltmp1, $4  }
0x98: {  	_ =	swait.ge [sflag:s28], $0x4000  }
0x99: {  	s0 =	sadd.s32 $0x40, s0;
	[sflag:s28] =	ssyncset.done $0x0  }
0x9a: {  	s8 =	sand.u32 $0x40, s0;
	s1 =	smov.u32 s10;
	[sflag:s28] =	ssyncadd.s32 $0xFFFFC000  }
0x9b: {  	[spmem:s2] =	stream.indirect.scatter.add.f32 [tilespmem:s24], [sflag:$0x3], $0x80, s29, s23, $0xb8;
	[tilespmem:$0x1EA00] =	vst v63  }
0x9c: {  	_ =	swait.ge [sflag:s20], $0x4000  }
0x9d: {  	s1 =	sshra.s32 s30, $0x2;
	s10 =	sadd.s32 s0, s6;
	[sflag:s20] =	ssyncset.done $0x0  }
0x9e: {  	s8 =	sadd.s32 s8, s5;
	s10 =	sand.u32 $0xFF80, s10;
	[sflag:s20] =	ssyncadd.s32 $0xFFFFC000  }
0x9f: {  	[tilespmem:s19], [sflag:$0x1] =	stream.indirect.gather [hbm4b:s4+s23], $0x80, s1, s23, $0xb8;
	[tilespmem:$0x1EA00] =	vst v63  }
0xa0: {  	s30 =	sadd.s32 $0x80, s1;
	s8 =	sadd.s32 s10, s8  }
0xa1: {  	[tilespmem:s24], [sflag:$0x2] =	stream.indirect.gather [hbm4b:s4+s23], $0x80, s30, s23, $0xb8;
	[tilespmem:$0x1EA00] =	vst v63  }
0xa2: {  	s8 =	sadd.s32 $0x20, s8  }
0xa3: {  	[tilespmem:s25], [sflag:$0x3] =	stream.linear.gather [hbm4b:s8+s3], $0x100, $0x38;
	[tilespmem:$0x1EA00] =	vst v63  }
0xa4: {  	_ =	swait.ge [sflag:s20], $0x100  }
0xa5: {  	[sflag:s20] =	ssyncset.done $0x0  }
0xa6: {  	[sflag:s20] =	ssyncadd.s32 $0xFFFFFF00  }
0xa7: {  	_ =	swait.ge [sflag:s26], $0x4000  }
0xa8: {  	[sflag:s26] =	ssyncset.done $0x0  }
0xa9: {  	[sflag:s26] =	ssyncadd.s32 $0xFFFFC000  }
0xaa: {  	[spmem:s2] =	stream.indirect.scatter.add.f32 [tilespmem:s19], [sflag:$0x3], $0x80, s21, s23, $0xb8;
	[tilespmem:$0x1EA00] =	vst v63  }
0xab: {  	_ =	swait.ge [sflag:s20], $0x4000  }
0xac: {  	[sflag:s20] =	ssyncset.done $0x0  }
0xad: {  	[sflag:s20] =	ssyncadd.s32 $0xFFFFC000  }
0xae: {  	_ =	swait.ge [sflag:s28], $0x4000  }
0xaf: {  	[sflag:s28] =	ssyncset.done $0x0  }
0xb0: {  	[sflag:s28] =	ssyncadd.s32 $0xFFFFC000  }
0xb1: {  	[spmem:s2] =	stream.indirect.scatter.add.f32 [tilespmem:s24], [sflag:$0x3], $0x80, s22, s23, $0xb8;
	[tilespmem:$0x1EA00] =	vst v63  }
0xb2: {  	_ =	swait.ge [sflag:s20], $0x4000  }
0xb3: {  	[sflag:s20] =	ssyncset.done $0x0  }
0xb4: {  	s10 =	sadd.s32 $0x100, s1;
	[sflag:s20] =	ssyncadd.s32 $0xFFFFC000  }
0xb5: {  	[tilespmem:s19], [sflag:$0x1] =	stream.indirect.gather [hbm4b:s4+s23], $0x80, s10, s23, $0xb8;
	[tilespmem:$0x1EA00] =	vst v63  }
0xb6: {  	s1 =	sadd.s32 $0x180, s1  }
0xb7: {  	[tilespmem:s24], [sflag:$0x2] =	stream.indirect.gather [hbm4b:s4+s23], $0x80, s1, s23, $0xb8;
	[tilespmem:$0x1EA00] =	vst v63  }
0xb8: {  	s11 =	sadd.s32 s0, s18  }
0xb9: {  	[tilespmem:s21], [sflag:$0x3] =	stream.linear.gather [hbm4b:s11+s3], $0x100, $0x38;
	[tilespmem:$0x1EA00] =	vst v63  }
0xba: {  	_ =	swait.ge [sflag:s20], $0x100  }
0xbb: {  	[sflag:s20] =	ssyncset.done $0x0  }
0xbc: {  	[sflag:s20] =	ssyncadd.s32 $0xFFFFFF00  }
0xbd: {  	_ =	swait.ge [sflag:s26], $0x4000  }
0xbe: {  	[sflag:s26] =	ssyncset.done $0x0  }
0xbf: {  	[sflag:s26] =	ssyncadd.s32 $0xFFFFC000  }
0xc0: {  	[spmem:s2] =	stream.indirect.scatter.add.f32 [tilespmem:s19], [sflag:$0x3], $0x80, s25, s23, $0xb8;
	[tilespmem:$0x1EA00] =	vst v63  }
0xc1: {  	_ =	swait.ge [sflag:s20], $0x4000  }
0xc2: {  	[sflag:s20] =	ssyncset.done $0x0  }
0xc3: {  	[sflag:s20] =	ssyncadd.s32 $0xFFFFC000  }
0xc4: {  	_ =	swait.ge [sflag:s28], $0x4000  }
0xc5: {  	[sflag:s28] =	ssyncset.done $0x0  }
0xc6: {  	[sflag:s28] =	ssyncadd.s32 $0xFFFFC000  }
0xc7: {  	[spmem:s2] =	stream.indirect.scatter.add.f32 [tilespmem:s24], [sflag:$0x3], $0x80, s29, s23, $0xb8;
	[tilespmem:$0x1EA00] =	vst v63  }
0xc8: {  	_ =	swait.ge [sflag:s20], $0x4000  }
0xc9: {  	[sflag:s20] =	ssyncset.done $0x0  }
0xca: {  	s12 =	simm.s32 $0x2600;
	[sflag:s20] =	ssyncadd.s32 $0xFFFFC000  }
0xcb: {  	[tilespmem:s19], [sflag:$0x1] =	stream.indirect.gather [hbm4b:s4+s23], $0x80, s12, s23, $0xb8;
	[tilespmem:$0x1EA00] =	vst v63  }
0xcc: {  	s30 =	simm.s32 $0x2680  }
0xcd: {  	[tilespmem:s24], [sflag:$0x2] =	stream.indirect.gather [hbm4b:s4+s23], $0x80, s30, s23, $0xb8;
	[tilespmem:$0x1EA00] =	vst v63  }
0xce: {  	_ = 	snop  }
0xcf: {  	[tilespmem:s25], [sflag:$0x3] =	stream.linear.gather [hbm4b:s17+s3], $0x100, $0x38;
	[tilespmem:$0x1EA00] =	vst v63  }
0xd0: {  	_ =	swait.ge [sflag:s20], $0x100  }
0xd1: {  	[sflag:s20] =	ssyncset.done $0x0  }
0xd2: {  	[sflag:s20] =	ssyncadd.s32 $0xFFFFFF00  }
0xd3: {  	_ =	swait.ge [sflag:s26], $0x4000  }
0xd4: {  	[sflag:s26] =	ssyncset.done $0x0  }
0xd5: {  	[sflag:s26] =	ssyncadd.s32 $0xFFFFC000  }
0xd6: {  	[spmem:s2] =	stream.indirect.scatter.add.f32 [tilespmem:s19], [sflag:$0x3], $0x80, s21, s23, $0xb8;
	[tilespmem:$0x1EA00] =	vst v63  }
0xd7: {  	_ =	swait.ge [sflag:s20], $0x4000  }
0xd8: {  	[sflag:s20] =	ssyncset.done $0x0  }
0xd9: {  	[sflag:s20] =	ssyncadd.s32 $0xFFFFC000  }
0xda: {  	_ =	swait.ge [sflag:s28], $0x4000  }
0xdb: {  	[sflag:s28] =	ssyncset.done $0x0  }
0xdc: {  	[sflag:s28] =	ssyncadd.s32 $0xFFFFC000  }
0xdd: {  	[spmem:s2] =	stream.indirect.scatter.add.f32 [tilespmem:s24], [sflag:$0x3], $0x80, s22, s23, $0xb8;
	[tilespmem:$0x1EA00] =	vst v63  }
0xde: {  	_ =	swait.ge [sflag:s20], $0x4000  }
0xdf: {  	[sflag:s20] =	ssyncset.done $0x0  }
0xe0: {  	s1 =	simm.s32 $0x2700;
	[sflag:s20] =	ssyncadd.s32 $0xFFFFC000  }
0xe1: {  	[tilespmem:s19], [sflag:$0x1] =	stream.indirect.gather [hbm4b:s4+s23], $0x80, s1, s23, $0xb8;
	[tilespmem:$0x1EA00] =	vst v63  }
0xe2: {  	s8 =	simm.s32 $0x2780  }
0xe3: {  	[tilespmem:s24], [sflag:$0x2] =	stream.indirect.gather [hbm4b:s4+s23], $0x80, s8, s23, $0xb8;
	[tilespmem:$0x1EA00] =	vst v63  }
0xe4: {  	_ =	swait.ge [sflag:s26], $0x4000  }
0xe5: {  	[sflag:s26] =	ssyncset.done $0x0  }
0xe6: {  	[sflag:s26] =	ssyncadd.s32 $0xFFFFC000  }
0xe7: {  	[spmem:s2] =	stream.indirect.scatter.add.f32 [tilespmem:s19], [sflag:$0x3], $0x80, s25, s23, $0xb8;
	[tilespmem:$0x1EA00] =	vst v63  }
0xe8: {  	_ =	swait.ge [sflag:s20], $0x4000  }
0xe9: {  	[sflag:s20] =	ssyncset.done $0x0  }
0xea: {  	[sflag:s20] =	ssyncadd.s32 $0xFFFFC000  }
0xeb: {  	_ =	swait.ge [sflag:s28], $0x4000  }
0xec: {  	[sflag:s28] =	ssyncset.done $0x0  }
0xed: {  	[sflag:s28] =	ssyncadd.s32 $0xFFFFC000  }
0xee: {  	[spmem:s2] =	stream.indirect.scatter.add.f32 [tilespmem:s24], [sflag:$0x3], $0x80, s29, s23, $0xb8;
	[tilespmem:$0x1EA00] =	vst v63  }
0xef: {  	_ =	swait.ge [sflag:s20], $0x4000  }
0xf0: {  	[sflag:s20] =	ssyncset.done $0x0  }
0xf1: {  	s10 =	stileid.u32;
	[sflag:s20] =	ssyncadd.s32 $0xFFFFC000  }
0xf2: {  	s0 =	sshll.u32 s10, $0x6;
	[bflag:$0x0] =	sbarrier.arrive $0xFFFF  }
0xf3: {  	s0 =	sor.u32 $0x1C03, s0;
	s11 =	sshrl.u32 s7, $0x3;
	s12 =	rddreg [dreg:$0x5]  }
0xf4: {  	[hbm:s12], [sflag:s0] =	dma.local [spmem:s11], $0x2800  }
0xf5: {  	_ =	swait.ge [sflag:s20], $0x2800  }
0xf6: {  	s31 =	sadd.s32 $0x1, s31;
	s30 =	rddreg [dreg:$0x6]  }
0xf7: {  	p0 =	sne.s32 s31, s30  }
.Ltmp2:
0xf8: {  	_ = 	snop;
	(pc) =	sbr.rel @p0 .LBB2_1-.Ltmp2, $3  }
0xf9: {  	_ =	sdelay $0x1  }
0xfa: {  	[sflag:s20] =	ssyncset.done $0x0  }
0xfb: {  	[sflag:s20] =	ssyncadd.s32 $0xFFFFD800  }
0xfc: {  	_ =	sfence.sel $0x180000  }
0xfd: {  	[bflag:$0x0] =	sbarrier.arrive $0xFFFF  }
0xfe: {  	_ =	strace $0x9000004D  }
0xff: {  	s0 =	stileid.u32;
	[bflag:$0x2] =	sbarrier.arrive $0xFFFF  }
0x100: {  	p0 =	sne.s32 s0, $0x0;
	s0 =	rddreg [dreg:$0x2]  }
0x101: {  	s0 =	sadd.s32 @!p0 $0x100000, s0  }
0x102: {  	[sflag:s0] =	ssyncadd.tile.s32 @!p0 $0x1;
	_ =	shalt  }
.Lfunc_end2:
_tile_overlayer_lowered:
.L_overlay_start_2:
0x103: {  	(tag) =	ssettag $0x2  }
0x104: {  	s0 =	rddreg [dreg:$0x0];
	s2 =	stileid.u32  }
0x105: {  	s1 =	rddreg [dreg:$0x1];
	p0 =	sne.s32 s2, $0x0  }
0x106: {  	s3 =	rddreg [dreg:$0x2];
	[bflag:$0x3] =	sbarrier.arrive $0xFFFF;
	s2 =	simm.s32 @!p0 $0x1C03  }
0x107: {  	[timem:s3], [sflag:s2] =	dma.local @!p0 [hbm:s0], s1  }
0x108: {  	s0 =	simm.s32 @!p0 $0x3  }
0x109: {  	_ =	swait.ge @!p0 [sflag:s0], s1  }
0x10a: {  	s1 =	ssub.s32 @!p0 $0x0, s1;
	[sflag:s0] =	ssyncset.done @!p0 $0x0  }
0x10b: {  	[sflag:s0] =	ssyncadd.s32 @!p0 s1  }
0x10c: {  	[bflag:$0x3] =	sbarrier.arrive $0xFFFF  }
0x10d: {  	_ =	shalt  }

// kernel: kernel.19.cloned.1.call-start
scs
__scs_entry_jumppad:
0x0: {  	(pc) =	sbr.rel $0x88, $3  }
0x1: {  	(tag) =	ssettag $0x0;
	lr =	simm.s32 $0x1  }
0x2: {  	[smem:$0x3F98] =	sst lr;
	_ =	strace $0xD0000000  }
0x3: {  	_ = 	snop  }
0x4: {  	_ = 	snop  }
0x5: {  	_ = 	snop  }
0x6: {  	_ = 	snop  }
0x7: {  	_ = 	snop  }
__scs_overlays_trampoline_lowered:
0x8: {  	[smem:$0x3FA7] =	sst s0  }
0x9: {  	[smem:$0x3FA8] =	sst s1  }
0xa: {  	[smem:$0x3FA9] =	sst s2  }
0xb: {  	[smem:$0x3FAA] =	sst s3  }
0xc: {  	[smem:$0x3FAB] =	sst s4  }
0xd: {  	[smem:$0x3FAC] =	sst s5  }
0xe: {  	[smem:$0x3FAD] =	sst s6  }
0xf: {  	[smem:$0x3FAE] =	sst s7  }
0x10: {  	[smem:$0x3FAF] =	sst s8  }
0x11: {  	[smem:$0x3FB0] =	sst s9;
	s0 =	simm.s32 @!p0 $0x0  }
0x12: {  	s1 =	sld [smem:$0x3F96];
	s0 =	simm.s32 @p0 $0x1  }
0x13: {  	[smem:$0x3FB1] =	sst s0;
	s0 =	simm.s32 @!p1 $0x0  }
0x14: {  	s2 =	sld [smem:$0x3F95];
	s0 =	simm.s32 @p1 $0x1  }
0x15: {  	[smem:$0x3FB2] =	sst s0;
	s0 =	simm.s32 @!p2 $0x0  }
0x16: {  	s3 =	sld [smem:$0x3FDB];
	s0 =	simm.s32 @p2 $0x1  }
0x17: {  	s4 =	simm.s32 $0x1BF5;
	[smem:$0x3FB4] =	sst s0  }
0x18: {  	s0 =	sld [smem:$0x3F97];
	_ =	swait.ge [sflag:s4], $0x0  }
0x19: {  	s7 =	sld [smem:$0x3F98]  }
0x1a: {  	s8 =	sadd.s32 $0xFFFFE003, lr  }
0x1b: {  	s9 =	sadd.s32 $0xFFFFFEF7, lr;
	s5 =	simm.s32 $0xFFFFFFFF;
	p2 =	slt.u32 s8, $0xFFFFF086  }
0x1c: {  	p1 =	slt.u32 s9, $0xF7A;
	s5 =	simm.s32 @!p2 $0x0  }
0x1d: {  	s5 =	simm.s32 @p1 $0x1;
	p0 =	seq.s32 s7, s2  }
0x1e: {  	s7 =	smul.u32 @!p0 $0xF7A, s2;
	p2 =	seq.s32 @!p0 s5, $0x0  }
0x1f: {  	s9 =	smul.u32 $0xF7A, s1;
	s8 =	simm.s32 @!p0 $0x1BF5;
	p2 =	por !p2, p0  }
0x20: {  	[sflag:s8] =	ssyncset.s32 @!p0 $0xFFFFF086;
	s6 =	sadd.s32 @!p0 s3, s7;
	s7 =	simm.s32 @!p0 $0x108  }
0x21: {  	s3 =	sadd.s32 s3, s9;
	s6 =	sadd.s32 @!p0 $0x88, s6;
	s7 =	simm.s32 @p2 $0x1082  }
0x22: {  	[simem:s7], [sflag:s8] =	dma.local @!p0 [hbm:s6], $0xF7A  }
0x23: {  	s9 =	sor.u32 $0xD0000000, s2;
	s6 =	simm.s32 $0x108;
	_ =	swait.ge @!p0 [sflag:s8], $0x0  }
0x24: {  	s3 =	sadd.s32 $0x88, s3;
	s6 =	simm.s32 @!p1 $0x1082;
	[sflag:s4] =	ssyncset.s32 $0xFFFFF086  }
0x25: {  	[simem:s6], [sflag:s4] =	dma.local [hbm:s3], $0xF7A  }
0x26: {  	[smem:$0x3F98] =	sst s1;
	(tag) =	ssettag s2;
	_ =	strace s9  }
0x27: {  	s1 =	sld [smem:$0x3FA8]  }
0x28: {  	s2 =	sld [smem:$0x3FA9]  }
0x29: {  	s4 =	sld [smem:$0x3FAB]  }
0x2a: {  	p0 =	seq.s32 s5, $0x0;
	s5 =	sld [smem:$0x3FAC]  }
0x2b: {  	s6 =	sld [smem:$0x3FAD]  }
0x2c: {  	s7 =	sld [smem:$0x3FAE]  }
0x2d: {  	s3 =	simm.s32 $0x108;
	s8 =	sld [smem:$0x3FAF]  }
0x2e: {  	s3 =	simm.s32 @!p0 $0x1082;
	s9 =	sld [smem:$0x3FB0]  }
0x2f: {  	lr =	sadd.s32 s0, s3;
	s0 =	sld [smem:$0x3FA7]  }
0x30: {  	s3 =	sld [smem:$0x3FAA]  }
0x31: {  	[smem:$0x3FB3] =	sst s10  }
0x32: {  	s10 =	sld [smem:$0x3FB1];
	_ =	sdelay $0x3  }
0x33: {  	p0 =	seq.s32 s10, $0x1;
	s10 =	sld [smem:$0x3FB3];
	_ =	sdelay $0x3  }
0x34: {  	[smem:$0x3FB3] =	sst s10  }
0x35: {  	s10 =	sld [smem:$0x3FB2];
	_ =	sdelay $0x3  }
0x36: {  	p1 =	seq.s32 s10, $0x1;
	s10 =	sld [smem:$0x3FB3];
	_ =	sdelay $0x3  }
0x37: {  	[smem:$0x3FB3] =	sst s10  }
0x38: {  	s10 =	sld [smem:$0x3FB4]  }
0x39: {  	_ = 	snop;
	(pc) =	sbr.ind lr, $3  }
0x3a: {  	_ = 	snop  }
0x3b: {  	_ = 	snop  }
0x3c: {  	p2 =	seq.s32 s10, $0x1;
	s10 =	sld [smem:$0x3FB3]  }
0x3d: {  	_ =	shalt  }
0x3e: {  	_ =	shalt  }
0x3f: {  	_ =	shalt  }
0x40: {  	_ =	shalt  }
0x41: {  	_ =	shalt  }
0x42: {  	_ =	shalt  }
0x43: {  	_ =	shalt  }
0x44: {  	_ =	shalt  }
0x45: {  	_ =	shalt  }
0x46: {  	_ =	shalt  }
0x47: {  	_ =	shalt  }
0x48: {  	_ =	shalt  }
0x49: {  	_ =	shalt  }
0x4a: {  	_ =	shalt  }
0x4b: {  	_ =	shalt  }
0x4c: {  	_ =	shalt  }
0x4d: {  	_ =	shalt  }
0x4e: {  	_ =	shalt  }
0x4f: {  	_ =	shalt  }
0x50: {  	_ =	shalt  }
0x51: {  	_ =	shalt  }
0x52: {  	_ =	shalt  }
0x53: {  	_ =	shalt  }
0x54: {  	_ =	shalt  }
0x55: {  	_ =	shalt  }
0x56: {  	_ =	shalt  }
0x57: {  	_ =	shalt  }
0x58: {  	_ =	shalt  }
0x59: {  	_ =	shalt  }
0x5a: {  	_ =	shalt  }
0x5b: {  	_ =	shalt  }
0x5c: {  	_ =	shalt  }
0x5d: {  	_ =	shalt  }
0x5e: {  	_ =	shalt  }
0x5f: {  	_ =	shalt  }
0x60: {  	_ =	shalt  }
0x61: {  	_ =	shalt  }
0x62: {  	_ =	shalt  }
0x63: {  	_ =	shalt  }
0x64: {  	_ =	shalt  }
0x65: {  	_ =	shalt  }
0x66: {  	_ =	shalt  }
0x67: {  	_ =	shalt  }
0x68: {  	_ =	shalt  }
0x69: {  	_ =	shalt  }
0x6a: {  	_ =	shalt  }
0x6b: {  	_ =	shalt  }
0x6c: {  	_ =	shalt  }
0x6d: {  	_ =	shalt  }
0x6e: {  	_ =	shalt  }
0x6f: {  	_ =	shalt  }
0x70: {  	_ =	shalt  }
0x71: {  	_ =	shalt  }
0x72: {  	_ =	shalt  }
0x73: {  	_ =	shalt  }
0x74: {  	_ =	shalt  }
0x75: {  	_ =	shalt  }
0x76: {  	_ =	shalt  }
0x77: {  	_ =	shalt  }
0x78: {  	_ =	shalt  }
0x79: {  	_ =	shalt  }
0x7a: {  	_ =	shalt  }
0x7b: {  	_ =	shalt  }
0x7c: {  	_ =	shalt  }
0x7d: {  	_ =	shalt  }
0x7e: {  	_ =	shalt  }
0x7f: {  	_ =	shalt  }
0x80: {  	_ =	shalt  }
0x81: {  	_ =	shalt  }
0x82: {  	_ =	shalt  }
0x83: {  	_ =	shalt  }
0x84: {  	_ =	shalt  }
0x85: {  	_ =	shalt  }
0x86: {  	_ =	shalt  }
0x87: {  	_ =	shalt  }
.Lfunc_end0:
.L_simem_size_0:
called_computation.3_lowered:
.L_overlay_start_0:
0x88: {  	s2 =	sld [smem:$0x3FD9]  }
0x89: {  	s3 =	sld [smem:$0x3FFE];
	_ =	sdelay $0x1  }
0x8a: {  	s1 =	srdreg.scid  }
0x8b: {  	s0 =	sand.u32 $0x1, s1  }
0x8c: {  	s16 =	sshll.u32 s0, $0xA;
	s2 =	sadd.s32 s3, s2  }
0x8d: {  	s2 =	sadd.s32 s2, s16  }
0x8e: {  	[smem:$0x3FBF] =	sst s2  }
0x8f: {  	_ = 	snop  }
0x90: {  	(tm) =	ssettm $0x1  }
0x91: {  	s17 =	sld [smem:$0x3FFB];
	_ =	sdelay $0x3  }
0x92: {  	_ =	strace s17  }
0x93: {  	s2 =	sld [smem:$0x3FFC];
	_ =	sdelay $0x3  }
0x94: {  	_ =	strace s2  }
0x95: {  	s2 =	sld [smem:$0x3FFD];
	_ =	sdelay $0x3  }
0x96: {  	_ =	strace s2  }
0x97: {  	_ =	strace $0x8FFFFFFF  }
0x98: {  	s18 =	sld [smem:$0x3FDB];
	_ =	sdelay $0x1  }
0x99: {  	s19 =	simm.s32 $_scs_section_size  }
0x9a: {  	s4 =	simm.s32 $_size__tile_overlayer_lowered;
	s5 =	simm.s32 $_tile_overlayer_lowered  }
0x9b: {  	s22 =	simm.s32 $0x1BFF;
	s21 =	sshll.u32 s5, $0x1;
	s2 =	sadd.s32 s19, s18  }
0x9c: {  	s6 =	simm.s32 $0x0;
	s20 =	sshll.u32 s4, $0x1;
	s4 =	sadd.s32 s21, s2  }
0x9d: {  	[timem:s6], [sflag:s22] =	dma.local [hbm:s4], s20  }
0x9e: {  	_ =	swait.ge [sflag:s22], s20  }
0x9f: {  	s3 =	ssub.s32 $0x0, s20;
	[sflag:s22] =	ssyncset.done $0x0  }
0xa0: {  	[sflag:s22] =	ssyncadd.s32 s3;
	_ =	sdelay $0x1  }
0xa1: {  	s23 =	simm.s32 $0x1B8B  }
0xa2: {  	_ =	swait.ge [sflag:s23], $0x1  }
0xa3: {  	[sflag:s23] =	ssyncset.done $0x0  }
0xa4: {  	s25 =	simm.s32 $0x1B8E;
	s24 =	sld [smem:$0x3FFE];
	[sflag:s23] =	ssyncadd.s32 $0xFFFFFFFF  }
0xa5: {  	s26 =	simm.s32 $execute0_lowered;
	[smem:$0x3FD2] =	sst s25  }
0xa6: {  	s4 =	sshll.u32 s26, $0x1;
	_ =	strace $0x8000004F;
	[dreg:$0x1] =	wrdreg $0xFFFFFFFF  }
0xa7: {  	s28 =	simm.s32 $_size_execute0_lowered;
	s2 =	sadd.s32 s2, s4;
	[dreg:$0x0] =	wrdreg $0x0  }
0xa8: {  	s4 =	sshll.u32 s28, $0x1;
	[dreg:$0x2] =	wrdreg s2  }
0xa9: {  	[dreg:$0x3] =	wrdreg s4  }
0xaa: {  	[dreg:$0x4] =	wrdreg $0xC0  }
0xab: {  	_ =	task [dreg:s6], $0x5FFFF  }
0xac: {  	[dreg:$0x1] =	wrdreg $0xFFFFFFFF  }
0xad: {  	[dreg:$0x0] =	wrdreg $0x60  }
0xae: {  	[dreg:$0x2] =	wrdreg s24  }
0xaf: {  	[dreg:$0x3] =	wrdreg $0xAA000  }
0xb0: {  	[dreg:$0x4] =	wrdreg $0x9  }
0xb1: {  	_ =	task.clear_ibuf [dreg:s6], $0x5FFFF;
	_ =	strace $0x9000004F  }
0xb2: {  	s29 =	simm.s32 $0x9;
	_ =	strace $0x80000051  }
0xb3: {  	_ =	swait.ge [sflag:s29], $0x1  }
0xb4: {  	[sflag:s29] =	ssyncadd.s32 $0xFFFFFFFF  }
0xb5: {  	_ =	strace $0x90000051  }
0xb6: {  	_ =	sfence  }
0xb7: {  	s30 =	sld [smem:$0x0];
	_ =	sdelay $0x2  }
0xb8: {  	s31 =	sshll.u32 s1, $0xD;
	s1 =	sshrl.u32 s1, $0x2  }
0xb9: {  	s3 =	sand.u32 $0x4000, s31;
	s1 =	sadd.s32 s1, s30  }
0xba: {  	s0 =	sor.u32 s3, s0;
	s1 =	sshll.u32 s1, $0x11  }
0xbb: {  	s0 =	sor.u32 s1, s0  }
0xbc: {  	s0 =	sadd.s32 $0x8F2B, s0  }
0xbd: {  	[sflag:s0] =	ssyncadd.remote.s32 $0x1  }
0xbe: {  	_ =	sfence.sel $0xFFFF  }
0xbf: {  	[dreg:$0x0] =	wrdreg $0xFFFFFFFF;
	(pc) =	sbr.abs _section_cstart, $3  }
0xc0: {  	[dreg:$0x1] =	wrdreg $0xFFFFFFFF  }
0xc1: {  	_ =	task.clear_ibuf [dreg:s6], $0x2FFFF;
	_ =	strace $0x9FFFFFFF  }
0xc2: {  	(tm) =	ssettm $0x7FFFFFFF  }
0xc3: {  	_ =	shalt  }
tec
execute0_lowered:
.L_overlay_start_1:
0x0: {  	(tag) =	ssettag $0x1  }
0x1: {  	s1 =	rddreg [dreg:$0x0]  }
0x2: {  	s0 =	srdreg.scid;
	s2 =	rddreg [dreg:$0x1]  }
0x3: {  	s11 =	stileid.u32;
	s3 =	simm.s32 $0x0;
	s19 =	simm.s32 $0x2A00  }
0x4: {  	s20 =	simm.s32 $0x3;
	s21 =	simm.s32 $0x2800;
	s22 =	simm.s32 $0x2880  }
0x5: {  	s23 =	simm.s32 $0x80;
	s24 =	simm.s32 $0x6A00;
	s25 =	simm.s32 $0x2900  }
0x6: {  	s28 =	simm.s32 $0x2;
	s29 =	simm.s32 $0x2980;
	s31 =	simm.s32 $0x0  }
0x7: {  	s0 =	sand.u32 $0x1, s0;
	[smem:$0x7FF] =	sst s3;
	s7 =	smul.u32 $0x2800, s11  }
0x8: {  	s9 =	smul.u32 $0x50000, s11;
	s4 =	sshll.u32 s0, $0x4;
	_ =	strace $0x80000050  }
0x9: {  	s6 =	smul.u32 $0x28000, s0;
	s0 =	ssub.s32 $0x2, s0;
	s4 =	sor.u32 s11, s4  }
0xa: {  	s10 =	sshrl.u32 s0, $0x1;
	s26 =	sshrl.u32 s9, $0x2;
	s5 =	smul.u32 $0x500, s4  }
0xb: {  	s4 =	sadd.s32 $0x7E00, s1;
	s7 =	sadd.s32 s7, s6;
	s0 =	ssub.s32 s0, s10  }
0xc: {  	s6 =	smul.u32 $0x500, s11;
	s0 =	smax.u32 s0, $0x1;
	s8 =	sadd.s32 s5, s1  }
0xd: {  	s5 =	sadd.s32 $0x2E00, s1;
	s1 =	sadd.s32 s7, s1;
	s7 =	sadd.s32 s26, s2  }
0xe: {  	[dreg:$0x6] =	wrdreg s0;
	s26 =	simm.s32 $0x1;
	s8 =	sadd.s32 $0x57E00, s8  }
0xf: {  	s9 =	sadd.s32 s5, s6;
	s1 =	sadd.s32 $0x61E00, s1;
	s13 =	sadd.s32 $0x4000, s7  }
0x10: {  	s14 =	sadd.s32 $0x8000, s7;
	s15 =	sadd.s32 $0xC000, s7;
	[dreg:$0x3] =	wrdreg s8  }
0x11: {  	s16 =	sadd.s32 $0x10000, s7;
	s30 =	sadd.s32 $0x10, s9;
	[dreg:$0x5] =	wrdreg s1  }
0x12: {  	v0 =	vimm.f32 $0.0e+00;
	s17 =	sadd.s32 $0x4E0, s9;
	s18 =	sadd.s32 $0x40, s9;
	[dreg:$0x4] =	wrdreg s30  }
.LBB2_1:
0x13: {  	s0 =	simm.s32 $0x0;
	s1 =	simm.s32 $0x200  }
.LBB2_2:
0x14: {  	p0 =	sne.s32 s1, $0xFE00;
	[tilespmem:s0+$0x2A70] =	vst v0  }
0x15: {  	[tilespmem:s0+$0x2A00] =	vst v0  }
0x16: {  	[tilespmem:s0+$0x2A10] =	vst v0  }
.Ltmp0:
0x17: {  	[tilespmem:s0+$0x2A20] =	vst v0;
	(pc) =	sbr.rel @p0 .LBB2_2-.Ltmp0, $4  }
0x18: {  	[tilespmem:s0+$0x2A30] =	vst v0  }
0x19: {  	[tilespmem:s0+$0x2A40] =	vst v0  }
0x1a: {  	[tilespmem:s0+$0x2A50] =	vst v0  }
0x1b: {  	[tilespmem:s0+$0x2A60] =	vst v0;
	s0 =	sshra.s32 s1, $0x2;
	s1 =	sadd.s32 $0x200, s1  }
0x1c: {  	[tilespmem:s0+$0x2A70] =	vst v0  }
0x1d: {  	[tilespmem:s0+$0x2A00] =	vst v0  }
0x1e: {  	[tilespmem:s0+$0x2A10] =	vst v0  }
0x1f: {  	[tilespmem:s0+$0x2A20] =	vst v0  }
0x20: {  	[tilespmem:s0+$0x2A30] =	vst v0  }
0x21: {  	[tilespmem:s0+$0x2A40] =	vst v0  }
0x22: {  	[tilespmem:s0+$0x2A50] =	vst v0  }
0x23: {  	[tilespmem:s0+$0x2A60] =	vst v0  }
0x24: {  	[spmem:s7] =	stream.linear.scatter [tilespmem:s19], [sflag:$0x3], $0x4000, $0x38;
	[tilespmem:$0x1EA00] =	vst v63  }
0x25: {  	_ =	swait.ge [sflag:s20], $0x4000  }
0x26: {  	[sflag:s20] =	ssyncset.done $0x0  }
0x27: {  	[sflag:s20] =	ssyncadd.s32 $0xFFFFC000  }
0x28: {  	[spmem:s13] =	stream.linear.scatter [tilespmem:s19], [sflag:$0x3], $0x4000, $0x38;
	[tilespmem:$0x1EA00] =	vst v63  }
0x29: {  	_ =	swait.ge [sflag:s20], $0x4000  }
0x2a: {  	[sflag:s20] =	ssyncset.done $0x0  }
0x2b: {  	[sflag:s20] =	ssyncadd.s32 $0xFFFFC000  }
0x2c: {  	[spmem:s14] =	stream.linear.scatter [tilespmem:s19], [sflag:$0x3], $0x4000, $0x38;
	[tilespmem:$0x1EA00] =	vst v63  }
0x2d: {  	_ =	swait.ge [sflag:s20], $0x4000  }
0x2e: {  	[sflag:s20] =	ssyncset.done $0x0  }
0x2f: {  	[sflag:s20] =	ssyncadd.s32 $0xFFFFC000  }
0x30: {  	[spmem:s15] =	stream.linear.scatter [tilespmem:s19], [sflag:$0x3], $0x4000, $0x38;
	[tilespmem:$0x1EA00] =	vst v63  }
0x31: {  	_ =	swait.ge [sflag:s20], $0x4000  }
0x32: {  	[sflag:s20] =	ssyncset.done $0x0  }
0x33: {  	[sflag:s20] =	ssyncadd.s32 $0xFFFFC000  }
0x34: {  	[spmem:s16] =	stream.linear.scatter [tilespmem:s19], [sflag:$0x3], $0x4000, $0x38;
	[tilespmem:$0x1EA00] =	vst v63  }
0x35: {  	_ =	swait.ge [sflag:s20], $0x4000  }
0x36: {  	[sflag:s20] =	ssyncset.done $0x0  }
0x37: {  	[sflag:s20] =	ssyncadd.s32 $0xFFFFC000  }
0x38: {  	[bflag:$0x0] =	sbarrier.arrive $0xFFFF  }
0x39: {  	s10 =	simm.s32 $0x0;
	s1 =	rddreg [dreg:$0x3]  }
0x3a: {  	[tilespmem:s10], [sflag:$0x3] =	stream.linear.gather [hbm4b:s1+s10], $0x2800, $0x38;
	[tilespmem:$0x1EA00] =	vst v63  }
0x3b: {  	_ =	swait.ge [sflag:s20], $0x2800  }
0x3c: {  	[sflag:s20] =	ssyncset.done $0x0  }
0x3d: {  	[sflag:s20] =	ssyncadd.s32 $0xFFFFD800  }
0x3e: {  	[tilespmem:s21], [sflag:$0x3] =	stream.linear.gather [hbm4b:s9+s10], $0x80, $0x38;
	[tilespmem:$0x1EA00] =	vst v63  }
0x3f: {  	_ =	swait.ge [sflag:s20], $0x80  }
0x40: {  	[sflag:s20] =	ssyncset.done $0x0  }
0x41: {  	s11 =	rddreg [dreg:$0x4];
	[sflag:s20] =	ssyncadd.s32 $0xFFFFFF80  }
0x42: {  	[tilespmem:s22], [sflag:$0x3] =	stream.linear.gather [hbm4b:s11+s10], $0x80, $0x38;
	[tilespmem:$0x1EA00] =	vst v63  }
0x43: {  	s12 =	sadd.s32 $0x0, s6;
	_ =	swait.ge [sflag:s20], $0x80  }
0x44: {  	s8 =	simm.s32 $0x0;
	s0 =	sand.u32 $0x40, s10;
	[sflag:s20] =	ssyncset.done $0x0  }
0x45: {  	s0 =	sadd.s32 s0, s5;
	s1 =	sand.u32 $0xFF80, s12;
	[sflag:s20] =	ssyncadd.s32 $0xFFFFFF80  }
0x46: {  	[tilespmem:s19], [sflag:$0x1] =	stream.indirect.gather [hbm4b:s4+s23], $0x80, s8, s23, $0xb8;
	[tilespmem:$0x1EA00] =	vst v63  }
0x47: {  	s0 =	sadd.s32 s1, s0;
	s8 =	simm.s32 $0x80  }
0x48: {  	[tilespmem:s24], [sflag:$0x2] =	stream.indirect.gather [hbm4b:s4+s23], $0x80, s8, s23, $0xb8;
	[tilespmem:$0x1EA00] =	vst v63  }
0x49: {  	s0 =	sadd.s32 $0x20, s0  }
0x4a: {  	[tilespmem:s25], [sflag:$0x3] =	stream.linear.gather [hbm4b:s0+s3], $0x100, $0x38;
	[tilespmem:$0x1EA00] =	vst v63  }
0x4b: {  	_ =	swait.ge [sflag:s20], $0x100  }
0x4c: {  	[sflag:s20] =	ssyncset.done $0x0  }
0x4d: {  	[sflag:s20] =	ssyncadd.s32 $0xFFFFFF00  }
0x4e: {  	_ =	swait.ge [sflag:s26], $0x4000  }
0x4f: {  	[sflag:s26] =	ssyncset.done $0x0  }
0x50: {  	[sflag:s26] =	ssyncadd.s32 $0xFFFFC000  }
0x51: {  	[spmem:s2] =	stream.indirect.scatter.add.f32 [tilespmem:s19], [sflag:$0x3], $0x80, s21, s23, $0xb8;
	[tilespmem:$0x1EA00] =	vst v63  }
0x52: {  	_ =	swait.ge [sflag:s20], $0x4000  }
0x53: {  	[sflag:s20] =	ssyncset.done $0x0  }
0x54: {  	[sflag:s20] =	ssyncadd.s32 $0xFFFFC000  }
0x55: {  	_ =	swait.ge [sflag:s28], $0x4000  }
0x56: {  	[sflag:s28] =	ssyncset.done $0x0  }
0x57: {  	[sflag:s28] =	ssyncadd.s32 $0xFFFFC000  }
0x58: {  	[spmem:s2] =	stream.indirect.scatter.add.f32 [tilespmem:s24], [sflag:$0x3], $0x80, s22, s23, $0xb8;
	[tilespmem:$0x1EA00] =	vst v63  }
0x59: {  	_ =	swait.ge [sflag:s20], $0x4000  }
0x5a: {  	[sflag:s20] =	ssyncset.done $0x0  }
0x5b: {  	s10 =	simm.s32 $0x100;
	[sflag:s20] =	ssyncadd.s32 $0xFFFFC000  }
0x5c: {  	[tilespmem:s19], [sflag:$0x1] =	stream.indirect.gather [hbm4b:s4+s23], $0x80, s10, s23, $0xb8;
	[tilespmem:$0x1EA00] =	vst v63  }
0x5d: {  	s11 =	simm.s32 $0x180  }
0x5e: {  	[tilespmem:s24], [sflag:$0x2] =	stream.indirect.gather [hbm4b:s4+s23], $0x80, s11, s23, $0xb8;
	[tilespmem:$0x1EA00] =	vst v63  }
0x5f: {  	s12 =	sadd.s32 $0x0, s18  }
0x60: {  	[tilespmem:s21], [sflag:$0x3] =	stream.linear.gather [hbm4b:s12+s3], $0x100, $0x38;
	[tilespmem:$0x1EA00] =	vst v63  }
0x61: {  	_ =	swait.ge [sflag:s20], $0x100  }
0x62: {  	[sflag:s20] =	ssyncset.done $0x0  }
0x63: {  	[sflag:s20] =	ssyncadd.s32 $0xFFFFFF00  }
0x64: {  	_ =	swait.ge [sflag:s26], $0x4000  }
0x65: {  	[sflag:s26] =	ssyncset.done $0x0  }
0x66: {  	[sflag:s26] =	ssyncadd.s32 $0xFFFFC000  }
0x67: {  	[spmem:s2] =	stream.indirect.scatter.add.f32 [tilespmem:s19], [sflag:$0x3], $0x80, s25, s23, $0xb8;
	[tilespmem:$0x1EA00] =	vst v63  }
0x68: {  	_ =	swait.ge [sflag:s20], $0x4000  }
0x69: {  	[sflag:s20] =	ssyncset.done $0x0  }
0x6a: {  	[sflag:s20] =	ssyncadd.s32 $0xFFFFC000  }
0x6b: {  	_ =	swait.ge [sflag:s28], $0x4000  }
0x6c: {  	s30 =	simm.s32 $0x800;
	s0 =	simm.s32 $0x40;
	[sflag:s28] =	ssyncset.done $0x0  }
0x6d: {  	s1 =	simm.s32 $0x1000;
	s8 =	sand.u32 $0x40, s0;
	[sflag:s28] =	ssyncadd.s32 $0xFFFFC000  }
0x6e: {  	[spmem:s2] =	stream.indirect.scatter.add.f32 [tilespmem:s24], [sflag:$0x3], $0x80, s29, s23, $0xb8;
	[tilespmem:$0x1EA00] =	vst v63  }
.LBB2_4:
0x6f: {  	s11 =	sshra.s32 s30, $0x2  }
0x70: {  	s10 =	sadd.s32 s0, s6;
	_ =	swait.ge [sflag:s20], $0x4000;
	s30 =	smov.u32 s1  }
0x71: {  	s8 =	sadd.s32 s8, s5;
	s12 =	sand.u32 $0xFF80, s10;
	[sflag:s20] =	ssyncset.done $0x0  }
0x72: {  	s10 =	sadd.s32 $0x800, s1;
	s8 =	sadd.s32 s12, s8;
	[sflag:s20] =	ssyncadd.s32 $0xFFFFC000  }
0x73: {  	[tilespmem:s19], [sflag:$0x1] =	stream.indirect.gather [hbm4b:s4+s23], $0x80, s11, s23, $0xb8;
	[tilespmem:$0x1EA00] =	vst v63  }
0x74: {  	p0 =	sne.s32 s1, $0x9000;
	s1 =	sadd.s32 $0x80, s11  }
0x75: {  	[tilespmem:s24], [sflag:$0x2] =	stream.indirect.gather [hbm4b:s4+s23], $0x80, s1, s23, $0xb8;
	[tilespmem:$0x1EA00] =	vst v63  }
0x76: {  	s1 =	sadd.s32 $0x20, s8  }
0x77: {  	[tilespmem:s25], [sflag:$0x3] =	stream.linear.gather [hbm4b:s1+s3], $0x100, $0x38;
	[tilespmem:$0x1EA00] =	vst v63  }
0x78: {  	_ =	swait.ge [sflag:s20], $0x100  }
0x79: {  	[sflag:s20] =	ssyncset.done $0x0  }
0x7a: {  	[sflag:s20] =	ssyncadd.s32 $0xFFFFFF00  }
0x7b: {  	_ =	swait.ge [sflag:s26], $0x4000  }
0x7c: {  	[sflag:s26] =	ssyncset.done $0x0  }
0x7d: {  	[sflag:s26] =	ssyncadd.s32 $0xFFFFC000  }
0x7e: {  	[spmem:s2] =	stream.indirect.scatter.add.f32 [tilespmem:s19], [sflag:$0x3], $0x80, s21, s23, $0xb8;
	[tilespmem:$0x1EA00] =	vst v63  }
0x7f: {  	_ =	swait.ge [sflag:s20], $0x4000  }
0x80: {  	[sflag:s20] =	ssyncset.done $0x0  }
0x81: {  	[sflag:s20] =	ssyncadd.s32 $0xFFFFC000  }
0x82: {  	_ =	swait.ge [sflag:s28], $0x4000  }
0x83: {  	[sflag:s28] =	ssyncset.done $0x0  }
0x84: {  	[sflag:s28] =	ssyncadd.s32 $0xFFFFC000  }
0x85: {  	[spmem:s2] =	stream.indirect.scatter.add.f32 [tilespmem:s24], [sflag:$0x3], $0x80, s22, s23, $0xb8;
	[tilespmem:$0x1EA00] =	vst v63  }
0x86: {  	s1 =	sadd.s32 $0x100, s11;
	_ =	swait.ge [sflag:s20], $0x4000  }
0x87: {  	[sflag:s20] =	ssyncset.done $0x0  }
0x88: {  	s8 =	sadd.s32 $0x180, s11;
	[sflag:s20] =	ssyncadd.s32 $0xFFFFC000  }
0x89: {  	[tilespmem:s19], [sflag:$0x1] =	stream.indirect.gather [hbm4b:s4+s23], $0x80, s1, s23, $0xb8;
	[tilespmem:$0x1EA00] =	vst v63  }
0x8a: {  	s1 =	sadd.s32 s0, s18  }
0x8b: {  	[tilespmem:s24], [sflag:$0x2] =	stream.indirect.gather [hbm4b:s4+s23], $0x80, s8, s23, $0xb8;
	[tilespmem:$0x1EA00] =	vst v63  }
0x8c: {  	_ = 	snop  }
0x8d: {  	[tilespmem:s21], [sflag:$0x3] =	stream.linear.gather [hbm4b:s1+s3], $0x100, $0x38;
	[tilespmem:$0x1EA00] =	vst v63  }
0x8e: {  	_ =	swait.ge [sflag:s20], $0x100  }
0x8f: {  	[sflag:s20] =	ssyncset.done $0x0  }
0x90: {  	[sflag:s20] =	ssyncadd.s32 $0xFFFFFF00  }
0x91: {  	_ =	swait.ge [sflag:s26], $0x4000  }
0x92: {  	[sflag:s26] =	ssyncset.done $0x0  }
0x93: {  	[sflag:s26] =	ssyncadd.s32 $0xFFFFC000  }
0x94: {  	[spmem:s2] =	stream.indirect.scatter.add.f32 [tilespmem:s19], [sflag:$0x3], $0x80, s25, s23, $0xb8;
	[tilespmem:$0x1EA00] =	vst v63  }
0x95: {  	_ =	swait.ge [sflag:s20], $0x4000  }
0x96: {  	[sflag:s20] =	ssyncset.done $0x0  }
.Ltmp1:
0x97: {  	[sflag:s20] =	ssyncadd.s32 $0xFFFFC000;
	(pc) =	sbr.rel @p0 .LBB2_4-.Ltmp1, $4  }
0x98: {  	_ =	swait.ge [sflag:s28], $0x4000  }
0x99: {  	s0 =	sadd.s32 $0x40, s0;
	[sflag:s28] =	ssyncset.done $0x0  }
0x9a: {  	s8 =	sand.u32 $0x40, s0;
	s1 =	smov.u32 s10;
	[sflag:s28] =	ssyncadd.s32 $0xFFFFC000  }
0x9b: {  	[spmem:s2] =	stream.indirect.scatter.add.f32 [tilespmem:s24], [sflag:$0x3], $0x80, s29, s23, $0xb8;
	[tilespmem:$0x1EA00] =	vst v63  }
0x9c: {  	_ =	swait.ge [sflag:s20], $0x4000  }
0x9d: {  	s1 =	sshra.s32 s30, $0x2;
	s10 =	sadd.s32 s0, s6;
	[sflag:s20] =	ssyncset.done $0x0  }
0x9e: {  	s8 =	sadd.s32 s8, s5;
	s10 =	sand.u32 $0xFF80, s10;
	[sflag:s20] =	ssyncadd.s32 $0xFFFFC000  }
0x9f: {  	[tilespmem:s19], [sflag:$0x1] =	stream.indirect.gather [hbm4b:s4+s23], $0x80, s1, s23, $0xb8;
	[tilespmem:$0x1EA00] =	vst v63  }
0xa0: {  	s30 =	sadd.s32 $0x80, s1;
	s8 =	sadd.s32 s10, s8  }
0xa1: {  	[tilespmem:s24], [sflag:$0x2] =	stream.indirect.gather [hbm4b:s4+s23], $0x80, s30, s23, $0xb8;
	[tilespmem:$0x1EA00] =	vst v63  }
0xa2: {  	s8 =	sadd.s32 $0x20, s8  }
0xa3: {  	[tilespmem:s25], [sflag:$0x3] =	stream.linear.gather [hbm4b:s8+s3], $0x100, $0x38;
	[tilespmem:$0x1EA00] =	vst v63  }
0xa4: {  	_ =	swait.ge [sflag:s20], $0x100  }
0xa5: {  	[sflag:s20] =	ssyncset.done $0x0  }
0xa6: {  	[sflag:s20] =	ssyncadd.s32 $0xFFFFFF00  }
0xa7: {  	_ =	swait.ge [sflag:s26], $0x4000  }
0xa8: {  	[sflag:s26] =	ssyncset.done $0x0  }
0xa9: {  	[sflag:s26] =	ssyncadd.s32 $0xFFFFC000  }
0xaa: {  	[spmem:s2] =	stream.indirect.scatter.add.f32 [tilespmem:s19], [sflag:$0x3], $0x80, s21, s23, $0xb8;
	[tilespmem:$0x1EA00] =	vst v63  }
0xab: {  	_ =	swait.ge [sflag:s20], $0x4000  }
0xac: {  	[sflag:s20] =	ssyncset.done $0x0  }
0xad: {  	[sflag:s20] =	ssyncadd.s32 $0xFFFFC000  }
0xae: {  	_ =	swait.ge [sflag:s28], $0x4000  }
0xaf: {  	[sflag:s28] =	ssyncset.done $0x0  }
0xb0: {  	[sflag:s28] =	ssyncadd.s32 $0xFFFFC000  }
0xb1: {  	[spmem:s2] =	stream.indirect.scatter.add.f32 [tilespmem:s24], [sflag:$0x3], $0x80, s22, s23, $0xb8;
	[tilespmem:$0x1EA00] =	vst v63  }
0xb2: {  	_ =	swait.ge [sflag:s20], $0x4000  }
0xb3: {  	[sflag:s20] =	ssyncset.done $0x0  }
0xb4: {  	s10 =	sadd.s32 $0x100, s1;
	[sflag:s20] =	ssyncadd.s32 $0xFFFFC000  }
0xb5: {  	[tilespmem:s19], [sflag:$0x1] =	stream.indirect.gather [hbm4b:s4+s23], $0x80, s10, s23, $0xb8;
	[tilespmem:$0x1EA00] =	vst v63  }
0xb6: {  	s1 =	sadd.s32 $0x180, s1  }
0xb7: {  	[tilespmem:s24], [sflag:$0x2] =	stream.indirect.gather [hbm4b:s4+s23], $0x80, s1, s23, $0xb8;
	[tilespmem:$0x1EA00] =	vst v63  }
0xb8: {  	s11 =	sadd.s32 s0, s18  }
0xb9: {  	[tilespmem:s21], [sflag:$0x3] =	stream.linear.gather [hbm4b:s11+s3], $0x100, $0x38;
	[tilespmem:$0x1EA00] =	vst v63  }
0xba: {  	_ =	swait.ge [sflag:s20], $0x100  }
0xbb: {  	[sflag:s20] =	ssyncset.done $0x0  }
0xbc: {  	[sflag:s20] =	ssyncadd.s32 $0xFFFFFF00  }
0xbd: {  	_ =	swait.ge [sflag:s26], $0x4000  }
0xbe: {  	[sflag:s26] =	ssyncset.done $0x0  }
0xbf: {  	[sflag:s26] =	ssyncadd.s32 $0xFFFFC000  }
0xc0: {  	[spmem:s2] =	stream.indirect.scatter.add.f32 [tilespmem:s19], [sflag:$0x3], $0x80, s25, s23, $0xb8;
	[tilespmem:$0x1EA00] =	vst v63  }
0xc1: {  	_ =	swait.ge [sflag:s20], $0x4000  }
0xc2: {  	[sflag:s20] =	ssyncset.done $0x0  }
0xc3: {  	[sflag:s20] =	ssyncadd.s32 $0xFFFFC000  }
0xc4: {  	_ =	swait.ge [sflag:s28], $0x4000  }
0xc5: {  	[sflag:s28] =	ssyncset.done $0x0  }
0xc6: {  	[sflag:s28] =	ssyncadd.s32 $0xFFFFC000  }
0xc7: {  	[spmem:s2] =	stream.indirect.scatter.add.f32 [tilespmem:s24], [sflag:$0x3], $0x80, s29, s23, $0xb8;
	[tilespmem:$0x1EA00] =	vst v63  }
0xc8: {  	_ =	swait.ge [sflag:s20], $0x4000  }
0xc9: {  	[sflag:s20] =	ssyncset.done $0x0  }
0xca: {  	s12 =	simm.s32 $0x2600;
	[sflag:s20] =	ssyncadd.s32 $0xFFFFC000  }
0xcb: {  	[tilespmem:s19], [sflag:$0x1] =	stream.indirect.gather [hbm4b:s4+s23], $0x80, s12, s23, $0xb8;
	[tilespmem:$0x1EA00] =	vst v63  }
0xcc: {  	s30 =	simm.s32 $0x2680  }
0xcd: {  	[tilespmem:s24], [sflag:$0x2] =	stream.indirect.gather [hbm4b:s4+s23], $0x80, s30, s23, $0xb8;
	[tilespmem:$0x1EA00] =	vst v63  }
0xce: {  	_ = 	snop  }
0xcf: {  	[tilespmem:s25], [sflag:$0x3] =	stream.linear.gather [hbm4b:s17+s3], $0x100, $0x38;
	[tilespmem:$0x1EA00] =	vst v63  }
0xd0: {  	_ =	swait.ge [sflag:s20], $0x100  }
0xd1: {  	[sflag:s20] =	ssyncset.done $0x0  }
0xd2: {  	[sflag:s20] =	ssyncadd.s32 $0xFFFFFF00  }
0xd3: {  	_ =	swait.ge [sflag:s26], $0x4000  }
0xd4: {  	[sflag:s26] =	ssyncset.done $0x0  }
0xd5: {  	[sflag:s26] =	ssyncadd.s32 $0xFFFFC000  }
0xd6: {  	[spmem:s2] =	stream.indirect.scatter.add.f32 [tilespmem:s19], [sflag:$0x3], $0x80, s21, s23, $0xb8;
	[tilespmem:$0x1EA00] =	vst v63  }
0xd7: {  	_ =	swait.ge [sflag:s20], $0x4000  }
0xd8: {  	[sflag:s20] =	ssyncset.done $0x0  }
0xd9: {  	[sflag:s20] =	ssyncadd.s32 $0xFFFFC000  }
0xda: {  	_ =	swait.ge [sflag:s28], $0x4000  }
0xdb: {  	[sflag:s28] =	ssyncset.done $0x0  }
0xdc: {  	[sflag:s28] =	ssyncadd.s32 $0xFFFFC000  }
0xdd: {  	[spmem:s2] =	stream.indirect.scatter.add.f32 [tilespmem:s24], [sflag:$0x3], $0x80, s22, s23, $0xb8;
	[tilespmem:$0x1EA00] =	vst v63  }
0xde: {  	_ =	swait.ge [sflag:s20], $0x4000  }
0xdf: {  	[sflag:s20] =	ssyncset.done $0x0  }
0xe0: {  	s1 =	simm.s32 $0x2700;
	[sflag:s20] =	ssyncadd.s32 $0xFFFFC000  }
0xe1: {  	[tilespmem:s19], [sflag:$0x1] =	stream.indirect.gather [hbm4b:s4+s23], $0x80, s1, s23, $0xb8;
	[tilespmem:$0x1EA00] =	vst v63  }
0xe2: {  	s8 =	simm.s32 $0x2780  }
0xe3: {  	[tilespmem:s24], [sflag:$0x2] =	stream.indirect.gather [hbm4b:s4+s23], $0x80, s8, s23, $0xb8;
	[tilespmem:$0x1EA00] =	vst v63  }
0xe4: {  	_ =	swait.ge [sflag:s26], $0x4000  }
0xe5: {  	[sflag:s26] =	ssyncset.done $0x0  }
0xe6: {  	[sflag:s26] =	ssyncadd.s32 $0xFFFFC000  }
0xe7: {  	[spmem:s2] =	stream.indirect.scatter.add.f32 [tilespmem:s19], [sflag:$0x3], $0x80, s25, s23, $0xb8;
	[tilespmem:$0x1EA00] =	vst v63  }
0xe8: {  	_ =	swait.ge [sflag:s20], $0x4000  }
0xe9: {  	[sflag:s20] =	ssyncset.done $0x0  }
0xea: {  	[sflag:s20] =	ssyncadd.s32 $0xFFFFC000  }
0xeb: {  	_ =	swait.ge [sflag:s28], $0x4000  }
0xec: {  	[sflag:s28] =	ssyncset.done $0x0  }
0xed: {  	[sflag:s28] =	ssyncadd.s32 $0xFFFFC000  }
0xee: {  	[spmem:s2] =	stream.indirect.scatter.add.f32 [tilespmem:s24], [sflag:$0x3], $0x80, s29, s23, $0xb8;
	[tilespmem:$0x1EA00] =	vst v63  }
0xef: {  	_ =	swait.ge [sflag:s20], $0x4000  }
0xf0: {  	[sflag:s20] =	ssyncset.done $0x0  }
0xf1: {  	s10 =	stileid.u32;
	[sflag:s20] =	ssyncadd.s32 $0xFFFFC000  }
0xf2: {  	s0 =	sshll.u32 s10, $0x6;
	[bflag:$0x0] =	sbarrier.arrive $0xFFFF  }
0xf3: {  	s0 =	sor.u32 $0x1C03, s0;
	s11 =	sshrl.u32 s7, $0x3;
	s12 =	rddreg [dreg:$0x5]  }
0xf4: {  	[hbm:s12], [sflag:s0] =	dma.local [spmem:s11], $0x2800  }
0xf5: {  	_ =	swait.ge [sflag:s20], $0x2800  }
0xf6: {  	s31 =	sadd.s32 $0x1, s31;
	s30 =	rddreg [dreg:$0x6]  }
0xf7: {  	p0 =	sne.s32 s31, s30  }
.Ltmp2:
0xf8: {  	_ = 	snop;
	(pc) =	sbr.rel @p0 .LBB2_1-.Ltmp2, $3  }
0xf9: {  	_ =	sdelay $0x1  }
0xfa: {  	[sflag:s20] =	ssyncset.done $0x0  }
0xfb: {  	[sflag:s20] =	ssyncadd.s32 $0xFFFFD800  }
0xfc: {  	_ =	sfence.sel $0x180000  }
0xfd: {  	[bflag:$0x0] =	sbarrier.arrive $0xFFFF  }
0xfe: {  	_ =	strace $0x90000050  }
0xff: {  	s0 =	stileid.u32;
	[bflag:$0x2] =	sbarrier.arrive $0xFFFF  }
0x100: {  	p0 =	sne.s32 s0, $0x0;
	s0 =	rddreg [dreg:$0x2]  }
0x101: {  	s0 =	sadd.s32 @!p0 $0x100000, s0  }
0x102: {  	[sflag:s0] =	ssyncadd.tile.s32 @!p0 $0x1;
	_ =	shalt  }
.Lfunc_end2:
_tile_overlayer_lowered:
.L_overlay_start_2:
0x103: {  	(tag) =	ssettag $0x2  }
0x104: {  	s0 =	rddreg [dreg:$0x0];
	s2 =	stileid.u32  }
0x105: {  	s1 =	rddreg [dreg:$0x1];
	p0 =	sne.s32 s2, $0x0  }
0x106: {  	s3 =	rddreg [dreg:$0x2];
	[bflag:$0x3] =	sbarrier.arrive $0xFFFF;
	s2 =	simm.s32 @!p0 $0x1C03  }
0x107: {  	[timem:s3], [sflag:s2] =	dma.local @!p0 [hbm:s0], s1  }
0x108: {  	s0 =	simm.s32 @!p0 $0x3  }
0x109: {  	_ =	swait.ge @!p0 [sflag:s0], s1  }
0x10a: {  	s1 =	ssub.s32 @!p0 $0x0, s1;
	[sflag:s0] =	ssyncset.done @!p0 $0x0  }
0x10b: {  	[sflag:s0] =	ssyncadd.s32 @!p0 s1  }
0x10c: {  	[bflag:$0x3] =	sbarrier.arrive $0xFFFF  }
0x10d: {  	_ =	shalt  }

</sc_bundles>
